<compile_context>
chip_gen: v7x
topology: tpu7x:2x2x1
jax: 0.10.2.dev20260603
libtpu: 0.0.44.dev20260713+nightly
codegen_flags: <defaults>
</compile_context>

<pallas_src>
import jax
import jax.numpy as jnp
from jax import lax
from jax.experimental import pallas as pl
from jax.experimental.pallas import tpu as pltpu
from jax.experimental.pallas import tpu_sc as plsc

N = 10000
E = 320000
D = 128
NC = 2
NS = 16
NW = NC * NS
EPT = E // NW
K = 80
NCH = EPT // K
N_PAD = 10240
ROWS_PT = N_PAD // NS
DEG_PT = ROWS_PT


NI = 6
NB = 4


def _sc_body(feat_h, edge_h, psum_h, deg_h,
             acc, deg,
             src0, src1, src2, src3, src4, src5,
             dst0, dst1, dst2, dst3, dst4, dst5,
             rows0, rows1, rows2, rows3, ones_v, zdeg_v,
             gsem0, gsem1, gsem2, gsem3, ssem0, ssem1, ssem2, ssem3,
             isem0, isem1, isem2, isem3, isem4, isem5):
  c = lax.axis_index("c")
  s = lax.axis_index("s")
  w = c * NS + s
  src_h = edge_h.at[0, 0]
  dst_h = edge_h.at[1, 0]

  def zero_rows(i, carry):
    for j in range(D // 16):
      rows0[i, pl.ds(j * 16, 16)] = jnp.zeros((16,), jnp.float32)
    return carry

  lax.fori_loop(0, K, zero_rows, 0)
  for i in range(DEG_PT // 16):
    zdeg_v[pl.ds(i * 16, 16)] = jnp.zeros((16,), jnp.float32)
  for i in range(K // 16):
    ones_v[pl.ds(i * 16, 16)] = jnp.ones((16,), jnp.float32)
  for i in range(ROWS_PT // K):
    pltpu.async_copy(rows0, acc.at[pl.ds(s * ROWS_PT + i * K, K)], isem0)
  pltpu.sync_copy(zdeg_v, deg.at[pl.ds(s * DEG_PT, DEG_PT)])
  for i in range(ROWS_PT // K):
    pltpu.make_async_copy(rows0, acc.at[pl.ds(s * ROWS_PT + i * K, K)],
                          isem0).wait()
  plsc.subcore_barrier()

  base = w * EPT
  srcs = (src0, src1, src2, src3, src4, src5)
  dsts = (dst0, dst1, dst2, dst3, dst4, dst5)
  rowss = (rows0, rows1, rows2, rows3)
  gsems = (gsem0, gsem1, gsem2, gsem3)
  ssems = (ssem0, ssem1, ssem2, ssem3)
  isems = (isem0, isem1, isem2, isem3, isem4, isem5)

  def fire_idx(g, j):
    off = base + g * K
    pltpu.async_copy(src_h.at[pl.ds(off, K)], srcs[j], isems[j])
    pltpu.async_copy(dst_h.at[pl.ds(off, K)], dsts[j], isems[j])

  def wait_idx_fire_gather(g, j, b):
    off = base + g * K
    pltpu.make_async_copy(src_h.at[pl.ds(off, K)], srcs[j], isems[j]).wait()
    pltpu.make_async_copy(dst_h.at[pl.ds(off, K)], dsts[j], isems[j]).wait()
    pltpu.async_copy(feat_h.at[srcs[j]], rowss[b], gsems[b])

  def wait_scatter(b, j):
    pltpu.make_async_copy(rowss[b], acc.at[dsts[j]], ssems[b]).wait()
    pltpu.make_async_copy(ones_v, deg.at[dsts[j]], ssems[b]).wait()

  def step(g, b, j):
    pltpu.make_async_copy(feat_h.at[srcs[j]], rowss[b], gsems[b]).wait()

    @pl.when(g >= 2)
    def _():
      wait_scatter((b + 2) % NB, (j + 4) % NI)

    pltpu.async_copy(rowss[b], acc.at[dsts[j]], ssems[b], add=True)
    pltpu.async_copy(ones_v, deg.at[dsts[j]], ssems[b], add=True)

    @pl.when(g + 2 < NCH)
    def _():
      wait_idx_fire_gather(g + 2, (j + 2) % NI, (b + 2) % NB)

    @pl.when(g + 3 < NCH)
    def _():
      fire_idx(g + 3, (j + 3) % NI)

  fire_idx(0, 0)
  fire_idx(1, 1)
  fire_idx(2, 2)
  wait_idx_fire_gather(0, 0, 0)
  wait_idx_fire_gather(1, 1, 1)

  NU = 12

  def twelve_steps(i, carry):
    for u in range(NU):
      step(NU * i + u, u % NB, u % NI)
    return carry

  lax.fori_loop(0, NCH // NU, twelve_steps, 0)
  for g in range(NCH - NCH % NU, NCH):
    step(g, g % NB, g % NI)
  wait_scatter((NCH - 2) % NB, (NCH - 2) % NI)
  wait_scatter((NCH - 1) % NB, (NCH - 1) % NI)
  plsc.subcore_barrier()

  pltpu.sync_copy(acc.at[pl.ds(s * ROWS_PT, ROWS_PT)],
                  psum_h.at[c, pl.ds(s * ROWS_PT, ROWS_PT)])
  pltpu.sync_copy(deg.at[pl.ds(s * DEG_PT, DEG_PT)],
                  deg_h.at[c, pl.ds(s * DEG_PT, DEG_PT)])


@jax.jit
def _sc_aggregate(feat, edge3):
  return pl.kernel(
      _sc_body,
      out_type=(
          jax.ShapeDtypeStruct((NC, N_PAD, D), jnp.float32),
          jax.ShapeDtypeStruct((NC, N_PAD), jnp.float32),
      ),
      mesh=plsc.VectorSubcoreMesh(core_axis_name="c", subcore_axis_name="s"),
      scratch_types=(
          [pltpu.VMEM_SHARED((N_PAD, D), jnp.float32),
           pltpu.VMEM_SHARED((N_PAD,), jnp.float32)]
          + [pltpu.VMEM((K,), jnp.int32)] * 12
          + [pltpu.VMEM((K, D), jnp.float32)] * 4
          + [pltpu.VMEM((K,), jnp.float32),
             pltpu.VMEM((DEG_PT,), jnp.float32)]
          + [pltpu.SemaphoreType.DMA] * 14
      ),
  )(feat, edge3)


BLK = 1000


def _tc_body(p_ref, d_ref, feat_ref, w_ref, b_ref, o_ref):
  nsum = p_ref[0] + p_ref[1]
  degs = d_ref[0] + d_ref[1]
  h_neigh = nsum / jnp.maximum(degs, 1.0)
  dims = (((1,), (1,)), ((), ()))
  o_ref[...] = (
      lax.dot_general(feat_ref[...], w_ref[:, :D], dims,
                      preferred_element_type=jnp.float32)
      + lax.dot_general(h_neigh, w_ref[:, D:], dims,
                        preferred_element_type=jnp.float32)
      + b_ref[...]
  )


@jax.jit
def _tc_combine(psum, deg3, feat, w, b2):
  return pl.pallas_call(
      _tc_body,
      grid=(N // BLK,),
      in_specs=[
          pl.BlockSpec((NC, BLK, D), lambda i: (0, i, 0)),
          pl.BlockSpec((NC, BLK, 1), lambda i: (0, i, 0)),
          pl.BlockSpec((BLK, D), lambda i: (i, 0)),
          pl.BlockSpec((D, 2 * D), lambda i: (0, 0)),
          pl.BlockSpec((1, D), lambda i: (0, 0)),
      ],
      out_specs=pl.BlockSpec((BLK, D), lambda i: (i, 0)),
      out_shape=jax.ShapeDtypeStruct((N, D), jnp.float32),
  )(psum, deg3, feat, w, b2)


def kernel(feat, edge_index, W_neigh, b_neigh):
  edge3 = edge_index.astype(jnp.int32).reshape(2, 1, E)
  psum, degp = _sc_aggregate(feat, edge3)
  return _tc_combine(psum, degp.reshape(NC, N_PAD, 1), feat, W_neigh,
                     b_neigh.reshape(1, D))

# --- scband reference (transcript-rebuilt; emitter-appended) ---
"""Pipeline reference for scband-sageconv-128849019137 (READ-ONLY COPY).

The authoritative reference and input builder live on the scoring server;
editing this copy changes nothing except your own understanding.
"""

import jax, jax.numpy as jnp
import numpy as np

N_NODES = 10000
N_EDGES = 320000
IN_FEATS = 128
OUT_FEATS = 128


def setup_inputs(seed: int = 0) -> dict:
    key = jax.random.key(seed)
    k1, k2, k3, k4 = jax.random.split(key, 4)
    feat = jax.random.normal(k1, (N_NODES, IN_FEATS), dtype=jnp.float32)
    edge_index = jax.random.randint(k2, (2, N_EDGES), 0, N_NODES, dtype=jnp.int64)
    # fc_neigh: Linear(in_feats + in_feats -> out_feats) with xavier_uniform init
    fan_in = 2 * IN_FEATS
    fan_out = OUT_FEATS
    gain = float(np.sqrt(2.0))  # calculate_gain('relu')
    bound = gain * float(np.sqrt(6.0 / (fan_in + fan_out)))
    W_neigh = jax.random.uniform(k3, (OUT_FEATS, 2 * IN_FEATS), dtype=jnp.float32, minval=-bound, maxval=bound)
    b_bound = 1.0 / float(np.sqrt(fan_in))
    b_neigh = jax.random.uniform(k4, (OUT_FEATS,), dtype=jnp.float32, minval=-b_bound, maxval=b_bound)
    return {"feat": feat, "edge_index": edge_index, "W_neigh": W_neigh, "b_neigh": b_neigh}


def reference(feat, edge_index, W_neigh, b_neigh):
    # SAGEConv with aggregator_type='mean', no edge features, feat_drop=0 (eval)
    src = edge_index[0]
    dst = edge_index[1]
    h_self = feat
    # message: m = h_src ; reduce: mean over mailbox per dst node
    m = jnp.take(feat, src, axis=0)  # gather [E, d]
    neigh_sum = jax.ops.segment_sum(m, dst, num_segments=N_NODES)  # scatter-add [N, d]
    deg = jax.ops.segment_sum(jnp.ones((m.shape[0],), dtype=feat.dtype), dst, num_segments=N_NODES)
    # nodes with zero in-degree keep zero 'neigh' in DGL; avoid div-by-zero
    h_neigh = neigh_sum / jnp.maximum(deg, 1.0)[:, None]
    rst = jnp.concatenate((h_self, h_neigh), axis=1) @ W_neigh.T + b_neigh
    return rst

if __name__ == "__main__":
    import jax
    _d = setup_inputs()
    print(jax.jit(kernel)(*tuple(_d.values())))

</pallas_src>

<mosaic_0001>
#map = affine_map<(d0, d1) -> (0, 0)>
#map1 = affine_map<(d0, d1) -> (0, 0, 0)>
module attributes {stable_mosaic.version = 14 : i64} {
  func.func @_sc_body(%arg0: i32, %arg1: i32, %arg2: memref<10000x128xf32, #tpu.memory_space<hbm>>, %arg3: memref<2x1x320000xi32, #tpu.memory_space<hbm>>, %arg4: memref<2x10240x128xf32, #tpu.memory_space<hbm>>, %arg5: memref<2x10240xf32, #tpu.memory_space<hbm>>, %arg6: memref<10240x128xf32, #tpu.memory_space<vmem_shared>>, %arg7: memref<10240xf32, #tpu.memory_space<vmem_shared>>, %arg8: memref<80xi32, #tpu.memory_space<vmem>>, %arg9: memref<80xi32, #tpu.memory_space<vmem>>, %arg10: memref<80xi32, #tpu.memory_space<vmem>>, %arg11: memref<80xi32, #tpu.memory_space<vmem>>, %arg12: memref<80xi32, #tpu.memory_space<vmem>>, %arg13: memref<80xi32, #tpu.memory_space<vmem>>, %arg14: memref<80xi32, #tpu.memory_space<vmem>>, %arg15: memref<80xi32, #tpu.memory_space<vmem>>, %arg16: memref<80xi32, #tpu.memory_space<vmem>>, %arg17: memref<80xi32, #tpu.memory_space<vmem>>, %arg18: memref<80xi32, #tpu.memory_space<vmem>>, %arg19: memref<80xi32, #tpu.memory_space<vmem>>, %arg20: memref<80x128xf32, #tpu.memory_space<vmem>>, %arg21: memref<80x128xf32, #tpu.memory_space<vmem>>, %arg22: memref<80x128xf32, #tpu.memory_space<vmem>>, %arg23: memref<80x128xf32, #tpu.memory_space<vmem>>, %arg24: memref<80xf32, #tpu.memory_space<vmem>>, %arg25: memref<640xf32, #tpu.memory_space<vmem>>, %arg26: memref<!tpu.dma_semaphore, #tpu.memory_space<semaphore_mem>>, %arg27: memref<!tpu.dma_semaphore, #tpu.memory_space<semaphore_mem>>, %arg28: memref<!tpu.dma_semaphore, #tpu.memory_space<semaphore_mem>>, %arg29: memref<!tpu.dma_semaphore, #tpu.memory_space<semaphore_mem>>, %arg30: memref<!tpu.dma_semaphore, #tpu.memory_space<semaphore_mem>>, %arg31: memref<!tpu.dma_semaphore, #tpu.memory_space<semaphore_mem>>, %arg32: memref<!tpu.dma_semaphore, #tpu.memory_space<semaphore_mem>>, %arg33: memref<!tpu.dma_semaphore, #tpu.memory_space<semaphore_mem>>, %arg34: memref<!tpu.dma_semaphore, #tpu.memory_space<semaphore_mem>>, %arg35: memref<!tpu.dma_semaphore, #tpu.memory_space<semaphore_mem>>, %arg36: memref<!tpu.dma_semaphore, #tpu.memory_space<semaphore_mem>>, %arg37: memref<!tpu.dma_semaphore, #tpu.memory_space<semaphore_mem>>, %arg38: memref<!tpu.dma_semaphore, #tpu.memory_space<semaphore_mem>>, %arg39: memref<!tpu.dma_semaphore, #tpu.memory_space<semaphore_mem>>) attributes {dimension_semantics = [#tpu.dimension_semantics<core_parallel>, #tpu.dimension_semantics<subcore_parallel>], iteration_bounds = array<i64: 2, 16>, scalar_prefetch = 0 : i64, scratch_operands = 34 : i64, tpu.core_type = #tpu.core_type<sc_vector_subcore>, window_params = [{transform_indices = #map}, {transform_indices = #map1}, {transform_indices = #map1}, {transform_indices = #map}]} {
    %mul3A = arith.constant 16 : i32
    %mul3A_0 = arith.muli %arg0, %mul3A : i32
    %add3A = arith.addi %mul3A_0, %arg1 : i32
    %scan3A = arith.constant 0 : i32
    %scan3A_1 = arith.constant 0 : i32
    %scan3A_2 = arith.constant 80 : i32
    %scan3A_3 = arith.addi %scan3A_1, %scan3A_2 : i32
    %scan3A_4 = arith.constant 1 : i32
    scf.for %scan3A_733 = %scan3A_1 to %scan3A_3 step %scan3A_4  : i32 {
      %broadcast_in_dim3A_734 = arith.constant 0.000000e+00 : f32
      %broadcast_in_dim3A_735 = vector.broadcast %broadcast_in_dim3A_734 : f32 to vector<16xf32>
      %swap3A_736 = arith.index_cast %scan3A_733 : i32 to index
      %swap3A_737 = arith.constant 0 : index
      %swap3A_738 = tpu.vector_load %arg20[%swap3A_736, %swap3A_737] {strides = array<i32>} : memref<80x128xf32, #tpu.memory_space<vmem>>, vector<1x16xf32>,
      %swap3A_739 = vector.shape_cast %swap3A_738 : vector<1x16xf32> to vector<16xf32>
      %swap3A_740 = vector.shape_cast %broadcast_in_dim3A_735 : vector<16xf32> to vector<1x16xf32>
      tpu.vector_store %arg20[%swap3A_736, %swap3A_737], %swap3A_740 {strides = array<i32>} : memref<80x128xf32, #tpu.memory_space<vmem>>, vector<1x16xf32>,
      %broadcast_in_dim3A_741 = arith.constant 0.000000e+00 : f32
      %broadcast_in_dim3A_742 = vector.broadcast %broadcast_in_dim3A_741 : f32 to vector<16xf32>
      %swap3A_743 = arith.index_cast %scan3A_733 : i32 to index
      %swap3A_744 = arith.constant 16 : index
      %swap3A_745 = tpu.vector_load %arg20[%swap3A_743, %swap3A_744] {strides = array<i32>} : memref<80x128xf32, #tpu.memory_space<vmem>>, vector<1x16xf32>,
      %swap3A_746 = vector.shape_cast %swap3A_745 : vector<1x16xf32> to vector<16xf32>
      %swap3A_747 = vector.shape_cast %broadcast_in_dim3A_742 : vector<16xf32> to vector<1x16xf32>
      tpu.vector_store %arg20[%swap3A_743, %swap3A_744], %swap3A_747 {strides = array<i32>} : memref<80x128xf32, #tpu.memory_space<vmem>>, vector<1x16xf32>,
      %broadcast_in_dim3A_748 = arith.constant 0.000000e+00 : f32
      %broadcast_in_dim3A_749 = vector.broadcast %broadcast_in_dim3A_748 : f32 to vector<16xf32>
      %swap3A_750 = arith.index_cast %scan3A_733 : i32 to index
      %swap3A_751 = arith.constant 32 : index
      %swap3A_752 = tpu.vector_load %arg20[%swap3A_750, %swap3A_751] {strides = array<i32>} : memref<80x128xf32, #tpu.memory_space<vmem>>, vector<1x16xf32>,
      %swap3A_753 = vector.shape_cast %swap3A_752 : vector<1x16xf32> to vector<16xf32>
      %swap3A_754 = vector.shape_cast %broadcast_in_dim3A_749 : vector<16xf32> to vector<1x16xf32>
      tpu.vector_store %arg20[%swap3A_750, %swap3A_751], %swap3A_754 {strides = array<i32>} : memref<80x128xf32, #tpu.memory_space<vmem>>, vector<1x16xf32>,
      %broadcast_in_dim3A_755 = arith.constant 0.000000e+00 : f32
      %broadcast_in_dim3A_756 = vector.broadcast %broadcast_in_dim3A_755 : f32 to vector<16xf32>
      %swap3A_757 = arith.index_cast %scan3A_733 : i32 to index
      %swap3A_758 = arith.constant 48 : index
      %swap3A_759 = tpu.vector_load %arg20[%swap3A_757, %swap3A_758] {strides = array<i32>} : memref<80x128xf32, #tpu.memory_space<vmem>>, vector<1x16xf32>,
      %swap3A_760 = vector.shape_cast %swap3A_759 : vector<1x16xf32> to vector<16xf32>
      %swap3A_761 = vector.shape_cast %broadcast_in_dim3A_756 : vector<16xf32> to vector<1x16xf32>
      tpu.vector_store %arg20[%swap3A_757, %swap3A_758], %swap3A_761 {strides = array<i32>} : memref<80x128xf32, #tpu.memory_space<vmem>>, vector<1x16xf32>,
      %broadcast_in_dim3A_762 = arith.constant 0.000000e+00 : f32
      %broadcast_in_dim3A_763 = vector.broadcast %broadcast_in_dim3A_762 : f32 to vector<16xf32>
      %swap3A_764 = arith.index_cast %scan3A_733 : i32 to index
      %swap3A_765 = arith.constant 64 : index
      %swap3A_766 = tpu.vector_load %arg20[%swap3A_764, %swap3A_765] {strides = array<i32>} : memref<80x128xf32, #tpu.memory_space<vmem>>, vector<1x16xf32>,
      %swap3A_767 = vector.shape_cast %swap3A_766 : vector<1x16xf32> to vector<16xf32>
      %swap3A_768 = vector.shape_cast %broadcast_in_dim3A_763 : vector<16xf32> to vector<1x16xf32>
      tpu.vector_store %arg20[%swap3A_764, %swap3A_765], %swap3A_768 {strides = array<i32>} : memref<80x128xf32, #tpu.memory_space<vmem>>, vector<1x16xf32>,
      %broadcast_in_dim3A_769 = arith.constant 0.000000e+00 : f32
      %broadcast_in_dim3A_770 = vector.broadcast %broadcast_in_dim3A_769 : f32 to vector<16xf32>
      %swap3A_771 = arith.index_cast %scan3A_733 : i32 to index
      %swap3A_772 = arith.constant 80 : index
      %swap3A_773 = tpu.vector_load %arg20[%swap3A_771, %swap3A_772] {strides = array<i32>} : memref<80x128xf32, #tpu.memory_space<vmem>>, vector<1x16xf32>,
      %swap3A_774 = vector.shape_cast %swap3A_773 : vector<1x16xf32> to vector<16xf32>
      %swap3A_775 = vector.shape_cast %broadcast_in_dim3A_770 : vector<16xf32> to vector<1x16xf32>
      tpu.vector_store %arg20[%swap3A_771, %swap3A_772], %swap3A_775 {strides = array<i32>} : memref<80x128xf32, #tpu.memory_space<vmem>>, vector<1x16xf32>,
      %broadcast_in_dim3A_776 = arith.constant 0.000000e+00 : f32
      %broadcast_in_dim3A_777 = vector.broadcast %broadcast_in_dim3A_776 : f32 to vector<16xf32>
      %swap3A_778 = arith.index_cast %scan3A_733 : i32 to index
      %swap3A_779 = arith.constant 96 : index
      %swap3A_780 = tpu.vector_load %arg20[%swap3A_778, %swap3A_779] {strides = array<i32>} : memref<80x128xf32, #tpu.memory_space<vmem>>, vector<1x16xf32>,
      %swap3A_781 = vector.shape_cast %swap3A_780 : vector<1x16xf32> to vector<16xf32>
      %swap3A_782 = vector.shape_cast %broadcast_in_dim3A_777 : vector<16xf32> to vector<1x16xf32>
      tpu.vector_store %arg20[%swap3A_778, %swap3A_779], %swap3A_782 {strides = array<i32>} : memref<80x128xf32, #tpu.memory_space<vmem>>, vector<1x16xf32>,
      %broadcast_in_dim3A_783 = arith.constant 0.000000e+00 : f32
      %broadcast_in_dim3A_784 = vector.broadcast %broadcast_in_dim3A_783 : f32 to vector<16xf32>
      %swap3A_785 = arith.index_cast %scan3A_733 : i32 to index
      %swap3A_786 = arith.constant 112 : index
      %swap3A_787 = tpu.vector_load %arg20[%swap3A_785, %swap3A_786] {strides = array<i32>} : memref<80x128xf32, #tpu.memory_space<vmem>>, vector<1x16xf32>,
      %swap3A_788 = vector.shape_cast %swap3A_787 : vector<1x16xf32> to vector<16xf32>
      %swap3A_789 = vector.shape_cast %broadcast_in_dim3A_784 : vector<16xf32> to vector<1x16xf32>
      tpu.vector_store %arg20[%swap3A_785, %swap3A_786], %swap3A_789 {strides = array<i32>} : memref<80x128xf32, #tpu.memory_space<vmem>>, vector<1x16xf32>,
    }
    %scan3A_5 = arith.constant 80 : i32
    %broadcast_in_dim3A = arith.constant 0.000000e+00 : f32
    %broadcast_in_dim3A_6 = vector.broadcast %broadcast_in_dim3A : f32 to vector<16xf32>
    %swap3A = arith.constant 0 : index
    %swap3A_7 = tpu.vector_load %arg25[%swap3A] {strides = array<i32>} : memref<640xf32, #tpu.memory_space<vmem>>, vector<16xf32>,
    %swap3A_8 = vector.shape_cast %swap3A_7 : vector<16xf32> to vector<16xf32>
    %swap3A_9 = vector.shape_cast %broadcast_in_dim3A_6 : vector<16xf32> to vector<16xf32>
    tpu.vector_store %arg25[%swap3A], %swap3A_9 {strides = array<i32>} : memref<640xf32, #tpu.memory_space<vmem>>, vector<16xf32>,
    %broadcast_in_dim3A_10 = arith.constant 0.000000e+00 : f32
    %broadcast_in_dim3A_11 = vector.broadcast %broadcast_in_dim3A_10 : f32 to vector<16xf32>
    %swap3A_12 = arith.constant 16 : index
    %swap3A_13 = tpu.vector_load %arg25[%swap3A_12] {strides = array<i32>} : memref<640xf32, #tpu.memory_space<vmem>>, vector<16xf32>,
    %swap3A_14 = vector.shape_cast %swap3A_13 : vector<16xf32> to vector<16xf32>
    %swap3A_15 = vector.shape_cast %broadcast_in_dim3A_11 : vector<16xf32> to vector<16xf32>
    tpu.vector_store %arg25[%swap3A_12], %swap3A_15 {strides = array<i32>} : memref<640xf32, #tpu.memory_space<vmem>>, vector<16xf32>,
    %broadcast_in_dim3A_16 = arith.constant 0.000000e+00 : f32
    %broadcast_in_dim3A_17 = vector.broadcast %broadcast_in_dim3A_16 : f32 to vector<16xf32>
    %swap3A_18 = arith.constant 32 : index
    %swap3A_19 = tpu.vector_load %arg25[%swap3A_18] {strides = array<i32>} : memref<640xf32, #tpu.memory_space<vmem>>, vector<16xf32>,
    %swap3A_20 = vector.shape_cast %swap3A_19 : vector<16xf32> to vector<16xf32>
    %swap3A_21 = vector.shape_cast %broadcast_in_dim3A_17 : vector<16xf32> to vector<16xf32>
    tpu.vector_store %arg25[%swap3A_18], %swap3A_21 {strides = array<i32>} : memref<640xf32, #tpu.memory_space<vmem>>, vector<16xf32>,
    %broadcast_in_dim3A_22 = arith.constant 0.000000e+00 : f32
    %broadcast_in_dim3A_23 = vector.broadcast %broadcast_in_dim3A_22 : f32 to vector<16xf32>
    %swap3A_24 = arith.constant 48 : index
    %swap3A_25 = tpu.vector_load %arg25[%swap3A_24] {strides = array<i32>} : memref<640xf32, #tpu.memory_space<vmem>>, vector<16xf32>,
    %swap3A_26 = vector.shape_cast %swap3A_25 : vector<16xf32> to vector<16xf32>
    %swap3A_27 = vector.shape_cast %broadcast_in_dim3A_23 : vector<16xf32> to vector<16xf32>
    tpu.vector_store %arg25[%swap3A_24], %swap3A_27 {strides = array<i32>} : memref<640xf32, #tpu.memory_space<vmem>>, vector<16xf32>,
    %broadcast_in_dim3A_28 = arith.constant 0.000000e+00 : f32
    %broadcast_in_dim3A_29 = vector.broadcast %broadcast_in_dim3A_28 : f32 to vector<16xf32>
    %swap3A_30 = arith.constant 64 : index
    %swap3A_31 = tpu.vector_load %arg25[%swap3A_30] {strides = array<i32>} : memref<640xf32, #tpu.memory_space<vmem>>, vector<16xf32>,
    %swap3A_32 = vector.shape_cast %swap3A_31 : vector<16xf32> to vector<16xf32>
    %swap3A_33 = vector.shape_cast %broadcast_in_dim3A_29 : vector<16xf32> to vector<16xf32>
    tpu.vector_store %arg25[%swap3A_30], %swap3A_33 {strides = array<i32>} : memref<640xf32, #tpu.memory_space<vmem>>, vector<16xf32>,
    %broadcast_in_dim3A_34 = arith.constant 0.000000e+00 : f32
    %broadcast_in_dim3A_35 = vector.broadcast %broadcast_in_dim3A_34 : f32 to vector<16xf32>
    %swap3A_36 = arith.constant 80 : index
    %swap3A_37 = tpu.vector_load %arg25[%swap3A_36] {strides = array<i32>} : memref<640xf32, #tpu.memory_space<vmem>>, vector<16xf32>,
    %swap3A_38 = vector.shape_cast %swap3A_37 : vector<16xf32> to vector<16xf32>
    %swap3A_39 = vector.shape_cast %broadcast_in_dim3A_35 : vector<16xf32> to vector<16xf32>
    tpu.vector_store %arg25[%swap3A_36], %swap3A_39 {strides = array<i32>} : memref<640xf32, #tpu.memory_space<vmem>>, vector<16xf32>,
    %broadcast_in_dim3A_40 = arith.constant 0.000000e+00 : f32
    %broadcast_in_dim3A_41 = vector.broadcast %broadcast_in_dim3A_40 : f32 to vector<16xf32>
    %swap3A_42 = arith.constant 96 : index
    %swap3A_43 = tpu.vector_load %arg25[%swap3A_42] {strides = array<i32>} : memref<640xf32, #tpu.memory_space<vmem>>, vector<16xf32>,
    %swap3A_44 = vector.shape_cast %swap3A_43 : vector<16xf32> to vector<16xf32>
    %swap3A_45 = vector.shape_cast %broadcast_in_dim3A_41 : vector<16xf32> to vector<16xf32>
    tpu.vector_store %arg25[%swap3A_42], %swap3A_45 {strides = array<i32>} : memref<640xf32, #tpu.memory_space<vmem>>, vector<16xf32>,
    %broadcast_in_dim3A_46 = arith.constant 0.000000e+00 : f32
    %broadcast_in_dim3A_47 = vector.broadcast %broadcast_in_dim3A_46 : f32 to vector<16xf32>
    %swap3A_48 = arith.constant 112 : index
    %swap3A_49 = tpu.vector_load %arg25[%swap3A_48] {strides = array<i32>} : memref<640xf32, #tpu.memory_space<vmem>>, vector<16xf32>,
    %swap3A_50 = vector.shape_cast %swap3A_49 : vector<16xf32> to vector<16xf32>
    %swap3A_51 = vector.shape_cast %broadcast_in_dim3A_47 : vector<16xf32> to vector<16xf32>
    tpu.vector_store %arg25[%swap3A_48], %swap3A_51 {strides = array<i32>} : memref<640xf32, #tpu.memory_space<vmem>>, vector<16xf32>,
    %broadcast_in_dim3A_52 = arith.constant 0.000000e+00 : f32
    %broadcast_in_dim3A_53 = vector.broadcast %broadcast_in_dim3A_52 : f32 to vector<16xf32>
    %swap3A_54 = arith.constant 128 : index
    %swap3A_55 = tpu.vector_load %arg25[%swap3A_54] {strides = array<i32>} : memref<640xf32, #tpu.memory_space<vmem>>, vector<16xf32>,
    %swap3A_56 = vector.shape_cast %swap3A_55 : vector<16xf32> to vector<16xf32>
    %swap3A_57 = vector.shape_cast %broadcast_in_dim3A_53 : vector<16xf32> to vector<16xf32>
    tpu.vector_store %arg25[%swap3A_54], %swap3A_57 {strides = array<i32>} : memref<640xf32, #tpu.memory_space<vmem>>, vector<16xf32>,
    %broadcast_in_dim3A_58 = arith.constant 0.000000e+00 : f32
    %broadcast_in_dim3A_59 = vector.broadcast %broadcast_in_dim3A_58 : f32 to vector<16xf32>
    %swap3A_60 = arith.constant 144 : index
    %swap3A_61 = tpu.vector_load %arg25[%swap3A_60] {strides = array<i32>} : memref<640xf32, #tpu.memory_space<vmem>>, vector<16xf32>,
    %swap3A_62 = vector.shape_cast %swap3A_61 : vector<16xf32> to vector<16xf32>
    %swap3A_63 = vector.shape_cast %broadcast_in_dim3A_59 : vector<16xf32> to vector<16xf32>
    tpu.vector_store %arg25[%swap3A_60], %swap3A_63 {strides = array<i32>} : memref<640xf32, #tpu.memory_space<vmem>>, vector<16xf32>,
    %broadcast_in_dim3A_64 = arith.constant 0.000000e+00 : f32
    %broadcast_in_dim3A_65 = vector.broadcast %broadcast_in_dim3A_64 : f32 to vector<16xf32>
    %swap3A_66 = arith.constant 160 : index
    %swap3A_67 = tpu.vector_load %arg25[%swap3A_66] {strides = array<i32>} : memref<640xf32, #tpu.memory_space<vmem>>, vector<16xf32>,
    %swap3A_68 = vector.shape_cast %swap3A_67 : vector<16xf32> to vector<16xf32>
    %swap3A_69 = vector.shape_cast %broadcast_in_dim3A_65 : vector<16xf32> to vector<16xf32>
    tpu.vector_store %arg25[%swap3A_66], %swap3A_69 {strides = array<i32>} : memref<640xf32, #tpu.memory_space<vmem>>, vector<16xf32>,
    %broadcast_in_dim3A_70 = arith.constant 0.000000e+00 : f32
    %broadcast_in_dim3A_71 = vector.broadcast %broadcast_in_dim3A_70 : f32 to vector<16xf32>
    %swap3A_72 = arith.constant 176 : index
    %swap3A_73 = tpu.vector_load %arg25[%swap3A_72] {strides = array<i32>} : memref<640xf32, #tpu.memory_space<vmem>>, vector<16xf32>,
    %swap3A_74 = vector.shape_cast %swap3A_73 : vector<16xf32> to vector<16xf32>
    %swap3A_75 = vector.shape_cast %broadcast_in_dim3A_71 : vector<16xf32> to vector<16xf32>
    tpu.vector_store %arg25[%swap3A_72], %swap3A_75 {strides = array<i32>} : memref<640xf32, #tpu.memory_space<vmem>>, vector<16xf32>,
    %broadcast_in_dim3A_76 = arith.constant 0.000000e+00 : f32
    %broadcast_in_dim3A_77 = vector.broadcast %broadcast_in_dim3A_76 : f32 to vector<16xf32>
    %swap3A_78 = arith.constant 192 : index
    %swap3A_79 = tpu.vector_load %arg25[%swap3A_78] {strides = array<i32>} : memref<640xf32, #tpu.memory_space<vmem>>, vector<16xf32>,
    %swap3A_80 = vector.shape_cast %swap3A_79 : vector<16xf32> to vector<16xf32>
    %swap3A_81 = vector.shape_cast %broadcast_in_dim3A_77 : vector<16xf32> to vector<16xf32>
    tpu.vector_store %arg25[%swap3A_78], %swap3A_81 {strides = array<i32>} : memref<640xf32, #tpu.memory_space<vmem>>, vector<16xf32>,
    %broadcast_in_dim3A_82 = arith.constant 0.000000e+00 : f32
    %broadcast_in_dim3A_83 = vector.broadcast %broadcast_in_dim3A_82 : f32 to vector<16xf32>
    %swap3A_84 = arith.constant 208 : index
    %swap3A_85 = tpu.vector_load %arg25[%swap3A_84] {strides = array<i32>} : memref<640xf32, #tpu.memory_space<vmem>>, vector<16xf32>,
    %swap3A_86 = vector.shape_cast %swap3A_85 : vector<16xf32> to vector<16xf32>
    %swap3A_87 = vector.shape_cast %broadcast_in_dim3A_83 : vector<16xf32> to vector<16xf32>
    tpu.vector_store %arg25[%swap3A_84], %swap3A_87 {strides = array<i32>} : memref<640xf32, #tpu.memory_space<vmem>>, vector<16xf32>,
    %broadcast_in_dim3A_88 = arith.constant 0.000000e+00 : f32
    %broadcast_in_dim3A_89 = vector.broadcast %broadcast_in_dim3A_88 : f32 to vector<16xf32>
    %swap3A_90 = arith.constant 224 : index
    %swap3A_91 = tpu.vector_load %arg25[%swap3A_90] {strides = array<i32>} : memref<640xf32, #tpu.memory_space<vmem>>, vector<16xf32>,
    %swap3A_92 = vector.shape_cast %swap3A_91 : vector<16xf32> to vector<16xf32>
    %swap3A_93 = vector.shape_cast %broadcast_in_dim3A_89 : vector<16xf32> to vector<16xf32>
    tpu.vector_store %arg25[%swap3A_90], %swap3A_93 {strides = array<i32>} : memref<640xf32, #tpu.memory_space<vmem>>, vector<16xf32>,
    %broadcast_in_dim3A_94 = arith.constant 0.000000e+00 : f32
    %broadcast_in_dim3A_95 = vector.broadcast %broadcast_in_dim3A_94 : f32 to vector<16xf32>
    %swap3A_96 = arith.constant 240 : index
    %swap3A_97 = tpu.vector_load %arg25[%swap3A_96] {strides = array<i32>} : memref<640xf32, #tpu.memory_space<vmem>>, vector<16xf32>,
    %swap3A_98 = vector.shape_cast %swap3A_97 : vector<16xf32> to vector<16xf32>
    %swap3A_99 = vector.shape_cast %broadcast_in_dim3A_95 : vector<16xf32> to vector<16xf32>
    tpu.vector_store %arg25[%swap3A_96], %swap3A_99 {strides = array<i32>} : memref<640xf32, #tpu.memory_space<vmem>>, vector<16xf32>,
    %broadcast_in_dim3A_100 = arith.constant 0.000000e+00 : f32
    %broadcast_in_dim3A_101 = vector.broadcast %broadcast_in_dim3A_100 : f32 to vector<16xf32>
    %swap3A_102 = arith.constant 256 : index
    %swap3A_103 = tpu.vector_load %arg25[%swap3A_102] {strides = array<i32>} : memref<640xf32, #tpu.memory_space<vmem>>, vector<16xf32>,
    %swap3A_104 = vector.shape_cast %swap3A_103 : vector<16xf32> to vector<16xf32>
    %swap3A_105 = vector.shape_cast %broadcast_in_dim3A_101 : vector<16xf32> to vector<16xf32>
    tpu.vector_store %arg25[%swap3A_102], %swap3A_105 {strides = array<i32>} : memref<640xf32, #tpu.memory_space<vmem>>, vector<16xf32>,
    %broadcast_in_dim3A_106 = arith.constant 0.000000e+00 : f32
    %broadcast_in_dim3A_107 = vector.broadcast %broadcast_in_dim3A_106 : f32 to vector<16xf32>
    %swap3A_108 = arith.constant 272 : index
    %swap3A_109 = tpu.vector_load %arg25[%swap3A_108] {strides = array<i32>} : memref<640xf32, #tpu.memory_space<vmem>>, vector<16xf32>,
    %swap3A_110 = vector.shape_cast %swap3A_109 : vector<16xf32> to vector<16xf32>
    %swap3A_111 = vector.shape_cast %broadcast_in_dim3A_107 : vector<16xf32> to vector<16xf32>
    tpu.vector_store %arg25[%swap3A_108], %swap3A_111 {strides = array<i32>} : memref<640xf32, #tpu.memory_space<vmem>>, vector<16xf32>,
    %broadcast_in_dim3A_112 = arith.constant 0.000000e+00 : f32
    %broadcast_in_dim3A_113 = vector.broadcast %broadcast_in_dim3A_112 : f32 to vector<16xf32>
    %swap3A_114 = arith.constant 288 : index
    %swap3A_115 = tpu.vector_load %arg25[%swap3A_114] {strides = array<i32>} : memref<640xf32, #tpu.memory_space<vmem>>, vector<16xf32>,
    %swap3A_116 = vector.shape_cast %swap3A_115 : vector<16xf32> to vector<16xf32>
    %swap3A_117 = vector.shape_cast %broadcast_in_dim3A_113 : vector<16xf32> to vector<16xf32>
    tpu.vector_store %arg25[%swap3A_114], %swap3A_117 {strides = array<i32>} : memref<640xf32, #tpu.memory_space<vmem>>, vector<16xf32>,
    %broadcast_in_dim3A_118 = arith.constant 0.000000e+00 : f32
    %broadcast_in_dim3A_119 = vector.broadcast %broadcast_in_dim3A_118 : f32 to vector<16xf32>
    %swap3A_120 = arith.constant 304 : index
    %swap3A_121 = tpu.vector_load %arg25[%swap3A_120] {strides = array<i32>} : memref<640xf32, #tpu.memory_space<vmem>>, vector<16xf32>,
    %swap3A_122 = vector.shape_cast %swap3A_121 : vector<16xf32> to vector<16xf32>
    %swap3A_123 = vector.shape_cast %broadcast_in_dim3A_119 : vector<16xf32> to vector<16xf32>
    tpu.vector_store %arg25[%swap3A_120], %swap3A_123 {strides = array<i32>} : memref<640xf32, #tpu.memory_space<vmem>>, vector<16xf32>,
    %broadcast_in_dim3A_124 = arith.constant 0.000000e+00 : f32
    %broadcast_in_dim3A_125 = vector.broadcast %broadcast_in_dim3A_124 : f32 to vector<16xf32>
    %swap3A_126 = arith.constant 320 : index
    %swap3A_127 = tpu.vector_load %arg25[%swap3A_126] {strides = array<i32>} : memref<640xf32, #tpu.memory_space<vmem>>, vector<16xf32>,
    %swap3A_128 = vector.shape_cast %swap3A_127 : vector<16xf32> to vector<16xf32>
    %swap3A_129 = vector.shape_cast %broadcast_in_dim3A_125 : vector<16xf32> to vector<16xf32>
    tpu.vector_store %arg25[%swap3A_126], %swap3A_129 {strides = array<i32>} : memref<640xf32, #tpu.memory_space<vmem>>, vector<16xf32>,
    %broadcast_in_dim3A_130 = arith.constant 0.000000e+00 : f32
    %broadcast_in_dim3A_131 = vector.broadcast %broadcast_in_dim3A_130 : f32 to vector<16xf32>
    %swap3A_132 = arith.constant 336 : index
    %swap3A_133 = tpu.vector_load %arg25[%swap3A_132] {strides = array<i32>} : memref<640xf32, #tpu.memory_space<vmem>>, vector<16xf32>,
    %swap3A_134 = vector.shape_cast %swap3A_133 : vector<16xf32> to vector<16xf32>
    %swap3A_135 = vector.shape_cast %broadcast_in_dim3A_131 : vector<16xf32> to vector<16xf32>
    tpu.vector_store %arg25[%swap3A_132], %swap3A_135 {strides = array<i32>} : memref<640xf32, #tpu.memory_space<vmem>>, vector<16xf32>,
    %broadcast_in_dim3A_136 = arith.constant 0.000000e+00 : f32
    %broadcast_in_dim3A_137 = vector.broadcast %broadcast_in_dim3A_136 : f32 to vector<16xf32>
    %swap3A_138 = arith.constant 352 : index
    %swap3A_139 = tpu.vector_load %arg25[%swap3A_138] {strides = array<i32>} : memref<640xf32, #tpu.memory_space<vmem>>, vector<16xf32>,
    %swap3A_140 = vector.shape_cast %swap3A_139 : vector<16xf32> to vector<16xf32>
    %swap3A_141 = vector.shape_cast %broadcast_in_dim3A_137 : vector<16xf32> to vector<16xf32>
    tpu.vector_store %arg25[%swap3A_138], %swap3A_141 {strides = array<i32>} : memref<640xf32, #tpu.memory_space<vmem>>, vector<16xf32>,
    %broadcast_in_dim3A_142 = arith.constant 0.000000e+00 : f32
    %broadcast_in_dim3A_143 = vector.broadcast %broadcast_in_dim3A_142 : f32 to vector<16xf32>
    %swap3A_144 = arith.constant 368 : index
    %swap3A_145 = tpu.vector_load %arg25[%swap3A_144] {strides = array<i32>} : memref<640xf32, #tpu.memory_space<vmem>>, vector<16xf32>,
    %swap3A_146 = vector.shape_cast %swap3A_145 : vector<16xf32> to vector<16xf32>
    %swap3A_147 = vector.shape_cast %broadcast_in_dim3A_143 : vector<16xf32> to vector<16xf32>
    tpu.vector_store %arg25[%swap3A_144], %swap3A_147 {strides = array<i32>} : memref<640xf32, #tpu.memory_space<vmem>>, vector<16xf32>,
    %broadcast_in_dim3A_148 = arith.constant 0.000000e+00 : f32
    %broadcast_in_dim3A_149 = vector.broadcast %broadcast_in_dim3A_148 : f32 to vector<16xf32>
    %swap3A_150 = arith.constant 384 : index
    %swap3A_151 = tpu.vector_load %arg25[%swap3A_150] {strides = array<i32>} : memref<640xf32, #tpu.memory_space<vmem>>, vector<16xf32>,
    %swap3A_152 = vector.shape_cast %swap3A_151 : vector<16xf32> to vector<16xf32>
    %swap3A_153 = vector.shape_cast %broadcast_in_dim3A_149 : vector<16xf32> to vector<16xf32>
    tpu.vector_store %arg25[%swap3A_150], %swap3A_153 {strides = array<i32>} : memref<640xf32, #tpu.memory_space<vmem>>, vector<16xf32>,
    %broadcast_in_dim3A_154 = arith.constant 0.000000e+00 : f32
    %broadcast_in_dim3A_155 = vector.broadcast %broadcast_in_dim3A_154 : f32 to vector<16xf32>
    %swap3A_156 = arith.constant 400 : index
    %swap3A_157 = tpu.vector_load %arg25[%swap3A_156] {strides = array<i32>} : memref<640xf32, #tpu.memory_space<vmem>>, vector<16xf32>,
    %swap3A_158 = vector.shape_cast %swap3A_157 : vector<16xf32> to vector<16xf32>
    %swap3A_159 = vector.shape_cast %broadcast_in_dim3A_155 : vector<16xf32> to vector<16xf32>
    tpu.vector_store %arg25[%swap3A_156], %swap3A_159 {strides = array<i32>} : memref<640xf32, #tpu.memory_space<vmem>>, vector<16xf32>,
    %broadcast_in_dim3A_160 = arith.constant 0.000000e+00 : f32
    %broadcast_in_dim3A_161 = vector.broadcast %broadcast_in_dim3A_160 : f32 to vector<16xf32>
    %swap3A_162 = arith.constant 416 : index
    %swap3A_163 = tpu.vector_load %arg25[%swap3A_162] {strides = array<i32>} : memref<640xf32, #tpu.memory_space<vmem>>, vector<16xf32>,
    %swap3A_164 = vector.shape_cast %swap3A_163 : vector<16xf32> to vector<16xf32>
    %swap3A_165 = vector.shape_cast %broadcast_in_dim3A_161 : vector<16xf32> to vector<16xf32>
    tpu.vector_store %arg25[%swap3A_162], %swap3A_165 {strides = array<i32>} : memref<640xf32, #tpu.memory_space<vmem>>, vector<16xf32>,
    %broadcast_in_dim3A_166 = arith.constant 0.000000e+00 : f32
    %broadcast_in_dim3A_167 = vector.broadcast %broadcast_in_dim3A_166 : f32 to vector<16xf32>
    %swap3A_168 = arith.constant 432 : index
    %swap3A_169 = tpu.vector_load %arg25[%swap3A_168] {strides = array<i32>} : memref<640xf32, #tpu.memory_space<vmem>>, vector<16xf32>,
    %swap3A_170 = vector.shape_cast %swap3A_169 : vector<16xf32> to vector<16xf32>
    %swap3A_171 = vector.shape_cast %broadcast_in_dim3A_167 : vector<16xf32> to vector<16xf32>
    tpu.vector_store %arg25[%swap3A_168], %swap3A_171 {strides = array<i32>} : memref<640xf32, #tpu.memory_space<vmem>>, vector<16xf32>,
    %broadcast_in_dim3A_172 = arith.constant 0.000000e+00 : f32
    %broadcast_in_dim3A_173 = vector.broadcast %broadcast_in_dim3A_172 : f32 to vector<16xf32>
    %swap3A_174 = arith.constant 448 : index
    %swap3A_175 = tpu.vector_load %arg25[%swap3A_174] {strides = array<i32>} : memref<640xf32, #tpu.memory_space<vmem>>, vector<16xf32>,
    %swap3A_176 = vector.shape_cast %swap3A_175 : vector<16xf32> to vector<16xf32>
    %swap3A_177 = vector.shape_cast %broadcast_in_dim3A_173 : vector<16xf32> to vector<16xf32>
    tpu.vector_store %arg25[%swap3A_174], %swap3A_177 {strides = array<i32>} : memref<640xf32, #tpu.memory_space<vmem>>, vector<16xf32>,
    %broadcast_in_dim3A_178 = arith.constant 0.000000e+00 : f32
    %broadcast_in_dim3A_179 = vector.broadcast %broadcast_in_dim3A_178 : f32 to vector<16xf32>
    %swap3A_180 = arith.constant 464 : index
    %swap3A_181 = tpu.vector_load %arg25[%swap3A_180] {strides = array<i32>} : memref<640xf32, #tpu.memory_space<vmem>>, vector<16xf32>,
    %swap3A_182 = vector.shape_cast %swap3A_181 : vector<16xf32> to vector<16xf32>
    %swap3A_183 = vector.shape_cast %broadcast_in_dim3A_179 : vector<16xf32> to vector<16xf32>
    tpu.vector_store %arg25[%swap3A_180], %swap3A_183 {strides = array<i32>} : memref<640xf32, #tpu.memory_space<vmem>>, vector<16xf32>,
    %broadcast_in_dim3A_184 = arith.constant 0.000000e+00 : f32
    %broadcast_in_dim3A_185 = vector.broadcast %broadcast_in_dim3A_184 : f32 to vector<16xf32>
    %swap3A_186 = arith.constant 480 : index
    %swap3A_187 = tpu.vector_load %arg25[%swap3A_186] {strides = array<i32>} : memref<640xf32, #tpu.memory_space<vmem>>, vector<16xf32>,
    %swap3A_188 = vector.shape_cast %swap3A_187 : vector<16xf32> to vector<16xf32>
    %swap3A_189 = vector.shape_cast %broadcast_in_dim3A_185 : vector<16xf32> to vector<16xf32>
    tpu.vector_store %arg25[%swap3A_186], %swap3A_189 {strides = array<i32>} : memref<640xf32, #tpu.memory_space<vmem>>, vector<16xf32>,
    %broadcast_in_dim3A_190 = arith.constant 0.000000e+00 : f32
    %broadcast_in_dim3A_191 = vector.broadcast %broadcast_in_dim3A_190 : f32 to vector<16xf32>
    %swap3A_192 = arith.constant 496 : index
    %swap3A_193 = tpu.vector_load %arg25[%swap3A_192] {strides = array<i32>} : memref<640xf32, #tpu.memory_space<vmem>>, vector<16xf32>,
    %swap3A_194 = vector.shape_cast %swap3A_193 : vector<16xf32> to vector<16xf32>
    %swap3A_195 = vector.shape_cast %broadcast_in_dim3A_191 : vector<16xf32> to vector<16xf32>
    tpu.vector_store %arg25[%swap3A_192], %swap3A_195 {strides = array<i32>} : memref<640xf32, #tpu.memory_space<vmem>>, vector<16xf32>,
    %broadcast_in_dim3A_196 = arith.constant 0.000000e+00 : f32
    %broadcast_in_dim3A_197 = vector.broadcast %broadcast_in_dim3A_196 : f32 to vector<16xf32>
    %swap3A_198 = arith.constant 512 : index
    %swap3A_199 = tpu.vector_load %arg25[%swap3A_198] {strides = array<i32>} : memref<640xf32, #tpu.memory_space<vmem>>, vector<16xf32>,
    %swap3A_200 = vector.shape_cast %swap3A_199 : vector<16xf32> to vector<16xf32>
    %swap3A_201 = vector.shape_cast %broadcast_in_dim3A_197 : vector<16xf32> to vector<16xf32>
    tpu.vector_store %arg25[%swap3A_198], %swap3A_201 {strides = array<i32>} : memref<640xf32, #tpu.memory_space<vmem>>, vector<16xf32>,
    %broadcast_in_dim3A_202 = arith.constant 0.000000e+00 : f32
    %broadcast_in_dim3A_203 = vector.broadcast %broadcast_in_dim3A_202 : f32 to vector<16xf32>
    %swap3A_204 = arith.constant 528 : index
    %swap3A_205 = tpu.vector_load %arg25[%swap3A_204] {strides = array<i32>} : memref<640xf32, #tpu.memory_space<vmem>>, vector<16xf32>,
    %swap3A_206 = vector.shape_cast %swap3A_205 : vector<16xf32> to vector<16xf32>
    %swap3A_207 = vector.shape_cast %broadcast_in_dim3A_203 : vector<16xf32> to vector<16xf32>
    tpu.vector_store %arg25[%swap3A_204], %swap3A_207 {strides = array<i32>} : memref<640xf32, #tpu.memory_space<vmem>>, vector<16xf32>,
    %broadcast_in_dim3A_208 = arith.constant 0.000000e+00 : f32
    %broadcast_in_dim3A_209 = vector.broadcast %broadcast_in_dim3A_208 : f32 to vector<16xf32>
    %swap3A_210 = arith.constant 544 : index
    %swap3A_211 = tpu.vector_load %arg25[%swap3A_210] {strides = array<i32>} : memref<640xf32, #tpu.memory_space<vmem>>, vector<16xf32>,
    %swap3A_212 = vector.shape_cast %swap3A_211 : vector<16xf32> to vector<16xf32>
    %swap3A_213 = vector.shape_cast %broadcast_in_dim3A_209 : vector<16xf32> to vector<16xf32>
    tpu.vector_store %arg25[%swap3A_210], %swap3A_213 {strides = array<i32>} : memref<640xf32, #tpu.memory_space<vmem>>, vector<16xf32>,
    %broadcast_in_dim3A_214 = arith.constant 0.000000e+00 : f32
    %broadcast_in_dim3A_215 = vector.broadcast %broadcast_in_dim3A_214 : f32 to vector<16xf32>
    %swap3A_216 = arith.constant 560 : index
    %swap3A_217 = tpu.vector_load %arg25[%swap3A_216] {strides = array<i32>} : memref<640xf32, #tpu.memory_space<vmem>>, vector<16xf32>,
    %swap3A_218 = vector.shape_cast %swap3A_217 : vector<16xf32> to vector<16xf32>
    %swap3A_219 = vector.shape_cast %broadcast_in_dim3A_215 : vector<16xf32> to vector<16xf32>
    tpu.vector_store %arg25[%swap3A_216], %swap3A_219 {strides = array<i32>} : memref<640xf32, #tpu.memory_space<vmem>>, vector<16xf32>,
    %broadcast_in_dim3A_220 = arith.constant 0.000000e+00 : f32
    %broadcast_in_dim3A_221 = vector.broadcast %broadcast_in_dim3A_220 : f32 to vector<16xf32>
    %swap3A_222 = arith.constant 576 : index
    %swap3A_223 = tpu.vector_load %arg25[%swap3A_222] {strides = array<i32>} : memref<640xf32, #tpu.memory_space<vmem>>, vector<16xf32>,
    %swap3A_224 = vector.shape_cast %swap3A_223 : vector<16xf32> to vector<16xf32>
    %swap3A_225 = vector.shape_cast %broadcast_in_dim3A_221 : vector<16xf32> to vector<16xf32>
    tpu.vector_store %arg25[%swap3A_222], %swap3A_225 {strides = array<i32>} : memref<640xf32, #tpu.memory_space<vmem>>, vector<16xf32>,
    %broadcast_in_dim3A_226 = arith.constant 0.000000e+00 : f32
    %broadcast_in_dim3A_227 = vector.broadcast %broadcast_in_dim3A_226 : f32 to vector<16xf32>
    %swap3A_228 = arith.constant 592 : index
    %swap3A_229 = tpu.vector_load %arg25[%swap3A_228] {strides = array<i32>} : memref<640xf32, #tpu.memory_space<vmem>>, vector<16xf32>,
    %swap3A_230 = vector.shape_cast %swap3A_229 : vector<16xf32> to vector<16xf32>
    %swap3A_231 = vector.shape_cast %broadcast_in_dim3A_227 : vector<16xf32> to vector<16xf32>
    tpu.vector_store %arg25[%swap3A_228], %swap3A_231 {strides = array<i32>} : memref<640xf32, #tpu.memory_space<vmem>>, vector<16xf32>,
    %broadcast_in_dim3A_232 = arith.constant 0.000000e+00 : f32
    %broadcast_in_dim3A_233 = vector.broadcast %broadcast_in_dim3A_232 : f32 to vector<16xf32>
    %swap3A_234 = arith.constant 608 : index
    %swap3A_235 = tpu.vector_load %arg25[%swap3A_234] {strides = array<i32>} : memref<640xf32, #tpu.memory_space<vmem>>, vector<16xf32>,
    %swap3A_236 = vector.shape_cast %swap3A_235 : vector<16xf32> to vector<16xf32>
    %swap3A_237 = vector.shape_cast %broadcast_in_dim3A_233 : vector<16xf32> to vector<16xf32>
    tpu.vector_store %arg25[%swap3A_234], %swap3A_237 {strides = array<i32>} : memref<640xf32, #tpu.memory_space<vmem>>, vector<16xf32>,
    %broadcast_in_dim3A_238 = arith.constant 0.000000e+00 : f32
    %broadcast_in_dim3A_239 = vector.broadcast %broadcast_in_dim3A_238 : f32 to vector<16xf32>
    %swap3A_240 = arith.constant 624 : index
    %swap3A_241 = tpu.vector_load %arg25[%swap3A_240] {strides = array<i32>} : memref<640xf32, #tpu.memory_space<vmem>>, vector<16xf32>,
    %swap3A_242 = vector.shape_cast %swap3A_241 : vector<16xf32> to vector<16xf32>
    %swap3A_243 = vector.shape_cast %broadcast_in_dim3A_239 : vector<16xf32> to vector<16xf32>
    tpu.vector_store %arg25[%swap3A_240], %swap3A_243 {strides = array<i32>} : memref<640xf32, #tpu.memory_space<vmem>>, vector<16xf32>,
    %broadcast_in_dim3A_244 = arith.constant 1.000000e+00 : f32
    %broadcast_in_dim3A_245 = vector.broadcast %broadcast_in_dim3A_244 : f32 to vector<16xf32>
    %swap3A_246 = arith.constant 0 : index
    %swap3A_247 = tpu.vector_load %arg24[%swap3A_246] {strides = array<i32>} : memref<80xf32, #tpu.memory_space<vmem>>, vector<16xf32>,
    %swap3A_248 = vector.shape_cast %swap3A_247 : vector<16xf32> to vector<16xf32>
    %swap3A_249 = vector.shape_cast %broadcast_in_dim3A_245 : vector<16xf32> to vector<16xf32>
    tpu.vector_store %arg24[%swap3A_246], %swap3A_249 {strides = array<i32>} : memref<80xf32, #tpu.memory_space<vmem>>, vector<16xf32>,
    %broadcast_in_dim3A_250 = arith.constant 1.000000e+00 : f32
    %broadcast_in_dim3A_251 = vector.broadcast %broadcast_in_dim3A_250 : f32 to vector<16xf32>
    %swap3A_252 = arith.constant 16 : index
    %swap3A_253 = tpu.vector_load %arg24[%swap3A_252] {strides = array<i32>} : memref<80xf32, #tpu.memory_space<vmem>>, vector<16xf32>,
    %swap3A_254 = vector.shape_cast %swap3A_253 : vector<16xf32> to vector<16xf32>
    %swap3A_255 = vector.shape_cast %broadcast_in_dim3A_251 : vector<16xf32> to vector<16xf32>
    tpu.vector_store %arg24[%swap3A_252], %swap3A_255 {strides = array<i32>} : memref<80xf32, #tpu.memory_space<vmem>>, vector<16xf32>,
    %broadcast_in_dim3A_256 = arith.constant 1.000000e+00 : f32
    %broadcast_in_dim3A_257 = vector.broadcast %broadcast_in_dim3A_256 : f32 to vector<16xf32>
    %swap3A_258 = arith.constant 32 : index
    %swap3A_259 = tpu.vector_load %arg24[%swap3A_258] {strides = array<i32>} : memref<80xf32, #tpu.memory_space<vmem>>, vector<16xf32>,
    %swap3A_260 = vector.shape_cast %swap3A_259 : vector<16xf32> to vector<16xf32>
    %swap3A_261 = vector.shape_cast %broadcast_in_dim3A_257 : vector<16xf32> to vector<16xf32>
    tpu.vector_store %arg24[%swap3A_258], %swap3A_261 {strides = array<i32>} : memref<80xf32, #tpu.memory_space<vmem>>, vector<16xf32>,
    %broadcast_in_dim3A_262 = arith.constant 1.000000e+00 : f32
    %broadcast_in_dim3A_263 = vector.broadcast %broadcast_in_dim3A_262 : f32 to vector<16xf32>
    %swap3A_264 = arith.constant 48 : index
    %swap3A_265 = tpu.vector_load %arg24[%swap3A_264] {strides = array<i32>} : memref<80xf32, #tpu.memory_space<vmem>>, vector<16xf32>,
    %swap3A_266 = vector.shape_cast %swap3A_265 : vector<16xf32> to vector<16xf32>
    %swap3A_267 = vector.shape_cast %broadcast_in_dim3A_263 : vector<16xf32> to vector<16xf32>
    tpu.vector_store %arg24[%swap3A_264], %swap3A_267 {strides = array<i32>} : memref<80xf32, #tpu.memory_space<vmem>>, vector<16xf32>,
    %broadcast_in_dim3A_268 = arith.constant 1.000000e+00 : f32
    %broadcast_in_dim3A_269 = vector.broadcast %broadcast_in_dim3A_268 : f32 to vector<16xf32>
    %swap3A_270 = arith.constant 64 : index
    %swap3A_271 = tpu.vector_load %arg24[%swap3A_270] {strides = array<i32>} : memref<80xf32, #tpu.memory_space<vmem>>, vector<16xf32>,
    %swap3A_272 = vector.shape_cast %swap3A_271 : vector<16xf32> to vector<16xf32>
    %swap3A_273 = vector.shape_cast %broadcast_in_dim3A_269 : vector<16xf32> to vector<16xf32>
    tpu.vector_store %arg24[%swap3A_270], %swap3A_273 {strides = array<i32>} : memref<80xf32, #tpu.memory_space<vmem>>, vector<16xf32>,
    %mul3A_274 = arith.constant 640 : i32
    %mul3A_275 = arith.muli %arg1, %mul3A_274 : i32
    %add3A_276 = arith.constant 0 : i32
    %add3A_277 = arith.addi %mul3A_275, %add3A_276 : i32
    %dma_start3A = arith.constant 0 : i32
    %dma_start3A_278 = tpu.memref_slice %arg6[%add3A_277, %dma_start3A] : memref<10240x128xf32, #tpu.memory_space<vmem_shared>> -> memref<80x128xf32, #tpu.memory_space<vmem_shared>>
    %dma_start3A_279 = arith.constant 0 : i32
    %dma_start3A_280 = tpu.memref_slice %arg6[%add3A_277, %dma_start3A_279] : memref<10240x128xf32, #tpu.memory_space<vmem_shared>> -> memref<80x128xf32, #tpu.memory_space<vmem_shared>>
    tpu.enqueue_dma source(%arg20 : memref<80x128xf32, #tpu.memory_space<vmem>>) target(%dma_start3A_280 : memref<80x128xf32, #tpu.memory_space<vmem_shared>>) target_semaphore(%arg34 : memref<!tpu.dma_semaphore, #tpu.memory_space<semaphore_mem>>)
    %mul3A_281 = arith.constant 640 : i32
    %mul3A_282 = arith.muli %arg1, %mul3A_281 : i32
    %add3A_283 = arith.constant 80 : i32
    %add3A_284 = arith.addi %mul3A_282, %add3A_283 : i32
    %dma_start3A_285 = arith.constant 0 : i32
    %dma_start3A_286 = tpu.memref_slice %arg6[%add3A_284, %dma_start3A_285] : memref<10240x128xf32, #tpu.memory_space<vmem_shared>> -> memref<80x128xf32, #tpu.memory_space<vmem_shared>>
    %dma_start3A_287 = arith.constant 0 : i32
    %dma_start3A_288 = tpu.memref_slice %arg6[%add3A_284, %dma_start3A_287] : memref<10240x128xf32, #tpu.memory_space<vmem_shared>> -> memref<80x128xf32, #tpu.memory_space<vmem_shared>>
    tpu.enqueue_dma source(%arg20 : memref<80x128xf32, #tpu.memory_space<vmem>>) target(%dma_start3A_288 : memref<80x128xf32, #tpu.memory_space<vmem_shared>>) target_semaphore(%arg34 : memref<!tpu.dma_semaphore, #tpu.memory_space<semaphore_mem>>)
    %mul3A_289 = arith.constant 640 : i32
    %mul3A_290 = arith.muli %arg1, %mul3A_289 : i32
    %add3A_291 = arith.constant 160 : i32
    %add3A_292 = arith.addi %mul3A_290, %add3A_291 : i32
    %dma_start3A_293 = arith.constant 0 : i32
    %dma_start3A_294 = tpu.memref_slice %arg6[%add3A_292, %dma_start3A_293] : memref<10240x128xf32, #tpu.memory_space<vmem_shared>> -> memref<80x128xf32, #tpu.memory_space<vmem_shared>>
    %dma_start3A_295 = arith.constant 0 : i32
    %dma_start3A_296 = tpu.memref_slice %arg6[%add3A_292, %dma_start3A_295] : memref<10240x128xf32, #tpu.memory_space<vmem_shared>> -> memref<80x128xf32, #tpu.memory_space<vmem_shared>>
    tpu.enqueue_dma source(%arg20 : memref<80x128xf32, #tpu.memory_space<vmem>>) target(%dma_start3A_296 : memref<80x128xf32, #tpu.memory_space<vmem_shared>>) target_semaphore(%arg34 : memref<!tpu.dma_semaphore, #tpu.memory_space<semaphore_mem>>)
    %mul3A_297 = arith.constant 640 : i32
    %mul3A_298 = arith.muli %arg1, %mul3A_297 : i32
    %add3A_299 = arith.constant 240 : i32
    %add3A_300 = arith.addi %mul3A_298, %add3A_299 : i32
    %dma_start3A_301 = arith.constant 0 : i32
    %dma_start3A_302 = tpu.memref_slice %arg6[%add3A_300, %dma_start3A_301] : memref<10240x128xf32, #tpu.memory_space<vmem_shared>> -> memref<80x128xf32, #tpu.memory_space<vmem_shared>>
    %dma_start3A_303 = arith.constant 0 : i32
    %dma_start3A_304 = tpu.memref_slice %arg6[%add3A_300, %dma_start3A_303] : memref<10240x128xf32, #tpu.memory_space<vmem_shared>> -> memref<80x128xf32, #tpu.memory_space<vmem_shared>>
    tpu.enqueue_dma source(%arg20 : memref<80x128xf32, #tpu.memory_space<vmem>>) target(%dma_start3A_304 : memref<80x128xf32, #tpu.memory_space<vmem_shared>>) target_semaphore(%arg34 : memref<!tpu.dma_semaphore, #tpu.memory_space<semaphore_mem>>)
    %mul3A_305 = arith.constant 640 : i32
    %mul3A_306 = arith.muli %arg1, %mul3A_305 : i32
    %add3A_307 = arith.constant 320 : i32
    %add3A_308 = arith.addi %mul3A_306, %add3A_307 : i32
    %dma_start3A_309 = arith.constant 0 : i32
    %dma_start3A_310 = tpu.memref_slice %arg6[%add3A_308, %dma_start3A_309] : memref<10240x128xf32, #tpu.memory_space<vmem_shared>> -> memref<80x128xf32, #tpu.memory_space<vmem_shared>>
    %dma_start3A_311 = arith.constant 0 : i32
    %dma_start3A_312 = tpu.memref_slice %arg6[%add3A_308, %dma_start3A_311] : memref<10240x128xf32, #tpu.memory_space<vmem_shared>> -> memref<80x128xf32, #tpu.memory_space<vmem_shared>>
    tpu.enqueue_dma source(%arg20 : memref<80x128xf32, #tpu.memory_space<vmem>>) target(%dma_start3A_312 : memref<80x128xf32, #tpu.memory_space<vmem_shared>>) target_semaphore(%arg34 : memref<!tpu.dma_semaphore, #tpu.memory_space<semaphore_mem>>)
    %mul3A_313 = arith.constant 640 : i32
    %mul3A_314 = arith.muli %arg1, %mul3A_313 : i32
    %add3A_315 = arith.constant 400 : i32
    %add3A_316 = arith.addi %mul3A_314, %add3A_315 : i32
    %dma_start3A_317 = arith.constant 0 : i32
    %dma_start3A_318 = tpu.memref_slice %arg6[%add3A_316, %dma_start3A_317] : memref<10240x128xf32, #tpu.memory_space<vmem_shared>> -> memref<80x128xf32, #tpu.memory_space<vmem_shared>>
    %dma_start3A_319 = arith.constant 0 : i32
    %dma_start3A_320 = tpu.memref_slice %arg6[%add3A_316, %dma_start3A_319] : memref<10240x128xf32, #tpu.memory_space<vmem_shared>> -> memref<80x128xf32, #tpu.memory_space<vmem_shared>>
    tpu.enqueue_dma source(%arg20 : memref<80x128xf32, #tpu.memory_space<vmem>>) target(%dma_start3A_320 : memref<80x128xf32, #tpu.memory_space<vmem_shared>>) target_semaphore(%arg34 : memref<!tpu.dma_semaphore, #tpu.memory_space<semaphore_mem>>)
    %mul3A_321 = arith.constant 640 : i32
    %mul3A_322 = arith.muli %arg1, %mul3A_321 : i32
    %add3A_323 = arith.constant 480 : i32
    %add3A_324 = arith.addi %mul3A_322, %add3A_323 : i32
    %dma_start3A_325 = arith.constant 0 : i32
    %dma_start3A_326 = tpu.memref_slice %arg6[%add3A_324, %dma_start3A_325] : memref<10240x128xf32, #tpu.memory_space<vmem_shared>> -> memref<80x128xf32, #tpu.memory_space<vmem_shared>>
    %dma_start3A_327 = arith.constant 0 : i32
    %dma_start3A_328 = tpu.memref_slice %arg6[%add3A_324, %dma_start3A_327] : memref<10240x128xf32, #tpu.memory_space<vmem_shared>> -> memref<80x128xf32, #tpu.memory_space<vmem_shared>>
    tpu.enqueue_dma source(%arg20 : memref<80x128xf32, #tpu.memory_space<vmem>>) target(%dma_start3A_328 : memref<80x128xf32, #tpu.memory_space<vmem_shared>>) target_semaphore(%arg34 : memref<!tpu.dma_semaphore, #tpu.memory_space<semaphore_mem>>)
    %mul3A_329 = arith.constant 640 : i32
    %mul3A_330 = arith.muli %arg1, %mul3A_329 : i32
    %add3A_331 = arith.constant 560 : i32
    %add3A_332 = arith.addi %mul3A_330, %add3A_331 : i32
    %dma_start3A_333 = arith.constant 0 : i32
    %dma_start3A_334 = tpu.memref_slice %arg6[%add3A_332, %dma_start3A_333] : memref<10240x128xf32, #tpu.memory_space<vmem_shared>> -> memref<80x128xf32, #tpu.memory_space<vmem_shared>>
    %dma_start3A_335 = arith.constant 0 : i32
    %dma_start3A_336 = tpu.memref_slice %arg6[%add3A_332, %dma_start3A_335] : memref<10240x128xf32, #tpu.memory_space<vmem_shared>> -> memref<80x128xf32, #tpu.memory_space<vmem_shared>>
    tpu.enqueue_dma source(%arg20 : memref<80x128xf32, #tpu.memory_space<vmem>>) target(%dma_start3A_336 : memref<80x128xf32, #tpu.memory_space<vmem_shared>>) target_semaphore(%arg34 : memref<!tpu.dma_semaphore, #tpu.memory_space<semaphore_mem>>)
    %mul3A_337 = arith.constant 640 : i32
    %mul3A_338 = arith.muli %arg1, %mul3A_337 : i32
    "tpu.region"() ({
      %run_scoped3A = tpu.sem_alloc : memref<!tpu.dma_semaphore, #tpu.memory_space<semaphore_mem>>
      %dma_start3A_733 = tpu.memref_slice %arg7[%mul3A_338] : memref<10240xf32, #tpu.memory_space<vmem_shared>> -> memref<640xf32, #tpu.memory_space<vmem_shared>>
      %dma_start3A_734 = tpu.memref_slice %arg7[%mul3A_338] : memref<10240xf32, #tpu.memory_space<vmem_shared>> -> memref<640xf32, #tpu.memory_space<vmem_shared>>
      tpu.enqueue_dma source(%arg25 : memref<640xf32, #tpu.memory_space<vmem>>) target(%dma_start3A_734 : memref<640xf32, #tpu.memory_space<vmem_shared>>) target_semaphore(%run_scoped3A : memref<!tpu.dma_semaphore, #tpu.memory_space<semaphore_mem>>)
      %dma_wait3A_735 = tpu.memref_slice %arg7[%mul3A_338] : memref<10240xf32, #tpu.memory_space<vmem_shared>> -> memref<640xf32, #tpu.memory_space<vmem_shared>>
      %dma_wait3A_736 = tpu.memref_slice %arg7[%mul3A_338] : memref<10240xf32, #tpu.memory_space<vmem_shared>> -> memref<640xf32, #tpu.memory_space<vmem_shared>>
      tpu.wait_dma2 semaphore(%run_scoped3A : memref<!tpu.dma_semaphore, #tpu.memory_space<semaphore_mem>>) src(%arg25 : memref<640xf32, #tpu.memory_space<vmem>>) dst(%dma_wait3A_736 : memref<640xf32, #tpu.memory_space<vmem_shared>>)
      tpu.yield
    }) : () -> ()
    %mul3A_339 = arith.constant 640 : i32
    %mul3A_340 = arith.muli %arg1, %mul3A_339 : i32
    %add3A_341 = arith.constant 0 : i32
    %add3A_342 = arith.addi %mul3A_340, %add3A_341 : i32
    %dma_wait3A = arith.constant 0 : i32
    %dma_wait3A_343 = tpu.memref_slice %arg6[%add3A_342, %dma_wait3A] : memref<10240x128xf32, #tpu.memory_space<vmem_shared>> -> memref<80x128xf32, #tpu.memory_space<vmem_shared>>
    %dma_wait3A_344 = arith.constant 0 : i32
    %dma_wait3A_345 = tpu.memref_slice %arg6[%add3A_342, %dma_wait3A_344] : memref<10240x128xf32, #tpu.memory_space<vmem_shared>> -> memref<80x128xf32, #tpu.memory_space<vmem_shared>>
    tpu.wait_dma2 semaphore(%arg34 : memref<!tpu.dma_semaphore, #tpu.memory_space<semaphore_mem>>) src(%arg20 : memref<80x128xf32, #tpu.memory_space<vmem>>) dst(%dma_wait3A_345 : memref<80x128xf32, #tpu.memory_space<vmem_shared>>)
    %mul3A_346 = arith.constant 640 : i32
    %mul3A_347 = arith.muli %arg1, %mul3A_346 : i32
    %add3A_348 = arith.constant 80 : i32
    %add3A_349 = arith.addi %mul3A_347, %add3A_348 : i32
    %dma_wait3A_350 = arith.constant 0 : i32
    %dma_wait3A_351 = tpu.memref_slice %arg6[%add3A_349, %dma_wait3A_350] : memref<10240x128xf32, #tpu.memory_space<vmem_shared>> -> memref<80x128xf32, #tpu.memory_space<vmem_shared>>
    %dma_wait3A_352 = arith.constant 0 : i32
    %dma_wait3A_353 = tpu.memref_slice %arg6[%add3A_349, %dma_wait3A_352] : memref<10240x128xf32, #tpu.memory_space<vmem_shared>> -> memref<80x128xf32, #tpu.memory_space<vmem_shared>>
    tpu.wait_dma2 semaphore(%arg34 : memref<!tpu.dma_semaphore, #tpu.memory_space<semaphore_mem>>) src(%arg20 : memref<80x128xf32, #tpu.memory_space<vmem>>) dst(%dma_wait3A_353 : memref<80x128xf32, #tpu.memory_space<vmem_shared>>)
    %mul3A_354 = arith.constant 640 : i32
    %mul3A_355 = arith.muli %arg1, %mul3A_354 : i32
    %add3A_356 = arith.constant 160 : i32
    %add3A_357 = arith.addi %mul3A_355, %add3A_356 : i32
    %dma_wait3A_358 = arith.constant 0 : i32
    %dma_wait3A_359 = tpu.memref_slice %arg6[%add3A_357, %dma_wait3A_358] : memref<10240x128xf32, #tpu.memory_space<vmem_shared>> -> memref<80x128xf32, #tpu.memory_space<vmem_shared>>
    %dma_wait3A_360 = arith.constant 0 : i32
    %dma_wait3A_361 = tpu.memref_slice %arg6[%add3A_357, %dma_wait3A_360] : memref<10240x128xf32, #tpu.memory_space<vmem_shared>> -> memref<80x128xf32, #tpu.memory_space<vmem_shared>>
    tpu.wait_dma2 semaphore(%arg34 : memref<!tpu.dma_semaphore, #tpu.memory_space<semaphore_mem>>) src(%arg20 : memref<80x128xf32, #tpu.memory_space<vmem>>) dst(%dma_wait3A_361 : memref<80x128xf32, #tpu.memory_space<vmem_shared>>)
    %mul3A_362 = arith.constant 640 : i32
    %mul3A_363 = arith.muli %arg1, %mul3A_362 : i32
    %add3A_364 = arith.constant 240 : i32
    %add3A_365 = arith.addi %mul3A_363, %add3A_364 : i32
    %dma_wait3A_366 = arith.constant 0 : i32
    %dma_wait3A_367 = tpu.memref_slice %arg6[%add3A_365, %dma_wait3A_366] : memref<10240x128xf32, #tpu.memory_space<vmem_shared>> -> memref<80x128xf32, #tpu.memory_space<vmem_shared>>
    %dma_wait3A_368 = arith.constant 0 : i32
    %dma_wait3A_369 = tpu.memref_slice %arg6[%add3A_365, %dma_wait3A_368] : memref<10240x128xf32, #tpu.memory_space<vmem_shared>> -> memref<80x128xf32, #tpu.memory_space<vmem_shared>>
    tpu.wait_dma2 semaphore(%arg34 : memref<!tpu.dma_semaphore, #tpu.memory_space<semaphore_mem>>) src(%arg20 : memref<80x128xf32, #tpu.memory_space<vmem>>) dst(%dma_wait3A_369 : memref<80x128xf32, #tpu.memory_space<vmem_shared>>)
    %mul3A_370 = arith.constant 640 : i32
    %mul3A_371 = arith.muli %arg1, %mul3A_370 : i32
    %add3A_372 = arith.constant 320 : i32
    %add3A_373 = arith.addi %mul3A_371, %add3A_372 : i32
    %dma_wait3A_374 = arith.constant 0 : i32
    %dma_wait3A_375 = tpu.memref_slice %arg6[%add3A_373, %dma_wait3A_374] : memref<10240x128xf32, #tpu.memory_space<vmem_shared>> -> memref<80x128xf32, #tpu.memory_space<vmem_shared>>
    %dma_wait3A_376 = arith.constant 0 : i32
    %dma_wait3A_377 = tpu.memref_slice %arg6[%add3A_373, %dma_wait3A_376] : memref<10240x128xf32, #tpu.memory_space<vmem_shared>> -> memref<80x128xf32, #tpu.memory_space<vmem_shared>>
    tpu.wait_dma2 semaphore(%arg34 : memref<!tpu.dma_semaphore, #tpu.memory_space<semaphore_mem>>) src(%arg20 : memref<80x128xf32, #tpu.memory_space<vmem>>) dst(%dma_wait3A_377 : memref<80x128xf32, #tpu.memory_space<vmem_shared>>)
    %mul3A_378 = arith.constant 640 : i32
    %mul3A_379 = arith.muli %arg1, %mul3A_378 : i32
    %add3A_380 = arith.constant 400 : i32
    %add3A_381 = arith.addi %mul3A_379, %add3A_380 : i32
    %dma_wait3A_382 = arith.constant 0 : i32
    %dma_wait3A_383 = tpu.memref_slice %arg6[%add3A_381, %dma_wait3A_382] : memref<10240x128xf32, #tpu.memory_space<vmem_shared>> -> memref<80x128xf32, #tpu.memory_space<vmem_shared>>
    %dma_wait3A_384 = arith.constant 0 : i32
    %dma_wait3A_385 = tpu.memref_slice %arg6[%add3A_381, %dma_wait3A_384] : memref<10240x128xf32, #tpu.memory_space<vmem_shared>> -> memref<80x128xf32, #tpu.memory_space<vmem_shared>>
    tpu.wait_dma2 semaphore(%arg34 : memref<!tpu.dma_semaphore, #tpu.memory_space<semaphore_mem>>) src(%arg20 : memref<80x128xf32, #tpu.memory_space<vmem>>) dst(%dma_wait3A_385 : memref<80x128xf32, #tpu.memory_space<vmem_shared>>)
    %mul3A_386 = arith.constant 640 : i32
    %mul3A_387 = arith.muli %arg1, %mul3A_386 : i32
    %add3A_388 = arith.constant 480 : i32
    %add3A_389 = arith.addi %mul3A_387, %add3A_388 : i32
    %dma_wait3A_390 = arith.constant 0 : i32
    %dma_wait3A_391 = tpu.memref_slice %arg6[%add3A_389, %dma_wait3A_390] : memref<10240x128xf32, #tpu.memory_space<vmem_shared>> -> memref<80x128xf32, #tpu.memory_space<vmem_shared>>
    %dma_wait3A_392 = arith.constant 0 : i32
    %dma_wait3A_393 = tpu.memref_slice %arg6[%add3A_389, %dma_wait3A_392] : memref<10240x128xf32, #tpu.memory_space<vmem_shared>> -> memref<80x128xf32, #tpu.memory_space<vmem_shared>>
    tpu.wait_dma2 semaphore(%arg34 : memref<!tpu.dma_semaphore, #tpu.memory_space<semaphore_mem>>) src(%arg20 : memref<80x128xf32, #tpu.memory_space<vmem>>) dst(%dma_wait3A_393 : memref<80x128xf32, #tpu.memory_space<vmem_shared>>)
    %mul3A_394 = arith.constant 640 : i32
    %mul3A_395 = arith.muli %arg1, %mul3A_394 : i32
    %add3A_396 = arith.constant 560 : i32
    %add3A_397 = arith.addi %mul3A_395, %add3A_396 : i32
    %dma_wait3A_398 = arith.constant 0 : i32
    %dma_wait3A_399 = tpu.memref_slice %arg6[%add3A_397, %dma_wait3A_398] : memref<10240x128xf32, #tpu.memory_space<vmem_shared>> -> memref<80x128xf32, #tpu.memory_space<vmem_shared>>
    %dma_wait3A_400 = arith.constant 0 : i32
    %dma_wait3A_401 = tpu.memref_slice %arg6[%add3A_397, %dma_wait3A_400] : memref<10240x128xf32, #tpu.memory_space<vmem_shared>> -> memref<80x128xf32, #tpu.memory_space<vmem_shared>>
    tpu.wait_dma2 semaphore(%arg34 : memref<!tpu.dma_semaphore, #tpu.memory_space<semaphore_mem>>) src(%arg20 : memref<80x128xf32, #tpu.memory_space<vmem>>) dst(%dma_wait3A_401 : memref<80x128xf32, #tpu.memory_space<vmem_shared>>)
    %barrier3A = arith.constant 0 : index
    tpu.barrier barrier_id(%barrier3A)
    %mul3A_402 = arith.constant 10000 : i32
    %mul3A_403 = arith.muli %add3A, %mul3A_402 : i32
    %add3A_404 = arith.constant 0 : i32
    %add3A_405 = arith.addi %mul3A_403, %add3A_404 : i32
    %dma_start3A_406 = arith.constant 0 : i32
    %dma_start3A_407 = arith.constant 0 : i32
    %dma_start3A_408 = arith.constant 0 : i32
    %dma_start3A_409 = tpu.memref_slice %arg3[%dma_start3A_406, %dma_start3A_407, %dma_start3A_408] : memref<2x1x320000xi32, #tpu.memory_space<hbm>> -> memref<1x1x320000xi32, #tpu.memory_space<hbm>>
    %dma_start3A_410 = tpu.memref_squeeze %dma_start3A_409 : memref<1x1x320000xi32, #tpu.memory_space<hbm>> -> memref<320000xi32, #tpu.memory_space<hbm>>
    %dma_start3A_411 = tpu.memref_slice %dma_start3A_410[%add3A_405] : memref<320000xi32, #tpu.memory_space<hbm>> -> memref<80xi32, #tpu.memory_space<hbm>>
    %dma_start3A_412 = arith.constant 0 : i32
    %dma_start3A_413 = tpu.memref_slice %arg3[%dma_start3A_406, %dma_start3A_407, %dma_start3A_412] : memref<2x1x320000xi32, #tpu.memory_space<hbm>> -> memref<1x1x320000xi32, #tpu.memory_space<hbm>>
    %dma_start3A_414 = tpu.memref_squeeze %dma_start3A_413 : memref<1x1x320000xi32, #tpu.memory_space<hbm>> -> memref<320000xi32, #tpu.memory_space<hbm>>
    %dma_start3A_415 = tpu.memref_slice %dma_start3A_414[%add3A_405] : memref<320000xi32, #tpu.memory_space<hbm>> -> memref<80xi32, #tpu.memory_space<hbm>>
    tpu.enqueue_dma source(%dma_start3A_415 : memref<80xi32, #tpu.memory_space<hbm>>) target(%arg8 : memref<80xi32, #tpu.memory_space<vmem>>) target_semaphore(%arg34 : memref<!tpu.dma_semaphore, #tpu.memory_space<semaphore_mem>>)
    %dma_start3A_416 = arith.constant 1 : i32
    %dma_start3A_417 = arith.constant 0 : i32
    %dma_start3A_418 = arith.constant 0 : i32
    %dma_start3A_419 = tpu.memref_slice %arg3[%dma_start3A_416, %dma_start3A_417, %dma_start3A_418] : memref<2x1x320000xi32, #tpu.memory_space<hbm>> -> memref<1x1x320000xi32, #tpu.memory_space<hbm>>
    %dma_start3A_420 = tpu.memref_squeeze %dma_start3A_419 : memref<1x1x320000xi32, #tpu.memory_space<hbm>> -> memref<320000xi32, #tpu.memory_space<hbm>>
    %dma_start3A_421 = tpu.memref_slice %dma_start3A_420[%add3A_405] : memref<320000xi32, #tpu.memory_space<hbm>> -> memref<80xi32, #tpu.memory_space<hbm>>
    %dma_start3A_422 = arith.constant 0 : i32
    %dma_start3A_423 = tpu.memref_slice %arg3[%dma_start3A_416, %dma_start3A_417, %dma_start3A_422] : memref<2x1x320000xi32, #tpu.memory_space<hbm>> -> memref<1x1x320000xi32, #tpu.memory_space<hbm>>
    %dma_start3A_424 = tpu.memref_squeeze %dma_start3A_423 : memref<1x1x320000xi32, #tpu.memory_space<hbm>> -> memref<320000xi32, #tpu.memory_space<hbm>>
    %dma_start3A_425 = tpu.memref_slice %dma_start3A_424[%add3A_405] : memref<320000xi32, #tpu.memory_space<hbm>> -> memref<80xi32, #tpu.memory_space<hbm>>
    tpu.enqueue_dma source(%dma_start3A_425 : memref<80xi32, #tpu.memory_space<hbm>>) target(%arg14 : memref<80xi32, #tpu.memory_space<vmem>>) target_semaphore(%arg34 : memref<!tpu.dma_semaphore, #tpu.memory_space<semaphore_mem>>)
    %add3A_426 = arith.constant 80 : i32
    %add3A_427 = arith.addi %mul3A_403, %add3A_426 : i32
    %dma_start3A_428 = arith.constant 0 : i32
    %dma_start3A_429 = arith.constant 0 : i32
    %dma_start3A_430 = arith.constant 0 : i32
    %dma_start3A_431 = tpu.memref_slice %arg3[%dma_start3A_428, %dma_start3A_429, %dma_start3A_430] : memref<2x1x320000xi32, #tpu.memory_space<hbm>> -> memref<1x1x320000xi32, #tpu.memory_space<hbm>>
    %dma_start3A_432 = tpu.memref_squeeze %dma_start3A_431 : memref<1x1x320000xi32, #tpu.memory_space<hbm>> -> memref<320000xi32, #tpu.memory_space<hbm>>
    %dma_start3A_433 = tpu.memref_slice %dma_start3A_432[%add3A_427] : memref<320000xi32, #tpu.memory_space<hbm>> -> memref<80xi32, #tpu.memory_space<hbm>>
    %dma_start3A_434 = arith.constant 0 : i32
    %dma_start3A_435 = tpu.memref_slice %arg3[%dma_start3A_428, %dma_start3A_429, %dma_start3A_434] : memref<2x1x320000xi32, #tpu.memory_space<hbm>> -> memref<1x1x320000xi32, #tpu.memory_space<hbm>>
    %dma_start3A_436 = tpu.memref_squeeze %dma_start3A_435 : memref<1x1x320000xi32, #tpu.memory_space<hbm>> -> memref<320000xi32, #tpu.memory_space<hbm>>
    %dma_start3A_437 = tpu.memref_slice %dma_start3A_436[%add3A_427] : memref<320000xi32, #tpu.memory_space<hbm>> -> memref<80xi32, #tpu.memory_space<hbm>>
    tpu.enqueue_dma source(%dma_start3A_437 : memref<80xi32, #tpu.memory_space<hbm>>) target(%arg9 : memref<80xi32, #tpu.memory_space<vmem>>) target_semaphore(%arg35 : memref<!tpu.dma_semaphore, #tpu.memory_space<semaphore_mem>>)
    %dma_start3A_438 = arith.constant 1 : i32
    %dma_start3A_439 = arith.constant 0 : i32
    %dma_start3A_440 = arith.constant 0 : i32
    %dma_start3A_441 = tpu.memref_slice %arg3[%dma_start3A_438, %dma_start3A_439, %dma_start3A_440] : memref<2x1x320000xi32, #tpu.memory_space<hbm>> -> memref<1x1x320000xi32, #tpu.memory_space<hbm>>
    %dma_start3A_442 = tpu.memref_squeeze %dma_start3A_441 : memref<1x1x320000xi32, #tpu.memory_space<hbm>> -> memref<320000xi32, #tpu.memory_space<hbm>>
    %dma_start3A_443 = tpu.memref_slice %dma_start3A_442[%add3A_427] : memref<320000xi32, #tpu.memory_space<hbm>> -> memref<80xi32, #tpu.memory_space<hbm>>
    %dma_start3A_444 = arith.constant 0 : i32
    %dma_start3A_445 = tpu.memref_slice %arg3[%dma_start3A_438, %dma_start3A_439, %dma_start3A_444] : memref<2x1x320000xi32, #tpu.memory_space<hbm>> -> memref<1x1x320000xi32, #tpu.memory_space<hbm>>
    %dma_start3A_446 = tpu.memref_squeeze %dma_start3A_445 : memref<1x1x320000xi32, #tpu.memory_space<hbm>> -> memref<320000xi32, #tpu.memory_space<hbm>>
    %dma_start3A_447 = tpu.memref_slice %dma_start3A_446[%add3A_427] : memref<320000xi32, #tpu.memory_space<hbm>> -> memref<80xi32, #tpu.memory_space<hbm>>
    tpu.enqueue_dma source(%dma_start3A_447 : memref<80xi32, #tpu.memory_space<hbm>>) target(%arg15 : memref<80xi32, #tpu.memory_space<vmem>>) target_semaphore(%arg35 : memref<!tpu.dma_semaphore, #tpu.memory_space<semaphore_mem>>)
    %add3A_448 = arith.constant 160 : i32
    %add3A_449 = arith.addi %mul3A_403, %add3A_448 : i32
    %dma_start3A_450 = arith.constant 0 : i32
    %dma_start3A_451 = arith.constant 0 : i32
    %dma_start3A_452 = arith.constant 0 : i32
    %dma_start3A_453 = tpu.memref_slice %arg3[%dma_start3A_450, %dma_start3A_451, %dma_start3A_452] : memref<2x1x320000xi32, #tpu.memory_space<hbm>> -> memref<1x1x320000xi32, #tpu.memory_space<hbm>>
    %dma_start3A_454 = tpu.memref_squeeze %dma_start3A_453 : memref<1x1x320000xi32, #tpu.memory_space<hbm>> -> memref<320000xi32, #tpu.memory_space<hbm>>
    %dma_start3A_455 = tpu.memref_slice %dma_start3A_454[%add3A_449] : memref<320000xi32, #tpu.memory_space<hbm>> -> memref<80xi32, #tpu.memory_space<hbm>>
    %dma_start3A_456 = arith.constant 0 : i32
    %dma_start3A_457 = tpu.memref_slice %arg3[%dma_start3A_450, %dma_start3A_451, %dma_start3A_456] : memref<2x1x320000xi32, #tpu.memory_space<hbm>> -> memref<1x1x320000xi32, #tpu.memory_space<hbm>>
    %dma_start3A_458 = tpu.memref_squeeze %dma_start3A_457 : memref<1x1x320000xi32, #tpu.memory_space<hbm>> -> memref<320000xi32, #tpu.memory_space<hbm>>
    %dma_start3A_459 = tpu.memref_slice %dma_start3A_458[%add3A_449] : memref<320000xi32, #tpu.memory_space<hbm>> -> memref<80xi32, #tpu.memory_space<hbm>>
    tpu.enqueue_dma source(%dma_start3A_459 : memref<80xi32, #tpu.memory_space<hbm>>) target(%arg10 : memref<80xi32, #tpu.memory_space<vmem>>) target_semaphore(%arg36 : memref<!tpu.dma_semaphore, #tpu.memory_space<semaphore_mem>>)
    %dma_start3A_460 = arith.constant 1 : i32
    %dma_start3A_461 = arith.constant 0 : i32
    %dma_start3A_462 = arith.constant 0 : i32
    %dma_start3A_463 = tpu.memref_slice %arg3[%dma_start3A_460, %dma_start3A_461, %dma_start3A_462] : memref<2x1x320000xi32, #tpu.memory_space<hbm>> -> memref<1x1x320000xi32, #tpu.memory_space<hbm>>
    %dma_start3A_464 = tpu.memref_squeeze %dma_start3A_463 : memref<1x1x320000xi32, #tpu.memory_space<hbm>> -> memref<320000xi32, #tpu.memory_space<hbm>>
    %dma_start3A_465 = tpu.memref_slice %dma_start3A_464[%add3A_449] : memref<320000xi32, #tpu.memory_space<hbm>> -> memref<80xi32, #tpu.memory_space<hbm>>
    %dma_start3A_466 = arith.constant 0 : i32
    %dma_start3A_467 = tpu.memref_slice %arg3[%dma_start3A_460, %dma_start3A_461, %dma_start3A_466] : memref<2x1x320000xi32, #tpu.memory_space<hbm>> -> memref<1x1x320000xi32, #tpu.memory_space<hbm>>
    %dma_start3A_468 = tpu.memref_squeeze %dma_start3A_467 : memref<1x1x320000xi32, #tpu.memory_space<hbm>> -> memref<320000xi32, #tpu.memory_space<hbm>>
    %dma_start3A_469 = tpu.memref_slice %dma_start3A_468[%add3A_449] : memref<320000xi32, #tpu.memory_space<hbm>> -> memref<80xi32, #tpu.memory_space<hbm>>
    tpu.enqueue_dma source(%dma_start3A_469 : memref<80xi32, #tpu.memory_space<hbm>>) target(%arg16 : memref<80xi32, #tpu.memory_space<vmem>>) target_semaphore(%arg36 : memref<!tpu.dma_semaphore, #tpu.memory_space<semaphore_mem>>)
    %add3A_470 = arith.constant 0 : i32
    %add3A_471 = arith.addi %mul3A_403, %add3A_470 : i32
    %dma_wait3A_472 = arith.constant 0 : i32
    %dma_wait3A_473 = arith.constant 0 : i32
    %dma_wait3A_474 = arith.constant 0 : i32
    %dma_wait3A_475 = tpu.memref_slice %arg3[%dma_wait3A_472, %dma_wait3A_473, %dma_wait3A_474] : memref<2x1x320000xi32, #tpu.memory_space<hbm>> -> memref<1x1x320000xi32, #tpu.memory_space<hbm>>
    %dma_wait3A_476 = tpu.memref_squeeze %dma_wait3A_475 : memref<1x1x320000xi32, #tpu.memory_space<hbm>> -> memref<320000xi32, #tpu.memory_space<hbm>>
    %dma_wait3A_477 = tpu.memref_slice %dma_wait3A_476[%add3A_471] : memref<320000xi32, #tpu.memory_space<hbm>> -> memref<80xi32, #tpu.memory_space<hbm>>
    %dma_wait3A_478 = arith.constant 0 : i32
    %dma_wait3A_479 = tpu.memref_slice %arg3[%dma_wait3A_472, %dma_wait3A_473, %dma_wait3A_478] : memref<2x1x320000xi32, #tpu.memory_space<hbm>> -> memref<1x1x320000xi32, #tpu.memory_space<hbm>>
    %dma_wait3A_480 = tpu.memref_squeeze %dma_wait3A_479 : memref<1x1x320000xi32, #tpu.memory_space<hbm>> -> memref<320000xi32, #tpu.memory_space<hbm>>
    %dma_wait3A_481 = tpu.memref_slice %dma_wait3A_480[%add3A_471] : memref<320000xi32, #tpu.memory_space<hbm>> -> memref<80xi32, #tpu.memory_space<hbm>>
    tpu.wait_dma2 semaphore(%arg34 : memref<!tpu.dma_semaphore, #tpu.memory_space<semaphore_mem>>) src(%dma_wait3A_481 : memref<80xi32, #tpu.memory_space<hbm>>) dst(%arg8 : memref<80xi32, #tpu.memory_space<vmem>>)
    %dma_wait3A_482 = arith.constant 1 : i32
    %dma_wait3A_483 = arith.constant 0 : i32
    %dma_wait3A_484 = arith.constant 0 : i32
    %dma_wait3A_485 = tpu.memref_slice %arg3[%dma_wait3A_482, %dma_wait3A_483, %dma_wait3A_484] : memref<2x1x320000xi32, #tpu.memory_space<hbm>> -> memref<1x1x320000xi32, #tpu.memory_space<hbm>>
    %dma_wait3A_486 = tpu.memref_squeeze %dma_wait3A_485 : memref<1x1x320000xi32, #tpu.memory_space<hbm>> -> memref<320000xi32, #tpu.memory_space<hbm>>
    %dma_wait3A_487 = tpu.memref_slice %dma_wait3A_486[%add3A_471] : memref<320000xi32, #tpu.memory_space<hbm>> -> memref<80xi32, #tpu.memory_space<hbm>>
    %dma_wait3A_488 = arith.constant 0 : i32
    %dma_wait3A_489 = tpu.memref_slice %arg3[%dma_wait3A_482, %dma_wait3A_483, %dma_wait3A_488] : memref<2x1x320000xi32, #tpu.memory_space<hbm>> -> memref<1x1x320000xi32, #tpu.memory_space<hbm>>
    %dma_wait3A_490 = tpu.memref_squeeze %dma_wait3A_489 : memref<1x1x320000xi32, #tpu.memory_space<hbm>> -> memref<320000xi32, #tpu.memory_space<hbm>>
    %dma_wait3A_491 = tpu.memref_slice %dma_wait3A_490[%add3A_471] : memref<320000xi32, #tpu.memory_space<hbm>> -> memref<80xi32, #tpu.memory_space<hbm>>
    tpu.wait_dma2 semaphore(%arg34 : memref<!tpu.dma_semaphore, #tpu.memory_space<semaphore_mem>>) src(%dma_wait3A_491 : memref<80xi32, #tpu.memory_space<hbm>>) dst(%arg14 : memref<80xi32, #tpu.memory_space<vmem>>)
    %dma_start3A_492 = arith.constant 0 : i32
    %dma_start3A_493 = arith.constant 0 : i32
    %dma_start3A_494 = tpu.memref_slice %arg2[%dma_start3A_492, %dma_start3A_493] : memref<10000x128xf32, #tpu.memory_space<hbm>> -> memref<10000x128xf32, #tpu.memory_space<hbm>>
    tpu.enqueue_indirect_dma source(%dma_start3A_494 : memref<10000x128xf32, #tpu.memory_space<hbm>>) target(%arg20 : memref<80x128xf32, #tpu.memory_space<vmem>>) offsets(%arg8 : memref<80xi32, #tpu.memory_space<vmem>>) semaphore(%arg26 : memref<!tpu.dma_semaphore, #tpu.memory_space<semaphore_mem>>)
    %add3A_495 = arith.constant 80 : i32
    %add3A_496 = arith.addi %mul3A_403, %add3A_495 : i32
    %dma_wait3A_497 = arith.constant 0 : i32
    %dma_wait3A_498 = arith.constant 0 : i32
    %dma_wait3A_499 = arith.constant 0 : i32
    %dma_wait3A_500 = tpu.memref_slice %arg3[%dma_wait3A_497, %dma_wait3A_498, %dma_wait3A_499] : memref<2x1x320000xi32, #tpu.memory_space<hbm>> -> memref<1x1x320000xi32, #tpu.memory_space<hbm>>
    %dma_wait3A_501 = tpu.memref_squeeze %dma_wait3A_500 : memref<1x1x320000xi32, #tpu.memory_space<hbm>> -> memref<320000xi32, #tpu.memory_space<hbm>>
    %dma_wait3A_502 = tpu.memref_slice %dma_wait3A_501[%add3A_496] : memref<320000xi32, #tpu.memory_space<hbm>> -> memref<80xi32, #tpu.memory_space<hbm>>
    %dma_wait3A_503 = arith.constant 0 : i32
    %dma_wait3A_504 = tpu.memref_slice %arg3[%dma_wait3A_497, %dma_wait3A_498, %dma_wait3A_503] : memref<2x1x320000xi32, #tpu.memory_space<hbm>> -> memref<1x1x320000xi32, #tpu.memory_space<hbm>>
    %dma_wait3A_505 = tpu.memref_squeeze %dma_wait3A_504 : memref<1x1x320000xi32, #tpu.memory_space<hbm>> -> memref<320000xi32, #tpu.memory_space<hbm>>
    %dma_wait3A_506 = tpu.memref_slice %dma_wait3A_505[%add3A_496] : memref<320000xi32, #tpu.memory_space<hbm>> -> memref<80xi32, #tpu.memory_space<hbm>>
    tpu.wait_dma2 semaphore(%arg35 : memref<!tpu.dma_semaphore, #tpu.memory_space<semaphore_mem>>) src(%dma_wait3A_506 : memref<80xi32, #tpu.memory_space<hbm>>) dst(%arg9 : memref<80xi32, #tpu.memory_space<vmem>>)
    %dma_wait3A_507 = arith.constant 1 : i32
    %dma_wait3A_508 = arith.constant 0 : i32
    %dma_wait3A_509 = arith.constant 0 : i32
    %dma_wait3A_510 = tpu.memref_slice %arg3[%dma_wait3A_507, %dma_wait3A_508, %dma_wait3A_509] : memref<2x1x320000xi32, #tpu.memory_space<hbm>> -> memref<1x1x320000xi32, #tpu.memory_space<hbm>>
    %dma_wait3A_511 = tpu.memref_squeeze %dma_wait3A_510 : memref<1x1x320000xi32, #tpu.memory_space<hbm>> -> memref<320000xi32, #tpu.memory_space<hbm>>
    %dma_wait3A_512 = tpu.memref_slice %dma_wait3A_511[%add3A_496] : memref<320000xi32, #tpu.memory_space<hbm>> -> memref<80xi32, #tpu.memory_space<hbm>>
    %dma_wait3A_513 = arith.constant 0 : i32
    %dma_wait3A_514 = tpu.memref_slice %arg3[%dma_wait3A_507, %dma_wait3A_508, %dma_wait3A_513] : memref<2x1x320000xi32, #tpu.memory_space<hbm>> -> memref<1x1x320000xi32, #tpu.memory_space<hbm>>
    %dma_wait3A_515 = tpu.memref_squeeze %dma_wait3A_514 : memref<1x1x320000xi32, #tpu.memory_space<hbm>> -> memref<320000xi32, #tpu.memory_space<hbm>>
    %dma_wait3A_516 = tpu.memref_slice %dma_wait3A_515[%add3A_496] : memref<320000xi32, #tpu.memory_space<hbm>> -> memref<80xi32, #tpu.memory_space<hbm>>
    tpu.wait_dma2 semaphore(%arg35 : memref<!tpu.dma_semaphore, #tpu.memory_space<semaphore_mem>>) src(%dma_wait3A_516 : memref<80xi32, #tpu.memory_space<hbm>>) dst(%arg15 : memref<80xi32, #tpu.memory_space<vmem>>)
    %dma_start3A_517 = arith.constant 0 : i32
    %dma_start3A_518 = arith.constant 0 : i32
    %dma_start3A_519 = tpu.memref_slice %arg2[%dma_start3A_517, %dma_start3A_518] : memref<10000x128xf32, #tpu.memory_space<hbm>> -> memref<10000x128xf32, #tpu.memory_space<hbm>>
    tpu.enqueue_indirect_dma source(%dma_start3A_519 : memref<10000x128xf32, #tpu.memory_space<hbm>>) target(%arg21 : memref<80x128xf32, #tpu.memory_space<vmem>>) offsets(%arg9 : memref<80xi32, #tpu.memory_space<vmem>>) semaphore(%arg27 : memref<!tpu.dma_semaphore, #tpu.memory_space<semaphore_mem>>)
    %scan3A_520 = arith.constant 0 : i32
    %scan3A_521 = arith.constant 0 : i32
    %scan3A_522 = arith.constant 0 : i32
    %scan3A_523 = arith.constant 1 : i32
    %scan3A_524 = arith.constant 0 : i32
    %scan3A_525 = arith.constant 0 : i32
    %scan3A_526 = arith.constant 10 : i32
    %scan3A_527 = arith.addi %scan3A_525, %scan3A_526 : i32
    %scan3A_528 = arith.constant 1 : i32
    scf.for %scan3A_733 = %scan3A_525 to %scan3A_527 step %scan3A_528  : i32 {
      %mul3A_734 = arith.constant 12 : i32
      %mul3A_735 = arith.muli %mul3A_734, %scan3A_733 : i32
      %add3A_736 = arith.constant 0 : i32
      %add3A_737 = arith.addi %mul3A_735, %add3A_736 : i32
      %dma_wait3A_738 = arith.constant 0 : i32
      %dma_wait3A_739 = arith.constant 0 : i32
      %dma_wait3A_740 = tpu.memref_slice %arg2[%dma_wait3A_738, %dma_wait3A_739] : memref<10000x128xf32, #tpu.memory_space<hbm>> -> memref<10000x128xf32, #tpu.memory_space<hbm>>
      tpu.wait_indirect_dma semaphore(%arg26 : memref<!tpu.dma_semaphore, #tpu.memory_space<semaphore_mem>>) src(%dma_wait3A_740 : memref<10000x128xf32, #tpu.memory_space<hbm>>) dst(%arg20 : memref<80x128xf32, #tpu.memory_space<vmem>>)
      %ge3A = arith.constant 2 : i32
      %ge3A_741 = arith.cmpi sge, %add3A_737, %ge3A : i32
      %convert_element_type3A = arith.extui %ge3A_741 : i1 to i32
      %cond3A = arith.constant 0 : i32
      %cond3A_742 = arith.cmpi ne, %convert_element_type3A, %cond3A : i32
      scf.if %cond3A_742 {
        %dma_wait3A_1102 = arith.constant 0 : i32
        %dma_wait3A_1103 = arith.constant 0 : i32
        %dma_wait3A_1104 = tpu.memref_slice %arg6[%dma_wait3A_1102, %dma_wait3A_1103] : memref<10240x128xf32, #tpu.memory_space<vmem_shared>> -> memref<10240x128xf32, #tpu.memory_space<vmem_shared>>
        tpu.wait_indirect_dma semaphore(%arg32 : memref<!tpu.dma_semaphore, #tpu.memory_space<semaphore_mem>>) src(%arg22 : memref<80x128xf32, #tpu.memory_space<vmem>>) dst(%dma_wait3A_1104 : memref<10240x128xf32, #tpu.memory_space<vmem_shared>>)
        %dma_wait3A_1105 = arith.constant 0 : i32
        %dma_wait3A_1106 = tpu.memref_slice %arg7[%dma_wait3A_1105] : memref<10240xf32, #tpu.memory_space<vmem_shared>> -> memref<10240xf32, #tpu.memory_space<vmem_shared>>
        tpu.wait_indirect_dma semaphore(%arg32 : memref<!tpu.dma_semaphore, #tpu.memory_space<semaphore_mem>>) src(%arg24 : memref<80xf32, #tpu.memory_space<vmem>>) dst(%dma_wait3A_1106 : memref<10240xf32, #tpu.memory_space<vmem_shared>>)
      } else {
      }
      %dma_start3A_743 = arith.constant 0 : i32
      %dma_start3A_744 = arith.constant 0 : i32
      %dma_start3A_745 = tpu.memref_slice %arg6[%dma_start3A_743, %dma_start3A_744] : memref<10240x128xf32, #tpu.memory_space<vmem_shared>> -> memref<10240x128xf32, #tpu.memory_space<vmem_shared>>
      tpu.enqueue_indirect_dma source(%arg20 : memref<80x128xf32, #tpu.memory_space<vmem>>) target(%dma_start3A_745 : memref<10240x128xf32, #tpu.memory_space<vmem_shared>>) offsets(%arg14 : memref<80xi32, #tpu.memory_space<vmem>>) semaphore(%arg30 : memref<!tpu.dma_semaphore, #tpu.memory_space<semaphore_mem>>) {add = true}
      %dma_start3A_746 = arith.constant 0 : i32
      %dma_start3A_747 = tpu.memref_slice %arg7[%dma_start3A_746] : memref<10240xf32, #tpu.memory_space<vmem_shared>> -> memref<10240xf32, #tpu.memory_space<vmem_shared>>
      tpu.enqueue_indirect_dma source(%arg24 : memref<80xf32, #tpu.memory_space<vmem>>) target(%dma_start3A_747 : memref<10240xf32, #tpu.memory_space<vmem_shared>>) offsets(%arg14 : memref<80xi32, #tpu.memory_space<vmem>>) semaphore(%arg30 : memref<!tpu.dma_semaphore, #tpu.memory_space<semaphore_mem>>) {add = true}
      %add3A_748 = arith.constant 2 : i32
      %add3A_749 = arith.addi %add3A_737, %add3A_748 : i32
      %lt3A = arith.constant 125 : i32
      %lt3A_750 = arith.cmpi slt, %add3A_749, %lt3A : i32
      %convert_element_type3A_751 = arith.extui %lt3A_750 : i1 to i32
      %cond3A_752 = arith.constant 0 : i32
      %cond3A_753 = arith.cmpi ne, %convert_element_type3A_751, %cond3A_752 : i32
      scf.if %cond3A_753 {
        %add3A_1102 = arith.constant 2 : i32
        %add3A_1103 = arith.addi %add3A_737, %add3A_1102 : i32
        %mul3A_1104 = arith.constant 80 : i32
        %mul3A_1105 = arith.muli %add3A_1103, %mul3A_1104 : i32
        %add3A_1106 = arith.addi %mul3A_403, %mul3A_1105 : i32
        %dma_wait3A_1107 = arith.constant 0 : i32
        %dma_wait3A_1108 = tpu.memref_slice %arg3[%scan3A_521, %scan3A_522, %dma_wait3A_1107] : memref<2x1x320000xi32, #tpu.memory_space<hbm>> -> memref<1x1x320000xi32, #tpu.memory_space<hbm>>
        %dma_wait3A_1109 = tpu.memref_squeeze %dma_wait3A_1108 : memref<1x1x320000xi32, #tpu.memory_space<hbm>> -> memref<320000xi32, #tpu.memory_space<hbm>>
        %dma_wait3A_1110 = tpu.memref_slice %dma_wait3A_1109[%add3A_1106] : memref<320000xi32, #tpu.memory_space<hbm>> -> memref<80xi32, #tpu.memory_space<hbm>>
        %dma_wait3A_1111 = arith.constant 0 : i32
        %dma_wait3A_1112 = tpu.memref_slice %arg3[%scan3A_521, %scan3A_522, %dma_wait3A_1111] : memref<2x1x320000xi32, #tpu.memory_space<hbm>> -> memref<1x1x320000xi32, #tpu.memory_space<hbm>>
        %dma_wait3A_1113 = tpu.memref_squeeze %dma_wait3A_1112 : memref<1x1x320000xi32, #tpu.memory_space<hbm>> -> memref<320000xi32, #tpu.memory_space<hbm>>
        %dma_wait3A_1114 = tpu.memref_slice %dma_wait3A_1113[%add3A_1106] : memref<320000xi32, #tpu.memory_space<hbm>> -> memref<80xi32, #tpu.memory_space<hbm>>
        tpu.wait_dma2 semaphore(%arg36 : memref<!tpu.dma_semaphore, #tpu.memory_space<semaphore_mem>>) src(%dma_wait3A_1114 : memref<80xi32, #tpu.memory_space<hbm>>) dst(%arg10 : memref<80xi32, #tpu.memory_space<vmem>>)
        %dma_wait3A_1115 = arith.constant 0 : i32
        %dma_wait3A_1116 = tpu.memref_slice %arg3[%scan3A_523, %scan3A_524, %dma_wait3A_1115] : memref<2x1x320000xi32, #tpu.memory_space<hbm>> -> memref<1x1x320000xi32, #tpu.memory_space<hbm>>
        %dma_wait3A_1117 = tpu.memref_squeeze %dma_wait3A_1116 : memref<1x1x320000xi32, #tpu.memory_space<hbm>> -> memref<320000xi32, #tpu.memory_space<hbm>>
        %dma_wait3A_1118 = tpu.memref_slice %dma_wait3A_1117[%add3A_1106] : memref<320000xi32, #tpu.memory_space<hbm>> -> memref<80xi32, #tpu.memory_space<hbm>>
        %dma_wait3A_1119 = arith.constant 0 : i32
        %dma_wait3A_1120 = tpu.memref_slice %arg3[%scan3A_523, %scan3A_524, %dma_wait3A_1119] : memref<2x1x320000xi32, #tpu.memory_space<hbm>> -> memref<1x1x320000xi32, #tpu.memory_space<hbm>>
        %dma_wait3A_1121 = tpu.memref_squeeze %dma_wait3A_1120 : memref<1x1x320000xi32, #tpu.memory_space<hbm>> -> memref<320000xi32, #tpu.memory_space<hbm>>
        %dma_wait3A_1122 = tpu.memref_slice %dma_wait3A_1121[%add3A_1106] : memref<320000xi32, #tpu.memory_space<hbm>> -> memref<80xi32, #tpu.memory_space<hbm>>
        tpu.wait_dma2 semaphore(%arg36 : memref<!tpu.dma_semaphore, #tpu.memory_space<semaphore_mem>>) src(%dma_wait3A_1122 : memref<80xi32, #tpu.memory_space<hbm>>) dst(%arg16 : memref<80xi32, #tpu.memory_space<vmem>>)
        %dma_start3A_1123 = arith.constant 0 : i32
        %dma_start3A_1124 = arith.constant 0 : i32
        %dma_start3A_1125 = tpu.memref_slice %arg2[%dma_start3A_1123, %dma_start3A_1124] : memref<10000x128xf32, #tpu.memory_space<hbm>> -> memref<10000x128xf32, #tpu.memory_space<hbm>>
        tpu.enqueue_indirect_dma source(%dma_start3A_1125 : memref<10000x128xf32, #tpu.memory_space<hbm>>) target(%arg22 : memref<80x128xf32, #tpu.memory_space<vmem>>) offsets(%arg10 : memref<80xi32, #tpu.memory_space<vmem>>) semaphore(%arg28 : memref<!tpu.dma_semaphore, #tpu.memory_space<semaphore_mem>>)
      } else {
      }
      %add3A_754 = arith.constant 3 : i32
      %add3A_755 = arith.addi %add3A_737, %add3A_754 : i32
      %lt3A_756 = arith.constant 125 : i32
      %lt3A_757 = arith.cmpi slt, %add3A_755, %lt3A_756 : i32
      %convert_element_type3A_758 = arith.extui %lt3A_757 : i1 to i32
      %cond3A_759 = arith.constant 0 : i32
      %cond3A_760 = arith.cmpi ne, %convert_element_type3A_758, %cond3A_759 : i32
      scf.if %cond3A_760 {
        %add3A_1102 = arith.constant 3 : i32
        %add3A_1103 = arith.addi %add3A_737, %add3A_1102 : i32
        %mul3A_1104 = arith.constant 80 : i32
        %mul3A_1105 = arith.muli %add3A_1103, %mul3A_1104 : i32
        %add3A_1106 = arith.addi %mul3A_403, %mul3A_1105 : i32
        %dma_start3A_1107 = arith.constant 0 : i32
        %dma_start3A_1108 = tpu.memref_slice %arg3[%scan3A_521, %scan3A_522, %dma_start3A_1107] : memref<2x1x320000xi32, #tpu.memory_space<hbm>> -> memref<1x1x320000xi32, #tpu.memory_space<hbm>>
        %dma_start3A_1109 = tpu.memref_squeeze %dma_start3A_1108 : memref<1x1x320000xi32, #tpu.memory_space<hbm>> -> memref<320000xi32, #tpu.memory_space<hbm>>
        %dma_start3A_1110 = tpu.memref_slice %dma_start3A_1109[%add3A_1106] : memref<320000xi32, #tpu.memory_space<hbm>> -> memref<80xi32, #tpu.memory_space<hbm>>
        %dma_start3A_1111 = arith.constant 0 : i32
        %dma_start3A_1112 = tpu.memref_slice %arg3[%scan3A_521, %scan3A_522, %dma_start3A_1111] : memref<2x1x320000xi32, #tpu.memory_space<hbm>> -> memref<1x1x320000xi32, #tpu.memory_space<hbm>>
        %dma_start3A_1113 = tpu.memref_squeeze %dma_start3A_1112 : memref<1x1x320000xi32, #tpu.memory_space<hbm>> -> memref<320000xi32, #tpu.memory_space<hbm>>
        %dma_start3A_1114 = tpu.memref_slice %dma_start3A_1113[%add3A_1106] : memref<320000xi32, #tpu.memory_space<hbm>> -> memref<80xi32, #tpu.memory_space<hbm>>
        tpu.enqueue_dma source(%dma_start3A_1114 : memref<80xi32, #tpu.memory_space<hbm>>) target(%arg11 : memref<80xi32, #tpu.memory_space<vmem>>) target_semaphore(%arg37 : memref<!tpu.dma_semaphore, #tpu.memory_space<semaphore_mem>>)
        %dma_start3A_1115 = arith.constant 0 : i32
        %dma_start3A_1116 = tpu.memref_slice %arg3[%scan3A_523, %scan3A_524, %dma_start3A_1115] : memref<2x1x320000xi32, #tpu.memory_space<hbm>> -> memref<1x1x320000xi32, #tpu.memory_space<hbm>>
        %dma_start3A_1117 = tpu.memref_squeeze %dma_start3A_1116 : memref<1x1x320000xi32, #tpu.memory_space<hbm>> -> memref<320000xi32, #tpu.memory_space<hbm>>
        %dma_start3A_1118 = tpu.memref_slice %dma_start3A_1117[%add3A_1106] : memref<320000xi32, #tpu.memory_space<hbm>> -> memref<80xi32, #tpu.memory_space<hbm>>
        %dma_start3A_1119 = arith.constant 0 : i32
        %dma_start3A_1120 = tpu.memref_slice %arg3[%scan3A_523, %scan3A_524, %dma_start3A_1119] : memref<2x1x320000xi32, #tpu.memory_space<hbm>> -> memref<1x1x320000xi32, #tpu.memory_space<hbm>>
        %dma_start3A_1121 = tpu.memref_squeeze %dma_start3A_1120 : memref<1x1x320000xi32, #tpu.memory_space<hbm>> -> memref<320000xi32, #tpu.memory_space<hbm>>
        %dma_start3A_1122 = tpu.memref_slice %dma_start3A_1121[%add3A_1106] : memref<320000xi32, #tpu.memory_space<hbm>> -> memref<80xi32, #tpu.memory_space<hbm>>
        tpu.enqueue_dma source(%dma_start3A_1122 : memref<80xi32, #tpu.memory_space<hbm>>) target(%arg17 : memref<80xi32, #tpu.memory_space<vmem>>) target_semaphore(%arg37 : memref<!tpu.dma_semaphore, #tpu.memory_space<semaphore_mem>>)
      } else {
      }
      %mul3A_761 = arith.constant 12 : i32
      %mul3A_762 = arith.muli %mul3A_761, %scan3A_733 : i32
      %add3A_763 = arith.constant 1 : i32
      %add3A_764 = arith.addi %mul3A_762, %add3A_763 : i32
      %dma_wait3A_765 = arith.constant 0 : i32
      %dma_wait3A_766 = arith.constant 0 : i32
      %dma_wait3A_767 = tpu.memref_slice %arg2[%dma_wait3A_765, %dma_wait3A_766] : memref<10000x128xf32, #tpu.memory_space<hbm>> -> memref<10000x128xf32, #tpu.memory_space<hbm>>
      tpu.wait_indirect_dma semaphore(%arg27 : memref<!tpu.dma_semaphore, #tpu.memory_space<semaphore_mem>>) src(%dma_wait3A_767 : memref<10000x128xf32, #tpu.memory_space<hbm>>) dst(%arg21 : memref<80x128xf32, #tpu.memory_space<vmem>>)
      %ge3A_768 = arith.constant 2 : i32
      %ge3A_769 = arith.cmpi sge, %add3A_764, %ge3A_768 : i32
      %convert_element_type3A_770 = arith.extui %ge3A_769 : i1 to i32
      %cond3A_771 = arith.constant 0 : i32
      %cond3A_772 = arith.cmpi ne, %convert_element_type3A_770, %cond3A_771 : i32
      scf.if %cond3A_772 {
        %dma_wait3A_1102 = arith.constant 0 : i32
        %dma_wait3A_1103 = arith.constant 0 : i32
        %dma_wait3A_1104 = tpu.memref_slice %arg6[%dma_wait3A_1102, %dma_wait3A_1103] : memref<10240x128xf32, #tpu.memory_space<vmem_shared>> -> memref<10240x128xf32, #tpu.memory_space<vmem_shared>>
        tpu.wait_indirect_dma semaphore(%arg33 : memref<!tpu.dma_semaphore, #tpu.memory_space<semaphore_mem>>) src(%arg23 : memref<80x128xf32, #tpu.memory_space<vmem>>) dst(%dma_wait3A_1104 : memref<10240x128xf32, #tpu.memory_space<vmem_shared>>)
        %dma_wait3A_1105 = arith.constant 0 : i32
        %dma_wait3A_1106 = tpu.memref_slice %arg7[%dma_wait3A_1105] : memref<10240xf32, #tpu.memory_space<vmem_shared>> -> memref<10240xf32, #tpu.memory_space<vmem_shared>>
        tpu.wait_indirect_dma semaphore(%arg33 : memref<!tpu.dma_semaphore, #tpu.memory_space<semaphore_mem>>) src(%arg24 : memref<80xf32, #tpu.memory_space<vmem>>) dst(%dma_wait3A_1106 : memref<10240xf32, #tpu.memory_space<vmem_shared>>)
      } else {
      }
      %dma_start3A_773 = arith.constant 0 : i32
      %dma_start3A_774 = arith.constant 0 : i32
      %dma_start3A_775 = tpu.memref_slice %arg6[%dma_start3A_773, %dma_start3A_774] : memref<10240x128xf32, #tpu.memory_space<vmem_shared>> -> memref<10240x128xf32, #tpu.memory_space<vmem_shared>>
      tpu.enqueue_indirect_dma source(%arg21 : memref<80x128xf32, #tpu.memory_space<vmem>>) target(%dma_start3A_775 : memref<10240x128xf32, #tpu.memory_space<vmem_shared>>) offsets(%arg15 : memref<80xi32, #tpu.memory_space<vmem>>) semaphore(%arg31 : memref<!tpu.dma_semaphore, #tpu.memory_space<semaphore_mem>>) {add = true}
      %dma_start3A_776 = arith.constant 0 : i32
      %dma_start3A_777 = tpu.memref_slice %arg7[%dma_start3A_776] : memref<10240xf32, #tpu.memory_space<vmem_shared>> -> memref<10240xf32, #tpu.memory_space<vmem_shared>>
      tpu.enqueue_indirect_dma source(%arg24 : memref<80xf32, #tpu.memory_space<vmem>>) target(%dma_start3A_777 : memref<10240xf32, #tpu.memory_space<vmem_shared>>) offsets(%arg15 : memref<80xi32, #tpu.memory_space<vmem>>) semaphore(%arg31 : memref<!tpu.dma_semaphore, #tpu.memory_space<semaphore_mem>>) {add = true}
      %add3A_778 = arith.constant 2 : i32
      %add3A_779 = arith.addi %add3A_764, %add3A_778 : i32
      %lt3A_780 = arith.constant 125 : i32
      %lt3A_781 = arith.cmpi slt, %add3A_779, %lt3A_780 : i32
      %convert_element_type3A_782 = arith.extui %lt3A_781 : i1 to i32
      %cond3A_783 = arith.constant 0 : i32
      %cond3A_784 = arith.cmpi ne, %convert_element_type3A_782, %cond3A_783 : i32
      scf.if %cond3A_784 {
        %add3A_1102 = arith.constant 2 : i32
        %add3A_1103 = arith.addi %add3A_764, %add3A_1102 : i32
        %mul3A_1104 = arith.constant 80 : i32
        %mul3A_1105 = arith.muli %add3A_1103, %mul3A_1104 : i32
        %add3A_1106 = arith.addi %mul3A_403, %mul3A_1105 : i32
        %dma_wait3A_1107 = arith.constant 0 : i32
        %dma_wait3A_1108 = tpu.memref_slice %arg3[%scan3A_521, %scan3A_522, %dma_wait3A_1107] : memref<2x1x320000xi32, #tpu.memory_space<hbm>> -> memref<1x1x320000xi32, #tpu.memory_space<hbm>>
        %dma_wait3A_1109 = tpu.memref_squeeze %dma_wait3A_1108 : memref<1x1x320000xi32, #tpu.memory_space<hbm>> -> memref<320000xi32, #tpu.memory_space<hbm>>
        %dma_wait3A_1110 = tpu.memref_slice %dma_wait3A_1109[%add3A_1106] : memref<320000xi32, #tpu.memory_space<hbm>> -> memref<80xi32, #tpu.memory_space<hbm>>
        %dma_wait3A_1111 = arith.constant 0 : i32
        %dma_wait3A_1112 = tpu.memref_slice %arg3[%scan3A_521, %scan3A_522, %dma_wait3A_1111] : memref<2x1x320000xi32, #tpu.memory_space<hbm>> -> memref<1x1x320000xi32, #tpu.memory_space<hbm>>
        %dma_wait3A_1113 = tpu.memref_squeeze %dma_wait3A_1112 : memref<1x1x320000xi32, #tpu.memory_space<hbm>> -> memref<320000xi32, #tpu.memory_space<hbm>>
        %dma_wait3A_1114 = tpu.memref_slice %dma_wait3A_1113[%add3A_1106] : memref<320000xi32, #tpu.memory_space<hbm>> -> memref<80xi32, #tpu.memory_space<hbm>>
        tpu.wait_dma2 semaphore(%arg37 : memref<!tpu.dma_semaphore, #tpu.memory_space<semaphore_mem>>) src(%dma_wait3A_1114 : memref<80xi32, #tpu.memory_space<hbm>>) dst(%arg11 : memref<80xi32, #tpu.memory_space<vmem>>)
        %dma_wait3A_1115 = arith.constant 0 : i32
        %dma_wait3A_1116 = tpu.memref_slice %arg3[%scan3A_523, %scan3A_524, %dma_wait3A_1115] : memref<2x1x320000xi32, #tpu.memory_space<hbm>> -> memref<1x1x320000xi32, #tpu.memory_space<hbm>>
        %dma_wait3A_1117 = tpu.memref_squeeze %dma_wait3A_1116 : memref<1x1x320000xi32, #tpu.memory_space<hbm>> -> memref<320000xi32, #tpu.memory_space<hbm>>
        %dma_wait3A_1118 = tpu.memref_slice %dma_wait3A_1117[%add3A_1106] : memref<320000xi32, #tpu.memory_space<hbm>> -> memref<80xi32, #tpu.memory_space<hbm>>
        %dma_wait3A_1119 = arith.constant 0 : i32
        %dma_wait3A_1120 = tpu.memref_slice %arg3[%scan3A_523, %scan3A_524, %dma_wait3A_1119] : memref<2x1x320000xi32, #tpu.memory_space<hbm>> -> memref<1x1x320000xi32, #tpu.memory_space<hbm>>
        %dma_wait3A_1121 = tpu.memref_squeeze %dma_wait3A_1120 : memref<1x1x320000xi32, #tpu.memory_space<hbm>> -> memref<320000xi32, #tpu.memory_space<hbm>>
        %dma_wait3A_1122 = tpu.memref_slice %dma_wait3A_1121[%add3A_1106] : memref<320000xi32, #tpu.memory_space<hbm>> -> memref<80xi32, #tpu.memory_space<hbm>>
        tpu.wait_dma2 semaphore(%arg37 : memref<!tpu.dma_semaphore, #tpu.memory_space<semaphore_mem>>) src(%dma_wait3A_1122 : memref<80xi32, #tpu.memory_space<hbm>>) dst(%arg17 : memref<80xi32, #tpu.memory_space<vmem>>)
        %dma_start3A_1123 = arith.constant 0 : i32
        %dma_start3A_1124 = arith.constant 0 : i32
        %dma_start3A_1125 = tpu.memref_slice %arg2[%dma_start3A_1123, %dma_start3A_1124] : memref<10000x128xf32, #tpu.memory_space<hbm>> -> memref<10000x128xf32, #tpu.memory_space<hbm>>
        tpu.enqueue_indirect_dma source(%dma_start3A_1125 : memref<10000x128xf32, #tpu.memory_space<hbm>>) target(%arg23 : memref<80x128xf32, #tpu.memory_space<vmem>>) offsets(%arg11 : memref<80xi32, #tpu.memory_space<vmem>>) semaphore(%arg29 : memref<!tpu.dma_semaphore, #tpu.memory_space<semaphore_mem>>)
      } else {
      }
      %add3A_785 = arith.constant 3 : i32
      %add3A_786 = arith.addi %add3A_764, %add3A_785 : i32
      %lt3A_787 = arith.constant 125 : i32
      %lt3A_788 = arith.cmpi slt, %add3A_786, %lt3A_787 : i32
      %convert_element_type3A_789 = arith.extui %lt3A_788 : i1 to i32
      %cond3A_790 = arith.constant 0 : i32
      %cond3A_791 = arith.cmpi ne, %convert_element_type3A_789, %cond3A_790 : i32
      scf.if %cond3A_791 {
        %add3A_1102 = arith.constant 3 : i32
        %add3A_1103 = arith.addi %add3A_764, %add3A_1102 : i32
        %mul3A_1104 = arith.constant 80 : i32
        %mul3A_1105 = arith.muli %add3A_1103, %mul3A_1104 : i32
        %add3A_1106 = arith.addi %mul3A_403, %mul3A_1105 : i32
        %dma_start3A_1107 = arith.constant 0 : i32
        %dma_start3A_1108 = tpu.memref_slice %arg3[%scan3A_521, %scan3A_522, %dma_start3A_1107] : memref<2x1x320000xi32, #tpu.memory_space<hbm>> -> memref<1x1x320000xi32, #tpu.memory_space<hbm>>
        %dma_start3A_1109 = tpu.memref_squeeze %dma_start3A_1108 : memref<1x1x320000xi32, #tpu.memory_space<hbm>> -> memref<320000xi32, #tpu.memory_space<hbm>>
        %dma_start3A_1110 = tpu.memref_slice %dma_start3A_1109[%add3A_1106] : memref<320000xi32, #tpu.memory_space<hbm>> -> memref<80xi32, #tpu.memory_space<hbm>>
        %dma_start3A_1111 = arith.constant 0 : i32
        %dma_start3A_1112 = tpu.memref_slice %arg3[%scan3A_521, %scan3A_522, %dma_start3A_1111] : memref<2x1x320000xi32, #tpu.memory_space<hbm>> -> memref<1x1x320000xi32, #tpu.memory_space<hbm>>
        %dma_start3A_1113 = tpu.memref_squeeze %dma_start3A_1112 : memref<1x1x320000xi32, #tpu.memory_space<hbm>> -> memref<320000xi32, #tpu.memory_space<hbm>>
        %dma_start3A_1114 = tpu.memref_slice %dma_start3A_1113[%add3A_1106] : memref<320000xi32, #tpu.memory_space<hbm>> -> memref<80xi32, #tpu.memory_space<hbm>>
        tpu.enqueue_dma source(%dma_start3A_1114 : memref<80xi32, #tpu.memory_space<hbm>>) target(%arg12 : memref<80xi32, #tpu.memory_space<vmem>>) target_semaphore(%arg38 : memref<!tpu.dma_semaphore, #tpu.memory_space<semaphore_mem>>)
        %dma_start3A_1115 = arith.constant 0 : i32
        %dma_start3A_1116 = tpu.memref_slice %arg3[%scan3A_523, %scan3A_524, %dma_start3A_1115] : memref<2x1x320000xi32, #tpu.memory_space<hbm>> -> memref<1x1x320000xi32, #tpu.memory_space<hbm>>
        %dma_start3A_1117 = tpu.memref_squeeze %dma_start3A_1116 : memref<1x1x320000xi32, #tpu.memory_space<hbm>> -> memref<320000xi32, #tpu.memory_space<hbm>>
        %dma_start3A_1118 = tpu.memref_slice %dma_start3A_1117[%add3A_1106] : memref<320000xi32, #tpu.memory_space<hbm>> -> memref<80xi32, #tpu.memory_space<hbm>>
        %dma_start3A_1119 = arith.constant 0 : i32
        %dma_start3A_1120 = tpu.memref_slice %arg3[%scan3A_523, %scan3A_524, %dma_start3A_1119] : memref<2x1x320000xi32, #tpu.memory_space<hbm>> -> memref<1x1x320000xi32, #tpu.memory_space<hbm>>
        %dma_start3A_1121 = tpu.memref_squeeze %dma_start3A_1120 : memref<1x1x320000xi32, #tpu.memory_space<hbm>> -> memref<320000xi32, #tpu.memory_space<hbm>>
        %dma_start3A_1122 = tpu.memref_slice %dma_start3A_1121[%add3A_1106] : memref<320000xi32, #tpu.memory_space<hbm>> -> memref<80xi32, #tpu.memory_space<hbm>>
        tpu.enqueue_dma source(%dma_start3A_1122 : memref<80xi32, #tpu.memory_space<hbm>>) target(%arg18 : memref<80xi32, #tpu.memory_space<vmem>>) target_semaphore(%arg38 : memref<!tpu.dma_semaphore, #tpu.memory_space<semaphore_mem>>)
      } else {
      }
      %mul3A_792 = arith.constant 12 : i32
      %mul3A_793 = arith.muli %mul3A_792, %scan3A_733 : i32
      %add3A_794 = arith.constant 2 : i32
      %add3A_795 = arith.addi %mul3A_793, %add3A_794 : i32
      %dma_wait3A_796 = arith.constant 0 : i32
      %dma_wait3A_797 = arith.constant 0 : i32
      %dma_wait3A_798 = tpu.memref_slice %arg2[%dma_wait3A_796, %dma_wait3A_797] : memref<10000x128xf32, #tpu.memory_space<hbm>> -> memref<10000x128xf32, #tpu.memory_space<hbm>>
      tpu.wait_indirect_dma semaphore(%arg28 : memref<!tpu.dma_semaphore, #tpu.memory_space<semaphore_mem>>) src(%dma_wait3A_798 : memref<10000x128xf32, #tpu.memory_space<hbm>>) dst(%arg22 : memref<80x128xf32, #tpu.memory_space<vmem>>)
      %ge3A_799 = arith.constant 2 : i32
      %ge3A_800 = arith.cmpi sge, %add3A_795, %ge3A_799 : i32
      %convert_element_type3A_801 = arith.extui %ge3A_800 : i1 to i32
      %cond3A_802 = arith.constant 0 : i32
      %cond3A_803 = arith.cmpi ne, %convert_element_type3A_801, %cond3A_802 : i32
      scf.if %cond3A_803 {
        %dma_wait3A_1102 = arith.constant 0 : i32
        %dma_wait3A_1103 = arith.constant 0 : i32
        %dma_wait3A_1104 = tpu.memref_slice %arg6[%dma_wait3A_1102, %dma_wait3A_1103] : memref<10240x128xf32, #tpu.memory_space<vmem_shared>> -> memref<10240x128xf32, #tpu.memory_space<vmem_shared>>
        tpu.wait_indirect_dma semaphore(%arg30 : memref<!tpu.dma_semaphore, #tpu.memory_space<semaphore_mem>>) src(%arg20 : memref<80x128xf32, #tpu.memory_space<vmem>>) dst(%dma_wait3A_1104 : memref<10240x128xf32, #tpu.memory_space<vmem_shared>>)
        %dma_wait3A_1105 = arith.constant 0 : i32
        %dma_wait3A_1106 = tpu.memref_slice %arg7[%dma_wait3A_1105] : memref<10240xf32, #tpu.memory_space<vmem_shared>> -> memref<10240xf32, #tpu.memory_space<vmem_shared>>
        tpu.wait_indirect_dma semaphore(%arg30 : memref<!tpu.dma_semaphore, #tpu.memory_space<semaphore_mem>>) src(%arg24 : memref<80xf32, #tpu.memory_space<vmem>>) dst(%dma_wait3A_1106 : memref<10240xf32, #tpu.memory_space<vmem_shared>>)
      } else {
      }
      %dma_start3A_804 = arith.constant 0 : i32
      %dma_start3A_805 = arith.constant 0 : i32
      %dma_start3A_806 = tpu.memref_slice %arg6[%dma_start3A_804, %dma_start3A_805] : memref<10240x128xf32, #tpu.memory_space<vmem_shared>> -> memref<10240x128xf32, #tpu.memory_space<vmem_shared>>
      tpu.enqueue_indirect_dma source(%arg22 : memref<80x128xf32, #tpu.memory_space<vmem>>) target(%dma_start3A_806 : memref<10240x128xf32, #tpu.memory_space<vmem_shared>>) offsets(%arg16 : memref<80xi32, #tpu.memory_space<vmem>>) semaphore(%arg32 : memref<!tpu.dma_semaphore, #tpu.memory_space<semaphore_mem>>) {add = true}
      %dma_start3A_807 = arith.constant 0 : i32
      %dma_start3A_808 = tpu.memref_slice %arg7[%dma_start3A_807] : memref<10240xf32, #tpu.memory_space<vmem_shared>> -> memref<10240xf32, #tpu.memory_space<vmem_shared>>
      tpu.enqueue_indirect_dma source(%arg24 : memref<80xf32, #tpu.memory_space<vmem>>) target(%dma_start3A_808 : memref<10240xf32, #tpu.memory_space<vmem_shared>>) offsets(%arg16 : memref<80xi32, #tpu.memory_space<vmem>>) semaphore(%arg32 : memref<!tpu.dma_semaphore, #tpu.memory_space<semaphore_mem>>) {add = true}
      %add3A_809 = arith.constant 2 : i32
      %add3A_810 = arith.addi %add3A_795, %add3A_809 : i32
      %lt3A_811 = arith.constant 125 : i32
      %lt3A_812 = arith.cmpi slt, %add3A_810, %lt3A_811 : i32
      %convert_element_type3A_813 = arith.extui %lt3A_812 : i1 to i32
      %cond3A_814 = arith.constant 0 : i32
      %cond3A_815 = arith.cmpi ne, %convert_element_type3A_813, %cond3A_814 : i32
      scf.if %cond3A_815 {
        %add3A_1102 = arith.constant 2 : i32
        %add3A_1103 = arith.addi %add3A_795, %add3A_1102 : i32
        %mul3A_1104 = arith.constant 80 : i32
        %mul3A_1105 = arith.muli %add3A_1103, %mul3A_1104 : i32
        %add3A_1106 = arith.addi %mul3A_403, %mul3A_1105 : i32
        %dma_wait3A_1107 = arith.constant 0 : i32
        %dma_wait3A_1108 = tpu.memref_slice %arg3[%scan3A_521, %scan3A_522, %dma_wait3A_1107] : memref<2x1x320000xi32, #tpu.memory_space<hbm>> -> memref<1x1x320000xi32, #tpu.memory_space<hbm>>
        %dma_wait3A_1109 = tpu.memref_squeeze %dma_wait3A_1108 : memref<1x1x320000xi32, #tpu.memory_space<hbm>> -> memref<320000xi32, #tpu.memory_space<hbm>>
        %dma_wait3A_1110 = tpu.memref_slice %dma_wait3A_1109[%add3A_1106] : memref<320000xi32, #tpu.memory_space<hbm>> -> memref<80xi32, #tpu.memory_space<hbm>>
        %dma_wait3A_1111 = arith.constant 0 : i32
        %dma_wait3A_1112 = tpu.memref_slice %arg3[%scan3A_521, %scan3A_522, %dma_wait3A_1111] : memref<2x1x320000xi32, #tpu.memory_space<hbm>> -> memref<1x1x320000xi32, #tpu.memory_space<hbm>>
        %dma_wait3A_1113 = tpu.memref_squeeze %dma_wait3A_1112 : memref<1x1x320000xi32, #tpu.memory_space<hbm>> -> memref<320000xi32, #tpu.memory_space<hbm>>
        %dma_wait3A_1114 = tpu.memref_slice %dma_wait3A_1113[%add3A_1106] : memref<320000xi32, #tpu.memory_space<hbm>> -> memref<80xi32, #tpu.memory_space<hbm>>
        tpu.wait_dma2 semaphore(%arg38 : memref<!tpu.dma_semaphore, #tpu.memory_space<semaphore_mem>>) src(%dma_wait3A_1114 : memref<80xi32, #tpu.memory_space<hbm>>) dst(%arg12 : memref<80xi32, #tpu.memory_space<vmem>>)
        %dma_wait3A_1115 = arith.constant 0 : i32
        %dma_wait3A_1116 = tpu.memref_slice %arg3[%scan3A_523, %scan3A_524, %dma_wait3A_1115] : memref<2x1x320000xi32, #tpu.memory_space<hbm>> -> memref<1x1x320000xi32, #tpu.memory_space<hbm>>
        %dma_wait3A_1117 = tpu.memref_squeeze %dma_wait3A_1116 : memref<1x1x320000xi32, #tpu.memory_space<hbm>> -> memref<320000xi32, #tpu.memory_space<hbm>>
        %dma_wait3A_1118 = tpu.memref_slice %dma_wait3A_1117[%add3A_1106] : memref<320000xi32, #tpu.memory_space<hbm>> -> memref<80xi32, #tpu.memory_space<hbm>>
        %dma_wait3A_1119 = arith.constant 0 : i32
        %dma_wait3A_1120 = tpu.memref_slice %arg3[%scan3A_523, %scan3A_524, %dma_wait3A_1119] : memref<2x1x320000xi32, #tpu.memory_space<hbm>> -> memref<1x1x320000xi32, #tpu.memory_space<hbm>>
        %dma_wait3A_1121 = tpu.memref_squeeze %dma_wait3A_1120 : memref<1x1x320000xi32, #tpu.memory_space<hbm>> -> memref<320000xi32, #tpu.memory_space<hbm>>
        %dma_wait3A_1122 = tpu.memref_slice %dma_wait3A_1121[%add3A_1106] : memref<320000xi32, #tpu.memory_space<hbm>> -> memref<80xi32, #tpu.memory_space<hbm>>
        tpu.wait_dma2 semaphore(%arg38 : memref<!tpu.dma_semaphore, #tpu.memory_space<semaphore_mem>>) src(%dma_wait3A_1122 : memref<80xi32, #tpu.memory_space<hbm>>) dst(%arg18 : memref<80xi32, #tpu.memory_space<vmem>>)
        %dma_start3A_1123 = arith.constant 0 : i32
        %dma_start3A_1124 = arith.constant 0 : i32
        %dma_start3A_1125 = tpu.memref_slice %arg2[%dma_start3A_1123, %dma_start3A_1124] : memref<10000x128xf32, #tpu.memory_space<hbm>> -> memref<10000x128xf32, #tpu.memory_space<hbm>>
        tpu.enqueue_indirect_dma source(%dma_start3A_1125 : memref<10000x128xf32, #tpu.memory_space<hbm>>) target(%arg20 : memref<80x128xf32, #tpu.memory_space<vmem>>) offsets(%arg12 : memref<80xi32, #tpu.memory_space<vmem>>) semaphore(%arg26 : memref<!tpu.dma_semaphore, #tpu.memory_space<semaphore_mem>>)
      } else {
      }
      %add3A_816 = arith.constant 3 : i32
      %add3A_817 = arith.addi %add3A_795, %add3A_816 : i32
      %lt3A_818 = arith.constant 125 : i32
      %lt3A_819 = arith.cmpi slt, %add3A_817, %lt3A_818 : i32
      %convert_element_type3A_820 = arith.extui %lt3A_819 : i1 to i32
      %cond3A_821 = arith.constant 0 : i32
      %cond3A_822 = arith.cmpi ne, %convert_element_type3A_820, %cond3A_821 : i32
      scf.if %cond3A_822 {
        %add3A_1102 = arith.constant 3 : i32
        %add3A_1103 = arith.addi %add3A_795, %add3A_1102 : i32
        %mul3A_1104 = arith.constant 80 : i32
        %mul3A_1105 = arith.muli %add3A_1103, %mul3A_1104 : i32
        %add3A_1106 = arith.addi %mul3A_403, %mul3A_1105 : i32
        %dma_start3A_1107 = arith.constant 0 : i32
        %dma_start3A_1108 = tpu.memref_slice %arg3[%scan3A_521, %scan3A_522, %dma_start3A_1107] : memref<2x1x320000xi32, #tpu.memory_space<hbm>> -> memref<1x1x320000xi32, #tpu.memory_space<hbm>>
        %dma_start3A_1109 = tpu.memref_squeeze %dma_start3A_1108 : memref<1x1x320000xi32, #tpu.memory_space<hbm>> -> memref<320000xi32, #tpu.memory_space<hbm>>
        %dma_start3A_1110 = tpu.memref_slice %dma_start3A_1109[%add3A_1106] : memref<320000xi32, #tpu.memory_space<hbm>> -> memref<80xi32, #tpu.memory_space<hbm>>
        %dma_start3A_1111 = arith.constant 0 : i32
        %dma_start3A_1112 = tpu.memref_slice %arg3[%scan3A_521, %scan3A_522, %dma_start3A_1111] : memref<2x1x320000xi32, #tpu.memory_space<hbm>> -> memref<1x1x320000xi32, #tpu.memory_space<hbm>>
        %dma_start3A_1113 = tpu.memref_squeeze %dma_start3A_1112 : memref<1x1x320000xi32, #tpu.memory_space<hbm>> -> memref<320000xi32, #tpu.memory_space<hbm>>
        %dma_start3A_1114 = tpu.memref_slice %dma_start3A_1113[%add3A_1106] : memref<320000xi32, #tpu.memory_space<hbm>> -> memref<80xi32, #tpu.memory_space<hbm>>
        tpu.enqueue_dma source(%dma_start3A_1114 : memref<80xi32, #tpu.memory_space<hbm>>) target(%arg13 : memref<80xi32, #tpu.memory_space<vmem>>) target_semaphore(%arg39 : memref<!tpu.dma_semaphore, #tpu.memory_space<semaphore_mem>>)
        %dma_start3A_1115 = arith.constant 0 : i32
        %dma_start3A_1116 = tpu.memref_slice %arg3[%scan3A_523, %scan3A_524, %dma_start3A_1115] : memref<2x1x320000xi32, #tpu.memory_space<hbm>> -> memref<1x1x320000xi32, #tpu.memory_space<hbm>>
        %dma_start3A_1117 = tpu.memref_squeeze %dma_start3A_1116 : memref<1x1x320000xi32, #tpu.memory_space<hbm>> -> memref<320000xi32, #tpu.memory_space<hbm>>
        %dma_start3A_1118 = tpu.memref_slice %dma_start3A_1117[%add3A_1106] : memref<320000xi32, #tpu.memory_space<hbm>> -> memref<80xi32, #tpu.memory_space<hbm>>
        %dma_start3A_1119 = arith.constant 0 : i32
        %dma_start3A_1120 = tpu.memref_slice %arg3[%scan3A_523, %scan3A_524, %dma_start3A_1119] : memref<2x1x320000xi32, #tpu.memory_space<hbm>> -> memref<1x1x320000xi32, #tpu.memory_space<hbm>>
        %dma_start3A_1121 = tpu.memref_squeeze %dma_start3A_1120 : memref<1x1x320000xi32, #tpu.memory_space<hbm>> -> memref<320000xi32, #tpu.memory_space<hbm>>
        %dma_start3A_1122 = tpu.memref_slice %dma_start3A_1121[%add3A_1106] : memref<320000xi32, #tpu.memory_space<hbm>> -> memref<80xi32, #tpu.memory_space<hbm>>
        tpu.enqueue_dma source(%dma_start3A_1122 : memref<80xi32, #tpu.memory_space<hbm>>) target(%arg19 : memref<80xi32, #tpu.memory_space<vmem>>) target_semaphore(%arg39 : memref<!tpu.dma_semaphore, #tpu.memory_space<semaphore_mem>>)
      } else {
      }
      %mul3A_823 = arith.constant 12 : i32
      %mul3A_824 = arith.muli %mul3A_823, %scan3A_733 : i32
      %add3A_825 = arith.constant 3 : i32
      %add3A_826 = arith.addi %mul3A_824, %add3A_825 : i32
      %dma_wait3A_827 = arith.constant 0 : i32
      %dma_wait3A_828 = arith.constant 0 : i32
      %dma_wait3A_829 = tpu.memref_slice %arg2[%dma_wait3A_827, %dma_wait3A_828] : memref<10000x128xf32, #tpu.memory_space<hbm>> -> memref<10000x128xf32, #tpu.memory_space<hbm>>
      tpu.wait_indirect_dma semaphore(%arg29 : memref<!tpu.dma_semaphore, #tpu.memory_space<semaphore_mem>>) src(%dma_wait3A_829 : memref<10000x128xf32, #tpu.memory_space<hbm>>) dst(%arg23 : memref<80x128xf32, #tpu.memory_space<vmem>>)
      %ge3A_830 = arith.constant 2 : i32
      %ge3A_831 = arith.cmpi sge, %add3A_826, %ge3A_830 : i32
      %convert_element_type3A_832 = arith.extui %ge3A_831 : i1 to i32
      %cond3A_833 = arith.constant 0 : i32
      %cond3A_834 = arith.cmpi ne, %convert_element_type3A_832, %cond3A_833 : i32
      scf.if %cond3A_834 {
        %dma_wait3A_1102 = arith.constant 0 : i32
        %dma_wait3A_1103 = arith.constant 0 : i32
        %dma_wait3A_1104 = tpu.memref_slice %arg6[%dma_wait3A_1102, %dma_wait3A_1103] : memref<10240x128xf32, #tpu.memory_space<vmem_shared>> -> memref<10240x128xf32, #tpu.memory_space<vmem_shared>>
        tpu.wait_indirect_dma semaphore(%arg31 : memref<!tpu.dma_semaphore, #tpu.memory_space<semaphore_mem>>) src(%arg21 : memref<80x128xf32, #tpu.memory_space<vmem>>) dst(%dma_wait3A_1104 : memref<10240x128xf32, #tpu.memory_space<vmem_shared>>)
        %dma_wait3A_1105 = arith.constant 0 : i32
        %dma_wait3A_1106 = tpu.memref_slice %arg7[%dma_wait3A_1105] : memref<10240xf32, #tpu.memory_space<vmem_shared>> -> memref<10240xf32, #tpu.memory_space<vmem_shared>>
        tpu.wait_indirect_dma semaphore(%arg31 : memref<!tpu.dma_semaphore, #tpu.memory_space<semaphore_mem>>) src(%arg24 : memref<80xf32, #tpu.memory_space<vmem>>) dst(%dma_wait3A_1106 : memref<10240xf32, #tpu.memory_space<vmem_shared>>)
      } else {
      }
      %dma_start3A_835 = arith.constant 0 : i32
      %dma_start3A_836 = arith.constant 0 : i32
      %dma_start3A_837 = tpu.memref_slice %arg6[%dma_start3A_835, %dma_start3A_836] : memref<10240x128xf32, #tpu.memory_space<vmem_shared>> -> memref<10240x128xf32, #tpu.memory_space<vmem_shared>>
      tpu.enqueue_indirect_dma source(%arg23 : memref<80x128xf32, #tpu.memory_space<vmem>>) target(%dma_start3A_837 : memref<10240x128xf32, #tpu.memory_space<vmem_shared>>) offsets(%arg17 : memref<80xi32, #tpu.memory_space<vmem>>) semaphore(%arg33 : memref<!tpu.dma_semaphore, #tpu.memory_space<semaphore_mem>>) {add = true}
      %dma_start3A_838 = arith.constant 0 : i32
      %dma_start3A_839 = tpu.memref_slice %arg7[%dma_start3A_838] : memref<10240xf32, #tpu.memory_space<vmem_shared>> -> memref<10240xf32, #tpu.memory_space<vmem_shared>>
      tpu.enqueue_indirect_dma source(%arg24 : memref<80xf32, #tpu.memory_space<vmem>>) target(%dma_start3A_839 : memref<10240xf32, #tpu.memory_space<vmem_shared>>) offsets(%arg17 : memref<80xi32, #tpu.memory_space<vmem>>) semaphore(%arg33 : memref<!tpu.dma_semaphore, #tpu.memory_space<semaphore_mem>>) {add = true}
      %add3A_840 = arith.constant 2 : i32
      %add3A_841 = arith.addi %add3A_826, %add3A_840 : i32
      %lt3A_842 = arith.constant 125 : i32
      %lt3A_843 = arith.cmpi slt, %add3A_841, %lt3A_842 : i32
      %convert_element_type3A_844 = arith.extui %lt3A_843 : i1 to i32
      %cond3A_845 = arith.constant 0 : i32
      %cond3A_846 = arith.cmpi ne, %convert_element_type3A_844, %cond3A_845 : i32
      scf.if %cond3A_846 {
        %add3A_1102 = arith.constant 2 : i32
        %add3A_1103 = arith.addi %add3A_826, %add3A_1102 : i32
        %mul3A_1104 = arith.constant 80 : i32
        %mul3A_1105 = arith.muli %add3A_1103, %mul3A_1104 : i32
        %add3A_1106 = arith.addi %mul3A_403, %mul3A_1105 : i32
        %dma_wait3A_1107 = arith.constant 0 : i32
        %dma_wait3A_1108 = tpu.memref_slice %arg3[%scan3A_521, %scan3A_522, %dma_wait3A_1107] : memref<2x1x320000xi32, #tpu.memory_space<hbm>> -> memref<1x1x320000xi32, #tpu.memory_space<hbm>>
        %dma_wait3A_1109 = tpu.memref_squeeze %dma_wait3A_1108 : memref<1x1x320000xi32, #tpu.memory_space<hbm>> -> memref<320000xi32, #tpu.memory_space<hbm>>
        %dma_wait3A_1110 = tpu.memref_slice %dma_wait3A_1109[%add3A_1106] : memref<320000xi32, #tpu.memory_space<hbm>> -> memref<80xi32, #tpu.memory_space<hbm>>
        %dma_wait3A_1111 = arith.constant 0 : i32
        %dma_wait3A_1112 = tpu.memref_slice %arg3[%scan3A_521, %scan3A_522, %dma_wait3A_1111] : memref<2x1x320000xi32, #tpu.memory_space<hbm>> -> memref<1x1x320000xi32, #tpu.memory_space<hbm>>
        %dma_wait3A_1113 = tpu.memref_squeeze %dma_wait3A_1112 : memref<1x1x320000xi32, #tpu.memory_space<hbm>> -> memref<320000xi32, #tpu.memory_space<hbm>>
        %dma_wait3A_1114 = tpu.memref_slice %dma_wait3A_1113[%add3A_1106] : memref<320000xi32, #tpu.memory_space<hbm>> -> memref<80xi32, #tpu.memory_space<hbm>>
        tpu.wait_dma2 semaphore(%arg39 : memref<!tpu.dma_semaphore, #tpu.memory_space<semaphore_mem>>) src(%dma_wait3A_1114 : memref<80xi32, #tpu.memory_space<hbm>>) dst(%arg13 : memref<80xi32, #tpu.memory_space<vmem>>)
        %dma_wait3A_1115 = arith.constant 0 : i32
        %dma_wait3A_1116 = tpu.memref_slice %arg3[%scan3A_523, %scan3A_524, %dma_wait3A_1115] : memref<2x1x320000xi32, #tpu.memory_space<hbm>> -> memref<1x1x320000xi32, #tpu.memory_space<hbm>>
        %dma_wait3A_1117 = tpu.memref_squeeze %dma_wait3A_1116 : memref<1x1x320000xi32, #tpu.memory_space<hbm>> -> memref<320000xi32, #tpu.memory_space<hbm>>
        %dma_wait3A_1118 = tpu.memref_slice %dma_wait3A_1117[%add3A_1106] : memref<320000xi32, #tpu.memory_space<hbm>> -> memref<80xi32, #tpu.memory_space<hbm>>
        %dma_wait3A_1119 = arith.constant 0 : i32
        %dma_wait3A_1120 = tpu.memref_slice %arg3[%scan3A_523, %scan3A_524, %dma_wait3A_1119] : memref<2x1x320000xi32, #tpu.memory_space<hbm>> -> memref<1x1x320000xi32, #tpu.memory_space<hbm>>
        %dma_wait3A_1121 = tpu.memref_squeeze %dma_wait3A_1120 : memref<1x1x320000xi32, #tpu.memory_space<hbm>> -> memref<320000xi32, #tpu.memory_space<hbm>>
        %dma_wait3A_1122 = tpu.memref_slice %dma_wait3A_1121[%add3A_1106] : memref<320000xi32, #tpu.memory_space<hbm>> -> memref<80xi32, #tpu.memory_space<hbm>>
        tpu.wait_dma2 semaphore(%arg39 : memref<!tpu.dma_semaphore, #tpu.memory_space<semaphore_mem>>) src(%dma_wait3A_1122 : memref<80xi32, #tpu.memory_space<hbm>>) dst(%arg19 : memref<80xi32, #tpu.memory_space<vmem>>)
        %dma_start3A_1123 = arith.constant 0 : i32
        %dma_start3A_1124 = arith.constant 0 : i32
        %dma_start3A_1125 = tpu.memref_slice %arg2[%dma_start3A_1123, %dma_start3A_1124] : memref<10000x128xf32, #tpu.memory_space<hbm>> -> memref<10000x128xf32, #tpu.memory_space<hbm>>
        tpu.enqueue_indirect_dma source(%dma_start3A_1125 : memref<10000x128xf32, #tpu.memory_space<hbm>>) target(%arg21 : memref<80x128xf32, #tpu.memory_space<vmem>>) offsets(%arg13 : memref<80xi32, #tpu.memory_space<vmem>>) semaphore(%arg27 : memref<!tpu.dma_semaphore, #tpu.memory_space<semaphore_mem>>)
      } else {
      }
      %add3A_847 = arith.constant 3 : i32
      %add3A_848 = arith.addi %add3A_826, %add3A_847 : i32
      %lt3A_849 = arith.constant 125 : i32
      %lt3A_850 = arith.cmpi slt, %add3A_848, %lt3A_849 : i32
      %convert_element_type3A_851 = arith.extui %lt3A_850 : i1 to i32
      %cond3A_852 = arith.constant 0 : i32
      %cond3A_853 = arith.cmpi ne, %convert_element_type3A_851, %cond3A_852 : i32
      scf.if %cond3A_853 {
        %add3A_1102 = arith.constant 3 : i32
        %add3A_1103 = arith.addi %add3A_826, %add3A_1102 : i32
        %mul3A_1104 = arith.constant 80 : i32
        %mul3A_1105 = arith.muli %add3A_1103, %mul3A_1104 : i32
        %add3A_1106 = arith.addi %mul3A_403, %mul3A_1105 : i32
        %dma_start3A_1107 = arith.constant 0 : i32
        %dma_start3A_1108 = tpu.memref_slice %arg3[%scan3A_521, %scan3A_522, %dma_start3A_1107] : memref<2x1x320000xi32, #tpu.memory_space<hbm>> -> memref<1x1x320000xi32, #tpu.memory_space<hbm>>
        %dma_start3A_1109 = tpu.memref_squeeze %dma_start3A_1108 : memref<1x1x320000xi32, #tpu.memory_space<hbm>> -> memref<320000xi32, #tpu.memory_space<hbm>>
        %dma_start3A_1110 = tpu.memref_slice %dma_start3A_1109[%add3A_1106] : memref<320000xi32, #tpu.memory_space<hbm>> -> memref<80xi32, #tpu.memory_space<hbm>>
        %dma_start3A_1111 = arith.constant 0 : i32
        %dma_start3A_1112 = tpu.memref_slice %arg3[%scan3A_521, %scan3A_522, %dma_start3A_1111] : memref<2x1x320000xi32, #tpu.memory_space<hbm>> -> memref<1x1x320000xi32, #tpu.memory_space<hbm>>
        %dma_start3A_1113 = tpu.memref_squeeze %dma_start3A_1112 : memref<1x1x320000xi32, #tpu.memory_space<hbm>> -> memref<320000xi32, #tpu.memory_space<hbm>>
        %dma_start3A_1114 = tpu.memref_slice %dma_start3A_1113[%add3A_1106] : memref<320000xi32, #tpu.memory_space<hbm>> -> memref<80xi32, #tpu.memory_space<hbm>>
        tpu.enqueue_dma source(%dma_start3A_1114 : memref<80xi32, #tpu.memory_space<hbm>>) target(%arg8 : memref<80xi32, #tpu.memory_space<vmem>>) target_semaphore(%arg34 : memref<!tpu.dma_semaphore, #tpu.memory_space<semaphore_mem>>)
        %dma_start3A_1115 = arith.constant 0 : i32
        %dma_start3A_1116 = tpu.memref_slice %arg3[%scan3A_523, %scan3A_524, %dma_start3A_1115] : memref<2x1x320000xi32, #tpu.memory_space<hbm>> -> memref<1x1x320000xi32, #tpu.memory_space<hbm>>
        %dma_start3A_1117 = tpu.memref_squeeze %dma_start3A_1116 : memref<1x1x320000xi32, #tpu.memory_space<hbm>> -> memref<320000xi32, #tpu.memory_space<hbm>>
        %dma_start3A_1118 = tpu.memref_slice %dma_start3A_1117[%add3A_1106] : memref<320000xi32, #tpu.memory_space<hbm>> -> memref<80xi32, #tpu.memory_space<hbm>>
        %dma_start3A_1119 = arith.constant 0 : i32
        %dma_start3A_1120 = tpu.memref_slice %arg3[%scan3A_523, %scan3A_524, %dma_start3A_1119] : memref<2x1x320000xi32, #tpu.memory_space<hbm>> -> memref<1x1x320000xi32, #tpu.memory_space<hbm>>
        %dma_start3A_1121 = tpu.memref_squeeze %dma_start3A_1120 : memref<1x1x320000xi32, #tpu.memory_space<hbm>> -> memref<320000xi32, #tpu.memory_space<hbm>>
        %dma_start3A_1122 = tpu.memref_slice %dma_start3A_1121[%add3A_1106] : memref<320000xi32, #tpu.memory_space<hbm>> -> memref<80xi32, #tpu.memory_space<hbm>>
        tpu.enqueue_dma source(%dma_start3A_1122 : memref<80xi32, #tpu.memory_space<hbm>>) target(%arg14 : memref<80xi32, #tpu.memory_space<vmem>>) target_semaphore(%arg34 : memref<!tpu.dma_semaphore, #tpu.memory_space<semaphore_mem>>)
      } else {
      }
      %mul3A_854 = arith.constant 12 : i32
      %mul3A_855 = arith.muli %mul3A_854, %scan3A_733 : i32
      %add3A_856 = arith.constant 4 : i32
      %add3A_857 = arith.addi %mul3A_855, %add3A_856 : i32
      %dma_wait3A_858 = arith.constant 0 : i32
      %dma_wait3A_859 = arith.constant 0 : i32
      %dma_wait3A_860 = tpu.memref_slice %arg2[%dma_wait3A_858, %dma_wait3A_859] : memref<10000x128xf32, #tpu.memory_space<hbm>> -> memref<10000x128xf32, #tpu.memory_space<hbm>>
      tpu.wait_indirect_dma semaphore(%arg26 : memref<!tpu.dma_semaphore, #tpu.memory_space<semaphore_mem>>) src(%dma_wait3A_860 : memref<10000x128xf32, #tpu.memory_space<hbm>>) dst(%arg20 : memref<80x128xf32, #tpu.memory_space<vmem>>)
      %ge3A_861 = arith.constant 2 : i32
      %ge3A_862 = arith.cmpi sge, %add3A_857, %ge3A_861 : i32
      %convert_element_type3A_863 = arith.extui %ge3A_862 : i1 to i32
      %cond3A_864 = arith.constant 0 : i32
      %cond3A_865 = arith.cmpi ne, %convert_element_type3A_863, %cond3A_864 : i32
      scf.if %cond3A_865 {
        %dma_wait3A_1102 = arith.constant 0 : i32
        %dma_wait3A_1103 = arith.constant 0 : i32
        %dma_wait3A_1104 = tpu.memref_slice %arg6[%dma_wait3A_1102, %dma_wait3A_1103] : memref<10240x128xf32, #tpu.memory_space<vmem_shared>> -> memref<10240x128xf32, #tpu.memory_space<vmem_shared>>
        tpu.wait_indirect_dma semaphore(%arg32 : memref<!tpu.dma_semaphore, #tpu.memory_space<semaphore_mem>>) src(%arg22 : memref<80x128xf32, #tpu.memory_space<vmem>>) dst(%dma_wait3A_1104 : memref<10240x128xf32, #tpu.memory_space<vmem_shared>>)
        %dma_wait3A_1105 = arith.constant 0 : i32
        %dma_wait3A_1106 = tpu.memref_slice %arg7[%dma_wait3A_1105] : memref<10240xf32, #tpu.memory_space<vmem_shared>> -> memref<10240xf32, #tpu.memory_space<vmem_shared>>
        tpu.wait_indirect_dma semaphore(%arg32 : memref<!tpu.dma_semaphore, #tpu.memory_space<semaphore_mem>>) src(%arg24 : memref<80xf32, #tpu.memory_space<vmem>>) dst(%dma_wait3A_1106 : memref<10240xf32, #tpu.memory_space<vmem_shared>>)
      } else {
      }
      %dma_start3A_866 = arith.constant 0 : i32
      %dma_start3A_867 = arith.constant 0 : i32
      %dma_start3A_868 = tpu.memref_slice %arg6[%dma_start3A_866, %dma_start3A_867] : memref<10240x128xf32, #tpu.memory_space<vmem_shared>> -> memref<10240x128xf32, #tpu.memory_space<vmem_shared>>
      tpu.enqueue_indirect_dma source(%arg20 : memref<80x128xf32, #tpu.memory_space<vmem>>) target(%dma_start3A_868 : memref<10240x128xf32, #tpu.memory_space<vmem_shared>>) offsets(%arg18 : memref<80xi32, #tpu.memory_space<vmem>>) semaphore(%arg30 : memref<!tpu.dma_semaphore, #tpu.memory_space<semaphore_mem>>) {add = true}
      %dma_start3A_869 = arith.constant 0 : i32
      %dma_start3A_870 = tpu.memref_slice %arg7[%dma_start3A_869] : memref<10240xf32, #tpu.memory_space<vmem_shared>> -> memref<10240xf32, #tpu.memory_space<vmem_shared>>
      tpu.enqueue_indirect_dma source(%arg24 : memref<80xf32, #tpu.memory_space<vmem>>) target(%dma_start3A_870 : memref<10240xf32, #tpu.memory_space<vmem_shared>>) offsets(%arg18 : memref<80xi32, #tpu.memory_space<vmem>>) semaphore(%arg30 : memref<!tpu.dma_semaphore, #tpu.memory_space<semaphore_mem>>) {add = true}
      %add3A_871 = arith.constant 2 : i32
      %add3A_872 = arith.addi %add3A_857, %add3A_871 : i32
      %lt3A_873 = arith.constant 125 : i32
      %lt3A_874 = arith.cmpi slt, %add3A_872, %lt3A_873 : i32
      %convert_element_type3A_875 = arith.extui %lt3A_874 : i1 to i32
      %cond3A_876 = arith.constant 0 : i32
      %cond3A_877 = arith.cmpi ne, %convert_element_type3A_875, %cond3A_876 : i32
      scf.if %cond3A_877 {
        %add3A_1102 = arith.constant 2 : i32
        %add3A_1103 = arith.addi %add3A_857, %add3A_1102 : i32
        %mul3A_1104 = arith.constant 80 : i32
        %mul3A_1105 = arith.muli %add3A_1103, %mul3A_1104 : i32
        %add3A_1106 = arith.addi %mul3A_403, %mul3A_1105 : i32
        %dma_wait3A_1107 = arith.constant 0 : i32
        %dma_wait3A_1108 = tpu.memref_slice %arg3[%scan3A_521, %scan3A_522, %dma_wait3A_1107] : memref<2x1x320000xi32, #tpu.memory_space<hbm>> -> memref<1x1x320000xi32, #tpu.memory_space<hbm>>
        %dma_wait3A_1109 = tpu.memref_squeeze %dma_wait3A_1108 : memref<1x1x320000xi32, #tpu.memory_space<hbm>> -> memref<320000xi32, #tpu.memory_space<hbm>>
        %dma_wait3A_1110 = tpu.memref_slice %dma_wait3A_1109[%add3A_1106] : memref<320000xi32, #tpu.memory_space<hbm>> -> memref<80xi32, #tpu.memory_space<hbm>>
        %dma_wait3A_1111 = arith.constant 0 : i32
        %dma_wait3A_1112 = tpu.memref_slice %arg3[%scan3A_521, %scan3A_522, %dma_wait3A_1111] : memref<2x1x320000xi32, #tpu.memory_space<hbm>> -> memref<1x1x320000xi32, #tpu.memory_space<hbm>>
        %dma_wait3A_1113 = tpu.memref_squeeze %dma_wait3A_1112 : memref<1x1x320000xi32, #tpu.memory_space<hbm>> -> memref<320000xi32, #tpu.memory_space<hbm>>
        %dma_wait3A_1114 = tpu.memref_slice %dma_wait3A_1113[%add3A_1106] : memref<320000xi32, #tpu.memory_space<hbm>> -> memref<80xi32, #tpu.memory_space<hbm>>
        tpu.wait_dma2 semaphore(%arg34 : memref<!tpu.dma_semaphore, #tpu.memory_space<semaphore_mem>>) src(%dma_wait3A_1114 : memref<80xi32, #tpu.memory_space<hbm>>) dst(%arg8 : memref<80xi32, #tpu.memory_space<vmem>>)
        %dma_wait3A_1115 = arith.constant 0 : i32
        %dma_wait3A_1116 = tpu.memref_slice %arg3[%scan3A_523, %scan3A_524, %dma_wait3A_1115] : memref<2x1x320000xi32, #tpu.memory_space<hbm>> -> memref<1x1x320000xi32, #tpu.memory_space<hbm>>
        %dma_wait3A_1117 = tpu.memref_squeeze %dma_wait3A_1116 : memref<1x1x320000xi32, #tpu.memory_space<hbm>> -> memref<320000xi32, #tpu.memory_space<hbm>>
        %dma_wait3A_1118 = tpu.memref_slice %dma_wait3A_1117[%add3A_1106] : memref<320000xi32, #tpu.memory_space<hbm>> -> memref<80xi32, #tpu.memory_space<hbm>>
        %dma_wait3A_1119 = arith.constant 0 : i32
        %dma_wait3A_1120 = tpu.memref_slice %arg3[%scan3A_523, %scan3A_524, %dma_wait3A_1119] : memref<2x1x320000xi32, #tpu.memory_space<hbm>> -> memref<1x1x320000xi32, #tpu.memory_space<hbm>>
        %dma_wait3A_1121 = tpu.memref_squeeze %dma_wait3A_1120 : memref<1x1x320000xi32, #tpu.memory_space<hbm>> -> memref<320000xi32, #tpu.memory_space<hbm>>
        %dma_wait3A_1122 = tpu.memref_slice %dma_wait3A_1121[%add3A_1106] : memref<320000xi32, #tpu.memory_space<hbm>> -> memref<80xi32, #tpu.memory_space<hbm>>
        tpu.wait_dma2 semaphore(%arg34 : memref<!tpu.dma_semaphore, #tpu.memory_space<semaphore_mem>>) src(%dma_wait3A_1122 : memref<80xi32, #tpu.memory_space<hbm>>) dst(%arg14 : memref<80xi32, #tpu.memory_space<vmem>>)
        %dma_start3A_1123 = arith.constant 0 : i32
        %dma_start3A_1124 = arith.constant 0 : i32
        %dma_start3A_1125 = tpu.memref_slice %arg2[%dma_start3A_1123, %dma_start3A_1124] : memref<10000x128xf32, #tpu.memory_space<hbm>> -> memref<10000x128xf32, #tpu.memory_space<hbm>>
        tpu.enqueue_indirect_dma source(%dma_start3A_1125 : memref<10000x128xf32, #tpu.memory_space<hbm>>) target(%arg22 : memref<80x128xf32, #tpu.memory_space<vmem>>) offsets(%arg8 : memref<80xi32, #tpu.memory_space<vmem>>) semaphore(%arg28 : memref<!tpu.dma_semaphore, #tpu.memory_space<semaphore_mem>>)
      } else {
      }
      %add3A_878 = arith.constant 3 : i32
      %add3A_879 = arith.addi %add3A_857, %add3A_878 : i32
      %lt3A_880 = arith.constant 125 : i32
      %lt3A_881 = arith.cmpi slt, %add3A_879, %lt3A_880 : i32
      %convert_element_type3A_882 = arith.extui %lt3A_881 : i1 to i32
      %cond3A_883 = arith.constant 0 : i32
      %cond3A_884 = arith.cmpi ne, %convert_element_type3A_882, %cond3A_883 : i32
      scf.if %cond3A_884 {
        %add3A_1102 = arith.constant 3 : i32
        %add3A_1103 = arith.addi %add3A_857, %add3A_1102 : i32
        %mul3A_1104 = arith.constant 80 : i32
        %mul3A_1105 = arith.muli %add3A_1103, %mul3A_1104 : i32
        %add3A_1106 = arith.addi %mul3A_403, %mul3A_1105 : i32
        %dma_start3A_1107 = arith.constant 0 : i32
        %dma_start3A_1108 = tpu.memref_slice %arg3[%scan3A_521, %scan3A_522, %dma_start3A_1107] : memref<2x1x320000xi32, #tpu.memory_space<hbm>> -> memref<1x1x320000xi32, #tpu.memory_space<hbm>>
        %dma_start3A_1109 = tpu.memref_squeeze %dma_start3A_1108 : memref<1x1x320000xi32, #tpu.memory_space<hbm>> -> memref<320000xi32, #tpu.memory_space<hbm>>
        %dma_start3A_1110 = tpu.memref_slice %dma_start3A_1109[%add3A_1106] : memref<320000xi32, #tpu.memory_space<hbm>> -> memref<80xi32, #tpu.memory_space<hbm>>
        %dma_start3A_1111 = arith.constant 0 : i32
        %dma_start3A_1112 = tpu.memref_slice %arg3[%scan3A_521, %scan3A_522, %dma_start3A_1111] : memref<2x1x320000xi32, #tpu.memory_space<hbm>> -> memref<1x1x320000xi32, #tpu.memory_space<hbm>>
        %dma_start3A_1113 = tpu.memref_squeeze %dma_start3A_1112 : memref<1x1x320000xi32, #tpu.memory_space<hbm>> -> memref<320000xi32, #tpu.memory_space<hbm>>
        %dma_start3A_1114 = tpu.memref_slice %dma_start3A_1113[%add3A_1106] : memref<320000xi32, #tpu.memory_space<hbm>> -> memref<80xi32, #tpu.memory_space<hbm>>
        tpu.enqueue_dma source(%dma_start3A_1114 : memref<80xi32, #tpu.memory_space<hbm>>) target(%arg9 : memref<80xi32, #tpu.memory_space<vmem>>) target_semaphore(%arg35 : memref<!tpu.dma_semaphore, #tpu.memory_space<semaphore_mem>>)
        %dma_start3A_1115 = arith.constant 0 : i32
        %dma_start3A_1116 = tpu.memref_slice %arg3[%scan3A_523, %scan3A_524, %dma_start3A_1115] : memref<2x1x320000xi32, #tpu.memory_space<hbm>> -> memref<1x1x320000xi32, #tpu.memory_space<hbm>>
        %dma_start3A_1117 = tpu.memref_squeeze %dma_start3A_1116 : memref<1x1x320000xi32, #tpu.memory_space<hbm>> -> memref<320000xi32, #tpu.memory_space<hbm>>
        %dma_start3A_1118 = tpu.memref_slice %dma_start3A_1117[%add3A_1106] : memref<320000xi32, #tpu.memory_space<hbm>> -> memref<80xi32, #tpu.memory_space<hbm>>
        %dma_start3A_1119 = arith.constant 0 : i32
        %dma_start3A_1120 = tpu.memref_slice %arg3[%scan3A_523, %scan3A_524, %dma_start3A_1119] : memref<2x1x320000xi32, #tpu.memory_space<hbm>> -> memref<1x1x320000xi32, #tpu.memory_space<hbm>>
        %dma_start3A_1121 = tpu.memref_squeeze %dma_start3A_1120 : memref<1x1x320000xi32, #tpu.memory_space<hbm>> -> memref<320000xi32, #tpu.memory_space<hbm>>
        %dma_start3A_1122 = tpu.memref_slice %dma_start3A_1121[%add3A_1106] : memref<320000xi32, #tpu.memory_space<hbm>> -> memref<80xi32, #tpu.memory_space<hbm>>
        tpu.enqueue_dma source(%dma_start3A_1122 : memref<80xi32, #tpu.memory_space<hbm>>) target(%arg15 : memref<80xi32, #tpu.memory_space<vmem>>) target_semaphore(%arg35 : memref<!tpu.dma_semaphore, #tpu.memory_space<semaphore_mem>>)
      } else {
      }
      %mul3A_885 = arith.constant 12 : i32
      %mul3A_886 = arith.muli %mul3A_885, %scan3A_733 : i32
      %add3A_887 = arith.constant 5 : i32
      %add3A_888 = arith.addi %mul3A_886, %add3A_887 : i32
      %dma_wait3A_889 = arith.constant 0 : i32
      %dma_wait3A_890 = arith.constant 0 : i32
      %dma_wait3A_891 = tpu.memref_slice %arg2[%dma_wait3A_889, %dma_wait3A_890] : memref<10000x128xf32, #tpu.memory_space<hbm>> -> memref<10000x128xf32, #tpu.memory_space<hbm>>
      tpu.wait_indirect_dma semaphore(%arg27 : memref<!tpu.dma_semaphore, #tpu.memory_space<semaphore_mem>>) src(%dma_wait3A_891 : memref<10000x128xf32, #tpu.memory_space<hbm>>) dst(%arg21 : memref<80x128xf32, #tpu.memory_space<vmem>>)
      %ge3A_892 = arith.constant 2 : i32
      %ge3A_893 = arith.cmpi sge, %add3A_888, %ge3A_892 : i32
      %convert_element_type3A_894 = arith.extui %ge3A_893 : i1 to i32
      %cond3A_895 = arith.constant 0 : i32
      %cond3A_896 = arith.cmpi ne, %convert_element_type3A_894, %cond3A_895 : i32
      scf.if %cond3A_896 {
        %dma_wait3A_1102 = arith.constant 0 : i32
        %dma_wait3A_1103 = arith.constant 0 : i32
        %dma_wait3A_1104 = tpu.memref_slice %arg6[%dma_wait3A_1102, %dma_wait3A_1103] : memref<10240x128xf32, #tpu.memory_space<vmem_shared>> -> memref<10240x128xf32, #tpu.memory_space<vmem_shared>>
        tpu.wait_indirect_dma semaphore(%arg33 : memref<!tpu.dma_semaphore, #tpu.memory_space<semaphore_mem>>) src(%arg23 : memref<80x128xf32, #tpu.memory_space<vmem>>) dst(%dma_wait3A_1104 : memref<10240x128xf32, #tpu.memory_space<vmem_shared>>)
        %dma_wait3A_1105 = arith.constant 0 : i32
        %dma_wait3A_1106 = tpu.memref_slice %arg7[%dma_wait3A_1105] : memref<10240xf32, #tpu.memory_space<vmem_shared>> -> memref<10240xf32, #tpu.memory_space<vmem_shared>>
        tpu.wait_indirect_dma semaphore(%arg33 : memref<!tpu.dma_semaphore, #tpu.memory_space<semaphore_mem>>) src(%arg24 : memref<80xf32, #tpu.memory_space<vmem>>) dst(%dma_wait3A_1106 : memref<10240xf32, #tpu.memory_space<vmem_shared>>)
      } else {
      }
      %dma_start3A_897 = arith.constant 0 : i32
      %dma_start3A_898 = arith.constant 0 : i32
      %dma_start3A_899 = tpu.memref_slice %arg6[%dma_start3A_897, %dma_start3A_898] : memref<10240x128xf32, #tpu.memory_space<vmem_shared>> -> memref<10240x128xf32, #tpu.memory_space<vmem_shared>>
      tpu.enqueue_indirect_dma source(%arg21 : memref<80x128xf32, #tpu.memory_space<vmem>>) target(%dma_start3A_899 : memref<10240x128xf32, #tpu.memory_space<vmem_shared>>) offsets(%arg19 : memref<80xi32, #tpu.memory_space<vmem>>) semaphore(%arg31 : memref<!tpu.dma_semaphore, #tpu.memory_space<semaphore_mem>>) {add = true}
      %dma_start3A_900 = arith.constant 0 : i32
      %dma_start3A_901 = tpu.memref_slice %arg7[%dma_start3A_900] : memref<10240xf32, #tpu.memory_space<vmem_shared>> -> memref<10240xf32, #tpu.memory_space<vmem_shared>>
      tpu.enqueue_indirect_dma source(%arg24 : memref<80xf32, #tpu.memory_space<vmem>>) target(%dma_start3A_901 : memref<10240xf32, #tpu.memory_space<vmem_shared>>) offsets(%arg19 : memref<80xi32, #tpu.memory_space<vmem>>) semaphore(%arg31 : memref<!tpu.dma_semaphore, #tpu.memory_space<semaphore_mem>>) {add = true}
      %add3A_902 = arith.constant 2 : i32
      %add3A_903 = arith.addi %add3A_888, %add3A_902 : i32
      %lt3A_904 = arith.constant 125 : i32
      %lt3A_905 = arith.cmpi slt, %add3A_903, %lt3A_904 : i32
      %convert_element_type3A_906 = arith.extui %lt3A_905 : i1 to i32
      %cond3A_907 = arith.constant 0 : i32
      %cond3A_908 = arith.cmpi ne, %convert_element_type3A_906, %cond3A_907 : i32
      scf.if %cond3A_908 {
        %add3A_1102 = arith.constant 2 : i32
        %add3A_1103 = arith.addi %add3A_888, %add3A_1102 : i32
        %mul3A_1104 = arith.constant 80 : i32
        %mul3A_1105 = arith.muli %add3A_1103, %mul3A_1104 : i32
        %add3A_1106 = arith.addi %mul3A_403, %mul3A_1105 : i32
        %dma_wait3A_1107 = arith.constant 0 : i32
        %dma_wait3A_1108 = tpu.memref_slice %arg3[%scan3A_521, %scan3A_522, %dma_wait3A_1107] : memref<2x1x320000xi32, #tpu.memory_space<hbm>> -> memref<1x1x320000xi32, #tpu.memory_space<hbm>>
        %dma_wait3A_1109 = tpu.memref_squeeze %dma_wait3A_1108 : memref<1x1x320000xi32, #tpu.memory_space<hbm>> -> memref<320000xi32, #tpu.memory_space<hbm>>
        %dma_wait3A_1110 = tpu.memref_slice %dma_wait3A_1109[%add3A_1106] : memref<320000xi32, #tpu.memory_space<hbm>> -> memref<80xi32, #tpu.memory_space<hbm>>
        %dma_wait3A_1111 = arith.constant 0 : i32
        %dma_wait3A_1112 = tpu.memref_slice %arg3[%scan3A_521, %scan3A_522, %dma_wait3A_1111] : memref<2x1x320000xi32, #tpu.memory_space<hbm>> -> memref<1x1x320000xi32, #tpu.memory_space<hbm>>
        %dma_wait3A_1113 = tpu.memref_squeeze %dma_wait3A_1112 : memref<1x1x320000xi32, #tpu.memory_space<hbm>> -> memref<320000xi32, #tpu.memory_space<hbm>>
        %dma_wait3A_1114 = tpu.memref_slice %dma_wait3A_1113[%add3A_1106] : memref<320000xi32, #tpu.memory_space<hbm>> -> memref<80xi32, #tpu.memory_space<hbm>>
        tpu.wait_dma2 semaphore(%arg35 : memref<!tpu.dma_semaphore, #tpu.memory_space<semaphore_mem>>) src(%dma_wait3A_1114 : memref<80xi32, #tpu.memory_space<hbm>>) dst(%arg9 : memref<80xi32, #tpu.memory_space<vmem>>)
        %dma_wait3A_1115 = arith.constant 0 : i32
        %dma_wait3A_1116 = tpu.memref_slice %arg3[%scan3A_523, %scan3A_524, %dma_wait3A_1115] : memref<2x1x320000xi32, #tpu.memory_space<hbm>> -> memref<1x1x320000xi32, #tpu.memory_space<hbm>>
        %dma_wait3A_1117 = tpu.memref_squeeze %dma_wait3A_1116 : memref<1x1x320000xi32, #tpu.memory_space<hbm>> -> memref<320000xi32, #tpu.memory_space<hbm>>
        %dma_wait3A_1118 = tpu.memref_slice %dma_wait3A_1117[%add3A_1106] : memref<320000xi32, #tpu.memory_space<hbm>> -> memref<80xi32, #tpu.memory_space<hbm>>
        %dma_wait3A_1119 = arith.constant 0 : i32
        %dma_wait3A_1120 = tpu.memref_slice %arg3[%scan3A_523, %scan3A_524, %dma_wait3A_1119] : memref<2x1x320000xi32, #tpu.memory_space<hbm>> -> memref<1x1x320000xi32, #tpu.memory_space<hbm>>
        %dma_wait3A_1121 = tpu.memref_squeeze %dma_wait3A_1120 : memref<1x1x320000xi32, #tpu.memory_space<hbm>> -> memref<320000xi32, #tpu.memory_space<hbm>>
        %dma_wait3A_1122 = tpu.memref_slice %dma_wait3A_1121[%add3A_1106] : memref<320000xi32, #tpu.memory_space<hbm>> -> memref<80xi32, #tpu.memory_space<hbm>>
        tpu.wait_dma2 semaphore(%arg35 : memref<!tpu.dma_semaphore, #tpu.memory_space<semaphore_mem>>) src(%dma_wait3A_1122 : memref<80xi32, #tpu.memory_space<hbm>>) dst(%arg15 : memref<80xi32, #tpu.memory_space<vmem>>)
        %dma_start3A_1123 = arith.constant 0 : i32
        %dma_start3A_1124 = arith.constant 0 : i32
        %dma_start3A_1125 = tpu.memref_slice %arg2[%dma_start3A_1123, %dma_start3A_1124] : memref<10000x128xf32, #tpu.memory_space<hbm>> -> memref<10000x128xf32, #tpu.memory_space<hbm>>
        tpu.enqueue_indirect_dma source(%dma_start3A_1125 : memref<10000x128xf32, #tpu.memory_space<hbm>>) target(%arg23 : memref<80x128xf32, #tpu.memory_space<vmem>>) offsets(%arg9 : memref<80xi32, #tpu.memory_space<vmem>>) semaphore(%arg29 : memref<!tpu.dma_semaphore, #tpu.memory_space<semaphore_mem>>)
      } else {
      }
      %add3A_909 = arith.constant 3 : i32
      %add3A_910 = arith.addi %add3A_888, %add3A_909 : i32
      %lt3A_911 = arith.constant 125 : i32
      %lt3A_912 = arith.cmpi slt, %add3A_910, %lt3A_911 : i32
      %convert_element_type3A_913 = arith.extui %lt3A_912 : i1 to i32
      %cond3A_914 = arith.constant 0 : i32
      %cond3A_915 = arith.cmpi ne, %convert_element_type3A_913, %cond3A_914 : i32
      scf.if %cond3A_915 {
        %add3A_1102 = arith.constant 3 : i32
        %add3A_1103 = arith.addi %add3A_888, %add3A_1102 : i32
        %mul3A_1104 = arith.constant 80 : i32
        %mul3A_1105 = arith.muli %add3A_1103, %mul3A_1104 : i32
        %add3A_1106 = arith.addi %mul3A_403, %mul3A_1105 : i32
        %dma_start3A_1107 = arith.constant 0 : i32
        %dma_start3A_1108 = tpu.memref_slice %arg3[%scan3A_521, %scan3A_522, %dma_start3A_1107] : memref<2x1x320000xi32, #tpu.memory_space<hbm>> -> memref<1x1x320000xi32, #tpu.memory_space<hbm>>
        %dma_start3A_1109 = tpu.memref_squeeze %dma_start3A_1108 : memref<1x1x320000xi32, #tpu.memory_space<hbm>> -> memref<320000xi32, #tpu.memory_space<hbm>>
        %dma_start3A_1110 = tpu.memref_slice %dma_start3A_1109[%add3A_1106] : memref<320000xi32, #tpu.memory_space<hbm>> -> memref<80xi32, #tpu.memory_space<hbm>>
        %dma_start3A_1111 = arith.constant 0 : i32
        %dma_start3A_1112 = tpu.memref_slice %arg3[%scan3A_521, %scan3A_522, %dma_start3A_1111] : memref<2x1x320000xi32, #tpu.memory_space<hbm>> -> memref<1x1x320000xi32, #tpu.memory_space<hbm>>
        %dma_start3A_1113 = tpu.memref_squeeze %dma_start3A_1112 : memref<1x1x320000xi32, #tpu.memory_space<hbm>> -> memref<320000xi32, #tpu.memory_space<hbm>>
        %dma_start3A_1114 = tpu.memref_slice %dma_start3A_1113[%add3A_1106] : memref<320000xi32, #tpu.memory_space<hbm>> -> memref<80xi32, #tpu.memory_space<hbm>>
        tpu.enqueue_dma source(%dma_start3A_1114 : memref<80xi32, #tpu.memory_space<hbm>>) target(%arg10 : memref<80xi32, #tpu.memory_space<vmem>>) target_semaphore(%arg36 : memref<!tpu.dma_semaphore, #tpu.memory_space<semaphore_mem>>)
        %dma_start3A_1115 = arith.constant 0 : i32
        %dma_start3A_1116 = tpu.memref_slice %arg3[%scan3A_523, %scan3A_524, %dma_start3A_1115] : memref<2x1x320000xi32, #tpu.memory_space<hbm>> -> memref<1x1x320000xi32, #tpu.memory_space<hbm>>
        %dma_start3A_1117 = tpu.memref_squeeze %dma_start3A_1116 : memref<1x1x320000xi32, #tpu.memory_space<hbm>> -> memref<320000xi32, #tpu.memory_space<hbm>>
        %dma_start3A_1118 = tpu.memref_slice %dma_start3A_1117[%add3A_1106] : memref<320000xi32, #tpu.memory_space<hbm>> -> memref<80xi32, #tpu.memory_space<hbm>>
        %dma_start3A_1119 = arith.constant 0 : i32
        %dma_start3A_1120 = tpu.memref_slice %arg3[%scan3A_523, %scan3A_524, %dma_start3A_1119] : memref<2x1x320000xi32, #tpu.memory_space<hbm>> -> memref<1x1x320000xi32, #tpu.memory_space<hbm>>
        %dma_start3A_1121 = tpu.memref_squeeze %dma_start3A_1120 : memref<1x1x320000xi32, #tpu.memory_space<hbm>> -> memref<320000xi32, #tpu.memory_space<hbm>>
        %dma_start3A_1122 = tpu.memref_slice %dma_start3A_1121[%add3A_1106] : memref<320000xi32, #tpu.memory_space<hbm>> -> memref<80xi32, #tpu.memory_space<hbm>>
        tpu.enqueue_dma source(%dma_start3A_1122 : memref<80xi32, #tpu.memory_space<hbm>>) target(%arg16 : memref<80xi32, #tpu.memory_space<vmem>>) target_semaphore(%arg36 : memref<!tpu.dma_semaphore, #tpu.memory_space<semaphore_mem>>)
      } else {
      }
      %mul3A_916 = arith.constant 12 : i32
      %mul3A_917 = arith.muli %mul3A_916, %scan3A_733 : i32
      %add3A_918 = arith.constant 6 : i32
      %add3A_919 = arith.addi %mul3A_917, %add3A_918 : i32
      %dma_wait3A_920 = arith.constant 0 : i32
      %dma_wait3A_921 = arith.constant 0 : i32
      %dma_wait3A_922 = tpu.memref_slice %arg2[%dma_wait3A_920, %dma_wait3A_921] : memref<10000x128xf32, #tpu.memory_space<hbm>> -> memref<10000x128xf32, #tpu.memory_space<hbm>>
      tpu.wait_indirect_dma semaphore(%arg28 : memref<!tpu.dma_semaphore, #tpu.memory_space<semaphore_mem>>) src(%dma_wait3A_922 : memref<10000x128xf32, #tpu.memory_space<hbm>>) dst(%arg22 : memref<80x128xf32, #tpu.memory_space<vmem>>)
      %ge3A_923 = arith.constant 2 : i32
      %ge3A_924 = arith.cmpi sge, %add3A_919, %ge3A_923 : i32
      %convert_element_type3A_925 = arith.extui %ge3A_924 : i1 to i32
      %cond3A_926 = arith.constant 0 : i32
      %cond3A_927 = arith.cmpi ne, %convert_element_type3A_925, %cond3A_926 : i32
      scf.if %cond3A_927 {
        %dma_wait3A_1102 = arith.constant 0 : i32
        %dma_wait3A_1103 = arith.constant 0 : i32
        %dma_wait3A_1104 = tpu.memref_slice %arg6[%dma_wait3A_1102, %dma_wait3A_1103] : memref<10240x128xf32, #tpu.memory_space<vmem_shared>> -> memref<10240x128xf32, #tpu.memory_space<vmem_shared>>
        tpu.wait_indirect_dma semaphore(%arg30 : memref<!tpu.dma_semaphore, #tpu.memory_space<semaphore_mem>>) src(%arg20 : memref<80x128xf32, #tpu.memory_space<vmem>>) dst(%dma_wait3A_1104 : memref<10240x128xf32, #tpu.memory_space<vmem_shared>>)
        %dma_wait3A_1105 = arith.constant 0 : i32
        %dma_wait3A_1106 = tpu.memref_slice %arg7[%dma_wait3A_1105] : memref<10240xf32, #tpu.memory_space<vmem_shared>> -> memref<10240xf32, #tpu.memory_space<vmem_shared>>
        tpu.wait_indirect_dma semaphore(%arg30 : memref<!tpu.dma_semaphore, #tpu.memory_space<semaphore_mem>>) src(%arg24 : memref<80xf32, #tpu.memory_space<vmem>>) dst(%dma_wait3A_1106 : memref<10240xf32, #tpu.memory_space<vmem_shared>>)
      } else {
      }
      %dma_start3A_928 = arith.constant 0 : i32
      %dma_start3A_929 = arith.constant 0 : i32
      %dma_start3A_930 = tpu.memref_slice %arg6[%dma_start3A_928, %dma_start3A_929] : memref<10240x128xf32, #tpu.memory_space<vmem_shared>> -> memref<10240x128xf32, #tpu.memory_space<vmem_shared>>
      tpu.enqueue_indirect_dma source(%arg22 : memref<80x128xf32, #tpu.memory_space<vmem>>) target(%dma_start3A_930 : memref<10240x128xf32, #tpu.memory_space<vmem_shared>>) offsets(%arg14 : memref<80xi32, #tpu.memory_space<vmem>>) semaphore(%arg32 : memref<!tpu.dma_semaphore, #tpu.memory_space<semaphore_mem>>) {add = true}
      %dma_start3A_931 = arith.constant 0 : i32
      %dma_start3A_932 = tpu.memref_slice %arg7[%dma_start3A_931] : memref<10240xf32, #tpu.memory_space<vmem_shared>> -> memref<10240xf32, #tpu.memory_space<vmem_shared>>
      tpu.enqueue_indirect_dma source(%arg24 : memref<80xf32, #tpu.memory_space<vmem>>) target(%dma_start3A_932 : memref<10240xf32, #tpu.memory_space<vmem_shared>>) offsets(%arg14 : memref<80xi32, #tpu.memory_space<vmem>>) semaphore(%arg32 : memref<!tpu.dma_semaphore, #tpu.memory_space<semaphore_mem>>) {add = true}
      %add3A_933 = arith.constant 2 : i32
      %add3A_934 = arith.addi %add3A_919, %add3A_933 : i32
      %lt3A_935 = arith.constant 125 : i32
      %lt3A_936 = arith.cmpi slt, %add3A_934, %lt3A_935 : i32
      %convert_element_type3A_937 = arith.extui %lt3A_936 : i1 to i32
      %cond3A_938 = arith.constant 0 : i32
      %cond3A_939 = arith.cmpi ne, %convert_element_type3A_937, %cond3A_938 : i32
      scf.if %cond3A_939 {
        %add3A_1102 = arith.constant 2 : i32
        %add3A_1103 = arith.addi %add3A_919, %add3A_1102 : i32
        %mul3A_1104 = arith.constant 80 : i32
        %mul3A_1105 = arith.muli %add3A_1103, %mul3A_1104 : i32
        %add3A_1106 = arith.addi %mul3A_403, %mul3A_1105 : i32
        %dma_wait3A_1107 = arith.constant 0 : i32
        %dma_wait3A_1108 = tpu.memref_slice %arg3[%scan3A_521, %scan3A_522, %dma_wait3A_1107] : memref<2x1x320000xi32, #tpu.memory_space<hbm>> -> memref<1x1x320000xi32, #tpu.memory_space<hbm>>
        %dma_wait3A_1109 = tpu.memref_squeeze %dma_wait3A_1108 : memref<1x1x320000xi32, #tpu.memory_space<hbm>> -> memref<320000xi32, #tpu.memory_space<hbm>>
        %dma_wait3A_1110 = tpu.memref_slice %dma_wait3A_1109[%add3A_1106] : memref<320000xi32, #tpu.memory_space<hbm>> -> memref<80xi32, #tpu.memory_space<hbm>>
        %dma_wait3A_1111 = arith.constant 0 : i32
        %dma_wait3A_1112 = tpu.memref_slice %arg3[%scan3A_521, %scan3A_522, %dma_wait3A_1111] : memref<2x1x320000xi32, #tpu.memory_space<hbm>> -> memref<1x1x320000xi32, #tpu.memory_space<hbm>>
        %dma_wait3A_1113 = tpu.memref_squeeze %dma_wait3A_1112 : memref<1x1x320000xi32, #tpu.memory_space<hbm>> -> memref<320000xi32, #tpu.memory_space<hbm>>
        %dma_wait3A_1114 = tpu.memref_slice %dma_wait3A_1113[%add3A_1106] : memref<320000xi32, #tpu.memory_space<hbm>> -> memref<80xi32, #tpu.memory_space<hbm>>
        tpu.wait_dma2 semaphore(%arg36 : memref<!tpu.dma_semaphore, #tpu.memory_space<semaphore_mem>>) src(%dma_wait3A_1114 : memref<80xi32, #tpu.memory_space<hbm>>) dst(%arg10 : memref<80xi32, #tpu.memory_space<vmem>>)
        %dma_wait3A_1115 = arith.constant 0 : i32
        %dma_wait3A_1116 = tpu.memref_slice %arg3[%scan3A_523, %scan3A_524, %dma_wait3A_1115] : memref<2x1x320000xi32, #tpu.memory_space<hbm>> -> memref<1x1x320000xi32, #tpu.memory_space<hbm>>
        %dma_wait3A_1117 = tpu.memref_squeeze %dma_wait3A_1116 : memref<1x1x320000xi32, #tpu.memory_space<hbm>> -> memref<320000xi32, #tpu.memory_space<hbm>>
        %dma_wait3A_1118 = tpu.memref_slice %dma_wait3A_1117[%add3A_1106] : memref<320000xi32, #tpu.memory_space<hbm>> -> memref<80xi32, #tpu.memory_space<hbm>>
        %dma_wait3A_1119 = arith.constant 0 : i32
        %dma_wait3A_1120 = tpu.memref_slice %arg3[%scan3A_523, %scan3A_524, %dma_wait3A_1119] : memref<2x1x320000xi32, #tpu.memory_space<hbm>> -> memref<1x1x320000xi32, #tpu.memory_space<hbm>>
        %dma_wait3A_1121 = tpu.memref_squeeze %dma_wait3A_1120 : memref<1x1x320000xi32, #tpu.memory_space<hbm>> -> memref<320000xi32, #tpu.memory_space<hbm>>
        %dma_wait3A_1122 = tpu.memref_slice %dma_wait3A_1121[%add3A_1106] : memref<320000xi32, #tpu.memory_space<hbm>> -> memref<80xi32, #tpu.memory_space<hbm>>
        tpu.wait_dma2 semaphore(%arg36 : memref<!tpu.dma_semaphore, #tpu.memory_space<semaphore_mem>>) src(%dma_wait3A_1122 : memref<80xi32, #tpu.memory_space<hbm>>) dst(%arg16 : memref<80xi32, #tpu.memory_space<vmem>>)
        %dma_start3A_1123 = arith.constant 0 : i32
        %dma_start3A_1124 = arith.constant 0 : i32
        %dma_start3A_1125 = tpu.memref_slice %arg2[%dma_start3A_1123, %dma_start3A_1124] : memref<10000x128xf32, #tpu.memory_space<hbm>> -> memref<10000x128xf32, #tpu.memory_space<hbm>>
        tpu.enqueue_indirect_dma source(%dma_start3A_1125 : memref<10000x128xf32, #tpu.memory_space<hbm>>) target(%arg20 : memref<80x128xf32, #tpu.memory_space<vmem>>) offsets(%arg10 : memref<80xi32, #tpu.memory_space<vmem>>) semaphore(%arg26 : memref<!tpu.dma_semaphore, #tpu.memory_space<semaphore_mem>>)
      } else {
      }
      %add3A_940 = arith.constant 3 : i32
      %add3A_941 = arith.addi %add3A_919, %add3A_940 : i32
      %lt3A_942 = arith.constant 125 : i32
      %lt3A_943 = arith.cmpi slt, %add3A_941, %lt3A_942 : i32
      %convert_element_type3A_944 = arith.extui %lt3A_943 : i1 to i32
      %cond3A_945 = arith.constant 0 : i32
      %cond3A_946 = arith.cmpi ne, %convert_element_type3A_944, %cond3A_945 : i32
      scf.if %cond3A_946 {
        %add3A_1102 = arith.constant 3 : i32
        %add3A_1103 = arith.addi %add3A_919, %add3A_1102 : i32
        %mul3A_1104 = arith.constant 80 : i32
        %mul3A_1105 = arith.muli %add3A_1103, %mul3A_1104 : i32
        %add3A_1106 = arith.addi %mul3A_403, %mul3A_1105 : i32
        %dma_start3A_1107 = arith.constant 0 : i32
        %dma_start3A_1108 = tpu.memref_slice %arg3[%scan3A_521, %scan3A_522, %dma_start3A_1107] : memref<2x1x320000xi32, #tpu.memory_space<hbm>> -> memref<1x1x320000xi32, #tpu.memory_space<hbm>>
        %dma_start3A_1109 = tpu.memref_squeeze %dma_start3A_1108 : memref<1x1x320000xi32, #tpu.memory_space<hbm>> -> memref<320000xi32, #tpu.memory_space<hbm>>
        %dma_start3A_1110 = tpu.memref_slice %dma_start3A_1109[%add3A_1106] : memref<320000xi32, #tpu.memory_space<hbm>> -> memref<80xi32, #tpu.memory_space<hbm>>
        %dma_start3A_1111 = arith.constant 0 : i32
        %dma_start3A_1112 = tpu.memref_slice %arg3[%scan3A_521, %scan3A_522, %dma_start3A_1111] : memref<2x1x320000xi32, #tpu.memory_space<hbm>> -> memref<1x1x320000xi32, #tpu.memory_space<hbm>>
        %dma_start3A_1113 = tpu.memref_squeeze %dma_start3A_1112 : memref<1x1x320000xi32, #tpu.memory_space<hbm>> -> memref<320000xi32, #tpu.memory_space<hbm>>
        %dma_start3A_1114 = tpu.memref_slice %dma_start3A_1113[%add3A_1106] : memref<320000xi32, #tpu.memory_space<hbm>> -> memref<80xi32, #tpu.memory_space<hbm>>
        tpu.enqueue_dma source(%dma_start3A_1114 : memref<80xi32, #tpu.memory_space<hbm>>) target(%arg11 : memref<80xi32, #tpu.memory_space<vmem>>) target_semaphore(%arg37 : memref<!tpu.dma_semaphore, #tpu.memory_space<semaphore_mem>>)
        %dma_start3A_1115 = arith.constant 0 : i32
        %dma_start3A_1116 = tpu.memref_slice %arg3[%scan3A_523, %scan3A_524, %dma_start3A_1115] : memref<2x1x320000xi32, #tpu.memory_space<hbm>> -> memref<1x1x320000xi32, #tpu.memory_space<hbm>>
        %dma_start3A_1117 = tpu.memref_squeeze %dma_start3A_1116 : memref<1x1x320000xi32, #tpu.memory_space<hbm>> -> memref<320000xi32, #tpu.memory_space<hbm>>
        %dma_start3A_1118 = tpu.memref_slice %dma_start3A_1117[%add3A_1106] : memref<320000xi32, #tpu.memory_space<hbm>> -> memref<80xi32, #tpu.memory_space<hbm>>
        %dma_start3A_1119 = arith.constant 0 : i32
        %dma_start3A_1120 = tpu.memref_slice %arg3[%scan3A_523, %scan3A_524, %dma_start3A_1119] : memref<2x1x320000xi32, #tpu.memory_space<hbm>> -> memref<1x1x320000xi32, #tpu.memory_space<hbm>>
        %dma_start3A_1121 = tpu.memref_squeeze %dma_start3A_1120 : memref<1x1x320000xi32, #tpu.memory_space<hbm>> -> memref<320000xi32, #tpu.memory_space<hbm>>
        %dma_start3A_1122 = tpu.memref_slice %dma_start3A_1121[%add3A_1106] : memref<320000xi32, #tpu.memory_space<hbm>> -> memref<80xi32, #tpu.memory_space<hbm>>
        tpu.enqueue_dma source(%dma_start3A_1122 : memref<80xi32, #tpu.memory_space<hbm>>) target(%arg17 : memref<80xi32, #tpu.memory_space<vmem>>) target_semaphore(%arg37 : memref<!tpu.dma_semaphore, #tpu.memory_space<semaphore_mem>>)
      } else {
      }
      %mul3A_947 = arith.constant 12 : i32
      %mul3A_948 = arith.muli %mul3A_947, %scan3A_733 : i32
      %add3A_949 = arith.constant 7 : i32
      %add3A_950 = arith.addi %mul3A_948, %add3A_949 : i32
      %dma_wait3A_951 = arith.constant 0 : i32
      %dma_wait3A_952 = arith.constant 0 : i32
      %dma_wait3A_953 = tpu.memref_slice %arg2[%dma_wait3A_951, %dma_wait3A_952] : memref<10000x128xf32, #tpu.memory_space<hbm>> -> memref<10000x128xf32, #tpu.memory_space<hbm>>
      tpu.wait_indirect_dma semaphore(%arg29 : memref<!tpu.dma_semaphore, #tpu.memory_space<semaphore_mem>>) src(%dma_wait3A_953 : memref<10000x128xf32, #tpu.memory_space<hbm>>) dst(%arg23 : memref<80x128xf32, #tpu.memory_space<vmem>>)
      %ge3A_954 = arith.constant 2 : i32
      %ge3A_955 = arith.cmpi sge, %add3A_950, %ge3A_954 : i32
      %convert_element_type3A_956 = arith.extui %ge3A_955 : i1 to i32
      %cond3A_957 = arith.constant 0 : i32
      %cond3A_958 = arith.cmpi ne, %convert_element_type3A_956, %cond3A_957 : i32
      scf.if %cond3A_958 {
        %dma_wait3A_1102 = arith.constant 0 : i32
        %dma_wait3A_1103 = arith.constant 0 : i32
        %dma_wait3A_1104 = tpu.memref_slice %arg6[%dma_wait3A_1102, %dma_wait3A_1103] : memref<10240x128xf32, #tpu.memory_space<vmem_shared>> -> memref<10240x128xf32, #tpu.memory_space<vmem_shared>>
        tpu.wait_indirect_dma semaphore(%arg31 : memref<!tpu.dma_semaphore, #tpu.memory_space<semaphore_mem>>) src(%arg21 : memref<80x128xf32, #tpu.memory_space<vmem>>) dst(%dma_wait3A_1104 : memref<10240x128xf32, #tpu.memory_space<vmem_shared>>)
        %dma_wait3A_1105 = arith.constant 0 : i32
        %dma_wait3A_1106 = tpu.memref_slice %arg7[%dma_wait3A_1105] : memref<10240xf32, #tpu.memory_space<vmem_shared>> -> memref<10240xf32, #tpu.memory_space<vmem_shared>>
        tpu.wait_indirect_dma semaphore(%arg31 : memref<!tpu.dma_semaphore, #tpu.memory_space<semaphore_mem>>) src(%arg24 : memref<80xf32, #tpu.memory_space<vmem>>) dst(%dma_wait3A_1106 : memref<10240xf32, #tpu.memory_space<vmem_shared>>)
      } else {
      }
      %dma_start3A_959 = arith.constant 0 : i32
      %dma_start3A_960 = arith.constant 0 : i32
      %dma_start3A_961 = tpu.memref_slice %arg6[%dma_start3A_959, %dma_start3A_960] : memref<10240x128xf32, #tpu.memory_space<vmem_shared>> -> memref<10240x128xf32, #tpu.memory_space<vmem_shared>>
      tpu.enqueue_indirect_dma source(%arg23 : memref<80x128xf32, #tpu.memory_space<vmem>>) target(%dma_start3A_961 : memref<10240x128xf32, #tpu.memory_space<vmem_shared>>) offsets(%arg15 : memref<80xi32, #tpu.memory_space<vmem>>) semaphore(%arg33 : memref<!tpu.dma_semaphore, #tpu.memory_space<semaphore_mem>>) {add = true}
      %dma_start3A_962 = arith.constant 0 : i32
      %dma_start3A_963 = tpu.memref_slice %arg7[%dma_start3A_962] : memref<10240xf32, #tpu.memory_space<vmem_shared>> -> memref<10240xf32, #tpu.memory_space<vmem_shared>>
      tpu.enqueue_indirect_dma source(%arg24 : memref<80xf32, #tpu.memory_space<vmem>>) target(%dma_start3A_963 : memref<10240xf32, #tpu.memory_space<vmem_shared>>) offsets(%arg15 : memref<80xi32, #tpu.memory_space<vmem>>) semaphore(%arg33 : memref<!tpu.dma_semaphore, #tpu.memory_space<semaphore_mem>>) {add = true}
      %add3A_964 = arith.constant 2 : i32
      %add3A_965 = arith.addi %add3A_950, %add3A_964 : i32
      %lt3A_966 = arith.constant 125 : i32
      %lt3A_967 = arith.cmpi slt, %add3A_965, %lt3A_966 : i32
      %convert_element_type3A_968 = arith.extui %lt3A_967 : i1 to i32
      %cond3A_969 = arith.constant 0 : i32
      %cond3A_970 = arith.cmpi ne, %convert_element_type3A_968, %cond3A_969 : i32
      scf.if %cond3A_970 {
        %add3A_1102 = arith.constant 2 : i32
        %add3A_1103 = arith.addi %add3A_950, %add3A_1102 : i32
        %mul3A_1104 = arith.constant 80 : i32
        %mul3A_1105 = arith.muli %add3A_1103, %mul3A_1104 : i32
        %add3A_1106 = arith.addi %mul3A_403, %mul3A_1105 : i32
        %dma_wait3A_1107 = arith.constant 0 : i32
        %dma_wait3A_1108 = tpu.memref_slice %arg3[%scan3A_521, %scan3A_522, %dma_wait3A_1107] : memref<2x1x320000xi32, #tpu.memory_space<hbm>> -> memref<1x1x320000xi32, #tpu.memory_space<hbm>>
        %dma_wait3A_1109 = tpu.memref_squeeze %dma_wait3A_1108 : memref<1x1x320000xi32, #tpu.memory_space<hbm>> -> memref<320000xi32, #tpu.memory_space<hbm>>
        %dma_wait3A_1110 = tpu.memref_slice %dma_wait3A_1109[%add3A_1106] : memref<320000xi32, #tpu.memory_space<hbm>> -> memref<80xi32, #tpu.memory_space<hbm>>
        %dma_wait3A_1111 = arith.constant 0 : i32
        %dma_wait3A_1112 = tpu.memref_slice %arg3[%scan3A_521, %scan3A_522, %dma_wait3A_1111] : memref<2x1x320000xi32, #tpu.memory_space<hbm>> -> memref<1x1x320000xi32, #tpu.memory_space<hbm>>
        %dma_wait3A_1113 = tpu.memref_squeeze %dma_wait3A_1112 : memref<1x1x320000xi32, #tpu.memory_space<hbm>> -> memref<320000xi32, #tpu.memory_space<hbm>>
        %dma_wait3A_1114 = tpu.memref_slice %dma_wait3A_1113[%add3A_1106] : memref<320000xi32, #tpu.memory_space<hbm>> -> memref<80xi32, #tpu.memory_space<hbm>>
        tpu.wait_dma2 semaphore(%arg37 : memref<!tpu.dma_semaphore, #tpu.memory_space<semaphore_mem>>) src(%dma_wait3A_1114 : memref<80xi32, #tpu.memory_space<hbm>>) dst(%arg11 : memref<80xi32, #tpu.memory_space<vmem>>)
        %dma_wait3A_1115 = arith.constant 0 : i32
        %dma_wait3A_1116 = tpu.memref_slice %arg3[%scan3A_523, %scan3A_524, %dma_wait3A_1115] : memref<2x1x320000xi32, #tpu.memory_space<hbm>> -> memref<1x1x320000xi32, #tpu.memory_space<hbm>>
        %dma_wait3A_1117 = tpu.memref_squeeze %dma_wait3A_1116 : memref<1x1x320000xi32, #tpu.memory_space<hbm>> -> memref<320000xi32, #tpu.memory_space<hbm>>
        %dma_wait3A_1118 = tpu.memref_slice %dma_wait3A_1117[%add3A_1106] : memref<320000xi32, #tpu.memory_space<hbm>> -> memref<80xi32, #tpu.memory_space<hbm>>
        %dma_wait3A_1119 = arith.constant 0 : i32
        %dma_wait3A_1120 = tpu.memref_slice %arg3[%scan3A_523, %scan3A_524, %dma_wait3A_1119] : memref<2x1x320000xi32, #tpu.memory_space<hbm>> -> memref<1x1x320000xi32, #tpu.memory_space<hbm>>
        %dma_wait3A_1121 = tpu.memref_squeeze %dma_wait3A_1120 : memref<1x1x320000xi32, #tpu.memory_space<hbm>> -> memref<320000xi32, #tpu.memory_space<hbm>>
        %dma_wait3A_1122 = tpu.memref_slice %dma_wait3A_1121[%add3A_1106] : memref<320000xi32, #tpu.memory_space<hbm>> -> memref<80xi32, #tpu.memory_space<hbm>>
        tpu.wait_dma2 semaphore(%arg37 : memref<!tpu.dma_semaphore, #tpu.memory_space<semaphore_mem>>) src(%dma_wait3A_1122 : memref<80xi32, #tpu.memory_space<hbm>>) dst(%arg17 : memref<80xi32, #tpu.memory_space<vmem>>)
        %dma_start3A_1123 = arith.constant 0 : i32
        %dma_start3A_1124 = arith.constant 0 : i32
        %dma_start3A_1125 = tpu.memref_slice %arg2[%dma_start3A_1123, %dma_start3A_1124] : memref<10000x128xf32, #tpu.memory_space<hbm>> -> memref<10000x128xf32, #tpu.memory_space<hbm>>
        tpu.enqueue_indirect_dma source(%dma_start3A_1125 : memref<10000x128xf32, #tpu.memory_space<hbm>>) target(%arg21 : memref<80x128xf32, #tpu.memory_space<vmem>>) offsets(%arg11 : memref<80xi32, #tpu.memory_space<vmem>>) semaphore(%arg27 : memref<!tpu.dma_semaphore, #tpu.memory_space<semaphore_mem>>)
      } else {
      }
      %add3A_971 = arith.constant 3 : i32
      %add3A_972 = arith.addi %add3A_950, %add3A_971 : i32
      %lt3A_973 = arith.constant 125 : i32
      %lt3A_974 = arith.cmpi slt, %add3A_972, %lt3A_973 : i32
      %convert_element_type3A_975 = arith.extui %lt3A_974 : i1 to i32
      %cond3A_976 = arith.constant 0 : i32
      %cond3A_977 = arith.cmpi ne, %convert_element_type3A_975, %cond3A_976 : i32
      scf.if %cond3A_977 {
        %add3A_1102 = arith.constant 3 : i32
        %add3A_1103 = arith.addi %add3A_950, %add3A_1102 : i32
        %mul3A_1104 = arith.constant 80 : i32
        %mul3A_1105 = arith.muli %add3A_1103, %mul3A_1104 : i32
        %add3A_1106 = arith.addi %mul3A_403, %mul3A_1105 : i32
        %dma_start3A_1107 = arith.constant 0 : i32
        %dma_start3A_1108 = tpu.memref_slice %arg3[%scan3A_521, %scan3A_522, %dma_start3A_1107] : memref<2x1x320000xi32, #tpu.memory_space<hbm>> -> memref<1x1x320000xi32, #tpu.memory_space<hbm>>
        %dma_start3A_1109 = tpu.memref_squeeze %dma_start3A_1108 : memref<1x1x320000xi32, #tpu.memory_space<hbm>> -> memref<320000xi32, #tpu.memory_space<hbm>>
        %dma_start3A_1110 = tpu.memref_slice %dma_start3A_1109[%add3A_1106] : memref<320000xi32, #tpu.memory_space<hbm>> -> memref<80xi32, #tpu.memory_space<hbm>>
        %dma_start3A_1111 = arith.constant 0 : i32
        %dma_start3A_1112 = tpu.memref_slice %arg3[%scan3A_521, %scan3A_522, %dma_start3A_1111] : memref<2x1x320000xi32, #tpu.memory_space<hbm>> -> memref<1x1x320000xi32, #tpu.memory_space<hbm>>
        %dma_start3A_1113 = tpu.memref_squeeze %dma_start3A_1112 : memref<1x1x320000xi32, #tpu.memory_space<hbm>> -> memref<320000xi32, #tpu.memory_space<hbm>>
        %dma_start3A_1114 = tpu.memref_slice %dma_start3A_1113[%add3A_1106] : memref<320000xi32, #tpu.memory_space<hbm>> -> memref<80xi32, #tpu.memory_space<hbm>>
        tpu.enqueue_dma source(%dma_start3A_1114 : memref<80xi32, #tpu.memory_space<hbm>>) target(%arg12 : memref<80xi32, #tpu.memory_space<vmem>>) target_semaphore(%arg38 : memref<!tpu.dma_semaphore, #tpu.memory_space<semaphore_mem>>)
        %dma_start3A_1115 = arith.constant 0 : i32
        %dma_start3A_1116 = tpu.memref_slice %arg3[%scan3A_523, %scan3A_524, %dma_start3A_1115] : memref<2x1x320000xi32, #tpu.memory_space<hbm>> -> memref<1x1x320000xi32, #tpu.memory_space<hbm>>
        %dma_start3A_1117 = tpu.memref_squeeze %dma_start3A_1116 : memref<1x1x320000xi32, #tpu.memory_space<hbm>> -> memref<320000xi32, #tpu.memory_space<hbm>>
        %dma_start3A_1118 = tpu.memref_slice %dma_start3A_1117[%add3A_1106] : memref<320000xi32, #tpu.memory_space<hbm>> -> memref<80xi32, #tpu.memory_space<hbm>>
        %dma_start3A_1119 = arith.constant 0 : i32
        %dma_start3A_1120 = tpu.memref_slice %arg3[%scan3A_523, %scan3A_524, %dma_start3A_1119] : memref<2x1x320000xi32, #tpu.memory_space<hbm>> -> memref<1x1x320000xi32, #tpu.memory_space<hbm>>
        %dma_start3A_1121 = tpu.memref_squeeze %dma_start3A_1120 : memref<1x1x320000xi32, #tpu.memory_space<hbm>> -> memref<320000xi32, #tpu.memory_space<hbm>>
        %dma_start3A_1122 = tpu.memref_slice %dma_start3A_1121[%add3A_1106] : memref<320000xi32, #tpu.memory_space<hbm>> -> memref<80xi32, #tpu.memory_space<hbm>>
        tpu.enqueue_dma source(%dma_start3A_1122 : memref<80xi32, #tpu.memory_space<hbm>>) target(%arg18 : memref<80xi32, #tpu.memory_space<vmem>>) target_semaphore(%arg38 : memref<!tpu.dma_semaphore, #tpu.memory_space<semaphore_mem>>)
      } else {
      }
      %mul3A_978 = arith.constant 12 : i32
      %mul3A_979 = arith.muli %mul3A_978, %scan3A_733 : i32
      %add3A_980 = arith.constant 8 : i32
      %add3A_981 = arith.addi %mul3A_979, %add3A_980 : i32
      %dma_wait3A_982 = arith.constant 0 : i32
      %dma_wait3A_983 = arith.constant 0 : i32
      %dma_wait3A_984 = tpu.memref_slice %arg2[%dma_wait3A_982, %dma_wait3A_983] : memref<10000x128xf32, #tpu.memory_space<hbm>> -> memref<10000x128xf32, #tpu.memory_space<hbm>>
      tpu.wait_indirect_dma semaphore(%arg26 : memref<!tpu.dma_semaphore, #tpu.memory_space<semaphore_mem>>) src(%dma_wait3A_984 : memref<10000x128xf32, #tpu.memory_space<hbm>>) dst(%arg20 : memref<80x128xf32, #tpu.memory_space<vmem>>)
      %ge3A_985 = arith.constant 2 : i32
      %ge3A_986 = arith.cmpi sge, %add3A_981, %ge3A_985 : i32
      %convert_element_type3A_987 = arith.extui %ge3A_986 : i1 to i32
      %cond3A_988 = arith.constant 0 : i32
      %cond3A_989 = arith.cmpi ne, %convert_element_type3A_987, %cond3A_988 : i32
      scf.if %cond3A_989 {
        %dma_wait3A_1102 = arith.constant 0 : i32
        %dma_wait3A_1103 = arith.constant 0 : i32
        %dma_wait3A_1104 = tpu.memref_slice %arg6[%dma_wait3A_1102, %dma_wait3A_1103] : memref<10240x128xf32, #tpu.memory_space<vmem_shared>> -> memref<10240x128xf32, #tpu.memory_space<vmem_shared>>
        tpu.wait_indirect_dma semaphore(%arg32 : memref<!tpu.dma_semaphore, #tpu.memory_space<semaphore_mem>>) src(%arg22 : memref<80x128xf32, #tpu.memory_space<vmem>>) dst(%dma_wait3A_1104 : memref<10240x128xf32, #tpu.memory_space<vmem_shared>>)
        %dma_wait3A_1105 = arith.constant 0 : i32
        %dma_wait3A_1106 = tpu.memref_slice %arg7[%dma_wait3A_1105] : memref<10240xf32, #tpu.memory_space<vmem_shared>> -> memref<10240xf32, #tpu.memory_space<vmem_shared>>
        tpu.wait_indirect_dma semaphore(%arg32 : memref<!tpu.dma_semaphore, #tpu.memory_space<semaphore_mem>>) src(%arg24 : memref<80xf32, #tpu.memory_space<vmem>>) dst(%dma_wait3A_1106 : memref<10240xf32, #tpu.memory_space<vmem_shared>>)
      } else {
      }
      %dma_start3A_990 = arith.constant 0 : i32
      %dma_start3A_991 = arith.constant 0 : i32
      %dma_start3A_992 = tpu.memref_slice %arg6[%dma_start3A_990, %dma_start3A_991] : memref<10240x128xf32, #tpu.memory_space<vmem_shared>> -> memref<10240x128xf32, #tpu.memory_space<vmem_shared>>
      tpu.enqueue_indirect_dma source(%arg20 : memref<80x128xf32, #tpu.memory_space<vmem>>) target(%dma_start3A_992 : memref<10240x128xf32, #tpu.memory_space<vmem_shared>>) offsets(%arg16 : memref<80xi32, #tpu.memory_space<vmem>>) semaphore(%arg30 : memref<!tpu.dma_semaphore, #tpu.memory_space<semaphore_mem>>) {add = true}
      %dma_start3A_993 = arith.constant 0 : i32
      %dma_start3A_994 = tpu.memref_slice %arg7[%dma_start3A_993] : memref<10240xf32, #tpu.memory_space<vmem_shared>> -> memref<10240xf32, #tpu.memory_space<vmem_shared>>
      tpu.enqueue_indirect_dma source(%arg24 : memref<80xf32, #tpu.memory_space<vmem>>) target(%dma_start3A_994 : memref<10240xf32, #tpu.memory_space<vmem_shared>>) offsets(%arg16 : memref<80xi32, #tpu.memory_space<vmem>>) semaphore(%arg30 : memref<!tpu.dma_semaphore, #tpu.memory_space<semaphore_mem>>) {add = true}
      %add3A_995 = arith.constant 2 : i32
      %add3A_996 = arith.addi %add3A_981, %add3A_995 : i32
      %lt3A_997 = arith.constant 125 : i32
      %lt3A_998 = arith.cmpi slt, %add3A_996, %lt3A_997 : i32
      %convert_element_type3A_999 = arith.extui %lt3A_998 : i1 to i32
      %cond3A_1000 = arith.constant 0 : i32
      %cond3A_1001 = arith.cmpi ne, %convert_element_type3A_999, %cond3A_1000 : i32
      scf.if %cond3A_1001 {
        %add3A_1102 = arith.constant 2 : i32
        %add3A_1103 = arith.addi %add3A_981, %add3A_1102 : i32
        %mul3A_1104 = arith.constant 80 : i32
        %mul3A_1105 = arith.muli %add3A_1103, %mul3A_1104 : i32
        %add3A_1106 = arith.addi %mul3A_403, %mul3A_1105 : i32
        %dma_wait3A_1107 = arith.constant 0 : i32
        %dma_wait3A_1108 = tpu.memref_slice %arg3[%scan3A_521, %scan3A_522, %dma_wait3A_1107] : memref<2x1x320000xi32, #tpu.memory_space<hbm>> -> memref<1x1x320000xi32, #tpu.memory_space<hbm>>
        %dma_wait3A_1109 = tpu.memref_squeeze %dma_wait3A_1108 : memref<1x1x320000xi32, #tpu.memory_space<hbm>> -> memref<320000xi32, #tpu.memory_space<hbm>>
        %dma_wait3A_1110 = tpu.memref_slice %dma_wait3A_1109[%add3A_1106] : memref<320000xi32, #tpu.memory_space<hbm>> -> memref<80xi32, #tpu.memory_space<hbm>>
        %dma_wait3A_1111 = arith.constant 0 : i32
        %dma_wait3A_1112 = tpu.memref_slice %arg3[%scan3A_521, %scan3A_522, %dma_wait3A_1111] : memref<2x1x320000xi32, #tpu.memory_space<hbm>> -> memref<1x1x320000xi32, #tpu.memory_space<hbm>>
        %dma_wait3A_1113 = tpu.memref_squeeze %dma_wait3A_1112 : memref<1x1x320000xi32, #tpu.memory_space<hbm>> -> memref<320000xi32, #tpu.memory_space<hbm>>
        %dma_wait3A_1114 = tpu.memref_slice %dma_wait3A_1113[%add3A_1106] : memref<320000xi32, #tpu.memory_space<hbm>> -> memref<80xi32, #tpu.memory_space<hbm>>
        tpu.wait_dma2 semaphore(%arg38 : memref<!tpu.dma_semaphore, #tpu.memory_space<semaphore_mem>>) src(%dma_wait3A_1114 : memref<80xi32, #tpu.memory_space<hbm>>) dst(%arg12 : memref<80xi32, #tpu.memory_space<vmem>>)
        %dma_wait3A_1115 = arith.constant 0 : i32
        %dma_wait3A_1116 = tpu.memref_slice %arg3[%scan3A_523, %scan3A_524, %dma_wait3A_1115] : memref<2x1x320000xi32, #tpu.memory_space<hbm>> -> memref<1x1x320000xi32, #tpu.memory_space<hbm>>
        %dma_wait3A_1117 = tpu.memref_squeeze %dma_wait3A_1116 : memref<1x1x320000xi32, #tpu.memory_space<hbm>> -> memref<320000xi32, #tpu.memory_space<hbm>>
        %dma_wait3A_1118 = tpu.memref_slice %dma_wait3A_1117[%add3A_1106] : memref<320000xi32, #tpu.memory_space<hbm>> -> memref<80xi32, #tpu.memory_space<hbm>>
        %dma_wait3A_1119 = arith.constant 0 : i32
        %dma_wait3A_1120 = tpu.memref_slice %arg3[%scan3A_523, %scan3A_524, %dma_wait3A_1119] : memref<2x1x320000xi32, #tpu.memory_space<hbm>> -> memref<1x1x320000xi32, #tpu.memory_space<hbm>>
        %dma_wait3A_1121 = tpu.memref_squeeze %dma_wait3A_1120 : memref<1x1x320000xi32, #tpu.memory_space<hbm>> -> memref<320000xi32, #tpu.memory_space<hbm>>
        %dma_wait3A_1122 = tpu.memref_slice %dma_wait3A_1121[%add3A_1106] : memref<320000xi32, #tpu.memory_space<hbm>> -> memref<80xi32, #tpu.memory_space<hbm>>
        tpu.wait_dma2 semaphore(%arg38 : memref<!tpu.dma_semaphore, #tpu.memory_space<semaphore_mem>>) src(%dma_wait3A_1122 : memref<80xi32, #tpu.memory_space<hbm>>) dst(%arg18 : memref<80xi32, #tpu.memory_space<vmem>>)
        %dma_start3A_1123 = arith.constant 0 : i32
        %dma_start3A_1124 = arith.constant 0 : i32
        %dma_start3A_1125 = tpu.memref_slice %arg2[%dma_start3A_1123, %dma_start3A_1124] : memref<10000x128xf32, #tpu.memory_space<hbm>> -> memref<10000x128xf32, #tpu.memory_space<hbm>>
        tpu.enqueue_indirect_dma source(%dma_start3A_1125 : memref<10000x128xf32, #tpu.memory_space<hbm>>) target(%arg22 : memref<80x128xf32, #tpu.memory_space<vmem>>) offsets(%arg12 : memref<80xi32, #tpu.memory_space<vmem>>) semaphore(%arg28 : memref<!tpu.dma_semaphore, #tpu.memory_space<semaphore_mem>>)
      } else {
      }
      %add3A_1002 = arith.constant 3 : i32
      %add3A_1003 = arith.addi %add3A_981, %add3A_1002 : i32
      %lt3A_1004 = arith.constant 125 : i32
      %lt3A_1005 = arith.cmpi slt, %add3A_1003, %lt3A_1004 : i32
      %convert_element_type3A_1006 = arith.extui %lt3A_1005 : i1 to i32
      %cond3A_1007 = arith.constant 0 : i32
      %cond3A_1008 = arith.cmpi ne, %convert_element_type3A_1006, %cond3A_1007 : i32
      scf.if %cond3A_1008 {
        %add3A_1102 = arith.constant 3 : i32
        %add3A_1103 = arith.addi %add3A_981, %add3A_1102 : i32
        %mul3A_1104 = arith.constant 80 : i32
        %mul3A_1105 = arith.muli %add3A_1103, %mul3A_1104 : i32
        %add3A_1106 = arith.addi %mul3A_403, %mul3A_1105 : i32
        %dma_start3A_1107 = arith.constant 0 : i32
        %dma_start3A_1108 = tpu.memref_slice %arg3[%scan3A_521, %scan3A_522, %dma_start3A_1107] : memref<2x1x320000xi32, #tpu.memory_space<hbm>> -> memref<1x1x320000xi32, #tpu.memory_space<hbm>>
        %dma_start3A_1109 = tpu.memref_squeeze %dma_start3A_1108 : memref<1x1x320000xi32, #tpu.memory_space<hbm>> -> memref<320000xi32, #tpu.memory_space<hbm>>
        %dma_start3A_1110 = tpu.memref_slice %dma_start3A_1109[%add3A_1106] : memref<320000xi32, #tpu.memory_space<hbm>> -> memref<80xi32, #tpu.memory_space<hbm>>
        %dma_start3A_1111 = arith.constant 0 : i32
        %dma_start3A_1112 = tpu.memref_slice %arg3[%scan3A_521, %scan3A_522, %dma_start3A_1111] : memref<2x1x320000xi32, #tpu.memory_space<hbm>> -> memref<1x1x320000xi32, #tpu.memory_space<hbm>>
        %dma_start3A_1113 = tpu.memref_squeeze %dma_start3A_1112 : memref<1x1x320000xi32, #tpu.memory_space<hbm>> -> memref<320000xi32, #tpu.memory_space<hbm>>
        %dma_start3A_1114 = tpu.memref_slice %dma_start3A_1113[%add3A_1106] : memref<320000xi32, #tpu.memory_space<hbm>> -> memref<80xi32, #tpu.memory_space<hbm>>
        tpu.enqueue_dma source(%dma_start3A_1114 : memref<80xi32, #tpu.memory_space<hbm>>) target(%arg13 : memref<80xi32, #tpu.memory_space<vmem>>) target_semaphore(%arg39 : memref<!tpu.dma_semaphore, #tpu.memory_space<semaphore_mem>>)
        %dma_start3A_1115 = arith.constant 0 : i32
        %dma_start3A_1116 = tpu.memref_slice %arg3[%scan3A_523, %scan3A_524, %dma_start3A_1115] : memref<2x1x320000xi32, #tpu.memory_space<hbm>> -> memref<1x1x320000xi32, #tpu.memory_space<hbm>>
        %dma_start3A_1117 = tpu.memref_squeeze %dma_start3A_1116 : memref<1x1x320000xi32, #tpu.memory_space<hbm>> -> memref<320000xi32, #tpu.memory_space<hbm>>
        %dma_start3A_1118 = tpu.memref_slice %dma_start3A_1117[%add3A_1106] : memref<320000xi32, #tpu.memory_space<hbm>> -> memref<80xi32, #tpu.memory_space<hbm>>
        %dma_start3A_1119 = arith.constant 0 : i32
        %dma_start3A_1120 = tpu.memref_slice %arg3[%scan3A_523, %scan3A_524, %dma_start3A_1119] : memref<2x1x320000xi32, #tpu.memory_space<hbm>> -> memref<1x1x320000xi32, #tpu.memory_space<hbm>>
        %dma_start3A_1121 = tpu.memref_squeeze %dma_start3A_1120 : memref<1x1x320000xi32, #tpu.memory_space<hbm>> -> memref<320000xi32, #tpu.memory_space<hbm>>
        %dma_start3A_1122 = tpu.memref_slice %dma_start3A_1121[%add3A_1106] : memref<320000xi32, #tpu.memory_space<hbm>> -> memref<80xi32, #tpu.memory_space<hbm>>
        tpu.enqueue_dma source(%dma_start3A_1122 : memref<80xi32, #tpu.memory_space<hbm>>) target(%arg19 : memref<80xi32, #tpu.memory_space<vmem>>) target_semaphore(%arg39 : memref<!tpu.dma_semaphore, #tpu.memory_space<semaphore_mem>>)
      } else {
      }
      %mul3A_1009 = arith.constant 12 : i32
      %mul3A_1010 = arith.muli %mul3A_1009, %scan3A_733 : i32
      %add3A_1011 = arith.constant 9 : i32
      %add3A_1012 = arith.addi %mul3A_1010, %add3A_1011 : i32
      %dma_wait3A_1013 = arith.constant 0 : i32
      %dma_wait3A_1014 = arith.constant 0 : i32
      %dma_wait3A_1015 = tpu.memref_slice %arg2[%dma_wait3A_1013, %dma_wait3A_1014] : memref<10000x128xf32, #tpu.memory_space<hbm>> -> memref<10000x128xf32, #tpu.memory_space<hbm>>
      tpu.wait_indirect_dma semaphore(%arg27 : memref<!tpu.dma_semaphore, #tpu.memory_space<semaphore_mem>>) src(%dma_wait3A_1015 : memref<10000x128xf32, #tpu.memory_space<hbm>>) dst(%arg21 : memref<80x128xf32, #tpu.memory_space<vmem>>)
      %ge3A_1016 = arith.constant 2 : i32
      %ge3A_1017 = arith.cmpi sge, %add3A_1012, %ge3A_1016 : i32
      %convert_element_type3A_1018 = arith.extui %ge3A_1017 : i1 to i32
      %cond3A_1019 = arith.constant 0 : i32
      %cond3A_1020 = arith.cmpi ne, %convert_element_type3A_1018, %cond3A_1019 : i32
      scf.if %cond3A_1020 {
        %dma_wait3A_1102 = arith.constant 0 : i32
        %dma_wait3A_1103 = arith.constant 0 : i32
        %dma_wait3A_1104 = tpu.memref_slice %arg6[%dma_wait3A_1102, %dma_wait3A_1103] : memref<10240x128xf32, #tpu.memory_space<vmem_shared>> -> memref<10240x128xf32, #tpu.memory_space<vmem_shared>>
        tpu.wait_indirect_dma semaphore(%arg33 : memref<!tpu.dma_semaphore, #tpu.memory_space<semaphore_mem>>) src(%arg23 : memref<80x128xf32, #tpu.memory_space<vmem>>) dst(%dma_wait3A_1104 : memref<10240x128xf32, #tpu.memory_space<vmem_shared>>)
        %dma_wait3A_1105 = arith.constant 0 : i32
        %dma_wait3A_1106 = tpu.memref_slice %arg7[%dma_wait3A_1105] : memref<10240xf32, #tpu.memory_space<vmem_shared>> -> memref<10240xf32, #tpu.memory_space<vmem_shared>>
        tpu.wait_indirect_dma semaphore(%arg33 : memref<!tpu.dma_semaphore, #tpu.memory_space<semaphore_mem>>) src(%arg24 : memref<80xf32, #tpu.memory_space<vmem>>) dst(%dma_wait3A_1106 : memref<10240xf32, #tpu.memory_space<vmem_shared>>)
      } else {
      }
      %dma_start3A_1021 = arith.constant 0 : i32
      %dma_start3A_1022 = arith.constant 0 : i32
      %dma_start3A_1023 = tpu.memref_slice %arg6[%dma_start3A_1021, %dma_start3A_1022] : memref<10240x128xf32, #tpu.memory_space<vmem_shared>> -> memref<10240x128xf32, #tpu.memory_space<vmem_shared>>
      tpu.enqueue_indirect_dma source(%arg21 : memref<80x128xf32, #tpu.memory_space<vmem>>) target(%dma_start3A_1023 : memref<10240x128xf32, #tpu.memory_space<vmem_shared>>) offsets(%arg17 : memref<80xi32, #tpu.memory_space<vmem>>) semaphore(%arg31 : memref<!tpu.dma_semaphore, #tpu.memory_space<semaphore_mem>>) {add = true}
      %dma_start3A_1024 = arith.constant 0 : i32
      %dma_start3A_1025 = tpu.memref_slice %arg7[%dma_start3A_1024] : memref<10240xf32, #tpu.memory_space<vmem_shared>> -> memref<10240xf32, #tpu.memory_space<vmem_shared>>
      tpu.enqueue_indirect_dma source(%arg24 : memref<80xf32, #tpu.memory_space<vmem>>) target(%dma_start3A_1025 : memref<10240xf32, #tpu.memory_space<vmem_shared>>) offsets(%arg17 : memref<80xi32, #tpu.memory_space<vmem>>) semaphore(%arg31 : memref<!tpu.dma_semaphore, #tpu.memory_space<semaphore_mem>>) {add = true}
      %add3A_1026 = arith.constant 2 : i32
      %add3A_1027 = arith.addi %add3A_1012, %add3A_1026 : i32
      %lt3A_1028 = arith.constant 125 : i32
      %lt3A_1029 = arith.cmpi slt, %add3A_1027, %lt3A_1028 : i32
      %convert_element_type3A_1030 = arith.extui %lt3A_1029 : i1 to i32
      %cond3A_1031 = arith.constant 0 : i32
      %cond3A_1032 = arith.cmpi ne, %convert_element_type3A_1030, %cond3A_1031 : i32
      scf.if %cond3A_1032 {
        %add3A_1102 = arith.constant 2 : i32
        %add3A_1103 = arith.addi %add3A_1012, %add3A_1102 : i32
        %mul3A_1104 = arith.constant 80 : i32
        %mul3A_1105 = arith.muli %add3A_1103, %mul3A_1104 : i32
        %add3A_1106 = arith.addi %mul3A_403, %mul3A_1105 : i32
        %dma_wait3A_1107 = arith.constant 0 : i32
        %dma_wait3A_1108 = tpu.memref_slice %arg3[%scan3A_521, %scan3A_522, %dma_wait3A_1107] : memref<2x1x320000xi32, #tpu.memory_space<hbm>> -> memref<1x1x320000xi32, #tpu.memory_space<hbm>>
        %dma_wait3A_1109 = tpu.memref_squeeze %dma_wait3A_1108 : memref<1x1x320000xi32, #tpu.memory_space<hbm>> -> memref<320000xi32, #tpu.memory_space<hbm>>
        %dma_wait3A_1110 = tpu.memref_slice %dma_wait3A_1109[%add3A_1106] : memref<320000xi32, #tpu.memory_space<hbm>> -> memref<80xi32, #tpu.memory_space<hbm>>
        %dma_wait3A_1111 = arith.constant 0 : i32
        %dma_wait3A_1112 = tpu.memref_slice %arg3[%scan3A_521, %scan3A_522, %dma_wait3A_1111] : memref<2x1x320000xi32, #tpu.memory_space<hbm>> -> memref<1x1x320000xi32, #tpu.memory_space<hbm>>
        %dma_wait3A_1113 = tpu.memref_squeeze %dma_wait3A_1112 : memref<1x1x320000xi32, #tpu.memory_space<hbm>> -> memref<320000xi32, #tpu.memory_space<hbm>>
        %dma_wait3A_1114 = tpu.memref_slice %dma_wait3A_1113[%add3A_1106] : memref<320000xi32, #tpu.memory_space<hbm>> -> memref<80xi32, #tpu.memory_space<hbm>>
        tpu.wait_dma2 semaphore(%arg39 : memref<!tpu.dma_semaphore, #tpu.memory_space<semaphore_mem>>) src(%dma_wait3A_1114 : memref<80xi32, #tpu.memory_space<hbm>>) dst(%arg13 : memref<80xi32, #tpu.memory_space<vmem>>)
        %dma_wait3A_1115 = arith.constant 0 : i32
        %dma_wait3A_1116 = tpu.memref_slice %arg3[%scan3A_523, %scan3A_524, %dma_wait3A_1115] : memref<2x1x320000xi32, #tpu.memory_space<hbm>> -> memref<1x1x320000xi32, #tpu.memory_space<hbm>>
        %dma_wait3A_1117 = tpu.memref_squeeze %dma_wait3A_1116 : memref<1x1x320000xi32, #tpu.memory_space<hbm>> -> memref<320000xi32, #tpu.memory_space<hbm>>
        %dma_wait3A_1118 = tpu.memref_slice %dma_wait3A_1117[%add3A_1106] : memref<320000xi32, #tpu.memory_space<hbm>> -> memref<80xi32, #tpu.memory_space<hbm>>
        %dma_wait3A_1119 = arith.constant 0 : i32
        %dma_wait3A_1120 = tpu.memref_slice %arg3[%scan3A_523, %scan3A_524, %dma_wait3A_1119] : memref<2x1x320000xi32, #tpu.memory_space<hbm>> -> memref<1x1x320000xi32, #tpu.memory_space<hbm>>
        %dma_wait3A_1121 = tpu.memref_squeeze %dma_wait3A_1120 : memref<1x1x320000xi32, #tpu.memory_space<hbm>> -> memref<320000xi32, #tpu.memory_space<hbm>>
        %dma_wait3A_1122 = tpu.memref_slice %dma_wait3A_1121[%add3A_1106] : memref<320000xi32, #tpu.memory_space<hbm>> -> memref<80xi32, #tpu.memory_space<hbm>>
        tpu.wait_dma2 semaphore(%arg39 : memref<!tpu.dma_semaphore, #tpu.memory_space<semaphore_mem>>) src(%dma_wait3A_1122 : memref<80xi32, #tpu.memory_space<hbm>>) dst(%arg19 : memref<80xi32, #tpu.memory_space<vmem>>)
        %dma_start3A_1123 = arith.constant 0 : i32
        %dma_start3A_1124 = arith.constant 0 : i32
        %dma_start3A_1125 = tpu.memref_slice %arg2[%dma_start3A_1123, %dma_start3A_1124] : memref<10000x128xf32, #tpu.memory_space<hbm>> -> memref<10000x128xf32, #tpu.memory_space<hbm>>
        tpu.enqueue_indirect_dma source(%dma_start3A_1125 : memref<10000x128xf32, #tpu.memory_space<hbm>>) target(%arg23 : memref<80x128xf32, #tpu.memory_space<vmem>>) offsets(%arg13 : memref<80xi32, #tpu.memory_space<vmem>>) semaphore(%arg29 : memref<!tpu.dma_semaphore, #tpu.memory_space<semaphore_mem>>)
      } else {
      }
      %add3A_1033 = arith.constant 3 : i32
      %add3A_1034 = arith.addi %add3A_1012, %add3A_1033 : i32
      %lt3A_1035 = arith.constant 125 : i32
      %lt3A_1036 = arith.cmpi slt, %add3A_1034, %lt3A_1035 : i32
      %convert_element_type3A_1037 = arith.extui %lt3A_1036 : i1 to i32
      %cond3A_1038 = arith.constant 0 : i32
      %cond3A_1039 = arith.cmpi ne, %convert_element_type3A_1037, %cond3A_1038 : i32
      scf.if %cond3A_1039 {
        %add3A_1102 = arith.constant 3 : i32
        %add3A_1103 = arith.addi %add3A_1012, %add3A_1102 : i32
        %mul3A_1104 = arith.constant 80 : i32
        %mul3A_1105 = arith.muli %add3A_1103, %mul3A_1104 : i32
        %add3A_1106 = arith.addi %mul3A_403, %mul3A_1105 : i32
        %dma_start3A_1107 = arith.constant 0 : i32
        %dma_start3A_1108 = tpu.memref_slice %arg3[%scan3A_521, %scan3A_522, %dma_start3A_1107] : memref<2x1x320000xi32, #tpu.memory_space<hbm>> -> memref<1x1x320000xi32, #tpu.memory_space<hbm>>
        %dma_start3A_1109 = tpu.memref_squeeze %dma_start3A_1108 : memref<1x1x320000xi32, #tpu.memory_space<hbm>> -> memref<320000xi32, #tpu.memory_space<hbm>>
        %dma_start3A_1110 = tpu.memref_slice %dma_start3A_1109[%add3A_1106] : memref<320000xi32, #tpu.memory_space<hbm>> -> memref<80xi32, #tpu.memory_space<hbm>>
        %dma_start3A_1111 = arith.constant 0 : i32
        %dma_start3A_1112 = tpu.memref_slice %arg3[%scan3A_521, %scan3A_522, %dma_start3A_1111] : memref<2x1x320000xi32, #tpu.memory_space<hbm>> -> memref<1x1x320000xi32, #tpu.memory_space<hbm>>
        %dma_start3A_1113 = tpu.memref_squeeze %dma_start3A_1112 : memref<1x1x320000xi32, #tpu.memory_space<hbm>> -> memref<320000xi32, #tpu.memory_space<hbm>>
        %dma_start3A_1114 = tpu.memref_slice %dma_start3A_1113[%add3A_1106] : memref<320000xi32, #tpu.memory_space<hbm>> -> memref<80xi32, #tpu.memory_space<hbm>>
        tpu.enqueue_dma source(%dma_start3A_1114 : memref<80xi32, #tpu.memory_space<hbm>>) target(%arg8 : memref<80xi32, #tpu.memory_space<vmem>>) target_semaphore(%arg34 : memref<!tpu.dma_semaphore, #tpu.memory_space<semaphore_mem>>)
        %dma_start3A_1115 = arith.constant 0 : i32
        %dma_start3A_1116 = tpu.memref_slice %arg3[%scan3A_523, %scan3A_524, %dma_start3A_1115] : memref<2x1x320000xi32, #tpu.memory_space<hbm>> -> memref<1x1x320000xi32, #tpu.memory_space<hbm>>
        %dma_start3A_1117 = tpu.memref_squeeze %dma_start3A_1116 : memref<1x1x320000xi32, #tpu.memory_space<hbm>> -> memref<320000xi32, #tpu.memory_space<hbm>>
        %dma_start3A_1118 = tpu.memref_slice %dma_start3A_1117[%add3A_1106] : memref<320000xi32, #tpu.memory_space<hbm>> -> memref<80xi32, #tpu.memory_space<hbm>>
        %dma_start3A_1119 = arith.constant 0 : i32
        %dma_start3A_1120 = tpu.memref_slice %arg3[%scan3A_523, %scan3A_524, %dma_start3A_1119] : memref<2x1x320000xi32, #tpu.memory_space<hbm>> -> memref<1x1x320000xi32, #tpu.memory_space<hbm>>
        %dma_start3A_1121 = tpu.memref_squeeze %dma_start3A_1120 : memref<1x1x320000xi32, #tpu.memory_space<hbm>> -> memref<320000xi32, #tpu.memory_space<hbm>>
        %dma_start3A_1122 = tpu.memref_slice %dma_start3A_1121[%add3A_1106] : memref<320000xi32, #tpu.memory_space<hbm>> -> memref<80xi32, #tpu.memory_space<hbm>>
        tpu.enqueue_dma source(%dma_start3A_1122 : memref<80xi32, #tpu.memory_space<hbm>>) target(%arg14 : memref<80xi32, #tpu.memory_space<vmem>>) target_semaphore(%arg34 : memref<!tpu.dma_semaphore, #tpu.memory_space<semaphore_mem>>)
      } else {
      }
      %mul3A_1040 = arith.constant 12 : i32
      %mul3A_1041 = arith.muli %mul3A_1040, %scan3A_733 : i32
      %add3A_1042 = arith.constant 10 : i32
      %add3A_1043 = arith.addi %mul3A_1041, %add3A_1042 : i32
      %dma_wait3A_1044 = arith.constant 0 : i32
      %dma_wait3A_1045 = arith.constant 0 : i32
      %dma_wait3A_1046 = tpu.memref_slice %arg2[%dma_wait3A_1044, %dma_wait3A_1045] : memref<10000x128xf32, #tpu.memory_space<hbm>> -> memref<10000x128xf32, #tpu.memory_space<hbm>>
      tpu.wait_indirect_dma semaphore(%arg28 : memref<!tpu.dma_semaphore, #tpu.memory_space<semaphore_mem>>) src(%dma_wait3A_1046 : memref<10000x128xf32, #tpu.memory_space<hbm>>) dst(%arg22 : memref<80x128xf32, #tpu.memory_space<vmem>>)
      %ge3A_1047 = arith.constant 2 : i32
      %ge3A_1048 = arith.cmpi sge, %add3A_1043, %ge3A_1047 : i32
      %convert_element_type3A_1049 = arith.extui %ge3A_1048 : i1 to i32
      %cond3A_1050 = arith.constant 0 : i32
      %cond3A_1051 = arith.cmpi ne, %convert_element_type3A_1049, %cond3A_1050 : i32
      scf.if %cond3A_1051 {
        %dma_wait3A_1102 = arith.constant 0 : i32
        %dma_wait3A_1103 = arith.constant 0 : i32
        %dma_wait3A_1104 = tpu.memref_slice %arg6[%dma_wait3A_1102, %dma_wait3A_1103] : memref<10240x128xf32, #tpu.memory_space<vmem_shared>> -> memref<10240x128xf32, #tpu.memory_space<vmem_shared>>
        tpu.wait_indirect_dma semaphore(%arg30 : memref<!tpu.dma_semaphore, #tpu.memory_space<semaphore_mem>>) src(%arg20 : memref<80x128xf32, #tpu.memory_space<vmem>>) dst(%dma_wait3A_1104 : memref<10240x128xf32, #tpu.memory_space<vmem_shared>>)
        %dma_wait3A_1105 = arith.constant 0 : i32
        %dma_wait3A_1106 = tpu.memref_slice %arg7[%dma_wait3A_1105] : memref<10240xf32, #tpu.memory_space<vmem_shared>> -> memref<10240xf32, #tpu.memory_space<vmem_shared>>
        tpu.wait_indirect_dma semaphore(%arg30 : memref<!tpu.dma_semaphore, #tpu.memory_space<semaphore_mem>>) src(%arg24 : memref<80xf32, #tpu.memory_space<vmem>>) dst(%dma_wait3A_1106 : memref<10240xf32, #tpu.memory_space<vmem_shared>>)
      } else {
      }
      %dma_start3A_1052 = arith.constant 0 : i32
      %dma_start3A_1053 = arith.constant 0 : i32
      %dma_start3A_1054 = tpu.memref_slice %arg6[%dma_start3A_1052, %dma_start3A_1053] : memref<10240x128xf32, #tpu.memory_space<vmem_shared>> -> memref<10240x128xf32, #tpu.memory_space<vmem_shared>>
      tpu.enqueue_indirect_dma source(%arg22 : memref<80x128xf32, #tpu.memory_space<vmem>>) target(%dma_start3A_1054 : memref<10240x128xf32, #tpu.memory_space<vmem_shared>>) offsets(%arg18 : memref<80xi32, #tpu.memory_space<vmem>>) semaphore(%arg32 : memref<!tpu.dma_semaphore, #tpu.memory_space<semaphore_mem>>) {add = true}
      %dma_start3A_1055 = arith.constant 0 : i32
      %dma_start3A_1056 = tpu.memref_slice %arg7[%dma_start3A_1055] : memref<10240xf32, #tpu.memory_space<vmem_shared>> -> memref<10240xf32, #tpu.memory_space<vmem_shared>>
      tpu.enqueue_indirect_dma source(%arg24 : memref<80xf32, #tpu.memory_space<vmem>>) target(%dma_start3A_1056 : memref<10240xf32, #tpu.memory_space<vmem_shared>>) offsets(%arg18 : memref<80xi32, #tpu.memory_space<vmem>>) semaphore(%arg32 : memref<!tpu.dma_semaphore, #tpu.memory_space<semaphore_mem>>) {add = true}
      %add3A_1057 = arith.constant 2 : i32
      %add3A_1058 = arith.addi %add3A_1043, %add3A_1057 : i32
      %lt3A_1059 = arith.constant 125 : i32
      %lt3A_1060 = arith.cmpi slt, %add3A_1058, %lt3A_1059 : i32
      %convert_element_type3A_1061 = arith.extui %lt3A_1060 : i1 to i32
      %cond3A_1062 = arith.constant 0 : i32
      %cond3A_1063 = arith.cmpi ne, %convert_element_type3A_1061, %cond3A_1062 : i32
      scf.if %cond3A_1063 {
        %add3A_1102 = arith.constant 2 : i32
        %add3A_1103 = arith.addi %add3A_1043, %add3A_1102 : i32
        %mul3A_1104 = arith.constant 80 : i32
        %mul3A_1105 = arith.muli %add3A_1103, %mul3A_1104 : i32
        %add3A_1106 = arith.addi %mul3A_403, %mul3A_1105 : i32
        %dma_wait3A_1107 = arith.constant 0 : i32
        %dma_wait3A_1108 = tpu.memref_slice %arg3[%scan3A_521, %scan3A_522, %dma_wait3A_1107] : memref<2x1x320000xi32, #tpu.memory_space<hbm>> -> memref<1x1x320000xi32, #tpu.memory_space<hbm>>
        %dma_wait3A_1109 = tpu.memref_squeeze %dma_wait3A_1108 : memref<1x1x320000xi32, #tpu.memory_space<hbm>> -> memref<320000xi32, #tpu.memory_space<hbm>>
        %dma_wait3A_1110 = tpu.memref_slice %dma_wait3A_1109[%add3A_1106] : memref<320000xi32, #tpu.memory_space<hbm>> -> memref<80xi32, #tpu.memory_space<hbm>>
        %dma_wait3A_1111 = arith.constant 0 : i32
        %dma_wait3A_1112 = tpu.memref_slice %arg3[%scan3A_521, %scan3A_522, %dma_wait3A_1111] : memref<2x1x320000xi32, #tpu.memory_space<hbm>> -> memref<1x1x320000xi32, #tpu.memory_space<hbm>>
        %dma_wait3A_1113 = tpu.memref_squeeze %dma_wait3A_1112 : memref<1x1x320000xi32, #tpu.memory_space<hbm>> -> memref<320000xi32, #tpu.memory_space<hbm>>
        %dma_wait3A_1114 = tpu.memref_slice %dma_wait3A_1113[%add3A_1106] : memref<320000xi32, #tpu.memory_space<hbm>> -> memref<80xi32, #tpu.memory_space<hbm>>
        tpu.wait_dma2 semaphore(%arg34 : memref<!tpu.dma_semaphore, #tpu.memory_space<semaphore_mem>>) src(%dma_wait3A_1114 : memref<80xi32, #tpu.memory_space<hbm>>) dst(%arg8 : memref<80xi32, #tpu.memory_space<vmem>>)
        %dma_wait3A_1115 = arith.constant 0 : i32
        %dma_wait3A_1116 = tpu.memref_slice %arg3[%scan3A_523, %scan3A_524, %dma_wait3A_1115] : memref<2x1x320000xi32, #tpu.memory_space<hbm>> -> memref<1x1x320000xi32, #tpu.memory_space<hbm>>
        %dma_wait3A_1117 = tpu.memref_squeeze %dma_wait3A_1116 : memref<1x1x320000xi32, #tpu.memory_space<hbm>> -> memref<320000xi32, #tpu.memory_space<hbm>>
        %dma_wait3A_1118 = tpu.memref_slice %dma_wait3A_1117[%add3A_1106] : memref<320000xi32, #tpu.memory_space<hbm>> -> memref<80xi32, #tpu.memory_space<hbm>>
        %dma_wait3A_1119 = arith.constant 0 : i32
        %dma_wait3A_1120 = tpu.memref_slice %arg3[%scan3A_523, %scan3A_524, %dma_wait3A_1119] : memref<2x1x320000xi32, #tpu.memory_space<hbm>> -> memref<1x1x320000xi32, #tpu.memory_space<hbm>>
        %dma_wait3A_1121 = tpu.memref_squeeze %dma_wait3A_1120 : memref<1x1x320000xi32, #tpu.memory_space<hbm>> -> memref<320000xi32, #tpu.memory_space<hbm>>
        %dma_wait3A_1122 = tpu.memref_slice %dma_wait3A_1121[%add3A_1106] : memref<320000xi32, #tpu.memory_space<hbm>> -> memref<80xi32, #tpu.memory_space<hbm>>
        tpu.wait_dma2 semaphore(%arg34 : memref<!tpu.dma_semaphore, #tpu.memory_space<semaphore_mem>>) src(%dma_wait3A_1122 : memref<80xi32, #tpu.memory_space<hbm>>) dst(%arg14 : memref<80xi32, #tpu.memory_space<vmem>>)
        %dma_start3A_1123 = arith.constant 0 : i32
        %dma_start3A_1124 = arith.constant 0 : i32
        %dma_start3A_1125 = tpu.memref_slice %arg2[%dma_start3A_1123, %dma_start3A_1124] : memref<10000x128xf32, #tpu.memory_space<hbm>> -> memref<10000x128xf32, #tpu.memory_space<hbm>>
        tpu.enqueue_indirect_dma source(%dma_start3A_1125 : memref<10000x128xf32, #tpu.memory_space<hbm>>) target(%arg20 : memref<80x128xf32, #tpu.memory_space<vmem>>) offsets(%arg8 : memref<80xi32, #tpu.memory_space<vmem>>) semaphore(%arg26 : memref<!tpu.dma_semaphore, #tpu.memory_space<semaphore_mem>>)
      } else {
      }
      %add3A_1064 = arith.constant 3 : i32
      %add3A_1065 = arith.addi %add3A_1043, %add3A_1064 : i32
      %lt3A_1066 = arith.constant 125 : i32
      %lt3A_1067 = arith.cmpi slt, %add3A_1065, %lt3A_1066 : i32
      %convert_element_type3A_1068 = arith.extui %lt3A_1067 : i1 to i32
      %cond3A_1069 = arith.constant 0 : i32
      %cond3A_1070 = arith.cmpi ne, %convert_element_type3A_1068, %cond3A_1069 : i32
      scf.if %cond3A_1070 {
        %add3A_1102 = arith.constant 3 : i32
        %add3A_1103 = arith.addi %add3A_1043, %add3A_1102 : i32
        %mul3A_1104 = arith.constant 80 : i32
        %mul3A_1105 = arith.muli %add3A_1103, %mul3A_1104 : i32
        %add3A_1106 = arith.addi %mul3A_403, %mul3A_1105 : i32
        %dma_start3A_1107 = arith.constant 0 : i32
        %dma_start3A_1108 = tpu.memref_slice %arg3[%scan3A_521, %scan3A_522, %dma_start3A_1107] : memref<2x1x320000xi32, #tpu.memory_space<hbm>> -> memref<1x1x320000xi32, #tpu.memory_space<hbm>>
        %dma_start3A_1109 = tpu.memref_squeeze %dma_start3A_1108 : memref<1x1x320000xi32, #tpu.memory_space<hbm>> -> memref<320000xi32, #tpu.memory_space<hbm>>
        %dma_start3A_1110 = tpu.memref_slice %dma_start3A_1109[%add3A_1106] : memref<320000xi32, #tpu.memory_space<hbm>> -> memref<80xi32, #tpu.memory_space<hbm>>
        %dma_start3A_1111 = arith.constant 0 : i32
        %dma_start3A_1112 = tpu.memref_slice %arg3[%scan3A_521, %scan3A_522, %dma_start3A_1111] : memref<2x1x320000xi32, #tpu.memory_space<hbm>> -> memref<1x1x320000xi32, #tpu.memory_space<hbm>>
        %dma_start3A_1113 = tpu.memref_squeeze %dma_start3A_1112 : memref<1x1x320000xi32, #tpu.memory_space<hbm>> -> memref<320000xi32, #tpu.memory_space<hbm>>
        %dma_start3A_1114 = tpu.memref_slice %dma_start3A_1113[%add3A_1106] : memref<320000xi32, #tpu.memory_space<hbm>> -> memref<80xi32, #tpu.memory_space<hbm>>
        tpu.enqueue_dma source(%dma_start3A_1114 : memref<80xi32, #tpu.memory_space<hbm>>) target(%arg9 : memref<80xi32, #tpu.memory_space<vmem>>) target_semaphore(%arg35 : memref<!tpu.dma_semaphore, #tpu.memory_space<semaphore_mem>>)
        %dma_start3A_1115 = arith.constant 0 : i32
        %dma_start3A_1116 = tpu.memref_slice %arg3[%scan3A_523, %scan3A_524, %dma_start3A_1115] : memref<2x1x320000xi32, #tpu.memory_space<hbm>> -> memref<1x1x320000xi32, #tpu.memory_space<hbm>>
        %dma_start3A_1117 = tpu.memref_squeeze %dma_start3A_1116 : memref<1x1x320000xi32, #tpu.memory_space<hbm>> -> memref<320000xi32, #tpu.memory_space<hbm>>
        %dma_start3A_1118 = tpu.memref_slice %dma_start3A_1117[%add3A_1106] : memref<320000xi32, #tpu.memory_space<hbm>> -> memref<80xi32, #tpu.memory_space<hbm>>
        %dma_start3A_1119 = arith.constant 0 : i32
        %dma_start3A_1120 = tpu.memref_slice %arg3[%scan3A_523, %scan3A_524, %dma_start3A_1119] : memref<2x1x320000xi32, #tpu.memory_space<hbm>> -> memref<1x1x320000xi32, #tpu.memory_space<hbm>>
        %dma_start3A_1121 = tpu.memref_squeeze %dma_start3A_1120 : memref<1x1x320000xi32, #tpu.memory_space<hbm>> -> memref<320000xi32, #tpu.memory_space<hbm>>
        %dma_start3A_1122 = tpu.memref_slice %dma_start3A_1121[%add3A_1106] : memref<320000xi32, #tpu.memory_space<hbm>> -> memref<80xi32, #tpu.memory_space<hbm>>
        tpu.enqueue_dma source(%dma_start3A_1122 : memref<80xi32, #tpu.memory_space<hbm>>) target(%arg15 : memref<80xi32, #tpu.memory_space<vmem>>) target_semaphore(%arg35 : memref<!tpu.dma_semaphore, #tpu.memory_space<semaphore_mem>>)
      } else {
      }
      %mul3A_1071 = arith.constant 12 : i32
      %mul3A_1072 = arith.muli %mul3A_1071, %scan3A_733 : i32
      %add3A_1073 = arith.constant 11 : i32
      %add3A_1074 = arith.addi %mul3A_1072, %add3A_1073 : i32
      %dma_wait3A_1075 = arith.constant 0 : i32
      %dma_wait3A_1076 = arith.constant 0 : i32
      %dma_wait3A_1077 = tpu.memref_slice %arg2[%dma_wait3A_1075, %dma_wait3A_1076] : memref<10000x128xf32, #tpu.memory_space<hbm>> -> memref<10000x128xf32, #tpu.memory_space<hbm>>
      tpu.wait_indirect_dma semaphore(%arg29 : memref<!tpu.dma_semaphore, #tpu.memory_space<semaphore_mem>>) src(%dma_wait3A_1077 : memref<10000x128xf32, #tpu.memory_space<hbm>>) dst(%arg23 : memref<80x128xf32, #tpu.memory_space<vmem>>)
      %ge3A_1078 = arith.constant 2 : i32
      %ge3A_1079 = arith.cmpi sge, %add3A_1074, %ge3A_1078 : i32
      %convert_element_type3A_1080 = arith.extui %ge3A_1079 : i1 to i32
      %cond3A_1081 = arith.constant 0 : i32
      %cond3A_1082 = arith.cmpi ne, %convert_element_type3A_1080, %cond3A_1081 : i32
      scf.if %cond3A_1082 {
        %dma_wait3A_1102 = arith.constant 0 : i32
        %dma_wait3A_1103 = arith.constant 0 : i32
        %dma_wait3A_1104 = tpu.memref_slice %arg6[%dma_wait3A_1102, %dma_wait3A_1103] : memref<10240x128xf32, #tpu.memory_space<vmem_shared>> -> memref<10240x128xf32, #tpu.memory_space<vmem_shared>>
        tpu.wait_indirect_dma semaphore(%arg31 : memref<!tpu.dma_semaphore, #tpu.memory_space<semaphore_mem>>) src(%arg21 : memref<80x128xf32, #tpu.memory_space<vmem>>) dst(%dma_wait3A_1104 : memref<10240x128xf32, #tpu.memory_space<vmem_shared>>)
        %dma_wait3A_1105 = arith.constant 0 : i32
        %dma_wait3A_1106 = tpu.memref_slice %arg7[%dma_wait3A_1105] : memref<10240xf32, #tpu.memory_space<vmem_shared>> -> memref<10240xf32, #tpu.memory_space<vmem_shared>>
        tpu.wait_indirect_dma semaphore(%arg31 : memref<!tpu.dma_semaphore, #tpu.memory_space<semaphore_mem>>) src(%arg24 : memref<80xf32, #tpu.memory_space<vmem>>) dst(%dma_wait3A_1106 : memref<10240xf32, #tpu.memory_space<vmem_shared>>)
      } else {
      }
      %dma_start3A_1083 = arith.constant 0 : i32
      %dma_start3A_1084 = arith.constant 0 : i32
      %dma_start3A_1085 = tpu.memref_slice %arg6[%dma_start3A_1083, %dma_start3A_1084] : memref<10240x128xf32, #tpu.memory_space<vmem_shared>> -> memref<10240x128xf32, #tpu.memory_space<vmem_shared>>
      tpu.enqueue_indirect_dma source(%arg23 : memref<80x128xf32, #tpu.memory_space<vmem>>) target(%dma_start3A_1085 : memref<10240x128xf32, #tpu.memory_space<vmem_shared>>) offsets(%arg19 : memref<80xi32, #tpu.memory_space<vmem>>) semaphore(%arg33 : memref<!tpu.dma_semaphore, #tpu.memory_space<semaphore_mem>>) {add = true}
      %dma_start3A_1086 = arith.constant 0 : i32
      %dma_start3A_1087 = tpu.memref_slice %arg7[%dma_start3A_1086] : memref<10240xf32, #tpu.memory_space<vmem_shared>> -> memref<10240xf32, #tpu.memory_space<vmem_shared>>
      tpu.enqueue_indirect_dma source(%arg24 : memref<80xf32, #tpu.memory_space<vmem>>) target(%dma_start3A_1087 : memref<10240xf32, #tpu.memory_space<vmem_shared>>) offsets(%arg19 : memref<80xi32, #tpu.memory_space<vmem>>) semaphore(%arg33 : memref<!tpu.dma_semaphore, #tpu.memory_space<semaphore_mem>>) {add = true}
      %add3A_1088 = arith.constant 2 : i32
      %add3A_1089 = arith.addi %add3A_1074, %add3A_1088 : i32
      %lt3A_1090 = arith.constant 125 : i32
      %lt3A_1091 = arith.cmpi slt, %add3A_1089, %lt3A_1090 : i32
      %convert_element_type3A_1092 = arith.extui %lt3A_1091 : i1 to i32
      %cond3A_1093 = arith.constant 0 : i32
      %cond3A_1094 = arith.cmpi ne, %convert_element_type3A_1092, %cond3A_1093 : i32
      scf.if %cond3A_1094 {
        %add3A_1102 = arith.constant 2 : i32
        %add3A_1103 = arith.addi %add3A_1074, %add3A_1102 : i32
        %mul3A_1104 = arith.constant 80 : i32
        %mul3A_1105 = arith.muli %add3A_1103, %mul3A_1104 : i32
        %add3A_1106 = arith.addi %mul3A_403, %mul3A_1105 : i32
        %dma_wait3A_1107 = arith.constant 0 : i32
        %dma_wait3A_1108 = tpu.memref_slice %arg3[%scan3A_521, %scan3A_522, %dma_wait3A_1107] : memref<2x1x320000xi32, #tpu.memory_space<hbm>> -> memref<1x1x320000xi32, #tpu.memory_space<hbm>>
        %dma_wait3A_1109 = tpu.memref_squeeze %dma_wait3A_1108 : memref<1x1x320000xi32, #tpu.memory_space<hbm>> -> memref<320000xi32, #tpu.memory_space<hbm>>
        %dma_wait3A_1110 = tpu.memref_slice %dma_wait3A_1109[%add3A_1106] : memref<320000xi32, #tpu.memory_space<hbm>> -> memref<80xi32, #tpu.memory_space<hbm>>
        %dma_wait3A_1111 = arith.constant 0 : i32
        %dma_wait3A_1112 = tpu.memref_slice %arg3[%scan3A_521, %scan3A_522, %dma_wait3A_1111] : memref<2x1x320000xi32, #tpu.memory_space<hbm>> -> memref<1x1x320000xi32, #tpu.memory_space<hbm>>
        %dma_wait3A_1113 = tpu.memref_squeeze %dma_wait3A_1112 : memref<1x1x320000xi32, #tpu.memory_space<hbm>> -> memref<320000xi32, #tpu.memory_space<hbm>>
        %dma_wait3A_1114 = tpu.memref_slice %dma_wait3A_1113[%add3A_1106] : memref<320000xi32, #tpu.memory_space<hbm>> -> memref<80xi32, #tpu.memory_space<hbm>>
        tpu.wait_dma2 semaphore(%arg35 : memref<!tpu.dma_semaphore, #tpu.memory_space<semaphore_mem>>) src(%dma_wait3A_1114 : memref<80xi32, #tpu.memory_space<hbm>>) dst(%arg9 : memref<80xi32, #tpu.memory_space<vmem>>)
        %dma_wait3A_1115 = arith.constant 0 : i32
        %dma_wait3A_1116 = tpu.memref_slice %arg3[%scan3A_523, %scan3A_524, %dma_wait3A_1115] : memref<2x1x320000xi32, #tpu.memory_space<hbm>> -> memref<1x1x320000xi32, #tpu.memory_space<hbm>>
        %dma_wait3A_1117 = tpu.memref_squeeze %dma_wait3A_1116 : memref<1x1x320000xi32, #tpu.memory_space<hbm>> -> memref<320000xi32, #tpu.memory_space<hbm>>
        %dma_wait3A_1118 = tpu.memref_slice %dma_wait3A_1117[%add3A_1106] : memref<320000xi32, #tpu.memory_space<hbm>> -> memref<80xi32, #tpu.memory_space<hbm>>
        %dma_wait3A_1119 = arith.constant 0 : i32
        %dma_wait3A_1120 = tpu.memref_slice %arg3[%scan3A_523, %scan3A_524, %dma_wait3A_1119] : memref<2x1x320000xi32, #tpu.memory_space<hbm>> -> memref<1x1x320000xi32, #tpu.memory_space<hbm>>
        %dma_wait3A_1121 = tpu.memref_squeeze %dma_wait3A_1120 : memref<1x1x320000xi32, #tpu.memory_space<hbm>> -> memref<320000xi32, #tpu.memory_space<hbm>>
        %dma_wait3A_1122 = tpu.memref_slice %dma_wait3A_1121[%add3A_1106] : memref<320000xi32, #tpu.memory_space<hbm>> -> memref<80xi32, #tpu.memory_space<hbm>>
        tpu.wait_dma2 semaphore(%arg35 : memref<!tpu.dma_semaphore, #tpu.memory_space<semaphore_mem>>) src(%dma_wait3A_1122 : memref<80xi32, #tpu.memory_space<hbm>>) dst(%arg15 : memref<80xi32, #tpu.memory_space<vmem>>)
        %dma_start3A_1123 = arith.constant 0 : i32
        %dma_start3A_1124 = arith.constant 0 : i32
        %dma_start3A_1125 = tpu.memref_slice %arg2[%dma_start3A_1123, %dma_start3A_1124] : memref<10000x128xf32, #tpu.memory_space<hbm>> -> memref<10000x128xf32, #tpu.memory_space<hbm>>
        tpu.enqueue_indirect_dma source(%dma_start3A_1125 : memref<10000x128xf32, #tpu.memory_space<hbm>>) target(%arg21 : memref<80x128xf32, #tpu.memory_space<vmem>>) offsets(%arg9 : memref<80xi32, #tpu.memory_space<vmem>>) semaphore(%arg27 : memref<!tpu.dma_semaphore, #tpu.memory_space<semaphore_mem>>)
      } else {
      }
      %add3A_1095 = arith.constant 3 : i32
      %add3A_1096 = arith.addi %add3A_1074, %add3A_1095 : i32
      %lt3A_1097 = arith.constant 125 : i32
      %lt3A_1098 = arith.cmpi slt, %add3A_1096, %lt3A_1097 : i32
      %convert_element_type3A_1099 = arith.extui %lt3A_1098 : i1 to i32
      %cond3A_1100 = arith.constant 0 : i32
      %cond3A_1101 = arith.cmpi ne, %convert_element_type3A_1099, %cond3A_1100 : i32
      scf.if %cond3A_1101 {
        %add3A_1102 = arith.constant 3 : i32
        %add3A_1103 = arith.addi %add3A_1074, %add3A_1102 : i32
        %mul3A_1104 = arith.constant 80 : i32
        %mul3A_1105 = arith.muli %add3A_1103, %mul3A_1104 : i32
        %add3A_1106 = arith.addi %mul3A_403, %mul3A_1105 : i32
        %dma_start3A_1107 = arith.constant 0 : i32
        %dma_start3A_1108 = tpu.memref_slice %arg3[%scan3A_521, %scan3A_522, %dma_start3A_1107] : memref<2x1x320000xi32, #tpu.memory_space<hbm>> -> memref<1x1x320000xi32, #tpu.memory_space<hbm>>
        %dma_start3A_1109 = tpu.memref_squeeze %dma_start3A_1108 : memref<1x1x320000xi32, #tpu.memory_space<hbm>> -> memref<320000xi32, #tpu.memory_space<hbm>>
        %dma_start3A_1110 = tpu.memref_slice %dma_start3A_1109[%add3A_1106] : memref<320000xi32, #tpu.memory_space<hbm>> -> memref<80xi32, #tpu.memory_space<hbm>>
        %dma_start3A_1111 = arith.constant 0 : i32
        %dma_start3A_1112 = tpu.memref_slice %arg3[%scan3A_521, %scan3A_522, %dma_start3A_1111] : memref<2x1x320000xi32, #tpu.memory_space<hbm>> -> memref<1x1x320000xi32, #tpu.memory_space<hbm>>
        %dma_start3A_1113 = tpu.memref_squeeze %dma_start3A_1112 : memref<1x1x320000xi32, #tpu.memory_space<hbm>> -> memref<320000xi32, #tpu.memory_space<hbm>>
        %dma_start3A_1114 = tpu.memref_slice %dma_start3A_1113[%add3A_1106] : memref<320000xi32, #tpu.memory_space<hbm>> -> memref<80xi32, #tpu.memory_space<hbm>>
        tpu.enqueue_dma source(%dma_start3A_1114 : memref<80xi32, #tpu.memory_space<hbm>>) target(%arg10 : memref<80xi32, #tpu.memory_space<vmem>>) target_semaphore(%arg36 : memref<!tpu.dma_semaphore, #tpu.memory_space<semaphore_mem>>)
        %dma_start3A_1115 = arith.constant 0 : i32
        %dma_start3A_1116 = tpu.memref_slice %arg3[%scan3A_523, %scan3A_524, %dma_start3A_1115] : memref<2x1x320000xi32, #tpu.memory_space<hbm>> -> memref<1x1x320000xi32, #tpu.memory_space<hbm>>
        %dma_start3A_1117 = tpu.memref_squeeze %dma_start3A_1116 : memref<1x1x320000xi32, #tpu.memory_space<hbm>> -> memref<320000xi32, #tpu.memory_space<hbm>>
        %dma_start3A_1118 = tpu.memref_slice %dma_start3A_1117[%add3A_1106] : memref<320000xi32, #tpu.memory_space<hbm>> -> memref<80xi32, #tpu.memory_space<hbm>>
        %dma_start3A_1119 = arith.constant 0 : i32
        %dma_start3A_1120 = tpu.memref_slice %arg3[%scan3A_523, %scan3A_524, %dma_start3A_1119] : memref<2x1x320000xi32, #tpu.memory_space<hbm>> -> memref<1x1x320000xi32, #tpu.memory_space<hbm>>
        %dma_start3A_1121 = tpu.memref_squeeze %dma_start3A_1120 : memref<1x1x320000xi32, #tpu.memory_space<hbm>> -> memref<320000xi32, #tpu.memory_space<hbm>>
        %dma_start3A_1122 = tpu.memref_slice %dma_start3A_1121[%add3A_1106] : memref<320000xi32, #tpu.memory_space<hbm>> -> memref<80xi32, #tpu.memory_space<hbm>>
        tpu.enqueue_dma source(%dma_start3A_1122 : memref<80xi32, #tpu.memory_space<hbm>>) target(%arg16 : memref<80xi32, #tpu.memory_space<vmem>>) target_semaphore(%arg36 : memref<!tpu.dma_semaphore, #tpu.memory_space<semaphore_mem>>)
      } else {
      }
    }
    %scan3A_529 = arith.constant 10 : i32
    %dma_wait3A_530 = arith.constant 0 : i32
    %dma_wait3A_531 = arith.constant 0 : i32
    %dma_wait3A_532 = tpu.memref_slice %arg2[%dma_wait3A_530, %dma_wait3A_531] : memref<10000x128xf32, #tpu.memory_space<hbm>> -> memref<10000x128xf32, #tpu.memory_space<hbm>>
    tpu.wait_indirect_dma semaphore(%arg26 : memref<!tpu.dma_semaphore, #tpu.memory_space<semaphore_mem>>) src(%dma_wait3A_532 : memref<10000x128xf32, #tpu.memory_space<hbm>>) dst(%arg20 : memref<80x128xf32, #tpu.memory_space<vmem>>)
    %dma_wait3A_533 = arith.constant 0 : i32
    %dma_wait3A_534 = arith.constant 0 : i32
    %dma_wait3A_535 = tpu.memref_slice %arg6[%dma_wait3A_533, %dma_wait3A_534] : memref<10240x128xf32, #tpu.memory_space<vmem_shared>> -> memref<10240x128xf32, #tpu.memory_space<vmem_shared>>
    tpu.wait_indirect_dma semaphore(%arg32 : memref<!tpu.dma_semaphore, #tpu.memory_space<semaphore_mem>>) src(%arg22 : memref<80x128xf32, #tpu.memory_space<vmem>>) dst(%dma_wait3A_535 : memref<10240x128xf32, #tpu.memory_space<vmem_shared>>)
    %dma_wait3A_536 = arith.constant 0 : i32
    %dma_wait3A_537 = tpu.memref_slice %arg7[%dma_wait3A_536] : memref<10240xf32, #tpu.memory_space<vmem_shared>> -> memref<10240xf32, #tpu.memory_space<vmem_shared>>
    tpu.wait_indirect_dma semaphore(%arg32 : memref<!tpu.dma_semaphore, #tpu.memory_space<semaphore_mem>>) src(%arg24 : memref<80xf32, #tpu.memory_space<vmem>>) dst(%dma_wait3A_537 : memref<10240xf32, #tpu.memory_space<vmem_shared>>)
    %dma_start3A_538 = arith.constant 0 : i32
    %dma_start3A_539 = arith.constant 0 : i32
    %dma_start3A_540 = tpu.memref_slice %arg6[%dma_start3A_538, %dma_start3A_539] : memref<10240x128xf32, #tpu.memory_space<vmem_shared>> -> memref<10240x128xf32, #tpu.memory_space<vmem_shared>>
    tpu.enqueue_indirect_dma source(%arg20 : memref<80x128xf32, #tpu.memory_space<vmem>>) target(%dma_start3A_540 : memref<10240x128xf32, #tpu.memory_space<vmem_shared>>) offsets(%arg14 : memref<80xi32, #tpu.memory_space<vmem>>) semaphore(%arg30 : memref<!tpu.dma_semaphore, #tpu.memory_space<semaphore_mem>>) {add = true}
    %dma_start3A_541 = arith.constant 0 : i32
    %dma_start3A_542 = tpu.memref_slice %arg7[%dma_start3A_541] : memref<10240xf32, #tpu.memory_space<vmem_shared>> -> memref<10240xf32, #tpu.memory_space<vmem_shared>>
    tpu.enqueue_indirect_dma source(%arg24 : memref<80xf32, #tpu.memory_space<vmem>>) target(%dma_start3A_542 : memref<10240xf32, #tpu.memory_space<vmem_shared>>) offsets(%arg14 : memref<80xi32, #tpu.memory_space<vmem>>) semaphore(%arg30 : memref<!tpu.dma_semaphore, #tpu.memory_space<semaphore_mem>>) {add = true}
    %add3A_543 = arith.constant 9760 : i32
    %add3A_544 = arith.addi %mul3A_403, %add3A_543 : i32
    %dma_wait3A_545 = arith.constant 0 : i32
    %dma_wait3A_546 = arith.constant 0 : i32
    %dma_wait3A_547 = arith.constant 0 : i32
    %dma_wait3A_548 = tpu.memref_slice %arg3[%dma_wait3A_545, %dma_wait3A_546, %dma_wait3A_547] : memref<2x1x320000xi32, #tpu.memory_space<hbm>> -> memref<1x1x320000xi32, #tpu.memory_space<hbm>>
    %dma_wait3A_549 = tpu.memref_squeeze %dma_wait3A_548 : memref<1x1x320000xi32, #tpu.memory_space<hbm>> -> memref<320000xi32, #tpu.memory_space<hbm>>
    %dma_wait3A_550 = tpu.memref_slice %dma_wait3A_549[%add3A_544] : memref<320000xi32, #tpu.memory_space<hbm>> -> memref<80xi32, #tpu.memory_space<hbm>>
    %dma_wait3A_551 = arith.constant 0 : i32
    %dma_wait3A_552 = tpu.memref_slice %arg3[%dma_wait3A_545, %dma_wait3A_546, %dma_wait3A_551] : memref<2x1x320000xi32, #tpu.memory_space<hbm>> -> memref<1x1x320000xi32, #tpu.memory_space<hbm>>
    %dma_wait3A_553 = tpu.memref_squeeze %dma_wait3A_552 : memref<1x1x320000xi32, #tpu.memory_space<hbm>> -> memref<320000xi32, #tpu.memory_space<hbm>>
    %dma_wait3A_554 = tpu.memref_slice %dma_wait3A_553[%add3A_544] : memref<320000xi32, #tpu.memory_space<hbm>> -> memref<80xi32, #tpu.memory_space<hbm>>
    tpu.wait_dma2 semaphore(%arg36 : memref<!tpu.dma_semaphore, #tpu.memory_space<semaphore_mem>>) src(%dma_wait3A_554 : memref<80xi32, #tpu.memory_space<hbm>>) dst(%arg10 : memref<80xi32, #tpu.memory_space<vmem>>)
    %dma_wait3A_555 = arith.constant 1 : i32
    %dma_wait3A_556 = arith.constant 0 : i32
    %dma_wait3A_557 = arith.constant 0 : i32
    %dma_wait3A_558 = tpu.memref_slice %arg3[%dma_wait3A_555, %dma_wait3A_556, %dma_wait3A_557] : memref<2x1x320000xi32, #tpu.memory_space<hbm>> -> memref<1x1x320000xi32, #tpu.memory_space<hbm>>
    %dma_wait3A_559 = tpu.memref_squeeze %dma_wait3A_558 : memref<1x1x320000xi32, #tpu.memory_space<hbm>> -> memref<320000xi32, #tpu.memory_space<hbm>>
    %dma_wait3A_560 = tpu.memref_slice %dma_wait3A_559[%add3A_544] : memref<320000xi32, #tpu.memory_space<hbm>> -> memref<80xi32, #tpu.memory_space<hbm>>
    %dma_wait3A_561 = arith.constant 0 : i32
    %dma_wait3A_562 = tpu.memref_slice %arg3[%dma_wait3A_555, %dma_wait3A_556, %dma_wait3A_561] : memref<2x1x320000xi32, #tpu.memory_space<hbm>> -> memref<1x1x320000xi32, #tpu.memory_space<hbm>>
    %dma_wait3A_563 = tpu.memref_squeeze %dma_wait3A_562 : memref<1x1x320000xi32, #tpu.memory_space<hbm>> -> memref<320000xi32, #tpu.memory_space<hbm>>
    %dma_wait3A_564 = tpu.memref_slice %dma_wait3A_563[%add3A_544] : memref<320000xi32, #tpu.memory_space<hbm>> -> memref<80xi32, #tpu.memory_space<hbm>>
    tpu.wait_dma2 semaphore(%arg36 : memref<!tpu.dma_semaphore, #tpu.memory_space<semaphore_mem>>) src(%dma_wait3A_564 : memref<80xi32, #tpu.memory_space<hbm>>) dst(%arg16 : memref<80xi32, #tpu.memory_space<vmem>>)
    %dma_start3A_565 = arith.constant 0 : i32
    %dma_start3A_566 = arith.constant 0 : i32
    %dma_start3A_567 = tpu.memref_slice %arg2[%dma_start3A_565, %dma_start3A_566] : memref<10000x128xf32, #tpu.memory_space<hbm>> -> memref<10000x128xf32, #tpu.memory_space<hbm>>
    tpu.enqueue_indirect_dma source(%dma_start3A_567 : memref<10000x128xf32, #tpu.memory_space<hbm>>) target(%arg22 : memref<80x128xf32, #tpu.memory_space<vmem>>) offsets(%arg10 : memref<80xi32, #tpu.memory_space<vmem>>) semaphore(%arg28 : memref<!tpu.dma_semaphore, #tpu.memory_space<semaphore_mem>>)
    %add3A_568 = arith.constant 9840 : i32
    %add3A_569 = arith.addi %mul3A_403, %add3A_568 : i32
    %dma_start3A_570 = arith.constant 0 : i32
    %dma_start3A_571 = arith.constant 0 : i32
    %dma_start3A_572 = arith.constant 0 : i32
    %dma_start3A_573 = tpu.memref_slice %arg3[%dma_start3A_570, %dma_start3A_571, %dma_start3A_572] : memref<2x1x320000xi32, #tpu.memory_space<hbm>> -> memref<1x1x320000xi32, #tpu.memory_space<hbm>>
    %dma_start3A_574 = tpu.memref_squeeze %dma_start3A_573 : memref<1x1x320000xi32, #tpu.memory_space<hbm>> -> memref<320000xi32, #tpu.memory_space<hbm>>
    %dma_start3A_575 = tpu.memref_slice %dma_start3A_574[%add3A_569] : memref<320000xi32, #tpu.memory_space<hbm>> -> memref<80xi32, #tpu.memory_space<hbm>>
    %dma_start3A_576 = arith.constant 0 : i32
    %dma_start3A_577 = tpu.memref_slice %arg3[%dma_start3A_570, %dma_start3A_571, %dma_start3A_576] : memref<2x1x320000xi32, #tpu.memory_space<hbm>> -> memref<1x1x320000xi32, #tpu.memory_space<hbm>>
    %dma_start3A_578 = tpu.memref_squeeze %dma_start3A_577 : memref<1x1x320000xi32, #tpu.memory_space<hbm>> -> memref<320000xi32, #tpu.memory_space<hbm>>
    %dma_start3A_579 = tpu.memref_slice %dma_start3A_578[%add3A_569] : memref<320000xi32, #tpu.memory_space<hbm>> -> memref<80xi32, #tpu.memory_space<hbm>>
    tpu.enqueue_dma source(%dma_start3A_579 : memref<80xi32, #tpu.memory_space<hbm>>) target(%arg11 : memref<80xi32, #tpu.memory_space<vmem>>) target_semaphore(%arg37 : memref<!tpu.dma_semaphore, #tpu.memory_space<semaphore_mem>>)
    %dma_start3A_580 = arith.constant 1 : i32
    %dma_start3A_581 = arith.constant 0 : i32
    %dma_start3A_582 = arith.constant 0 : i32
    %dma_start3A_583 = tpu.memref_slice %arg3[%dma_start3A_580, %dma_start3A_581, %dma_start3A_582] : memref<2x1x320000xi32, #tpu.memory_space<hbm>> -> memref<1x1x320000xi32, #tpu.memory_space<hbm>>
    %dma_start3A_584 = tpu.memref_squeeze %dma_start3A_583 : memref<1x1x320000xi32, #tpu.memory_space<hbm>> -> memref<320000xi32, #tpu.memory_space<hbm>>
    %dma_start3A_585 = tpu.memref_slice %dma_start3A_584[%add3A_569] : memref<320000xi32, #tpu.memory_space<hbm>> -> memref<80xi32, #tpu.memory_space<hbm>>
    %dma_start3A_586 = arith.constant 0 : i32
    %dma_start3A_587 = tpu.memref_slice %arg3[%dma_start3A_580, %dma_start3A_581, %dma_start3A_586] : memref<2x1x320000xi32, #tpu.memory_space<hbm>> -> memref<1x1x320000xi32, #tpu.memory_space<hbm>>
    %dma_start3A_588 = tpu.memref_squeeze %dma_start3A_587 : memref<1x1x320000xi32, #tpu.memory_space<hbm>> -> memref<320000xi32, #tpu.memory_space<hbm>>
    %dma_start3A_589 = tpu.memref_slice %dma_start3A_588[%add3A_569] : memref<320000xi32, #tpu.memory_space<hbm>> -> memref<80xi32, #tpu.memory_space<hbm>>
    tpu.enqueue_dma source(%dma_start3A_589 : memref<80xi32, #tpu.memory_space<hbm>>) target(%arg17 : memref<80xi32, #tpu.memory_space<vmem>>) target_semaphore(%arg37 : memref<!tpu.dma_semaphore, #tpu.memory_space<semaphore_mem>>)
    %dma_wait3A_590 = arith.constant 0 : i32
    %dma_wait3A_591 = arith.constant 0 : i32
    %dma_wait3A_592 = tpu.memref_slice %arg2[%dma_wait3A_590, %dma_wait3A_591] : memref<10000x128xf32, #tpu.memory_space<hbm>> -> memref<10000x128xf32, #tpu.memory_space<hbm>>
    tpu.wait_indirect_dma semaphore(%arg27 : memref<!tpu.dma_semaphore, #tpu.memory_space<semaphore_mem>>) src(%dma_wait3A_592 : memref<10000x128xf32, #tpu.memory_space<hbm>>) dst(%arg21 : memref<80x128xf32, #tpu.memory_space<vmem>>)
    %dma_wait3A_593 = arith.constant 0 : i32
    %dma_wait3A_594 = arith.constant 0 : i32
    %dma_wait3A_595 = tpu.memref_slice %arg6[%dma_wait3A_593, %dma_wait3A_594] : memref<10240x128xf32, #tpu.memory_space<vmem_shared>> -> memref<10240x128xf32, #tpu.memory_space<vmem_shared>>
    tpu.wait_indirect_dma semaphore(%arg33 : memref<!tpu.dma_semaphore, #tpu.memory_space<semaphore_mem>>) src(%arg23 : memref<80x128xf32, #tpu.memory_space<vmem>>) dst(%dma_wait3A_595 : memref<10240x128xf32, #tpu.memory_space<vmem_shared>>)
    %dma_wait3A_596 = arith.constant 0 : i32
    %dma_wait3A_597 = tpu.memref_slice %arg7[%dma_wait3A_596] : memref<10240xf32, #tpu.memory_space<vmem_shared>> -> memref<10240xf32, #tpu.memory_space<vmem_shared>>
    tpu.wait_indirect_dma semaphore(%arg33 : memref<!tpu.dma_semaphore, #tpu.memory_space<semaphore_mem>>) src(%arg24 : memref<80xf32, #tpu.memory_space<vmem>>) dst(%dma_wait3A_597 : memref<10240xf32, #tpu.memory_space<vmem_shared>>)
    %dma_start3A_598 = arith.constant 0 : i32
    %dma_start3A_599 = arith.constant 0 : i32
    %dma_start3A_600 = tpu.memref_slice %arg6[%dma_start3A_598, %dma_start3A_599] : memref<10240x128xf32, #tpu.memory_space<vmem_shared>> -> memref<10240x128xf32, #tpu.memory_space<vmem_shared>>
    tpu.enqueue_indirect_dma source(%arg21 : memref<80x128xf32, #tpu.memory_space<vmem>>) target(%dma_start3A_600 : memref<10240x128xf32, #tpu.memory_space<vmem_shared>>) offsets(%arg15 : memref<80xi32, #tpu.memory_space<vmem>>) semaphore(%arg31 : memref<!tpu.dma_semaphore, #tpu.memory_space<semaphore_mem>>) {add = true}
    %dma_start3A_601 = arith.constant 0 : i32
    %dma_start3A_602 = tpu.memref_slice %arg7[%dma_start3A_601] : memref<10240xf32, #tpu.memory_space<vmem_shared>> -> memref<10240xf32, #tpu.memory_space<vmem_shared>>
    tpu.enqueue_indirect_dma source(%arg24 : memref<80xf32, #tpu.memory_space<vmem>>) target(%dma_start3A_602 : memref<10240xf32, #tpu.memory_space<vmem_shared>>) offsets(%arg15 : memref<80xi32, #tpu.memory_space<vmem>>) semaphore(%arg31 : memref<!tpu.dma_semaphore, #tpu.memory_space<semaphore_mem>>) {add = true}
    %add3A_603 = arith.constant 9840 : i32
    %add3A_604 = arith.addi %mul3A_403, %add3A_603 : i32
    %dma_wait3A_605 = arith.constant 0 : i32
    %dma_wait3A_606 = arith.constant 0 : i32
    %dma_wait3A_607 = arith.constant 0 : i32
    %dma_wait3A_608 = tpu.memref_slice %arg3[%dma_wait3A_605, %dma_wait3A_606, %dma_wait3A_607] : memref<2x1x320000xi32, #tpu.memory_space<hbm>> -> memref<1x1x320000xi32, #tpu.memory_space<hbm>>
    %dma_wait3A_609 = tpu.memref_squeeze %dma_wait3A_608 : memref<1x1x320000xi32, #tpu.memory_space<hbm>> -> memref<320000xi32, #tpu.memory_space<hbm>>
    %dma_wait3A_610 = tpu.memref_slice %dma_wait3A_609[%add3A_604] : memref<320000xi32, #tpu.memory_space<hbm>> -> memref<80xi32, #tpu.memory_space<hbm>>
    %dma_wait3A_611 = arith.constant 0 : i32
    %dma_wait3A_612 = tpu.memref_slice %arg3[%dma_wait3A_605, %dma_wait3A_606, %dma_wait3A_611] : memref<2x1x320000xi32, #tpu.memory_space<hbm>> -> memref<1x1x320000xi32, #tpu.memory_space<hbm>>
    %dma_wait3A_613 = tpu.memref_squeeze %dma_wait3A_612 : memref<1x1x320000xi32, #tpu.memory_space<hbm>> -> memref<320000xi32, #tpu.memory_space<hbm>>
    %dma_wait3A_614 = tpu.memref_slice %dma_wait3A_613[%add3A_604] : memref<320000xi32, #tpu.memory_space<hbm>> -> memref<80xi32, #tpu.memory_space<hbm>>
    tpu.wait_dma2 semaphore(%arg37 : memref<!tpu.dma_semaphore, #tpu.memory_space<semaphore_mem>>) src(%dma_wait3A_614 : memref<80xi32, #tpu.memory_space<hbm>>) dst(%arg11 : memref<80xi32, #tpu.memory_space<vmem>>)
    %dma_wait3A_615 = arith.constant 1 : i32
    %dma_wait3A_616 = arith.constant 0 : i32
    %dma_wait3A_617 = arith.constant 0 : i32
    %dma_wait3A_618 = tpu.memref_slice %arg3[%dma_wait3A_615, %dma_wait3A_616, %dma_wait3A_617] : memref<2x1x320000xi32, #tpu.memory_space<hbm>> -> memref<1x1x320000xi32, #tpu.memory_space<hbm>>
    %dma_wait3A_619 = tpu.memref_squeeze %dma_wait3A_618 : memref<1x1x320000xi32, #tpu.memory_space<hbm>> -> memref<320000xi32, #tpu.memory_space<hbm>>
    %dma_wait3A_620 = tpu.memref_slice %dma_wait3A_619[%add3A_604] : memref<320000xi32, #tpu.memory_space<hbm>> -> memref<80xi32, #tpu.memory_space<hbm>>
    %dma_wait3A_621 = arith.constant 0 : i32
    %dma_wait3A_622 = tpu.memref_slice %arg3[%dma_wait3A_615, %dma_wait3A_616, %dma_wait3A_621] : memref<2x1x320000xi32, #tpu.memory_space<hbm>> -> memref<1x1x320000xi32, #tpu.memory_space<hbm>>
    %dma_wait3A_623 = tpu.memref_squeeze %dma_wait3A_622 : memref<1x1x320000xi32, #tpu.memory_space<hbm>> -> memref<320000xi32, #tpu.memory_space<hbm>>
    %dma_wait3A_624 = tpu.memref_slice %dma_wait3A_623[%add3A_604] : memref<320000xi32, #tpu.memory_space<hbm>> -> memref<80xi32, #tpu.memory_space<hbm>>
    tpu.wait_dma2 semaphore(%arg37 : memref<!tpu.dma_semaphore, #tpu.memory_space<semaphore_mem>>) src(%dma_wait3A_624 : memref<80xi32, #tpu.memory_space<hbm>>) dst(%arg17 : memref<80xi32, #tpu.memory_space<vmem>>)
    %dma_start3A_625 = arith.constant 0 : i32
    %dma_start3A_626 = arith.constant 0 : i32
    %dma_start3A_627 = tpu.memref_slice %arg2[%dma_start3A_625, %dma_start3A_626] : memref<10000x128xf32, #tpu.memory_space<hbm>> -> memref<10000x128xf32, #tpu.memory_space<hbm>>
    tpu.enqueue_indirect_dma source(%dma_start3A_627 : memref<10000x128xf32, #tpu.memory_space<hbm>>) target(%arg23 : memref<80x128xf32, #tpu.memory_space<vmem>>) offsets(%arg11 : memref<80xi32, #tpu.memory_space<vmem>>) semaphore(%arg29 : memref<!tpu.dma_semaphore, #tpu.memory_space<semaphore_mem>>)
    %add3A_628 = arith.constant 9920 : i32
    %add3A_629 = arith.addi %mul3A_403, %add3A_628 : i32
    %dma_start3A_630 = arith.constant 0 : i32
    %dma_start3A_631 = arith.constant 0 : i32
    %dma_start3A_632 = arith.constant 0 : i32
    %dma_start3A_633 = tpu.memref_slice %arg3[%dma_start3A_630, %dma_start3A_631, %dma_start3A_632] : memref<2x1x320000xi32, #tpu.memory_space<hbm>> -> memref<1x1x320000xi32, #tpu.memory_space<hbm>>
    %dma_start3A_634 = tpu.memref_squeeze %dma_start3A_633 : memref<1x1x320000xi32, #tpu.memory_space<hbm>> -> memref<320000xi32, #tpu.memory_space<hbm>>
    %dma_start3A_635 = tpu.memref_slice %dma_start3A_634[%add3A_629] : memref<320000xi32, #tpu.memory_space<hbm>> -> memref<80xi32, #tpu.memory_space<hbm>>
    %dma_start3A_636 = arith.constant 0 : i32
    %dma_start3A_637 = tpu.memref_slice %arg3[%dma_start3A_630, %dma_start3A_631, %dma_start3A_636] : memref<2x1x320000xi32, #tpu.memory_space<hbm>> -> memref<1x1x320000xi32, #tpu.memory_space<hbm>>
    %dma_start3A_638 = tpu.memref_squeeze %dma_start3A_637 : memref<1x1x320000xi32, #tpu.memory_space<hbm>> -> memref<320000xi32, #tpu.memory_space<hbm>>
    %dma_start3A_639 = tpu.memref_slice %dma_start3A_638[%add3A_629] : memref<320000xi32, #tpu.memory_space<hbm>> -> memref<80xi32, #tpu.memory_space<hbm>>
    tpu.enqueue_dma source(%dma_start3A_639 : memref<80xi32, #tpu.memory_space<hbm>>) target(%arg12 : memref<80xi32, #tpu.memory_space<vmem>>) target_semaphore(%arg38 : memref<!tpu.dma_semaphore, #tpu.memory_space<semaphore_mem>>)
    %dma_start3A_640 = arith.constant 1 : i32
    %dma_start3A_641 = arith.constant 0 : i32
    %dma_start3A_642 = arith.constant 0 : i32
    %dma_start3A_643 = tpu.memref_slice %arg3[%dma_start3A_640, %dma_start3A_641, %dma_start3A_642] : memref<2x1x320000xi32, #tpu.memory_space<hbm>> -> memref<1x1x320000xi32, #tpu.memory_space<hbm>>
    %dma_start3A_644 = tpu.memref_squeeze %dma_start3A_643 : memref<1x1x320000xi32, #tpu.memory_space<hbm>> -> memref<320000xi32, #tpu.memory_space<hbm>>
    %dma_start3A_645 = tpu.memref_slice %dma_start3A_644[%add3A_629] : memref<320000xi32, #tpu.memory_space<hbm>> -> memref<80xi32, #tpu.memory_space<hbm>>
    %dma_start3A_646 = arith.constant 0 : i32
    %dma_start3A_647 = tpu.memref_slice %arg3[%dma_start3A_640, %dma_start3A_641, %dma_start3A_646] : memref<2x1x320000xi32, #tpu.memory_space<hbm>> -> memref<1x1x320000xi32, #tpu.memory_space<hbm>>
    %dma_start3A_648 = tpu.memref_squeeze %dma_start3A_647 : memref<1x1x320000xi32, #tpu.memory_space<hbm>> -> memref<320000xi32, #tpu.memory_space<hbm>>
    %dma_start3A_649 = tpu.memref_slice %dma_start3A_648[%add3A_629] : memref<320000xi32, #tpu.memory_space<hbm>> -> memref<80xi32, #tpu.memory_space<hbm>>
    tpu.enqueue_dma source(%dma_start3A_649 : memref<80xi32, #tpu.memory_space<hbm>>) target(%arg18 : memref<80xi32, #tpu.memory_space<vmem>>) target_semaphore(%arg38 : memref<!tpu.dma_semaphore, #tpu.memory_space<semaphore_mem>>)
    %dma_wait3A_650 = arith.constant 0 : i32
    %dma_wait3A_651 = arith.constant 0 : i32
    %dma_wait3A_652 = tpu.memref_slice %arg2[%dma_wait3A_650, %dma_wait3A_651] : memref<10000x128xf32, #tpu.memory_space<hbm>> -> memref<10000x128xf32, #tpu.memory_space<hbm>>
    tpu.wait_indirect_dma semaphore(%arg28 : memref<!tpu.dma_semaphore, #tpu.memory_space<semaphore_mem>>) src(%dma_wait3A_652 : memref<10000x128xf32, #tpu.memory_space<hbm>>) dst(%arg22 : memref<80x128xf32, #tpu.memory_space<vmem>>)
    %dma_wait3A_653 = arith.constant 0 : i32
    %dma_wait3A_654 = arith.constant 0 : i32
    %dma_wait3A_655 = tpu.memref_slice %arg6[%dma_wait3A_653, %dma_wait3A_654] : memref<10240x128xf32, #tpu.memory_space<vmem_shared>> -> memref<10240x128xf32, #tpu.memory_space<vmem_shared>>
    tpu.wait_indirect_dma semaphore(%arg30 : memref<!tpu.dma_semaphore, #tpu.memory_space<semaphore_mem>>) src(%arg20 : memref<80x128xf32, #tpu.memory_space<vmem>>) dst(%dma_wait3A_655 : memref<10240x128xf32, #tpu.memory_space<vmem_shared>>)
    %dma_wait3A_656 = arith.constant 0 : i32
    %dma_wait3A_657 = tpu.memref_slice %arg7[%dma_wait3A_656] : memref<10240xf32, #tpu.memory_space<vmem_shared>> -> memref<10240xf32, #tpu.memory_space<vmem_shared>>
    tpu.wait_indirect_dma semaphore(%arg30 : memref<!tpu.dma_semaphore, #tpu.memory_space<semaphore_mem>>) src(%arg24 : memref<80xf32, #tpu.memory_space<vmem>>) dst(%dma_wait3A_657 : memref<10240xf32, #tpu.memory_space<vmem_shared>>)
    %dma_start3A_658 = arith.constant 0 : i32
    %dma_start3A_659 = arith.constant 0 : i32
    %dma_start3A_660 = tpu.memref_slice %arg6[%dma_start3A_658, %dma_start3A_659] : memref<10240x128xf32, #tpu.memory_space<vmem_shared>> -> memref<10240x128xf32, #tpu.memory_space<vmem_shared>>
    tpu.enqueue_indirect_dma source(%arg22 : memref<80x128xf32, #tpu.memory_space<vmem>>) target(%dma_start3A_660 : memref<10240x128xf32, #tpu.memory_space<vmem_shared>>) offsets(%arg16 : memref<80xi32, #tpu.memory_space<vmem>>) semaphore(%arg32 : memref<!tpu.dma_semaphore, #tpu.memory_space<semaphore_mem>>) {add = true}
    %dma_start3A_661 = arith.constant 0 : i32
    %dma_start3A_662 = tpu.memref_slice %arg7[%dma_start3A_661] : memref<10240xf32, #tpu.memory_space<vmem_shared>> -> memref<10240xf32, #tpu.memory_space<vmem_shared>>
    tpu.enqueue_indirect_dma source(%arg24 : memref<80xf32, #tpu.memory_space<vmem>>) target(%dma_start3A_662 : memref<10240xf32, #tpu.memory_space<vmem_shared>>) offsets(%arg16 : memref<80xi32, #tpu.memory_space<vmem>>) semaphore(%arg32 : memref<!tpu.dma_semaphore, #tpu.memory_space<semaphore_mem>>) {add = true}
    %add3A_663 = arith.constant 9920 : i32
    %add3A_664 = arith.addi %mul3A_403, %add3A_663 : i32
    %dma_wait3A_665 = arith.constant 0 : i32
    %dma_wait3A_666 = arith.constant 0 : i32
    %dma_wait3A_667 = arith.constant 0 : i32
    %dma_wait3A_668 = tpu.memref_slice %arg3[%dma_wait3A_665, %dma_wait3A_666, %dma_wait3A_667] : memref<2x1x320000xi32, #tpu.memory_space<hbm>> -> memref<1x1x320000xi32, #tpu.memory_space<hbm>>
    %dma_wait3A_669 = tpu.memref_squeeze %dma_wait3A_668 : memref<1x1x320000xi32, #tpu.memory_space<hbm>> -> memref<320000xi32, #tpu.memory_space<hbm>>
    %dma_wait3A_670 = tpu.memref_slice %dma_wait3A_669[%add3A_664] : memref<320000xi32, #tpu.memory_space<hbm>> -> memref<80xi32, #tpu.memory_space<hbm>>
    %dma_wait3A_671 = arith.constant 0 : i32
    %dma_wait3A_672 = tpu.memref_slice %arg3[%dma_wait3A_665, %dma_wait3A_666, %dma_wait3A_671] : memref<2x1x320000xi32, #tpu.memory_space<hbm>> -> memref<1x1x320000xi32, #tpu.memory_space<hbm>>
    %dma_wait3A_673 = tpu.memref_squeeze %dma_wait3A_672 : memref<1x1x320000xi32, #tpu.memory_space<hbm>> -> memref<320000xi32, #tpu.memory_space<hbm>>
    %dma_wait3A_674 = tpu.memref_slice %dma_wait3A_673[%add3A_664] : memref<320000xi32, #tpu.memory_space<hbm>> -> memref<80xi32, #tpu.memory_space<hbm>>
    tpu.wait_dma2 semaphore(%arg38 : memref<!tpu.dma_semaphore, #tpu.memory_space<semaphore_mem>>) src(%dma_wait3A_674 : memref<80xi32, #tpu.memory_space<hbm>>) dst(%arg12 : memref<80xi32, #tpu.memory_space<vmem>>)
    %dma_wait3A_675 = arith.constant 1 : i32
    %dma_wait3A_676 = arith.constant 0 : i32
    %dma_wait3A_677 = arith.constant 0 : i32
    %dma_wait3A_678 = tpu.memref_slice %arg3[%dma_wait3A_675, %dma_wait3A_676, %dma_wait3A_677] : memref<2x1x320000xi32, #tpu.memory_space<hbm>> -> memref<1x1x320000xi32, #tpu.memory_space<hbm>>
    %dma_wait3A_679 = tpu.memref_squeeze %dma_wait3A_678 : memref<1x1x320000xi32, #tpu.memory_space<hbm>> -> memref<320000xi32, #tpu.memory_space<hbm>>
    %dma_wait3A_680 = tpu.memref_slice %dma_wait3A_679[%add3A_664] : memref<320000xi32, #tpu.memory_space<hbm>> -> memref<80xi32, #tpu.memory_space<hbm>>
    %dma_wait3A_681 = arith.constant 0 : i32
    %dma_wait3A_682 = tpu.memref_slice %arg3[%dma_wait3A_675, %dma_wait3A_676, %dma_wait3A_681] : memref<2x1x320000xi32, #tpu.memory_space<hbm>> -> memref<1x1x320000xi32, #tpu.memory_space<hbm>>
    %dma_wait3A_683 = tpu.memref_squeeze %dma_wait3A_682 : memref<1x1x320000xi32, #tpu.memory_space<hbm>> -> memref<320000xi32, #tpu.memory_space<hbm>>
    %dma_wait3A_684 = tpu.memref_slice %dma_wait3A_683[%add3A_664] : memref<320000xi32, #tpu.memory_space<hbm>> -> memref<80xi32, #tpu.memory_space<hbm>>
    tpu.wait_dma2 semaphore(%arg38 : memref<!tpu.dma_semaphore, #tpu.memory_space<semaphore_mem>>) src(%dma_wait3A_684 : memref<80xi32, #tpu.memory_space<hbm>>) dst(%arg18 : memref<80xi32, #tpu.memory_space<vmem>>)
    %dma_start3A_685 = arith.constant 0 : i32
    %dma_start3A_686 = arith.constant 0 : i32
    %dma_start3A_687 = tpu.memref_slice %arg2[%dma_start3A_685, %dma_start3A_686] : memref<10000x128xf32, #tpu.memory_space<hbm>> -> memref<10000x128xf32, #tpu.memory_space<hbm>>
    tpu.enqueue_indirect_dma source(%dma_start3A_687 : memref<10000x128xf32, #tpu.memory_space<hbm>>) target(%arg20 : memref<80x128xf32, #tpu.memory_space<vmem>>) offsets(%arg12 : memref<80xi32, #tpu.memory_space<vmem>>) semaphore(%arg26 : memref<!tpu.dma_semaphore, #tpu.memory_space<semaphore_mem>>)
    %dma_wait3A_688 = arith.constant 0 : i32
    %dma_wait3A_689 = arith.constant 0 : i32
    %dma_wait3A_690 = tpu.memref_slice %arg2[%dma_wait3A_688, %dma_wait3A_689] : memref<10000x128xf32, #tpu.memory_space<hbm>> -> memref<10000x128xf32, #tpu.memory_space<hbm>>
    tpu.wait_indirect_dma semaphore(%arg29 : memref<!tpu.dma_semaphore, #tpu.memory_space<semaphore_mem>>) src(%dma_wait3A_690 : memref<10000x128xf32, #tpu.memory_space<hbm>>) dst(%arg23 : memref<80x128xf32, #tpu.memory_space<vmem>>)
    %dma_wait3A_691 = arith.constant 0 : i32
    %dma_wait3A_692 = arith.constant 0 : i32
    %dma_wait3A_693 = tpu.memref_slice %arg6[%dma_wait3A_691, %dma_wait3A_692] : memref<10240x128xf32, #tpu.memory_space<vmem_shared>> -> memref<10240x128xf32, #tpu.memory_space<vmem_shared>>
    tpu.wait_indirect_dma semaphore(%arg31 : memref<!tpu.dma_semaphore, #tpu.memory_space<semaphore_mem>>) src(%arg21 : memref<80x128xf32, #tpu.memory_space<vmem>>) dst(%dma_wait3A_693 : memref<10240x128xf32, #tpu.memory_space<vmem_shared>>)
    %dma_wait3A_694 = arith.constant 0 : i32
    %dma_wait3A_695 = tpu.memref_slice %arg7[%dma_wait3A_694] : memref<10240xf32, #tpu.memory_space<vmem_shared>> -> memref<10240xf32, #tpu.memory_space<vmem_shared>>
    tpu.wait_indirect_dma semaphore(%arg31 : memref<!tpu.dma_semaphore, #tpu.memory_space<semaphore_mem>>) src(%arg24 : memref<80xf32, #tpu.memory_space<vmem>>) dst(%dma_wait3A_695 : memref<10240xf32, #tpu.memory_space<vmem_shared>>)
    %dma_start3A_696 = arith.constant 0 : i32
    %dma_start3A_697 = arith.constant 0 : i32
    %dma_start3A_698 = tpu.memref_slice %arg6[%dma_start3A_696, %dma_start3A_697] : memref<10240x128xf32, #tpu.memory_space<vmem_shared>> -> memref<10240x128xf32, #tpu.memory_space<vmem_shared>>
    tpu.enqueue_indirect_dma source(%arg23 : memref<80x128xf32, #tpu.memory_space<vmem>>) target(%dma_start3A_698 : memref<10240x128xf32, #tpu.memory_space<vmem_shared>>) offsets(%arg17 : memref<80xi32, #tpu.memory_space<vmem>>) semaphore(%arg33 : memref<!tpu.dma_semaphore, #tpu.memory_space<semaphore_mem>>) {add = true}
    %dma_start3A_699 = arith.constant 0 : i32
    %dma_start3A_700 = tpu.memref_slice %arg7[%dma_start3A_699] : memref<10240xf32, #tpu.memory_space<vmem_shared>> -> memref<10240xf32, #tpu.memory_space<vmem_shared>>
    tpu.enqueue_indirect_dma source(%arg24 : memref<80xf32, #tpu.memory_space<vmem>>) target(%dma_start3A_700 : memref<10240xf32, #tpu.memory_space<vmem_shared>>) offsets(%arg17 : memref<80xi32, #tpu.memory_space<vmem>>) semaphore(%arg33 : memref<!tpu.dma_semaphore, #tpu.memory_space<semaphore_mem>>) {add = true}
    %dma_wait3A_701 = arith.constant 0 : i32
    %dma_wait3A_702 = arith.constant 0 : i32
    %dma_wait3A_703 = tpu.memref_slice %arg2[%dma_wait3A_701, %dma_wait3A_702] : memref<10000x128xf32, #tpu.memory_space<hbm>> -> memref<10000x128xf32, #tpu.memory_space<hbm>>
    tpu.wait_indirect_dma semaphore(%arg26 : memref<!tpu.dma_semaphore, #tpu.memory_space<semaphore_mem>>) src(%dma_wait3A_703 : memref<10000x128xf32, #tpu.memory_space<hbm>>) dst(%arg20 : memref<80x128xf32, #tpu.memory_space<vmem>>)
    %dma_wait3A_704 = arith.constant 0 : i32
    %dma_wait3A_705 = arith.constant 0 : i32
    %dma_wait3A_706 = tpu.memref_slice %arg6[%dma_wait3A_704, %dma_wait3A_705] : memref<10240x128xf32, #tpu.memory_space<vmem_shared>> -> memref<10240x128xf32, #tpu.memory_space<vmem_shared>>
    tpu.wait_indirect_dma semaphore(%arg32 : memref<!tpu.dma_semaphore, #tpu.memory_space<semaphore_mem>>) src(%arg22 : memref<80x128xf32, #tpu.memory_space<vmem>>) dst(%dma_wait3A_706 : memref<10240x128xf32, #tpu.memory_space<vmem_shared>>)
    %dma_wait3A_707 = arith.constant 0 : i32
    %dma_wait3A_708 = tpu.memref_slice %arg7[%dma_wait3A_707] : memref<10240xf32, #tpu.memory_space<vmem_shared>> -> memref<10240xf32, #tpu.memory_space<vmem_shared>>
    tpu.wait_indirect_dma semaphore(%arg32 : memref<!tpu.dma_semaphore, #tpu.memory_space<semaphore_mem>>) src(%arg24 : memref<80xf32, #tpu.memory_space<vmem>>) dst(%dma_wait3A_708 : memref<10240xf32, #tpu.memory_space<vmem_shared>>)
    %dma_start3A_709 = arith.constant 0 : i32
    %dma_start3A_710 = arith.constant 0 : i32
    %dma_start3A_711 = tpu.memref_slice %arg6[%dma_start3A_709, %dma_start3A_710] : memref<10240x128xf32, #tpu.memory_space<vmem_shared>> -> memref<10240x128xf32, #tpu.memory_space<vmem_shared>>
    tpu.enqueue_indirect_dma source(%arg20 : memref<80x128xf32, #tpu.memory_space<vmem>>) target(%dma_start3A_711 : memref<10240x128xf32, #tpu.memory_space<vmem_shared>>) offsets(%arg18 : memref<80xi32, #tpu.memory_space<vmem>>) semaphore(%arg30 : memref<!tpu.dma_semaphore, #tpu.memory_space<semaphore_mem>>) {add = true}
    %dma_start3A_712 = arith.constant 0 : i32
    %dma_start3A_713 = tpu.memref_slice %arg7[%dma_start3A_712] : memref<10240xf32, #tpu.memory_space<vmem_shared>> -> memref<10240xf32, #tpu.memory_space<vmem_shared>>
    tpu.enqueue_indirect_dma source(%arg24 : memref<80xf32, #tpu.memory_space<vmem>>) target(%dma_start3A_713 : memref<10240xf32, #tpu.memory_space<vmem_shared>>) offsets(%arg18 : memref<80xi32, #tpu.memory_space<vmem>>) semaphore(%arg30 : memref<!tpu.dma_semaphore, #tpu.memory_space<semaphore_mem>>) {add = true}
    %dma_wait3A_714 = arith.constant 0 : i32
    %dma_wait3A_715 = arith.constant 0 : i32
    %dma_wait3A_716 = tpu.memref_slice %arg6[%dma_wait3A_714, %dma_wait3A_715] : memref<10240x128xf32, #tpu.memory_space<vmem_shared>> -> memref<10240x128xf32, #tpu.memory_space<vmem_shared>>
    tpu.wait_indirect_dma semaphore(%arg33 : memref<!tpu.dma_semaphore, #tpu.memory_space<semaphore_mem>>) src(%arg23 : memref<80x128xf32, #tpu.memory_space<vmem>>) dst(%dma_wait3A_716 : memref<10240x128xf32, #tpu.memory_space<vmem_shared>>)
    %dma_wait3A_717 = arith.constant 0 : i32
    %dma_wait3A_718 = tpu.memref_slice %arg7[%dma_wait3A_717] : memref<10240xf32, #tpu.memory_space<vmem_shared>> -> memref<10240xf32, #tpu.memory_space<vmem_shared>>
    tpu.wait_indirect_dma semaphore(%arg33 : memref<!tpu.dma_semaphore, #tpu.memory_space<semaphore_mem>>) src(%arg24 : memref<80xf32, #tpu.memory_space<vmem>>) dst(%dma_wait3A_718 : memref<10240xf32, #tpu.memory_space<vmem_shared>>)
    %dma_wait3A_719 = arith.constant 0 : i32
    %dma_wait3A_720 = arith.constant 0 : i32
    %dma_wait3A_721 = tpu.memref_slice %arg6[%dma_wait3A_719, %dma_wait3A_720] : memref<10240x128xf32, #tpu.memory_space<vmem_shared>> -> memref<10240x128xf32, #tpu.memory_space<vmem_shared>>
    tpu.wait_indirect_dma semaphore(%arg30 : memref<!tpu.dma_semaphore, #tpu.memory_space<semaphore_mem>>) src(%arg20 : memref<80x128xf32, #tpu.memory_space<vmem>>) dst(%dma_wait3A_721 : memref<10240x128xf32, #tpu.memory_space<vmem_shared>>)
    %dma_wait3A_722 = arith.constant 0 : i32
    %dma_wait3A_723 = tpu.memref_slice %arg7[%dma_wait3A_722] : memref<10240xf32, #tpu.memory_space<vmem_shared>> -> memref<10240xf32, #tpu.memory_space<vmem_shared>>
    tpu.wait_indirect_dma semaphore(%arg30 : memref<!tpu.dma_semaphore, #tpu.memory_space<semaphore_mem>>) src(%arg24 : memref<80xf32, #tpu.memory_space<vmem>>) dst(%dma_wait3A_723 : memref<10240xf32, #tpu.memory_space<vmem_shared>>)
    %barrier3A_724 = arith.constant 0 : index
    tpu.barrier barrier_id(%barrier3A_724)
    %mul3A_725 = arith.constant 640 : i32
    %mul3A_726 = arith.muli %arg1, %mul3A_725 : i32
    %mul3A_727 = arith.constant 640 : i32
    %mul3A_728 = arith.muli %arg1, %mul3A_727 : i32
    "tpu.region"() ({
      %run_scoped3A = tpu.sem_alloc : memref<!tpu.dma_semaphore, #tpu.memory_space<semaphore_mem>>
      %dma_start3A_733 = arith.constant 0 : i32
      %dma_start3A_734 = tpu.memref_slice %arg4[%arg0, %mul3A_728, %dma_start3A_733] : memref<2x10240x128xf32, #tpu.memory_space<hbm>> -> memref<1x640x128xf32, #tpu.memory_space<hbm>>
      %dma_start3A_735 = tpu.memref_squeeze %dma_start3A_734 : memref<1x640x128xf32, #tpu.memory_space<hbm>> -> memref<640x128xf32, #tpu.memory_space<hbm>>
      %dma_start3A_736 = arith.constant 0 : i32
      %dma_start3A_737 = tpu.memref_slice %arg6[%mul3A_726, %dma_start3A_736] : memref<10240x128xf32, #tpu.memory_space<vmem_shared>> -> memref<640x128xf32, #tpu.memory_space<vmem_shared>>
      tpu.enqueue_dma source(%dma_start3A_737 : memref<640x128xf32, #tpu.memory_space<vmem_shared>>) target(%dma_start3A_735 : memref<640x128xf32, #tpu.memory_space<hbm>>) target_semaphore(%run_scoped3A : memref<!tpu.dma_semaphore, #tpu.memory_space<semaphore_mem>>)
      %dma_wait3A_738 = arith.constant 0 : i32
      %dma_wait3A_739 = tpu.memref_slice %arg4[%arg0, %mul3A_728, %dma_wait3A_738] : memref<2x10240x128xf32, #tpu.memory_space<hbm>> -> memref<1x640x128xf32, #tpu.memory_space<hbm>>
      %dma_wait3A_740 = tpu.memref_squeeze %dma_wait3A_739 : memref<1x640x128xf32, #tpu.memory_space<hbm>> -> memref<640x128xf32, #tpu.memory_space<hbm>>
      %dma_wait3A_741 = arith.constant 0 : i32
      %dma_wait3A_742 = tpu.memref_slice %arg6[%mul3A_726, %dma_wait3A_741] : memref<10240x128xf32, #tpu.memory_space<vmem_shared>> -> memref<640x128xf32, #tpu.memory_space<vmem_shared>>
      tpu.wait_dma2 semaphore(%run_scoped3A : memref<!tpu.dma_semaphore, #tpu.memory_space<semaphore_mem>>) src(%dma_wait3A_742 : memref<640x128xf32, #tpu.memory_space<vmem_shared>>) dst(%dma_wait3A_740 : memref<640x128xf32, #tpu.memory_space<hbm>>)
      tpu.yield
    }) : () -> ()
    %mul3A_729 = arith.constant 640 : i32
    %mul3A_730 = arith.muli %arg1, %mul3A_729 : i32
    %mul3A_731 = arith.constant 640 : i32
    %mul3A_732 = arith.muli %arg1, %mul3A_731 : i32
    "tpu.region"() ({
      %run_scoped3A = tpu.sem_alloc : memref<!tpu.dma_semaphore, #tpu.memory_space<semaphore_mem>>
      %dma_start3A_733 = tpu.memref_slice %arg5[%arg0, %mul3A_732] : memref<2x10240xf32, #tpu.memory_space<hbm>> -> memref<1x640xf32, #tpu.memory_space<hbm>>
      %dma_start3A_734 = tpu.memref_squeeze %dma_start3A_733 : memref<1x640xf32, #tpu.memory_space<hbm>> -> memref<640xf32, #tpu.memory_space<hbm>>
      %dma_start3A_735 = tpu.memref_slice %arg7[%mul3A_730] : memref<10240xf32, #tpu.memory_space<vmem_shared>> -> memref<640xf32, #tpu.memory_space<vmem_shared>>
      tpu.enqueue_dma source(%dma_start3A_735 : memref<640xf32, #tpu.memory_space<vmem_shared>>) target(%dma_start3A_734 : memref<640xf32, #tpu.memory_space<hbm>>) target_semaphore(%run_scoped3A : memref<!tpu.dma_semaphore, #tpu.memory_space<semaphore_mem>>)
      %dma_wait3A_736 = tpu.memref_slice %arg5[%arg0, %mul3A_732] : memref<2x10240xf32, #tpu.memory_space<hbm>> -> memref<1x640xf32, #tpu.memory_space<hbm>>
      %dma_wait3A_737 = tpu.memref_squeeze %dma_wait3A_736 : memref<1x640xf32, #tpu.memory_space<hbm>> -> memref<640xf32, #tpu.memory_space<hbm>>
      %dma_wait3A_738 = tpu.memref_slice %arg7[%mul3A_730] : memref<10240xf32, #tpu.memory_space<vmem_shared>> -> memref<640xf32, #tpu.memory_space<vmem_shared>>
      tpu.wait_dma2 semaphore(%run_scoped3A : memref<!tpu.dma_semaphore, #tpu.memory_space<semaphore_mem>>) src(%dma_wait3A_738 : memref<640xf32, #tpu.memory_space<vmem_shared>>) dst(%dma_wait3A_737 : memref<640xf32, #tpu.memory_space<hbm>>)
      tpu.yield
    }) : () -> ()
    return
  }
}

</mosaic_0001>

<sc_bundles>
// kernel: _sc_aggregate.3.cloned.1.call-start
scs
__scs_entry_jumppad:
0x0: {  	(pc) =	sbr.rel $0x88, $3  }
0x1: {  	(tag) =	ssettag $0x0;
	lr =	simm.s32 $0x1  }
0x2: {  	[smem:$0x3F9F] =	sst lr;
	_ =	strace $0xD0000000  }
0x3: {  	_ = 	snop  }
0x4: {  	_ = 	snop  }
0x5: {  	_ = 	snop  }
0x6: {  	_ = 	snop  }
0x7: {  	_ = 	snop  }
__scs_overlays_trampoline_lowered:
0x8: {  	[smem:$0x3FAE] =	sst s0  }
0x9: {  	[smem:$0x3FAF] =	sst s1  }
0xa: {  	[smem:$0x3FB0] =	sst s2  }
0xb: {  	[smem:$0x3FB1] =	sst s3  }
0xc: {  	[smem:$0x3FB2] =	sst s4  }
0xd: {  	[smem:$0x3FB3] =	sst s5  }
0xe: {  	[smem:$0x3FB4] =	sst s6  }
0xf: {  	[smem:$0x3FB5] =	sst s7  }
0x10: {  	[smem:$0x3FB6] =	sst s8  }
0x11: {  	[smem:$0x3FB7] =	sst s9;
	s0 =	simm.s32 @!p0 $0x0  }
0x12: {  	s1 =	sld [smem:$0x3F9D];
	s0 =	simm.s32 @p0 $0x1  }
0x13: {  	[smem:$0x3FB8] =	sst s0;
	s0 =	simm.s32 @!p1 $0x0  }
0x14: {  	s2 =	sld [smem:$0x3F9C];
	s0 =	simm.s32 @p1 $0x1  }
0x15: {  	[smem:$0x3FB9] =	sst s0;
	s0 =	simm.s32 @!p2 $0x0  }
0x16: {  	s3 =	sld [smem:$0x3FDB];
	s0 =	simm.s32 @p2 $0x1  }
0x17: {  	s4 =	simm.s32 $0x1BF5;
	[smem:$0x3FBB] =	sst s0  }
0x18: {  	s0 =	sld [smem:$0x3F9E];
	_ =	swait.ge [sflag:s4], $0x0  }
0x19: {  	s7 =	sld [smem:$0x3F9F]  }
0x1a: {  	s8 =	sadd.s32 $0xFFFFE003, lr  }
0x1b: {  	s9 =	sadd.s32 $0xFFFFFEF7, lr;
	s5 =	simm.s32 $0xFFFFFFFF;
	p2 =	slt.u32 s8, $0xFFFFF086  }
0x1c: {  	p1 =	slt.u32 s9, $0xF7A;
	s5 =	simm.s32 @!p2 $0x0  }
0x1d: {  	s5 =	simm.s32 @p1 $0x1;
	p0 =	seq.s32 s7, s2  }
0x1e: {  	s7 =	smul.u32 @!p0 $0xF7A, s2;
	p2 =	seq.s32 @!p0 s5, $0x0  }
0x1f: {  	s9 =	smul.u32 $0xF7A, s1;
	s8 =	simm.s32 @!p0 $0x1BF5;
	p2 =	por !p2, p0  }
0x20: {  	[sflag:s8] =	ssyncset.s32 @!p0 $0xFFFFF086;
	s6 =	sadd.s32 @!p0 s3, s7;
	s7 =	simm.s32 @!p0 $0x108  }
0x21: {  	s3 =	sadd.s32 s3, s9;
	s6 =	sadd.s32 @!p0 $0x88, s6;
	s7 =	simm.s32 @p2 $0x1082  }
0x22: {  	[simem:s7], [sflag:s8] =	dma.local @!p0 [hbm:s6], $0xF7A  }
0x23: {  	s9 =	sor.u32 $0xD0000000, s2;
	s6 =	simm.s32 $0x108;
	_ =	swait.ge @!p0 [sflag:s8], $0x0  }
0x24: {  	s3 =	sadd.s32 $0x88, s3;
	s6 =	simm.s32 @!p1 $0x1082;
	[sflag:s4] =	ssyncset.s32 $0xFFFFF086  }
0x25: {  	[simem:s6], [sflag:s4] =	dma.local [hbm:s3], $0xF7A  }
0x26: {  	[smem:$0x3F9F] =	sst s1;
	(tag) =	ssettag s2;
	_ =	strace s9  }
0x27: {  	s1 =	sld [smem:$0x3FAF]  }
0x28: {  	s2 =	sld [smem:$0x3FB0]  }
0x29: {  	s4 =	sld [smem:$0x3FB2]  }
0x2a: {  	p0 =	seq.s32 s5, $0x0;
	s5 =	sld [smem:$0x3FB3]  }
0x2b: {  	s6 =	sld [smem:$0x3FB4]  }
0x2c: {  	s7 =	sld [smem:$0x3FB5]  }
0x2d: {  	s3 =	simm.s32 $0x108;
	s8 =	sld [smem:$0x3FB6]  }
0x2e: {  	s3 =	simm.s32 @!p0 $0x1082;
	s9 =	sld [smem:$0x3FB7]  }
0x2f: {  	lr =	sadd.s32 s0, s3;
	s0 =	sld [smem:$0x3FAE]  }
0x30: {  	s3 =	sld [smem:$0x3FB1]  }
0x31: {  	[smem:$0x3FBA] =	sst s10  }
0x32: {  	s10 =	sld [smem:$0x3FB8];
	_ =	sdelay $0x3  }
0x33: {  	p0 =	seq.s32 s10, $0x1;
	s10 =	sld [smem:$0x3FBA];
	_ =	sdelay $0x3  }
0x34: {  	[smem:$0x3FBA] =	sst s10  }
0x35: {  	s10 =	sld [smem:$0x3FB9];
	_ =	sdelay $0x3  }
0x36: {  	p1 =	seq.s32 s10, $0x1;
	s10 =	sld [smem:$0x3FBA];
	_ =	sdelay $0x3  }
0x37: {  	[smem:$0x3FBA] =	sst s10  }
0x38: {  	s10 =	sld [smem:$0x3FBB]  }
0x39: {  	_ = 	snop;
	(pc) =	sbr.ind lr, $3  }
0x3a: {  	_ = 	snop  }
0x3b: {  	_ = 	snop  }
0x3c: {  	p2 =	seq.s32 s10, $0x1;
	s10 =	sld [smem:$0x3FBA]  }
0x3d: {  	_ =	shalt  }
0x3e: {  	_ =	shalt  }
0x3f: {  	_ =	shalt  }
0x40: {  	_ =	shalt  }
0x41: {  	_ =	shalt  }
0x42: {  	_ =	shalt  }
0x43: {  	_ =	shalt  }
0x44: {  	_ =	shalt  }
0x45: {  	_ =	shalt  }
0x46: {  	_ =	shalt  }
0x47: {  	_ =	shalt  }
0x48: {  	_ =	shalt  }
0x49: {  	_ =	shalt  }
0x4a: {  	_ =	shalt  }
0x4b: {  	_ =	shalt  }
0x4c: {  	_ =	shalt  }
0x4d: {  	_ =	shalt  }
0x4e: {  	_ =	shalt  }
0x4f: {  	_ =	shalt  }
0x50: {  	_ =	shalt  }
0x51: {  	_ =	shalt  }
0x52: {  	_ =	shalt  }
0x53: {  	_ =	shalt  }
0x54: {  	_ =	shalt  }
0x55: {  	_ =	shalt  }
0x56: {  	_ =	shalt  }
0x57: {  	_ =	shalt  }
0x58: {  	_ =	shalt  }
0x59: {  	_ =	shalt  }
0x5a: {  	_ =	shalt  }
0x5b: {  	_ =	shalt  }
0x5c: {  	_ =	shalt  }
0x5d: {  	_ =	shalt  }
0x5e: {  	_ =	shalt  }
0x5f: {  	_ =	shalt  }
0x60: {  	_ =	shalt  }
0x61: {  	_ =	shalt  }
0x62: {  	_ =	shalt  }
0x63: {  	_ =	shalt  }
0x64: {  	_ =	shalt  }
0x65: {  	_ =	shalt  }
0x66: {  	_ =	shalt  }
0x67: {  	_ =	shalt  }
0x68: {  	_ =	shalt  }
0x69: {  	_ =	shalt  }
0x6a: {  	_ =	shalt  }
0x6b: {  	_ =	shalt  }
0x6c: {  	_ =	shalt  }
0x6d: {  	_ =	shalt  }
0x6e: {  	_ =	shalt  }
0x6f: {  	_ =	shalt  }
0x70: {  	_ =	shalt  }
0x71: {  	_ =	shalt  }
0x72: {  	_ =	shalt  }
0x73: {  	_ =	shalt  }
0x74: {  	_ =	shalt  }
0x75: {  	_ =	shalt  }
0x76: {  	_ =	shalt  }
0x77: {  	_ =	shalt  }
0x78: {  	_ =	shalt  }
0x79: {  	_ =	shalt  }
0x7a: {  	_ =	shalt  }
0x7b: {  	_ =	shalt  }
0x7c: {  	_ =	shalt  }
0x7d: {  	_ =	shalt  }
0x7e: {  	_ =	shalt  }
0x7f: {  	_ =	shalt  }
0x80: {  	_ =	shalt  }
0x81: {  	_ =	shalt  }
0x82: {  	_ =	shalt  }
0x83: {  	_ =	shalt  }
0x84: {  	_ =	shalt  }
0x85: {  	_ =	shalt  }
0x86: {  	_ =	shalt  }
0x87: {  	_ =	shalt  }
.Lfunc_end0:
.L_simem_size_0:
called_computation_lowered:
.L_overlay_start_0:
0x88: {  	s2 =	sld [smem:$0x3FD9]  }
0x89: {  	s3 =	sld [smem:$0x3FFE];
	_ =	sdelay $0x1  }
0x8a: {  	s1 =	srdreg.scid  }
0x8b: {  	s0 =	sand.u32 $0x1, s1  }
0x8c: {  	s15 =	sshll.u32 s0, $0xA;
	s2 =	sadd.s32 s3, s2  }
0x8d: {  	s2 =	sadd.s32 s2, s15  }
0x8e: {  	[smem:$0x3FC6] =	sst s2  }
0x8f: {  	_ = 	snop  }
0x90: {  	s2 =	sld [smem:$0x3FD0];
	_ =	sdelay $0x1  }
0x91: {  	s16 =	sld [smem:$0x3FC9]  }
0x92: {  	s5 =	simm.s32 $0xA;
	s6 =	simm.s32 $0x10;
	s4 =	sld [smem:$0x3FC8]  }
0x93: {  	[smem:s6], [sflag:s5] =	dma.local [hbm:s2], $0x1  }
0x94: {  	_ =	swait.eq [sflag:s5], $0x1  }
0x95: {  	[sflag:s5] =	ssyncset.done $0x0  }
0x96: {  	s17 =	sld [smem:$0x10];
	[sflag:s5] =	ssyncadd.s32 $0xFFFFFFFF  }
0x97: {  	s18 =	sld [smem:$0x11];
	(tm) =	ssettm $0x1  }
0x98: {  	s19 =	sld [smem:$0x3FFB];
	_ =	sdelay $0x3  }
0x99: {  	_ =	strace s19  }
0x9a: {  	s6 =	sld [smem:$0x3FFC];
	_ =	sdelay $0x3  }
0x9b: {  	_ =	strace s6  }
0x9c: {  	s6 =	sld [smem:$0x3FFD];
	_ =	sdelay $0x3  }
0x9d: {  	_ =	strace s6  }
0x9e: {  	_ =	strace $0x8FFFFFFF  }
0x9f: {  	s20 =	sld [smem:$0x3FDB];
	_ =	sdelay $0x1  }
0xa0: {  	s7 =	simm.s32 $_scs_section_size  }
0xa1: {  	s8 =	simm.s32 $_size__tile_overlayer_lowered;
	s9 =	simm.s32 $_tile_overlayer_lowered  }
0xa2: {  	s23 =	simm.s32 $0x1BFF;
	s22 =	sshll.u32 s9, $0x1;
	s6 =	sadd.s32 s7, s20  }
0xa3: {  	s10 =	simm.s32 $0x0;
	s21 =	sshll.u32 s8, $0x1;
	s8 =	sadd.s32 s22, s6  }
0xa4: {  	[timem:s10], [sflag:s23] =	dma.local [hbm:s8], s21  }
0xa5: {  	_ =	swait.ge [sflag:s23], s21  }
0xa6: {  	s7 =	ssub.s32 $0x0, s21;
	[sflag:s23] =	ssyncset.done $0x0  }
0xa7: {  	[sflag:s23] =	ssyncadd.s32 s7;
	_ =	sdelay $0x1  }
0xa8: {  	s24 =	simm.s32 $0x1B8B  }
0xa9: {  	_ =	swait.ge [sflag:s24], $0x1  }
0xaa: {  	[sflag:s24] =	ssyncset.done $0x0  }
0xab: {  	s25 =	simm.s32 $0x1B8E;
	[sflag:s24] =	ssyncadd.s32 $0xFFFFFFFF  }
0xac: {  	s26 =	simm.s32 $execute0_lowered;
	[smem:$0x3FD2] =	sst s25  }
0xad: {  	s7 =	sshll.u32 s26, $0x1;
	_ =	strace $0x80000046;
	[dreg:$0x1] =	wrdreg $0xFFFFFFFF  }
0xae: {  	s28 =	simm.s32 $_size_execute0_lowered;
	s6 =	sadd.s32 s6, s7;
	[dreg:$0x0] =	wrdreg $0x0  }
0xaf: {  	s7 =	sshll.u32 s28, $0x1;
	[dreg:$0x2] =	wrdreg s6  }
0xb0: {  	[dreg:$0x3] =	wrdreg s7  }
0xb1: {  	[dreg:$0x4] =	wrdreg $0xC0  }
0xb2: {  	_ =	task [dreg:s10], $0x5FFFF  }
0xb3: {  	[dreg:$0x1] =	wrdreg $0xFFFFFFFF  }
0xb4: {  	[dreg:$0x0] =	wrdreg $0x60  }
0xb5: {  	[dreg:$0x2] =	wrdreg s16  }
0xb6: {  	[dreg:$0x3] =	wrdreg s4  }
0xb7: {  	[dreg:$0x4] =	wrdreg s17  }
0xb8: {  	[dreg:$0x5] =	wrdreg s18  }
0xb9: {  	[dreg:$0x6] =	wrdreg $0x0  }
0xba: {  	[dreg:$0x7] =	wrdreg $0x140000  }
0xbb: {  	[dreg:$0x8] =	wrdreg $0x9  }
0xbc: {  	_ =	task.clear_ibuf [dreg:s10], $0x9FFFF;
	_ =	strace $0x90000046  }
0xbd: {  	s29 =	simm.s32 $0x9;
	_ =	strace $0x80000048  }
0xbe: {  	_ =	swait.ge [sflag:s29], $0x1  }
0xbf: {  	[sflag:s29] =	ssyncadd.s32 $0xFFFFFFFF  }
0xc0: {  	_ =	strace $0x90000048  }
0xc1: {  	_ =	sfence  }
0xc2: {  	s30 =	sld [smem:$0x0];
	_ =	sdelay $0x2  }
0xc3: {  	s31 =	sshll.u32 s1, $0xD;
	s1 =	sshrl.u32 s1, $0x2  }
0xc4: {  	s3 =	sand.u32 $0x4000, s31;
	s1 =	sadd.s32 s1, s30  }
0xc5: {  	s0 =	sor.u32 s3, s0;
	s1 =	sshll.u32 s1, $0x11  }
0xc6: {  	s0 =	sor.u32 s1, s0  }
0xc7: {  	s0 =	sadd.s32 $0x8F2B, s0  }
0xc8: {  	[sflag:s0] =	ssyncadd.remote.s32 $0x1  }
0xc9: {  	_ =	sfence.sel $0xFFFF  }
0xca: {  	[dreg:$0x0] =	wrdreg $0xFFFFFFFF;
	(pc) =	sbr.abs _section_cstart, $3  }
0xcb: {  	[dreg:$0x1] =	wrdreg $0xFFFFFFFF  }
0xcc: {  	_ =	task.clear_ibuf [dreg:s10], $0x2FFFF;
	_ =	strace $0x9FFFFFFF  }
0xcd: {  	(tm) =	ssettm $0x7FFFFFFF  }
tec
execute0_lowered:
.L_overlay_start_1:
0x0: {  	(tag) =	ssettag $0x1  }
0x1: {  	s25 =	rddreg [dreg:$0x0]  }
0x2: {  	s1 =	rddreg [dreg:$0x1]  }
0x3: {  	s3 =	rddreg [dreg:$0x2];
	s15 =	stileid.u32  }
0x4: {  	s0 =	srdreg.scid;
	s8 =	smul.u32 $0x50000, s15  }
0x5: {  	s7 =	rddreg [dreg:$0x3];
	s9 =	sand.u32 $0x1, s0;
	s0 =	smul.u32 $0xA00, s15  }
0x6: {  	s4 =	rddreg [dreg:$0x4];
	s12 =	smul.u32 $0x14000, s15  }
0x7: {  	s29 =	rddreg [dreg:$0x5];
	s6 =	simm.s32 $0x0;
	s14 =	smul.u32 $0x2710, s15  }
0x8: {  	[smem:$0x7FF] =	sst s6;
	s2 =	ssub.s32 $0x2, s9;
	s10 =	smul.u32 $0x140000, s9  }
0x9: {  	_ =	strace $0x80000047;
	s23 =	sshll.u32 s9, $0x4;
	s13 =	smul.u32 $0x27100, s9  }
0xa: {  	s11 =	sshrl.u32 s2, $0x1;
	s8 =	sshrl.u32 s8, $0x2;
	s0 =	sshrl.u32 s0, $0x2  }
0xb: {  	s2 =	ssub.s32 s2, s11;
	s16 =	sadd.s32 s8, s4;
	s0 =	sadd.s32 s0, s29  }
0xc: {  	s24 =	sadd.s32 s12, s10;
	s12 =	sadd.s32 s14, s13;
	[smem:$0x7EB] =	sst s0  }
0xd: {  	s8 =	sshrl.u32 s24, $0x3;
	s2 =	smax.u32 s2, $0x1;
	[dreg:$0x1e] =	wrdreg s16  }
0xe: {  	s30 =	sadd.s32 $0x140, s12;
	s3 =	sadd.s32 s3, s8;
	[smem:$0x7EC] =	sst s2  }
0xf: {  	s5 =	sadd.s32 $0x190, s12;
	s4 =	sshrl.u32 s30, $0x3;
	[dreg:$0x1f] =	wrdreg s3  }
0x10: {  	s17 =	sadd.s32 $0x230, s12;
	s13 =	sshrl.u32 s5, $0x3;
	[smem:$0x7DF] =	sst s4  }
0x11: {  	s22 =	sadd.s32 $0x320, s12;
	s18 =	sshrl.u32 s17, $0x3;
	[smem:$0x7E0] =	sst s13  }
0x12: {  	s11 =	sor.u32 s15, s23;
	s23 =	sshrl.u32 s22, $0x3;
	[smem:$0x7E2] =	sst s18  }
0x13: {  	s17 =	sadd.s32 $0x3C0, s12;
	[smem:$0x7E5] =	sst s23  }
0x14: {  	s22 =	sadd.s32 $0xF000, s16;
	[smem:$0x7ED] =	sst s17  }
0x15: {  	s26 =	smul.u32 $0x500, s15;
	s10 =	sadd.s32 s4, s1;
	[smem:$0x7F2] =	sst s22  }
0x16: {  	s9 =	sshll.u32 s9, $0x7;
	s14 =	sadd.s32 s13, s1;
	[dreg:$0x7] =	wrdreg s10  }
0x17: {  	s28 =	sor.u32 s9, s26;
	s20 =	sadd.s32 s18, s1;
	[dreg:$0x8] =	wrdreg s14  }
0x18: {  	s30 =	sadd.s32 $0x460, s12;
	s26 =	sadd.s32 s23, s1;
	[dreg:$0xa] =	wrdreg s20  }
0x19: {  	s4 =	sshrl.u32 s30, $0x3;
	[dreg:$0xd] =	wrdreg s26  }
0x1a: {  	s18 =	sadd.s32 $0x5000, s16;
	[smem:$0x7E8] =	sst s4  }
0x1b: {  	s3 =	sshrl.u32 s28, $0x3;
	s23 =	sadd.s32 $0x11800, s16;
	[smem:$0x7EE] =	sst s18  }
0x1c: {  	s15 =	sadd.s32 $0x1E0, s12;
	s3 =	sadd.s32 s7, s3;
	[smem:$0x7F3] =	sst s23  }
0x1d: {  	s7 =	sshrl.u32 s15, $0x3;
	[smem:$0x7DE] =	sst s3  }
0x1e: {  	s5 =	sadd.s32 $0xF0, s12;
	s9 =	sadd.s32 s4, s1;
	[smem:$0x7E1] =	sst s7  }
0x1f: {  	s10 =	sshrl.u32 s5, $0x3;
	[dreg:$0x10] =	wrdreg s9  }
0x20: {  	s11 =	smul.u32 $0x2710, s11;
	s14 =	sadd.s32 $0x2800, s16;
	[smem:$0x7E9] =	sst s10  }
0x21: {  	s20 =	sadd.s32 $0xA000, s16;
	[smem:$0x7EA] =	sst s14  }
0x22: {  	s15 =	sshrl.u32 s11, $0x3;
	[smem:$0x7F0] =	sst s20  }
0x23: {  	s19 =	sadd.s32 $0x280, s12;
	s7 =	sadd.s32 s7, s1;
	[smem:$0x7F9] =	sst s15  }
0x24: {  	s3 =	sshrl.u32 s19, $0x3;
	[dreg:$0x9] =	wrdreg s7  }
0x25: {  	s13 =	sadd.s32 s10, s1;
	[smem:$0x7E3] =	sst s3  }
0x26: {  	s19 =	sadd.s32 $0x7800, s16;
	[dreg:$0x11] =	wrdreg s13  }
0x27: {  	s26 =	sadd.s32 $0xA, s15;
	[smem:$0x7EF] =	sst s19  }
0x28: {  	s30 =	sadd.s32 $0x4CE, s15;
	[smem:$0x7F5] =	sst s26  }
0x29: {  	s0 =	sadd.s32 $0x4D8, s15;
	[smem:$0x7FA] =	sst s30  }
0x2a: {  	s9 =	sadd.s32 $0x9C40, s1;
	[smem:$0x7FC] =	sst s0  }
0x2b: {  	s21 =	sadd.s32 $0x2D0, s12;
	s3 =	sadd.s32 s3, s1;
	[dreg:$0x1d] =	wrdreg s9  }
0x2c: {  	s7 =	sshrl.u32 s21, $0x3;
	[dreg:$0xb] =	wrdreg s3  }
0x2d: {  	s31 =	simm.s32 $0x14500;
	s21 =	sadd.s32 $0xC800, s16;
	[smem:$0x7E4] =	sst s7  }
0x2e: {  	s24 =	sadd.s32 $0x370, s12;
	s2 =	sadd.s32 s1, s26;
	[smem:$0x7F1] =	sst s21  }
0x2f: {  	s28 =	sadd.s32 $0x410, s12;
	s0 =	sadd.s32 s1, s0;
	[smem:$0x7F6] =	sst s2  }
0x30: {  	s12 =	simm.s32 $0x7;
	s7 =	sadd.s32 s7, s1;
	[smem:$0x7FD] =	sst s0  }
0x31: {  	s11 =	simm.s32 $0x1E880;
	s3 =	sshrl.u32 s24, $0x3;
	[dreg:$0xc] =	wrdreg s7  }
0x32: {  	s18 =	simm.s32 $0xB;
	s24 =	sadd.s32 s1, s15;
	[smem:$0x7E6] =	sst s3  }
0x33: {  	s23 =	simm.s32 $0x8;
	s3 =	sadd.s32 s3, s1;
	[smem:$0x7F4] =	sst s24  }
0x34: {  	s10 =	simm.s32 $0xA;
	s7 =	sshrl.u32 s28, $0x3;
	[dreg:$0xe] =	wrdreg s3  }
0x35: {  	s14 =	simm.s32 $0xD;
	s28 =	sadd.s32 $0x14, s15;
	[smem:$0x7E7] =	sst s7  }
0x36: {  	s16 =	simm.s32 $0x50;
	s7 =	sadd.s32 s7, s1;
	[smem:$0x7F7] =	sst s28  }
0x37: {  	s15 =	simm.s32 $0xE;
	s2 =	sadd.s32 s1, s28;
	[dreg:$0xf] =	wrdreg s7  }
0x38: {  	s24 =	simm.s32 $0x6;
	[smem:$0x7F8] =	sst s2;
	s2 =	sadd.s32 s1, s30  }
0x39: {  	v0 =	vimm.f32 $0.0e+00;
	v1 =	vimm.f32 $1.000000000e+00;
	s3 =	simm.s32 $0x0;
	s1 =	simm.s32 $0x9;
	[smem:$0x7FB] =	sst s2  }
.LBB2_1:
0x3a: {  	[smem:$0x7DD] =	sst s3;
	s2 =	simm.s32 $0x0;
	s28 =	simm.s32 $0x200  }
.LBB2_2:
0x3b: {  	p0 =	sne.s32 s28, $0x9E00;
	[tilespmem:s2+$0x148F0] =	vst v0  }
0x3c: {  	[tilespmem:s2+$0x14880] =	vst v0  }
0x3d: {  	[tilespmem:s2+$0x14890] =	vst v0  }
.Ltmp0:
0x3e: {  	[tilespmem:s2+$0x148A0] =	vst v0;
	(pc) =	sbr.rel @p0 .LBB2_2-.Ltmp0, $4  }
0x3f: {  	[tilespmem:s2+$0x148B0] =	vst v0  }
0x40: {  	[tilespmem:s2+$0x148C0] =	vst v0  }
0x41: {  	[tilespmem:s2+$0x148D0] =	vst v0  }
0x42: {  	[tilespmem:s2+$0x148E0] =	vst v0;
	s2 =	sshra.s32 s28, $0x2;
	s28 =	sadd.s32 $0x200, s28  }
0x43: {  	[tilespmem:s2+$0x148F0] =	vst v0  }
0x44: {  	[tilespmem:s2+$0x14880] =	vst v0  }
0x45: {  	[tilespmem:s2+$0x14890] =	vst v0  }
0x46: {  	[tilespmem:s2+$0x148A0] =	vst v0  }
0x47: {  	[tilespmem:s2+$0x148B0] =	vst v0  }
0x48: {  	[tilespmem:s2+$0x148C0] =	vst v0  }
0x49: {  	[tilespmem:s2+$0x148D0] =	vst v0  }
0x4a: {  	[tilespmem:s2+$0x148E0] =	vst v0  }
0x4b: {  	[tilespmem:$0x1E900] =	vst v0  }
0x4c: {  	[tilespmem:$0x1E910] =	vst v0  }
0x4d: {  	[tilespmem:$0x1E920] =	vst v0  }
0x4e: {  	[tilespmem:$0x1E930] =	vst v0  }
0x4f: {  	[tilespmem:$0x1E940] =	vst v0  }
0x50: {  	[tilespmem:$0x1E950] =	vst v0  }
0x51: {  	[tilespmem:$0x1E960] =	vst v0  }
0x52: {  	[tilespmem:$0x1E970] =	vst v0  }
0x53: {  	[tilespmem:$0x1E980] =	vst v0  }
0x54: {  	[tilespmem:$0x1E990] =	vst v0  }
0x55: {  	[tilespmem:$0x1E9A0] =	vst v0  }
0x56: {  	[tilespmem:$0x1E9B0] =	vst v0  }
0x57: {  	[tilespmem:$0x1E9C0] =	vst v0  }
0x58: {  	[tilespmem:$0x1E9D0] =	vst v0  }
0x59: {  	[tilespmem:$0x1E9E0] =	vst v0  }
0x5a: {  	[tilespmem:$0x1E9F0] =	vst v0  }
0x5b: {  	[tilespmem:$0x1EA00] =	vst v0  }
0x5c: {  	[tilespmem:$0x1EA10] =	vst v0  }
0x5d: {  	[tilespmem:$0x1EA20] =	vst v0  }
0x5e: {  	[tilespmem:$0x1EA30] =	vst v0  }
0x5f: {  	[tilespmem:$0x1EA40] =	vst v0  }
0x60: {  	[tilespmem:$0x1EA50] =	vst v0  }
0x61: {  	[tilespmem:$0x1EA60] =	vst v0  }
0x62: {  	[tilespmem:$0x1EA70] =	vst v0  }
0x63: {  	[tilespmem:$0x1EA80] =	vst v0  }
0x64: {  	[tilespmem:$0x1EA90] =	vst v0  }
0x65: {  	[tilespmem:$0x1EAA0] =	vst v0  }
0x66: {  	[tilespmem:$0x1EAB0] =	vst v0  }
0x67: {  	[tilespmem:$0x1EAC0] =	vst v0  }
0x68: {  	[tilespmem:$0x1EAD0] =	vst v0  }
0x69: {  	[tilespmem:$0x1EAE0] =	vst v0  }
0x6a: {  	[tilespmem:$0x1EAF0] =	vst v0  }
0x6b: {  	[tilespmem:$0x1EB00] =	vst v0  }
0x6c: {  	[tilespmem:$0x1EB10] =	vst v0  }
0x6d: {  	[tilespmem:$0x1EB20] =	vst v0  }
0x6e: {  	[tilespmem:$0x1EB30] =	vst v0  }
0x6f: {  	[tilespmem:$0x1EB40] =	vst v0  }
0x70: {  	[tilespmem:$0x1EB50] =	vst v0  }
0x71: {  	[tilespmem:$0x1EB60] =	vst v0  }
0x72: {  	[tilespmem:$0x1EB70] =	vst v0  }
0x73: {  	[tilespmem:$0x1E880] =	vst v1  }
0x74: {  	[tilespmem:$0x1E890] =	vst v1  }
0x75: {  	[tilespmem:$0x1E8A0] =	vst v1  }
0x76: {  	s7 =	rddreg [dreg:$0x1e];
	[tilespmem:$0x1E8B0] =	vst v1  }
0x77: {  	s20 =	simm.s32 $0x14880;
	s8 =	sld [smem:$0x7EA];
	[tilespmem:$0x1E8C0] =	vst v1  }
0x78: {  	[spmem:s7] =	stream.linear.scatter [tilespmem:s20], [sflag:$0x9], $0x2800, $0x38;
	[tilespmem:$0x1EB80] =	vst v63  }
0x79: {  	s13 =	sld [smem:$0x7EE]  }
0x7a: {  	[spmem:s8] =	stream.linear.scatter [tilespmem:s20], [sflag:$0x9], $0x2800, $0x38;
	[tilespmem:$0x1EB80] =	vst v63  }
0x7b: {  	s17 =	sld [smem:$0x7EF]  }
0x7c: {  	[spmem:s13] =	stream.linear.scatter [tilespmem:s20], [sflag:$0x9], $0x2800, $0x38;
	[tilespmem:$0x1EB80] =	vst v63  }
0x7d: {  	s19 =	sld [smem:$0x7F0]  }
0x7e: {  	[spmem:s17] =	stream.linear.scatter [tilespmem:s20], [sflag:$0x9], $0x2800, $0x38;
	[tilespmem:$0x1EB80] =	vst v63  }
0x7f: {  	s21 =	sld [smem:$0x7F1]  }
0x80: {  	[spmem:s19] =	stream.linear.scatter [tilespmem:s20], [sflag:$0x9], $0x2800, $0x38;
	[tilespmem:$0x1EB80] =	vst v63  }
0x81: {  	s22 =	sld [smem:$0x7F2]  }
0x82: {  	[spmem:s21] =	stream.linear.scatter [tilespmem:s20], [sflag:$0x9], $0x2800, $0x38;
	[tilespmem:$0x1EB80] =	vst v63  }
0x83: {  	s26 =	sld [smem:$0x7F3]  }
0x84: {  	[spmem:s22] =	stream.linear.scatter [tilespmem:s20], [sflag:$0x9], $0x2800, $0x38;
	[tilespmem:$0x1EB80] =	vst v63  }
0x85: {  	s30 =	sld [smem:$0x7EB]  }
0x86: {  	[spmem:s26] =	stream.linear.scatter [tilespmem:s20], [sflag:$0x9], $0x2800, $0x38;
	[tilespmem:$0x1EB80] =	vst v63  }
0x87: {  	s3 =	simm.s32 $0x1E900;
	s0 =	simm.s32 $0xF  }
0x88: {  	[spmem:s30] =	stream.linear.scatter [tilespmem:s3], [sflag:$0xF], $0x280, $0x38;
	[tilespmem:$0x1EB80] =	vst v63  }
0x89: {  	_ =	swait.ge [sflag:s0], $0x280  }
0x8a: {  	[sflag:s0] =	ssyncset.done $0x0  }
0x8b: {  	[sflag:s0] =	ssyncadd.s32 $0xFFFFFD80  }
0x8c: {  	_ =	swait.ge [sflag:s1], $0x2800  }
0x8d: {  	[sflag:s1] =	ssyncset.done $0x0  }
0x8e: {  	[sflag:s1] =	ssyncadd.s32 $0xFFFFD800  }
0x8f: {  	_ =	swait.ge [sflag:s1], $0x2800  }
0x90: {  	[sflag:s1] =	ssyncset.done $0x0  }
0x91: {  	[sflag:s1] =	ssyncadd.s32 $0xFFFFD800  }
0x92: {  	_ =	swait.ge [sflag:s1], $0x2800  }
0x93: {  	[sflag:s1] =	ssyncset.done $0x0  }
0x94: {  	[sflag:s1] =	ssyncadd.s32 $0xFFFFD800  }
0x95: {  	_ =	swait.ge [sflag:s1], $0x2800  }
0x96: {  	[sflag:s1] =	ssyncset.done $0x0  }
0x97: {  	[sflag:s1] =	ssyncadd.s32 $0xFFFFD800  }
0x98: {  	_ =	swait.ge [sflag:s1], $0x2800  }
0x99: {  	[sflag:s1] =	ssyncset.done $0x0  }
0x9a: {  	[sflag:s1] =	ssyncadd.s32 $0xFFFFD800  }
0x9b: {  	_ =	swait.ge [sflag:s1], $0x2800  }
0x9c: {  	[sflag:s1] =	ssyncset.done $0x0  }
0x9d: {  	[sflag:s1] =	ssyncadd.s32 $0xFFFFD800  }
0x9e: {  	_ =	swait.ge [sflag:s1], $0x2800  }
0x9f: {  	[sflag:s1] =	ssyncset.done $0x0  }
0xa0: {  	[sflag:s1] =	ssyncadd.s32 $0xFFFFD800  }
0xa1: {  	_ =	swait.ge [sflag:s1], $0x2800  }
0xa2: {  	[sflag:s1] =	ssyncset.done $0x0  }
0xa3: {  	[sflag:s1] =	ssyncadd.s32 $0xFFFFD800  }
0xa4: {  	[bflag:$0x0] =	sbarrier.arrive $0xFFFF  }
0xa5: {  	s7 =	sld [smem:$0x7F4]  }
0xa6: {  	s8 =	sld [smem:$0x7F9]  }
0xa7: {  	s0 =	simm.s32 $0x14280;
	s1 =	simm.s32 $0x0;
	s13 =	sld [smem:$0x7F6]  }
0xa8: {  	[tilespmem:s0], [sflag:$0x9] =	stream.linear.gather [hbm4b:s7+s1], $0x50, $0x38;
	[tilespmem:$0x1EB80] =	vst v63  }
0xa9: {  	s30 =	simm.s32 $0x14580;
	s22 =	sld [smem:$0x7F5];
	s28 =	sadd.s32 s8, s9  }
0xaa: {  	[tilespmem:s30], [sflag:$0x9] =	stream.linear.gather [hbm4b:s28+s1], $0x50, $0x38;
	[tilespmem:$0x1EB80] =	vst v63  }
0xab: {  	s17 =	simm.s32 $0x14300;
	s0 =	sld [smem:$0x7F8]  }
0xac: {  	[tilespmem:s17], [sflag:$0xA] =	stream.linear.gather [hbm4b:s13+s1], $0x50, $0x38;
	[tilespmem:$0x1EB80] =	vst v63  }
0xad: {  	s26 =	simm.s32 $0x14600;
	s7 =	sld [smem:$0x7F7];
	s28 =	sadd.s32 s22, s9  }
0xae: {  	[tilespmem:s26], [sflag:$0xA] =	stream.linear.gather [hbm4b:s28+s1], $0x50, $0x38;
	[tilespmem:$0x1EB80] =	vst v63  }
0xaf: {  	s5 =	simm.s32 $0x14380  }
0xb0: {  	[tilespmem:s5], [sflag:$0xB] =	stream.linear.gather [hbm4b:s0+s1], $0x50, $0x38;
	[tilespmem:$0x1EB80] =	vst v63  }
0xb1: {  	s21 =	simm.s32 $0x9;
	s8 =	simm.s32 $0x14680;
	s28 =	sadd.s32 s7, s9  }
0xb2: {  	[tilespmem:s8], [sflag:$0xB] =	stream.linear.gather [hbm4b:s28+s1], $0x50, $0x38;
	[tilespmem:$0x1EB80] =	vst v63  }
0xb3: {  	_ =	swait.ge [sflag:s21], $0x50  }
0xb4: {  	[sflag:s21] =	ssyncset.done $0x0  }
0xb5: {  	[sflag:s21] =	ssyncadd.s32 $0xFFFFFFB0  }
0xb6: {  	_ =	swait.ge [sflag:s21], $0x50  }
0xb7: {  	[sflag:s21] =	ssyncset.done $0x0  }
0xb8: {  	s4 =	simm.s32 $0x14280;
	[sflag:s21] =	ssyncadd.s32 $0xFFFFFFB0  }
0xb9: {  	[tilespmem:s20], [sflag:$0x1] =	stream.indirect.gather [hbm4b:s25+s16], $0x80, s4, s16, $0xb8;
	[tilespmem:$0x1EB80] =	vst v63  }
0xba: {  	_ =	swait.ge [sflag:s10], $0x50  }
0xbb: {  	[sflag:s10] =	ssyncset.done $0x0  }
0xbc: {  	[sflag:s10] =	ssyncadd.s32 $0xFFFFFFB0  }
0xbd: {  	_ =	swait.ge [sflag:s10], $0x50  }
0xbe: {  	s17 =	sld [smem:$0x7DF]  }
0xbf: {  	s22 =	sld [smem:$0x7E1]  }
0xc0: {  	s26 =	sld [smem:$0x7E2]  }
0xc1: {  	s1 =	sld [smem:$0x7E3]  }
0xc2: {  	s3 =	sld [smem:$0x7E4]  }
0xc3: {  	s4 =	sld [smem:$0x7E5]  }
0xc4: {  	s19 =	simm.s32 $0x14300;
	[sflag:s10] =	ssyncset.done $0x0;
	s5 =	sld [smem:$0x7E6]  }
0xc5: {  	s13 =	simm.s32 $0x17080;
	s7 =	sld [smem:$0x7E7];
	[sflag:s10] =	ssyncadd.s32 $0xFFFFFFB0  }
0xc6: {  	[tilespmem:s13], [sflag:$0x2] =	stream.indirect.gather [hbm4b:s25+s16], $0x80, s19, s16, $0xb8;
	[tilespmem:$0x1EB80] =	vst v63  }
0xc7: {  	s19 =	sld [smem:$0x7E0]  }
0xc8: {  	s8 =	sld [smem:$0x7E8]  }
0xc9: {  	s10 =	sld [smem:$0x7E9];
	s2 =	sadd.s32 s9, s17  }
0xca: {  	[dreg:$0x12] =	wrdreg s2;
	s2 =	sadd.s32 s9, s19  }
0xcb: {  	[dreg:$0x13] =	wrdreg s2;
	s2 =	sadd.s32 s9, s22  }
0xcc: {  	[dreg:$0x14] =	wrdreg s2;
	s2 =	sadd.s32 s9, s26  }
0xcd: {  	[dreg:$0x15] =	wrdreg s2;
	s2 =	sadd.s32 s9, s1  }
0xce: {  	[dreg:$0x16] =	wrdreg s2;
	s2 =	sadd.s32 s9, s3  }
0xcf: {  	[dreg:$0x17] =	wrdreg s2;
	s2 =	sadd.s32 s9, s4  }
0xd0: {  	[dreg:$0x18] =	wrdreg s2;
	s2 =	sadd.s32 s9, s5  }
0xd1: {  	[dreg:$0x19] =	wrdreg s2;
	s2 =	sadd.s32 s9, s7  }
0xd2: {  	[dreg:$0x1a] =	wrdreg s2;
	s2 =	sadd.s32 s9, s8  }
0xd3: {  	[dreg:$0x1b] =	wrdreg s2;
	s2 =	sadd.s32 s9, s10  }
0xd4: {  	s5 =	simm.s32 $0x1;
	[dreg:$0x1c] =	wrdreg s2  }
0xd5: {  	_ =	swait.ge [sflag:s5], $0x2800  }
0xd6: {  	p0 =	por $0x1, $0x1;
	[sflag:s5] =	ssyncset.done $0x0  }
0xd7: {  	s2 =	simm.s32 @!p0 $0x7;
	[sflag:s5] =	ssyncadd.s32 $0xFFFFD800  }
0xd8: {  	_ =	swait.ge @!p0 [sflag:s2], $0x2800  }
0xd9: {  	[sflag:s2] =	ssyncset.done @!p0 $0x0  }
0xda: {  	[sflag:s2] =	ssyncadd.s32 @!p0 $0xFFFFD800  }
0xdb: {  	_ =	swait.ge @!p0 [sflag:s2], $0x50  }
0xdc: {  	[sflag:s2] =	ssyncset.done @!p0 $0x0  }
0xdd: {  	[sflag:s2] =	ssyncadd.s32 @!p0 $0xFFFFFFB0  }
0xde: {  	s4 =	rddreg [dreg:$0x4]  }
0xdf: {  	[spmem:s4] =	stream.indirect.scatter.add.f32 [tilespmem:s20], [sflag:$0x5], $0x80, s30, s16, $0xb8;
	[tilespmem:$0x1EB80] =	vst v63  }
0xe0: {  	_ = 	snop  }
0xe1: {  	[spmem:s29] =	stream.indirect.scatter.add.f32 [tilespmem:s11], [sflag:$0x5], $0x1, s30, s16, $0xb8;
	[tilespmem:$0x1EB80] =	vst v63  }
0xe2: {  	_ =	swait.ge [sflag:s18], $0x50  }
0xe3: {  	[sflag:s18] =	ssyncset.done $0x0  }
0xe4: {  	[sflag:s18] =	ssyncadd.s32 $0xFFFFFFB0  }
0xe5: {  	_ =	swait.ge [sflag:s18], $0x50  }
0xe6: {  	s0 =	simm.s32 $0x14380;
	[sflag:s18] =	ssyncset.done $0x0  }
0xe7: {  	s19 =	simm.s32 $0x19880;
	s17 =	rddreg [dreg:$0x11];
	[sflag:s18] =	ssyncadd.s32 $0xFFFFFFB0  }
0xe8: {  	[tilespmem:s19], [sflag:$0x3] =	stream.indirect.gather [hbm4b:s25+s16], $0x80, s0, s16, $0xb8;
	[tilespmem:$0x1EB80] =	vst v63  }
0xe9: {  	s22 =	simm.s32 $0x14400;
	s28 =	rddreg [dreg:$0x1c];
	s2 =	sadd.s32 $0x0, s17  }
0xea: {  	[tilespmem:s22], [sflag:$0xC] =	stream.linear.gather [hbm4b:s2+s6], $0x50, $0x38;
	[tilespmem:$0x1EB80] =	vst v63  }
0xeb: {  	s7 =	simm.s32 $0x2;
	s1 =	sadd.s32 $0x0, s28;
	s17 =	simm.s32 $0x14700  }
0xec: {  	[tilespmem:s17], [sflag:$0xC] =	stream.linear.gather [hbm4b:s1+s6], $0x50, $0x38;
	[tilespmem:$0x1EB80] =	vst v63  }
0xed: {  	_ =	swait.ge [sflag:s7], $0x2800  }
0xee: {  	[sflag:s7] =	ssyncset.done $0x0  }
0xef: {  	s2 =	simm.s32 @!p0 $0x8;
	[sflag:s7] =	ssyncadd.s32 $0xFFFFD800  }
0xf0: {  	_ =	swait.ge @!p0 [sflag:s2], $0x2800  }
0xf1: {  	[sflag:s2] =	ssyncset.done @!p0 $0x0  }
0xf2: {  	[sflag:s2] =	ssyncadd.s32 @!p0 $0xFFFFD800  }
0xf3: {  	_ =	swait.ge @!p0 [sflag:s2], $0x50  }
0xf4: {  	[sflag:s2] =	ssyncset.done @!p0 $0x0  }
0xf5: {  	s13 =	simm.s32 $0x17080;
	[sflag:s2] =	ssyncadd.s32 @!p0 $0xFFFFFFB0;
	s2 =	simm.s32 $0x14600  }
0xf6: {  	[spmem:s4] =	stream.indirect.scatter.add.f32 [tilespmem:s13], [sflag:$0x6], $0x80, s2, s16, $0xb8;
	[tilespmem:$0x1EB80] =	vst v63  }
0xf7: {  	s18 =	simm.s32 $0x1E880;
	s22 =	simm.s32 $0xC  }
0xf8: {  	[spmem:s29] =	stream.indirect.scatter.add.f32 [tilespmem:s18], [sflag:$0x6], $0x1, s2, s16, $0xb8;
	[tilespmem:$0x1EB80] =	vst v63  }
0xf9: {  	_ =	swait.ge [sflag:s22], $0x50  }
0xfa: {  	[sflag:s22] =	ssyncset.done $0x0  }
0xfb: {  	[sflag:s22] =	ssyncadd.s32 $0xFFFFFFB0  }
0xfc: {  	_ =	swait.ge [sflag:s22], $0x50  }
0xfd: {  	s26 =	simm.s32 $0x14400;
	[sflag:s22] =	ssyncset.done $0x0  }
0xfe: {  	s19 =	simm.s32 $0x1C080;
	s13 =	rddreg [dreg:$0x7];
	[sflag:s22] =	ssyncadd.s32 $0xFFFFFFB0  }
0xff: {  	[tilespmem:s19], [sflag:$0x4] =	stream.indirect.gather [hbm4b:s25+s16], $0x80, s26, s16, $0xb8;
	[tilespmem:$0x1EB80] =	vst v63  }
0x100: {  	s28 =	rddreg [dreg:$0x12];
	s2 =	sadd.s32 $0x0, s13;
	s26 =	simm.s32 $0x14480  }
0x101: {  	[tilespmem:s26], [sflag:$0xD] =	stream.linear.gather [hbm4b:s2+s6], $0x50, $0x38;
	[tilespmem:$0x1EB80] =	vst v63  }
0x102: {  	s1 =	sadd.s32 $0x0, s28;
	s19 =	simm.s32 $0x3;
	s26 =	simm.s32 $0x14780  }
0x103: {  	[tilespmem:s26], [sflag:$0xD] =	stream.linear.gather [hbm4b:s1+s6], $0x50, $0x38;
	[tilespmem:$0x1EB80] =	vst v63  }
0x104: {  	_ =	swait.ge [sflag:s19], $0x2800  }
0x105: {  	[sflag:s19] =	ssyncset.done $0x0  }
0x106: {  	s0 =	simm.s32 $0x5;
	[sflag:s19] =	ssyncadd.s32 $0xFFFFD800  }
0x107: {  	_ =	swait.ge [sflag:s0], $0x2800  }
0x108: {  	[sflag:s0] =	ssyncset.done $0x0  }
0x109: {  	[sflag:s0] =	ssyncadd.s32 $0xFFFFD800  }
0x10a: {  	_ =	swait.ge [sflag:s0], $0x50  }
0x10b: {  	[sflag:s0] =	ssyncset.done $0x0  }
0x10c: {  	s3 =	simm.s32 $0x19880;
	s2 =	simm.s32 $0x14680;
	[sflag:s0] =	ssyncadd.s32 $0xFFFFFFB0  }
0x10d: {  	[spmem:s4] =	stream.indirect.scatter.add.f32 [tilespmem:s3], [sflag:$0x7], $0x80, s2, s16, $0xb8;
	[tilespmem:$0x1EB80] =	vst v63  }
0x10e: {  	_ = 	snop  }
0x10f: {  	[spmem:s29] =	stream.indirect.scatter.add.f32 [tilespmem:s18], [sflag:$0x7], $0x1, s2, s16, $0xb8;
	[tilespmem:$0x1EB80] =	vst v63  }
0x110: {  	_ =	swait.ge [sflag:s14], $0x50  }
0x111: {  	[sflag:s14] =	ssyncset.done $0x0  }
0x112: {  	[sflag:s14] =	ssyncadd.s32 $0xFFFFFFB0  }
0x113: {  	_ =	swait.ge [sflag:s14], $0x50  }
0x114: {  	s10 =	smov.u32 s25;
	[sflag:s14] =	ssyncset.done $0x0  }
0x115: {  	s13 =	simm.s32 $0x14480;
	s1 =	rddreg [dreg:$0x8];
	[sflag:s14] =	ssyncadd.s32 $0xFFFFFFB0  }
0x116: {  	[tilespmem:s20], [sflag:$0x1] =	stream.indirect.gather [hbm4b:s10+s16], $0x80, s13, s16, $0xb8;
	[tilespmem:$0x1EB80] =	vst v63  }
0x117: {  	s28 =	rddreg [dreg:$0x13];
	s2 =	sadd.s32 $0x0, s1  }
0x118: {  	[tilespmem:s31], [sflag:$0xE] =	stream.linear.gather [hbm4b:s2+s6], $0x50, $0x38;
	[tilespmem:$0x1EB80] =	vst v63  }
0x119: {  	s3 =	sadd.s32 $0x0, s28;
	s13 =	simm.s32 $0x14800;
	s31 =	simm.s32 $0x4  }
0x11a: {  	[tilespmem:s13], [sflag:$0xE] =	stream.linear.gather [hbm4b:s3+s6], $0x50, $0x38;
	[tilespmem:$0x1EB80] =	vst v63  }
0x11b: {  	_ =	swait.ge [sflag:s31], $0x2800  }
0x11c: {  	[sflag:s31] =	ssyncset.done $0x0  }
0x11d: {  	[sflag:s31] =	ssyncadd.s32 $0xFFFFD800  }
0x11e: {  	_ =	swait.ge [sflag:s24], $0x2800  }
0x11f: {  	[sflag:s24] =	ssyncset.done $0x0  }
0x120: {  	[sflag:s24] =	ssyncadd.s32 $0xFFFFD800  }
0x121: {  	_ =	swait.ge [sflag:s24], $0x50  }
0x122: {  	[sflag:s24] =	ssyncset.done $0x0  }
0x123: {  	s25 =	simm.s32 $0x1C080;
	[sflag:s24] =	ssyncadd.s32 $0xFFFFFFB0  }
0x124: {  	[spmem:s4] =	stream.indirect.scatter.add.f32 [tilespmem:s25], [sflag:$0x8], $0x80, s17, s16, $0xb8;
	[tilespmem:$0x1EB80] =	vst v63  }
0x125: {  	_ = 	snop  }
0x126: {  	[spmem:s29] =	stream.indirect.scatter.add.f32 [tilespmem:s18], [sflag:$0x8], $0x1, s17, s16, $0xb8;
	[tilespmem:$0x1EB80] =	vst v63  }
0x127: {  	_ =	swait.ge [sflag:s15], $0x50  }
0x128: {  	[sflag:s15] =	ssyncset.done $0x0  }
0x129: {  	[sflag:s15] =	ssyncadd.s32 $0xFFFFFFB0  }
0x12a: {  	_ =	swait.ge [sflag:s15], $0x50  }
0x12b: {  	s1 =	simm.s32 $0x14500;
	[sflag:s15] =	ssyncset.done $0x0  }
0x12c: {  	s3 =	simm.s32 $0x17080;
	s2 =	rddreg [dreg:$0x9];
	[sflag:s15] =	ssyncadd.s32 $0xFFFFFFB0  }
0x12d: {  	[tilespmem:s3], [sflag:$0x2] =	stream.indirect.gather [hbm4b:s10+s16], $0x80, s1, s16, $0xb8;
	[tilespmem:$0x1EB80] =	vst v63  }
0x12e: {  	s28 =	rddreg [dreg:$0x14];
	s2 =	sadd.s32 $0x0, s2;
	s1 =	simm.s32 $0x14280  }
0x12f: {  	[tilespmem:s1], [sflag:$0x9] =	stream.linear.gather [hbm4b:s2+s6], $0x50, $0x38;
	[tilespmem:$0x1EB80] =	vst v63  }
0x130: {  	s2 =	sadd.s32 $0x0, s28  }
0x131: {  	[tilespmem:s30], [sflag:$0x9] =	stream.linear.gather [hbm4b:s2+s6], $0x50, $0x38;
	[tilespmem:$0x1EB80] =	vst v63  }
0x132: {  	_ =	swait.ge [sflag:s5], $0x2800  }
0x133: {  	[sflag:s5] =	ssyncset.done $0x0  }
0x134: {  	[sflag:s5] =	ssyncadd.s32 $0xFFFFD800  }
0x135: {  	_ =	swait.ge [sflag:s12], $0x2800  }
0x136: {  	[sflag:s12] =	ssyncset.done $0x0  }
0x137: {  	[sflag:s12] =	ssyncadd.s32 $0xFFFFD800  }
0x138: {  	_ =	swait.ge [sflag:s12], $0x50  }
0x139: {  	[sflag:s12] =	ssyncset.done $0x0  }
0x13a: {  	[sflag:s12] =	ssyncadd.s32 $0xFFFFFFB0  }
0x13b: {  	[spmem:s4] =	stream.indirect.scatter.add.f32 [tilespmem:s20], [sflag:$0x5], $0x80, s26, s16, $0xb8;
	[tilespmem:$0x1EB80] =	vst v63  }
0x13c: {  	_ = 	snop  }
0x13d: {  	[spmem:s29] =	stream.indirect.scatter.add.f32 [tilespmem:s18], [sflag:$0x5], $0x1, s26, s16, $0xb8;
	[tilespmem:$0x1EB80] =	vst v63  }
0x13e: {  	_ =	swait.ge [sflag:s21], $0x50  }
0x13f: {  	[sflag:s21] =	ssyncset.done $0x0  }
0x140: {  	[sflag:s21] =	ssyncadd.s32 $0xFFFFFFB0  }
0x141: {  	_ =	swait.ge [sflag:s21], $0x50  }
0x142: {  	[sflag:s21] =	ssyncset.done $0x0  }
0x143: {  	s30 =	simm.s32 $0x19880;
	s2 =	rddreg [dreg:$0xa];
	[sflag:s21] =	ssyncadd.s32 $0xFFFFFFB0  }
0x144: {  	[tilespmem:s30], [sflag:$0x3] =	stream.indirect.gather [hbm4b:s10+s16], $0x80, s1, s16, $0xb8;
	[tilespmem:$0x1EB80] =	vst v63  }
0x145: {  	s28 =	rddreg [dreg:$0x15];
	s2 =	sadd.s32 $0x0, s2;
	s1 =	simm.s32 $0x14300  }
0x146: {  	[tilespmem:s1], [sflag:$0xA] =	stream.linear.gather [hbm4b:s2+s6], $0x50, $0x38;
	[tilespmem:$0x1EB80] =	vst v63  }
0x147: {  	s2 =	sadd.s32 $0x0, s28;
	s28 =	simm.s32 $0x14600  }
0x148: {  	[tilespmem:s28], [sflag:$0xA] =	stream.linear.gather [hbm4b:s2+s6], $0x50, $0x38;
	[tilespmem:$0x1EB80] =	vst v63  }
0x149: {  	_ =	swait.ge [sflag:s7], $0x2800  }
0x14a: {  	[sflag:s7] =	ssyncset.done $0x0  }
0x14b: {  	[sflag:s7] =	ssyncadd.s32 $0xFFFFD800  }
0x14c: {  	_ =	swait.ge [sflag:s23], $0x2800  }
0x14d: {  	[sflag:s23] =	ssyncset.done $0x0  }
0x14e: {  	[sflag:s23] =	ssyncadd.s32 $0xFFFFD800  }
0x14f: {  	_ =	swait.ge [sflag:s23], $0x50  }
0x150: {  	[sflag:s23] =	ssyncset.done $0x0  }
0x151: {  	[sflag:s23] =	ssyncadd.s32 $0xFFFFFFB0  }
0x152: {  	[spmem:s4] =	stream.indirect.scatter.add.f32 [tilespmem:s3], [sflag:$0x6], $0x80, s13, s16, $0xb8;
	[tilespmem:$0x1EB80] =	vst v63  }
0x153: {  	s8 =	simm.s32 $0xA  }
0x154: {  	[spmem:s29] =	stream.indirect.scatter.add.f32 [tilespmem:s18], [sflag:$0x6], $0x1, s13, s16, $0xb8;
	[tilespmem:$0x1EB80] =	vst v63  }
0x155: {  	_ =	swait.ge [sflag:s8], $0x50  }
0x156: {  	[sflag:s8] =	ssyncset.done $0x0  }
0x157: {  	[sflag:s8] =	ssyncadd.s32 $0xFFFFFFB0  }
0x158: {  	_ =	swait.ge [sflag:s8], $0x50  }
0x159: {  	[sflag:s8] =	ssyncset.done $0x0  }
0x15a: {  	s2 =	rddreg [dreg:$0xb];
	[sflag:s8] =	ssyncadd.s32 $0xFFFFFFB0  }
0x15b: {  	[tilespmem:s25], [sflag:$0x4] =	stream.indirect.gather [hbm4b:s10+s16], $0x80, s1, s16, $0xb8;
	[tilespmem:$0x1EB80] =	vst v63  }
0x15c: {  	s28 =	rddreg [dreg:$0x16];
	s2 =	sadd.s32 $0x0, s2;
	s1 =	simm.s32 $0x14380  }
0x15d: {  	[tilespmem:s1], [sflag:$0xB] =	stream.linear.gather [hbm4b:s2+s6], $0x50, $0x38;
	[tilespmem:$0x1EB80] =	vst v63  }
0x15e: {  	s2 =	sadd.s32 $0x0, s28;
	s28 =	simm.s32 $0x14680  }
0x15f: {  	[tilespmem:s28], [sflag:$0xB] =	stream.linear.gather [hbm4b:s2+s6], $0x50, $0x38;
	[tilespmem:$0x1EB80] =	vst v63  }
0x160: {  	_ =	swait.ge [sflag:s19], $0x2800  }
0x161: {  	[sflag:s19] =	ssyncset.done $0x0  }
0x162: {  	[sflag:s19] =	ssyncadd.s32 $0xFFFFD800  }
0x163: {  	_ =	swait.ge [sflag:s0], $0x2800  }
0x164: {  	[sflag:s0] =	ssyncset.done $0x0  }
0x165: {  	[sflag:s0] =	ssyncadd.s32 $0xFFFFD800  }
0x166: {  	_ =	swait.ge [sflag:s0], $0x50  }
0x167: {  	[sflag:s0] =	ssyncset.done $0x0  }
0x168: {  	s30 =	simm.s32 $0x19880;
	s2 =	simm.s32 $0x14580;
	[sflag:s0] =	ssyncadd.s32 $0xFFFFFFB0  }
0x169: {  	[spmem:s4] =	stream.indirect.scatter.add.f32 [tilespmem:s30], [sflag:$0x7], $0x80, s2, s16, $0xb8;
	[tilespmem:$0x1EB80] =	vst v63  }
0x16a: {  	s11 =	simm.s32 $0xB  }
0x16b: {  	[spmem:s29] =	stream.indirect.scatter.add.f32 [tilespmem:s18], [sflag:$0x7], $0x1, s2, s16, $0xb8;
	[tilespmem:$0x1EB80] =	vst v63  }
0x16c: {  	_ =	swait.ge [sflag:s11], $0x50  }
0x16d: {  	[sflag:s11] =	ssyncset.done $0x0  }
0x16e: {  	[sflag:s11] =	ssyncadd.s32 $0xFFFFFFB0  }
0x16f: {  	_ =	swait.ge [sflag:s11], $0x50  }
0x170: {  	[sflag:s11] =	ssyncset.done $0x0  }
0x171: {  	s2 =	rddreg [dreg:$0xc];
	[sflag:s11] =	ssyncadd.s32 $0xFFFFFFB0  }
0x172: {  	[tilespmem:s20], [sflag:$0x1] =	stream.indirect.gather [hbm4b:s10+s16], $0x80, s1, s16, $0xb8;
	[tilespmem:$0x1EB80] =	vst v63  }
0x173: {  	s28 =	rddreg [dreg:$0x17];
	s2 =	sadd.s32 $0x0, s2;
	s11 =	simm.s32 $0x14400  }
0x174: {  	[tilespmem:s11], [sflag:$0xC] =	stream.linear.gather [hbm4b:s2+s6], $0x50, $0x38;
	[tilespmem:$0x1EB80] =	vst v63  }
0x175: {  	s1 =	sadd.s32 $0x0, s28  }
0x176: {  	[tilespmem:s17], [sflag:$0xC] =	stream.linear.gather [hbm4b:s1+s6], $0x50, $0x38;
	[tilespmem:$0x1EB80] =	vst v63  }
0x177: {  	_ =	swait.ge [sflag:s31], $0x2800  }
0x178: {  	[sflag:s31] =	ssyncset.done $0x0  }
0x179: {  	[sflag:s31] =	ssyncadd.s32 $0xFFFFD800  }
0x17a: {  	_ =	swait.ge [sflag:s24], $0x2800  }
0x17b: {  	[sflag:s24] =	ssyncset.done $0x0  }
0x17c: {  	[sflag:s24] =	ssyncadd.s32 $0xFFFFD800  }
0x17d: {  	_ =	swait.ge [sflag:s24], $0x50  }
0x17e: {  	[sflag:s24] =	ssyncset.done $0x0  }
0x17f: {  	s1 =	simm.s32 $0x14600;
	[sflag:s24] =	ssyncadd.s32 $0xFFFFFFB0  }
0x180: {  	[spmem:s4] =	stream.indirect.scatter.add.f32 [tilespmem:s25], [sflag:$0x8], $0x80, s1, s16, $0xb8;
	[tilespmem:$0x1EB80] =	vst v63  }
0x181: {  	_ = 	snop  }
0x182: {  	[spmem:s29] =	stream.indirect.scatter.add.f32 [tilespmem:s18], [sflag:$0x8], $0x1, s1, s16, $0xb8;
	[tilespmem:$0x1EB80] =	vst v63  }
0x183: {  	_ =	swait.ge [sflag:s22], $0x50  }
0x184: {  	[sflag:s22] =	ssyncset.done $0x0  }
0x185: {  	[sflag:s22] =	ssyncadd.s32 $0xFFFFFFB0  }
0x186: {  	_ =	swait.ge [sflag:s22], $0x50  }
0x187: {  	[sflag:s22] =	ssyncset.done $0x0  }
0x188: {  	s3 =	simm.s32 $0x17080;
	s25 =	rddreg [dreg:$0xd];
	[sflag:s22] =	ssyncadd.s32 $0xFFFFFFB0  }
0x189: {  	[tilespmem:s3], [sflag:$0x2] =	stream.indirect.gather [hbm4b:s10+s16], $0x80, s11, s16, $0xb8;
	[tilespmem:$0x1EB80] =	vst v63  }
0x18a: {  	s28 =	rddreg [dreg:$0x18];
	s2 =	sadd.s32 $0x0, s25;
	s22 =	simm.s32 $0x14480  }
0x18b: {  	[tilespmem:s22], [sflag:$0xD] =	stream.linear.gather [hbm4b:s2+s6], $0x50, $0x38;
	[tilespmem:$0x1EB80] =	vst v63  }
0x18c: {  	s25 =	sadd.s32 $0x0, s28  }
0x18d: {  	[tilespmem:s26], [sflag:$0xD] =	stream.linear.gather [hbm4b:s25+s6], $0x50, $0x38;
	[tilespmem:$0x1EB80] =	vst v63  }
0x18e: {  	_ =	swait.ge [sflag:s5], $0x2800  }
0x18f: {  	[sflag:s5] =	ssyncset.done $0x0  }
0x190: {  	[sflag:s5] =	ssyncadd.s32 $0xFFFFD800  }
0x191: {  	_ =	swait.ge [sflag:s12], $0x2800  }
0x192: {  	[sflag:s12] =	ssyncset.done $0x0  }
0x193: {  	[sflag:s12] =	ssyncadd.s32 $0xFFFFD800  }
0x194: {  	_ =	swait.ge [sflag:s12], $0x50  }
0x195: {  	[sflag:s12] =	ssyncset.done $0x0  }
0x196: {  	s5 =	simm.s32 $0x14680;
	[sflag:s12] =	ssyncadd.s32 $0xFFFFFFB0  }
0x197: {  	[spmem:s4] =	stream.indirect.scatter.add.f32 [tilespmem:s20], [sflag:$0x5], $0x80, s5, s16, $0xb8;
	[tilespmem:$0x1EB80] =	vst v63  }
0x198: {  	_ = 	snop  }
0x199: {  	[spmem:s29] =	stream.indirect.scatter.add.f32 [tilespmem:s18], [sflag:$0x5], $0x1, s5, s16, $0xb8;
	[tilespmem:$0x1EB80] =	vst v63  }
0x19a: {  	_ =	swait.ge [sflag:s14], $0x50  }
0x19b: {  	[sflag:s14] =	ssyncset.done $0x0  }
0x19c: {  	[sflag:s14] =	ssyncadd.s32 $0xFFFFFFB0  }
0x19d: {  	_ =	swait.ge [sflag:s14], $0x50  }
0x19e: {  	[sflag:s14] =	ssyncset.done $0x0  }
0x19f: {  	s12 =	simm.s32 $0x19880;
	s11 =	rddreg [dreg:$0xe];
	[sflag:s14] =	ssyncadd.s32 $0xFFFFFFB0  }
0x1a0: {  	[tilespmem:s12], [sflag:$0x3] =	stream.indirect.gather [hbm4b:s10+s16], $0x80, s22, s16, $0xb8;
	[tilespmem:$0x1EB80] =	vst v63  }
0x1a1: {  	s28 =	rddreg [dreg:$0x19];
	s2 =	sadd.s32 $0x0, s11;
	s14 =	simm.s32 $0x14500  }
0x1a2: {  	[tilespmem:s14], [sflag:$0xE] =	stream.linear.gather [hbm4b:s2+s6], $0x50, $0x38;
	[tilespmem:$0x1EB80] =	vst v63  }
0x1a3: {  	s22 =	sadd.s32 $0x0, s28  }
0x1a4: {  	[tilespmem:s13], [sflag:$0xE] =	stream.linear.gather [hbm4b:s22+s6], $0x50, $0x38;
	[tilespmem:$0x1EB80] =	vst v63  }
0x1a5: {  	_ =	swait.ge [sflag:s7], $0x2800  }
0x1a6: {  	[sflag:s7] =	ssyncset.done $0x0  }
0x1a7: {  	[sflag:s7] =	ssyncadd.s32 $0xFFFFD800  }
0x1a8: {  	_ =	swait.ge [sflag:s23], $0x2800  }
0x1a9: {  	[sflag:s23] =	ssyncset.done $0x0  }
0x1aa: {  	[sflag:s23] =	ssyncadd.s32 $0xFFFFD800  }
0x1ab: {  	_ =	swait.ge [sflag:s23], $0x50  }
0x1ac: {  	[sflag:s23] =	ssyncset.done $0x0  }
0x1ad: {  	s11 =	simm.s32 $0x17080;
	[sflag:s23] =	ssyncadd.s32 $0xFFFFFFB0  }
0x1ae: {  	[spmem:s4] =	stream.indirect.scatter.add.f32 [tilespmem:s11], [sflag:$0x6], $0x80, s17, s16, $0xb8;
	[tilespmem:$0x1EB80] =	vst v63  }
0x1af: {  	_ = 	snop  }
0x1b0: {  	[spmem:s29] =	stream.indirect.scatter.add.f32 [tilespmem:s18], [sflag:$0x6], $0x1, s17, s16, $0xb8;
	[tilespmem:$0x1EB80] =	vst v63  }
0x1b1: {  	_ =	swait.ge [sflag:s15], $0x50  }
0x1b2: {  	[sflag:s15] =	ssyncset.done $0x0  }
0x1b3: {  	[sflag:s15] =	ssyncadd.s32 $0xFFFFFFB0  }
0x1b4: {  	_ =	swait.ge [sflag:s15], $0x50  }
0x1b5: {  	[sflag:s15] =	ssyncset.done $0x0;
	s3 =	sld [smem:$0x7ED]  }
0x1b6: {  	s5 =	simm.s32 $0x1C080;
	[sflag:s15] =	ssyncadd.s32 $0xFFFFFFB0  }
0x1b7: {  	[tilespmem:s5], [sflag:$0x4] =	stream.indirect.gather [hbm4b:s10+s16], $0x80, s14, s16, $0xb8;
	[tilespmem:$0x1EB80] =	vst v63  }
0x1b8: {  	s15 =	rddreg [dreg:$0x1];
	s23 =	sshrl.u32 s3, $0x3  }
0x1b9: {  	s17 =	simm.s32 $0x14280;
	s28 =	sadd.s32 s15, s23  }
0x1ba: {  	[tilespmem:s17], [sflag:$0x9] =	stream.linear.gather [hbm4b:s28+s6], $0x50, $0x38;
	[tilespmem:$0x1EB80] =	vst v63  }
0x1bb: {  	s30 =	simm.s32 $0x14580;
	s2 =	sadd.s32 s9, s23  }
0x1bc: {  	[tilespmem:s30], [sflag:$0x9] =	stream.linear.gather [hbm4b:s2+s6], $0x50, $0x38;
	[tilespmem:$0x1EB80] =	vst v63  }
0x1bd: {  	_ =	swait.ge [sflag:s19], $0x2800  }
0x1be: {  	[sflag:s19] =	ssyncset.done $0x0  }
0x1bf: {  	[sflag:s19] =	ssyncadd.s32 $0xFFFFD800  }
0x1c0: {  	_ =	swait.ge [sflag:s0], $0x2800  }
0x1c1: {  	[sflag:s0] =	ssyncset.done $0x0  }
0x1c2: {  	[sflag:s0] =	ssyncadd.s32 $0xFFFFD800  }
0x1c3: {  	_ =	swait.ge [sflag:s0], $0x50  }
0x1c4: {  	[sflag:s0] =	ssyncset.done $0x0  }
0x1c5: {  	[sflag:s0] =	ssyncadd.s32 $0xFFFFFFB0  }
0x1c6: {  	[spmem:s4] =	stream.indirect.scatter.add.f32 [tilespmem:s12], [sflag:$0x7], $0x80, s26, s16, $0xb8;
	[tilespmem:$0x1EB80] =	vst v63  }
0x1c7: {  	_ = 	snop  }
0x1c8: {  	[spmem:s29] =	stream.indirect.scatter.add.f32 [tilespmem:s18], [sflag:$0x7], $0x1, s26, s16, $0xb8;
	[tilespmem:$0x1EB80] =	vst v63  }
0x1c9: {  	_ =	swait.ge [sflag:s21], $0x50  }
0x1ca: {  	[sflag:s21] =	ssyncset.done $0x0  }
0x1cb: {  	[sflag:s21] =	ssyncadd.s32 $0xFFFFFFB0  }
0x1cc: {  	_ =	swait.ge [sflag:s21], $0x50  }
0x1cd: {  	[sflag:s21] =	ssyncset.done $0x0  }
0x1ce: {  	s19 =	rddreg [dreg:$0xf];
	[sflag:s21] =	ssyncadd.s32 $0xFFFFFFB0  }
0x1cf: {  	[tilespmem:s20], [sflag:$0x1] =	stream.indirect.gather [hbm4b:s10+s16], $0x80, s17, s16, $0xb8;
	[tilespmem:$0x1EB80] =	vst v63  }
0x1d0: {  	s22 =	simm.s32 $0x14300;
	s28 =	rddreg [dreg:$0x1a];
	s2 =	sadd.s32 $0x0, s19  }
0x1d1: {  	[tilespmem:s22], [sflag:$0xA] =	stream.linear.gather [hbm4b:s2+s6], $0x50, $0x38;
	[tilespmem:$0x1EB80] =	vst v63  }
0x1d2: {  	s1 =	simm.s32 $0x14600;
	s23 =	sadd.s32 $0x0, s28  }
0x1d3: {  	[tilespmem:s1], [sflag:$0xA] =	stream.linear.gather [hbm4b:s23+s6], $0x50, $0x38;
	[tilespmem:$0x1EB80] =	vst v63  }
0x1d4: {  	_ =	swait.ge [sflag:s31], $0x2800  }
0x1d5: {  	[sflag:s31] =	ssyncset.done $0x0  }
0x1d6: {  	[sflag:s31] =	ssyncadd.s32 $0xFFFFD800  }
0x1d7: {  	_ =	swait.ge [sflag:s24], $0x2800  }
0x1d8: {  	[sflag:s24] =	ssyncset.done $0x0  }
0x1d9: {  	[sflag:s24] =	ssyncadd.s32 $0xFFFFD800  }
0x1da: {  	_ =	swait.ge [sflag:s24], $0x50  }
0x1db: {  	[sflag:s24] =	ssyncset.done $0x0  }
0x1dc: {  	[sflag:s24] =	ssyncadd.s32 $0xFFFFFFB0  }
0x1dd: {  	[spmem:s4] =	stream.indirect.scatter.add.f32 [tilespmem:s5], [sflag:$0x8], $0x80, s13, s16, $0xb8;
	[tilespmem:$0x1EB80] =	vst v63  }
0x1de: {  	_ = 	snop  }
0x1df: {  	[spmem:s29] =	stream.indirect.scatter.add.f32 [tilespmem:s18], [sflag:$0x8], $0x1, s13, s16, $0xb8;
	[tilespmem:$0x1EB80] =	vst v63  }
0x1e0: {  	_ =	swait.ge [sflag:s8], $0x50  }
0x1e1: {  	[sflag:s8] =	ssyncset.done $0x0  }
0x1e2: {  	[sflag:s8] =	ssyncadd.s32 $0xFFFFFFB0  }
0x1e3: {  	_ =	swait.ge [sflag:s8], $0x50  }
0x1e4: {  	[sflag:s8] =	ssyncset.done $0x0  }
0x1e5: {  	s25 =	smov.u32 s10;
	s26 =	rddreg [dreg:$0x10];
	[sflag:s8] =	ssyncadd.s32 $0xFFFFFFB0  }
0x1e6: {  	[tilespmem:s11], [sflag:$0x2] =	stream.indirect.gather [hbm4b:s10+s16], $0x80, s22, s16, $0xb8;
	[tilespmem:$0x1EB80] =	vst v63  }
0x1e7: {  	s30 =	simm.s32 $0x14380;
	s28 =	rddreg [dreg:$0x1b];
	s2 =	sadd.s32 $0x0, s26  }
0x1e8: {  	[tilespmem:s30], [sflag:$0xB] =	stream.linear.gather [hbm4b:s2+s6], $0x50, $0x38;
	[tilespmem:$0x1EB80] =	vst v63  }
0x1e9: {  	s31 =	sadd.s32 $0x0, s28;
	s28 =	sadd.s32 $0x3C0, s3;
	s2 =	simm.s32 $0x78  }
.LBB2_4:
0x1ea: {  	s13 =	simm.s32 $0x14680;
	s1 =	simm.s32 $0x1  }
0x1eb: {  	[tilespmem:s13], [sflag:$0xB] =	stream.linear.gather [hbm4b:s31+s6], $0x50, $0x38;
	[tilespmem:$0x1EB80] =	vst v63  }
0x1ec: {  	s31 =	smov.u32 s2;
	_ =	swait.ge [sflag:s1], $0x2800  }
0x1ed: {  	p1 =	seq.s32 s31, $0x0;
	[sflag:s1] =	ssyncset.done $0x0  }
0x1ee: {  	s3 =	simm.s32 @!p1 $0x7;
	[sflag:s1] =	ssyncadd.s32 $0xFFFFD800  }
0x1ef: {  	_ =	swait.ge @!p1 [sflag:s3], $0x2800  }
0x1f0: {  	[sflag:s3] =	ssyncset.done @!p1 $0x0  }
0x1f1: {  	[sflag:s3] =	ssyncadd.s32 @!p1 $0xFFFFD800  }
0x1f2: {  	_ =	swait.ge @!p1 [sflag:s3], $0x50  }
0x1f3: {  	[sflag:s3] =	ssyncset.done @!p1 $0x0  }
0x1f4: {  	s5 =	simm.s32 $0x14880;
	s7 =	simm.s32 $0x14580;
	[sflag:s3] =	ssyncadd.s32 @!p1 $0xFFFFFFB0  }
0x1f5: {  	[spmem:s4] =	stream.indirect.scatter.add.f32 [tilespmem:s5], [sflag:$0x5], $0x80, s7, s16, $0xb8;
	[tilespmem:$0x1EB80] =	vst v63  }
0x1f6: {  	s21 =	simm.s32 $0x1E880;
	s26 =	simm.s32 $0xB  }
0x1f7: {  	[spmem:s29] =	stream.indirect.scatter.add.f32 [tilespmem:s21], [sflag:$0x5], $0x1, s7, s16, $0xb8;
	[tilespmem:$0x1EB80] =	vst v63  }
0x1f8: {  	_ =	swait.ge [sflag:s26], $0x50  }
0x1f9: {  	[sflag:s26] =	ssyncset.done $0x0  }
0x1fa: {  	[sflag:s26] =	ssyncadd.s32 $0xFFFFFFB0  }
0x1fb: {  	_ =	swait.ge [sflag:s26], $0x50  }
0x1fc: {  	s11 =	simm.s32 $0x14380;
	[sflag:s26] =	ssyncset.done $0x0  }
0x1fd: {  	s12 =	simm.s32 $0x19880;
	s8 =	rddreg [dreg:$0x11];
	[sflag:s26] =	ssyncadd.s32 $0xFFFFFFB0  }
0x1fe: {  	[tilespmem:s12], [sflag:$0x3] =	stream.indirect.gather [hbm4b:s25+s16], $0x80, s11, s16, $0xb8;
	[tilespmem:$0x1EB80] =	vst v63  }
0x1ff: {  	s14 =	simm.s32 $0x14400;
	s9 =	rddreg [dreg:$0x1c];
	s3 =	sadd.s32 s31, s8  }
0x200: {  	[tilespmem:s14], [sflag:$0xC] =	stream.linear.gather [hbm4b:s3+s6], $0x50, $0x38;
	[tilespmem:$0x1EB80] =	vst v63  }
0x201: {  	s0 =	simm.s32 $0x14700;
	s7 =	simm.s32 $0x2;
	s15 =	sadd.s32 s31, s9  }
0x202: {  	[tilespmem:s0], [sflag:$0xC] =	stream.linear.gather [hbm4b:s15+s6], $0x50, $0x38;
	[tilespmem:$0x1EB80] =	vst v63  }
0x203: {  	_ =	swait.ge [sflag:s7], $0x2800  }
0x204: {  	[sflag:s7] =	ssyncset.done $0x0  }
0x205: {  	s3 =	simm.s32 @!p1 $0x8;
	[sflag:s7] =	ssyncadd.s32 $0xFFFFD800  }
0x206: {  	_ =	swait.ge @!p1 [sflag:s3], $0x2800  }
0x207: {  	[sflag:s3] =	ssyncset.done @!p1 $0x0  }
0x208: {  	[sflag:s3] =	ssyncadd.s32 @!p1 $0xFFFFD800  }
0x209: {  	_ =	swait.ge @!p1 [sflag:s3], $0x50  }
0x20a: {  	[sflag:s3] =	ssyncset.done @!p1 $0x0  }
0x20b: {  	s18 =	simm.s32 $0x17080;
	s8 =	simm.s32 $0x14600;
	[sflag:s3] =	ssyncadd.s32 @!p1 $0xFFFFFFB0  }
0x20c: {  	[spmem:s4] =	stream.indirect.scatter.add.f32 [tilespmem:s18], [sflag:$0x6], $0x80, s8, s16, $0xb8;
	[tilespmem:$0x1EB80] =	vst v63  }
0x20d: {  	s22 =	simm.s32 $0xC  }
0x20e: {  	[spmem:s29] =	stream.indirect.scatter.add.f32 [tilespmem:s21], [sflag:$0x6], $0x1, s8, s16, $0xb8;
	[tilespmem:$0x1EB80] =	vst v63  }
0x20f: {  	_ =	swait.ge [sflag:s22], $0x50  }
0x210: {  	[sflag:s22] =	ssyncset.done $0x0  }
0x211: {  	[sflag:s22] =	ssyncadd.s32 $0xFFFFFFB0  }
0x212: {  	_ =	swait.ge [sflag:s22], $0x50  }
0x213: {  	s17 =	simm.s32 $0x14400;
	[sflag:s22] =	ssyncset.done $0x0  }
0x214: {  	s14 =	simm.s32 $0x1C080;
	s19 =	rddreg [dreg:$0x7];
	[sflag:s22] =	ssyncadd.s32 $0xFFFFFFB0  }
0x215: {  	[tilespmem:s14], [sflag:$0x4] =	stream.indirect.gather [hbm4b:s10+s16], $0x80, s17, s16, $0xb8;
	[tilespmem:$0x1EB80] =	vst v63  }
0x216: {  	s0 =	simm.s32 $0x14480;
	s25 =	rddreg [dreg:$0x12];
	s3 =	sadd.s32 s31, s19  }
0x217: {  	[tilespmem:s0], [sflag:$0xD] =	stream.linear.gather [hbm4b:s3+s6], $0x50, $0x38;
	[tilespmem:$0x1EB80] =	vst v63  }
0x218: {  	s11 =	sadd.s32 s31, s25;
	s19 =	simm.s32 $0x3;
	s14 =	simm.s32 $0x14780  }
0x219: {  	[tilespmem:s14], [sflag:$0xD] =	stream.linear.gather [hbm4b:s11+s6], $0x50, $0x38;
	[tilespmem:$0x1EB80] =	vst v63  }
0x21a: {  	_ =	swait.ge [sflag:s19], $0x2800  }
0x21b: {  	[sflag:s19] =	ssyncset.done $0x0  }
0x21c: {  	s11 =	simm.s32 $0x5;
	[sflag:s19] =	ssyncadd.s32 $0xFFFFD800  }
0x21d: {  	_ =	swait.ge [sflag:s11], $0x2800  }
0x21e: {  	[sflag:s11] =	ssyncset.done $0x0  }
0x21f: {  	[sflag:s11] =	ssyncadd.s32 $0xFFFFD800  }
0x220: {  	_ =	swait.ge [sflag:s11], $0x50  }
0x221: {  	[sflag:s11] =	ssyncset.done $0x0  }
0x222: {  	s12 =	simm.s32 $0x19880;
	[sflag:s11] =	ssyncadd.s32 $0xFFFFFFB0  }
0x223: {  	[spmem:s4] =	stream.indirect.scatter.add.f32 [tilespmem:s12], [sflag:$0x7], $0x80, s13, s16, $0xb8;
	[tilespmem:$0x1EB80] =	vst v63  }
0x224: {  	s6 =	simm.s32 $0xD  }
0x225: {  	[spmem:s29] =	stream.indirect.scatter.add.f32 [tilespmem:s21], [sflag:$0x7], $0x1, s13, s16, $0xb8;
	[tilespmem:$0x1EB80] =	vst v63  }
0x226: {  	_ =	swait.ge [sflag:s6], $0x50  }
0x227: {  	[sflag:s6] =	ssyncset.done $0x0  }
0x228: {  	[sflag:s6] =	ssyncadd.s32 $0xFFFFFFB0  }
0x229: {  	_ =	swait.ge [sflag:s6], $0x50  }
0x22a: {  	s5 =	simm.s32 $0x14480;
	s18 =	simm.s32 $0x14880;
	[sflag:s6] =	ssyncset.done $0x0  }
0x22b: {  	s17 =	simm.s32 $0x14500;
	s12 =	rddreg [dreg:$0x8];
	[sflag:s6] =	ssyncadd.s32 $0xFFFFFFB0  }
0x22c: {  	[tilespmem:s18], [sflag:$0x1] =	stream.indirect.gather [hbm4b:s10+s16], $0x80, s5, s16, $0xb8;
	[tilespmem:$0x1EB80] =	vst v63  }
0x22d: {  	s0 =	simm.s32 $0x0;
	s15 =	rddreg [dreg:$0x13];
	s3 =	sadd.s32 s31, s12  }
0x22e: {  	[tilespmem:s17], [sflag:$0xE] =	stream.linear.gather [hbm4b:s3+s0], $0x50, $0x38;
	[tilespmem:$0x1EB80] =	vst v63  }
0x22f: {  	s8 =	simm.s32 $0x14800;
	s25 =	sadd.s32 s31, s15;
	s12 =	simm.s32 $0x4  }
0x230: {  	[tilespmem:s8], [sflag:$0xE] =	stream.linear.gather [hbm4b:s25+s0], $0x50, $0x38;
	[tilespmem:$0x1EB80] =	vst v63  }
0x231: {  	_ =	swait.ge [sflag:s12], $0x2800  }
0x232: {  	[sflag:s12] =	ssyncset.done $0x0  }
0x233: {  	[sflag:s12] =	ssyncadd.s32 $0xFFFFD800  }
0x234: {  	_ =	swait.ge [sflag:s24], $0x2800  }
0x235: {  	[sflag:s24] =	ssyncset.done $0x0  }
0x236: {  	[sflag:s24] =	ssyncadd.s32 $0xFFFFD800  }
0x237: {  	_ =	swait.ge [sflag:s24], $0x50  }
0x238: {  	[sflag:s24] =	ssyncset.done $0x0  }
0x239: {  	s20 =	simm.s32 $0x1C080;
	s5 =	simm.s32 $0x14700;
	[sflag:s24] =	ssyncadd.s32 $0xFFFFFFB0  }
0x23a: {  	[spmem:s4] =	stream.indirect.scatter.add.f32 [tilespmem:s20], [sflag:$0x8], $0x80, s5, s16, $0xb8;
	[tilespmem:$0x1EB80] =	vst v63  }
0x23b: {  	_ = 	snop  }
0x23c: {  	[spmem:s29] =	stream.indirect.scatter.add.f32 [tilespmem:s21], [sflag:$0x8], $0x1, s5, s16, $0xb8;
	[tilespmem:$0x1EB80] =	vst v63  }
0x23d: {  	s5 =	simm.s32 $0xE  }
0x23e: {  	_ =	swait.ge [sflag:s5], $0x50  }
0x23f: {  	[sflag:s5] =	ssyncset.done $0x0  }
0x240: {  	[sflag:s5] =	ssyncadd.s32 $0xFFFFFFB0  }
0x241: {  	_ =	swait.ge [sflag:s5], $0x50  }
0x242: {  	s17 =	simm.s32 $0x14500;
	[sflag:s5] =	ssyncset.done $0x0  }
0x243: {  	s20 =	simm.s32 $0x17080;
	s9 =	rddreg [dreg:$0x9];
	[sflag:s5] =	ssyncadd.s32 $0xFFFFFFB0  }
0x244: {  	[tilespmem:s20], [sflag:$0x2] =	stream.indirect.gather [hbm4b:s10+s16], $0x80, s17, s16, $0xb8;
	[tilespmem:$0x1EB80] =	vst v63  }
0x245: {  	s15 =	rddreg [dreg:$0x14];
	s3 =	sadd.s32 s31, s9;
	s17 =	simm.s32 $0x14280  }
0x246: {  	[tilespmem:s17], [sflag:$0x9] =	stream.linear.gather [hbm4b:s3+s0], $0x50, $0x38;
	[tilespmem:$0x1EB80] =	vst v63  }
0x247: {  	s30 =	simm.s32 $0x14580;
	s15 =	sadd.s32 s31, s15  }
0x248: {  	[tilespmem:s30], [sflag:$0x9] =	stream.linear.gather [hbm4b:s15+s0], $0x50, $0x38;
	[tilespmem:$0x1EB80] =	vst v63  }
0x249: {  	_ =	swait.ge [sflag:s1], $0x2800  }
0x24a: {  	[sflag:s1] =	ssyncset.done $0x0  }
0x24b: {  	s15 =	simm.s32 $0x7;
	[sflag:s1] =	ssyncadd.s32 $0xFFFFD800  }
0x24c: {  	_ =	swait.ge [sflag:s15], $0x2800  }
0x24d: {  	[sflag:s15] =	ssyncset.done $0x0  }
0x24e: {  	[sflag:s15] =	ssyncadd.s32 $0xFFFFD800  }
0x24f: {  	_ =	swait.ge [sflag:s15], $0x50  }
0x250: {  	[sflag:s15] =	ssyncset.done $0x0  }
0x251: {  	[sflag:s15] =	ssyncadd.s32 $0xFFFFFFB0  }
0x252: {  	s17 =	rddreg [dreg:$0x4]  }
0x253: {  	[spmem:s17] =	stream.indirect.scatter.add.f32 [tilespmem:s18], [sflag:$0x5], $0x80, s14, s16, $0xb8;
	[tilespmem:$0x1EB80] =	vst v63  }
0x254: {  	s30 =	simm.s32 $0x9  }
0x255: {  	[spmem:s29] =	stream.indirect.scatter.add.f32 [tilespmem:s21], [sflag:$0x5], $0x1, s14, s16, $0xb8;
	[tilespmem:$0x1EB80] =	vst v63  }
0x256: {  	_ =	swait.ge [sflag:s30], $0x50  }
0x257: {  	[sflag:s30] =	ssyncset.done $0x0  }
0x258: {  	[sflag:s30] =	ssyncadd.s32 $0xFFFFFFB0  }
0x259: {  	_ =	swait.ge [sflag:s30], $0x50  }
0x25a: {  	s4 =	simm.s32 $0x14280;
	[sflag:s30] =	ssyncset.done $0x0  }
0x25b: {  	s17 =	simm.s32 $0x19880;
	s18 =	rddreg [dreg:$0xa];
	[sflag:s30] =	ssyncadd.s32 $0xFFFFFFB0  }
0x25c: {  	[tilespmem:s17], [sflag:$0x3] =	stream.indirect.gather [hbm4b:s10+s16], $0x80, s4, s16, $0xb8;
	[tilespmem:$0x1EB80] =	vst v63  }
0x25d: {  	s9 =	rddreg [dreg:$0x15];
	s3 =	sadd.s32 s31, s18;
	s4 =	simm.s32 $0x14300  }
0x25e: {  	[tilespmem:s4], [sflag:$0xA] =	stream.linear.gather [hbm4b:s3+s0], $0x50, $0x38;
	[tilespmem:$0x1EB80] =	vst v63  }
0x25f: {  	s23 =	simm.s32 $0x14600;
	s4 =	sadd.s32 s31, s9  }
0x260: {  	[tilespmem:s23], [sflag:$0xA] =	stream.linear.gather [hbm4b:s4+s0], $0x50, $0x38;
	[tilespmem:$0x1EB80] =	vst v63  }
0x261: {  	_ =	swait.ge [sflag:s7], $0x2800  }
0x262: {  	[sflag:s7] =	ssyncset.done $0x0  }
0x263: {  	s23 =	simm.s32 $0x8;
	[sflag:s7] =	ssyncadd.s32 $0xFFFFD800  }
0x264: {  	_ =	swait.ge [sflag:s23], $0x2800  }
0x265: {  	[sflag:s23] =	ssyncset.done $0x0  }
0x266: {  	[sflag:s23] =	ssyncadd.s32 $0xFFFFD800  }
0x267: {  	_ =	swait.ge [sflag:s23], $0x50  }
0x268: {  	[sflag:s23] =	ssyncset.done $0x0  }
0x269: {  	[sflag:s23] =	ssyncadd.s32 $0xFFFFFFB0  }
0x26a: {  	s9 =	rddreg [dreg:$0x4]  }
0x26b: {  	[spmem:s9] =	stream.indirect.scatter.add.f32 [tilespmem:s20], [sflag:$0x6], $0x80, s8, s16, $0xb8;
	[tilespmem:$0x1EB80] =	vst v63  }
0x26c: {  	s20 =	simm.s32 $0xA  }
0x26d: {  	[spmem:s29] =	stream.indirect.scatter.add.f32 [tilespmem:s21], [sflag:$0x6], $0x1, s8, s16, $0xb8;
	[tilespmem:$0x1EB80] =	vst v63  }
0x26e: {  	_ =	swait.ge [sflag:s20], $0x50  }
0x26f: {  	[sflag:s20] =	ssyncset.done $0x0  }
0x270: {  	[sflag:s20] =	ssyncadd.s32 $0xFFFFFFB0  }
0x271: {  	_ =	swait.ge [sflag:s20], $0x50  }
0x272: {  	s25 =	simm.s32 $0x1C080;
	[sflag:s20] =	ssyncset.done $0x0  }
0x273: {  	s18 =	simm.s32 $0x14300;
	s3 =	rddreg [dreg:$0xb];
	[sflag:s20] =	ssyncadd.s32 $0xFFFFFFB0  }
0x274: {  	[tilespmem:s25], [sflag:$0x4] =	stream.indirect.gather [hbm4b:s10+s16], $0x80, s18, s16, $0xb8;
	[tilespmem:$0x1EB80] =	vst v63  }
0x275: {  	s9 =	rddreg [dreg:$0x16];
	s3 =	sadd.s32 s31, s3;
	s18 =	simm.s32 $0x14380  }
0x276: {  	[tilespmem:s18], [sflag:$0xB] =	stream.linear.gather [hbm4b:s3+s0], $0x50, $0x38;
	[tilespmem:$0x1EB80] =	vst v63  }
0x277: {  	s25 =	sadd.s32 s31, s9  }
0x278: {  	[tilespmem:s13], [sflag:$0xB] =	stream.linear.gather [hbm4b:s25+s0], $0x50, $0x38;
	[tilespmem:$0x1EB80] =	vst v63  }
0x279: {  	_ =	swait.ge [sflag:s19], $0x2800  }
0x27a: {  	[sflag:s19] =	ssyncset.done $0x0  }
0x27b: {  	[sflag:s19] =	ssyncadd.s32 $0xFFFFD800  }
0x27c: {  	_ =	swait.ge [sflag:s11], $0x2800  }
0x27d: {  	[sflag:s11] =	ssyncset.done $0x0  }
0x27e: {  	[sflag:s11] =	ssyncadd.s32 $0xFFFFD800  }
0x27f: {  	_ =	swait.ge [sflag:s11], $0x50  }
0x280: {  	[sflag:s11] =	ssyncset.done $0x0  }
0x281: {  	[sflag:s11] =	ssyncadd.s32 $0xFFFFFFB0  }
0x282: {  	s25 =	simm.s32 $0x14580;
	s9 =	rddreg [dreg:$0x4]  }
0x283: {  	[spmem:s9] =	stream.indirect.scatter.add.f32 [tilespmem:s17], [sflag:$0x7], $0x80, s25, s16, $0xb8;
	[tilespmem:$0x1EB80] =	vst v63  }
0x284: {  	_ = 	snop  }
0x285: {  	[spmem:s29] =	stream.indirect.scatter.add.f32 [tilespmem:s21], [sflag:$0x7], $0x1, s25, s16, $0xb8;
	[tilespmem:$0x1EB80] =	vst v63  }
0x286: {  	_ =	swait.ge [sflag:s26], $0x50  }
0x287: {  	[sflag:s26] =	ssyncset.done $0x0  }
0x288: {  	[sflag:s26] =	ssyncadd.s32 $0xFFFFFFB0  }
0x289: {  	_ =	swait.ge [sflag:s26], $0x50  }
0x28a: {  	[sflag:s26] =	ssyncset.done $0x0  }
0x28b: {  	s25 =	simm.s32 $0x14880;
	s9 =	rddreg [dreg:$0xc];
	[sflag:s26] =	ssyncadd.s32 $0xFFFFFFB0  }
0x28c: {  	[tilespmem:s25], [sflag:$0x1] =	stream.indirect.gather [hbm4b:s10+s16], $0x80, s18, s16, $0xb8;
	[tilespmem:$0x1EB80] =	vst v63  }
0x28d: {  	s17 =	rddreg [dreg:$0x17];
	s3 =	sadd.s32 s31, s9;
	s18 =	simm.s32 $0x14400  }
0x28e: {  	[tilespmem:s18], [sflag:$0xC] =	stream.linear.gather [hbm4b:s3+s0], $0x50, $0x38;
	[tilespmem:$0x1EB80] =	vst v63  }
0x28f: {  	s9 =	sadd.s32 s31, s17;
	s17 =	simm.s32 $0x14700  }
0x290: {  	[tilespmem:s17], [sflag:$0xC] =	stream.linear.gather [hbm4b:s9+s0], $0x50, $0x38;
	[tilespmem:$0x1EB80] =	vst v63  }
0x291: {  	_ =	swait.ge [sflag:s12], $0x2800  }
0x292: {  	[sflag:s12] =	ssyncset.done $0x0  }
0x293: {  	[sflag:s12] =	ssyncadd.s32 $0xFFFFD800  }
0x294: {  	_ =	swait.ge [sflag:s24], $0x2800  }
0x295: {  	[sflag:s24] =	ssyncset.done $0x0  }
0x296: {  	[sflag:s24] =	ssyncadd.s32 $0xFFFFD800  }
0x297: {  	_ =	swait.ge [sflag:s24], $0x50  }
0x298: {  	[sflag:s24] =	ssyncset.done $0x0  }
0x299: {  	[sflag:s24] =	ssyncadd.s32 $0xFFFFFFB0  }
0x29a: {  	s4 =	simm.s32 $0x1C080;
	s17 =	simm.s32 $0x14600;
	s9 =	rddreg [dreg:$0x4]  }
0x29b: {  	[spmem:s9] =	stream.indirect.scatter.add.f32 [tilespmem:s4], [sflag:$0x8], $0x80, s17, s16, $0xb8;
	[tilespmem:$0x1EB80] =	vst v63  }
0x29c: {  	_ = 	snop  }
0x29d: {  	[spmem:s29] =	stream.indirect.scatter.add.f32 [tilespmem:s21], [sflag:$0x8], $0x1, s17, s16, $0xb8;
	[tilespmem:$0x1EB80] =	vst v63  }
0x29e: {  	_ =	swait.ge [sflag:s22], $0x50  }
0x29f: {  	[sflag:s22] =	ssyncset.done $0x0  }
0x2a0: {  	[sflag:s22] =	ssyncadd.s32 $0xFFFFFFB0  }
0x2a1: {  	_ =	swait.ge [sflag:s22], $0x50  }
0x2a2: {  	[sflag:s22] =	ssyncset.done $0x0  }
0x2a3: {  	s9 =	rddreg [dreg:$0xd];
	[sflag:s22] =	ssyncadd.s32 $0xFFFFFFB0;
	s22 =	simm.s32 $0x17080  }
0x2a4: {  	[tilespmem:s22], [sflag:$0x2] =	stream.indirect.gather [hbm4b:s10+s16], $0x80, s18, s16, $0xb8;
	[tilespmem:$0x1EB80] =	vst v63  }
0x2a5: {  	s4 =	rddreg [dreg:$0x18];
	s3 =	sadd.s32 s31, s9;
	s18 =	simm.s32 $0x14480  }
0x2a6: {  	[tilespmem:s18], [sflag:$0xD] =	stream.linear.gather [hbm4b:s3+s0], $0x50, $0x38;
	[tilespmem:$0x1EB80] =	vst v63  }
0x2a7: {  	s9 =	sadd.s32 s31, s4  }
0x2a8: {  	[tilespmem:s14], [sflag:$0xD] =	stream.linear.gather [hbm4b:s9+s0], $0x50, $0x38;
	[tilespmem:$0x1EB80] =	vst v63  }
0x2a9: {  	_ =	swait.ge [sflag:s1], $0x2800  }
0x2aa: {  	[sflag:s1] =	ssyncset.done $0x0  }
0x2ab: {  	[sflag:s1] =	ssyncadd.s32 $0xFFFFD800  }
0x2ac: {  	_ =	swait.ge [sflag:s15], $0x2800  }
0x2ad: {  	[sflag:s15] =	ssyncset.done $0x0  }
0x2ae: {  	[sflag:s15] =	ssyncadd.s32 $0xFFFFD800  }
0x2af: {  	_ =	swait.ge [sflag:s15], $0x50  }
0x2b0: {  	[sflag:s15] =	ssyncset.done $0x0  }
0x2b1: {  	[sflag:s15] =	ssyncadd.s32 $0xFFFFFFB0  }
0x2b2: {  	s0 =	rddreg [dreg:$0x4]  }
0x2b3: {  	[spmem:s0] =	stream.indirect.scatter.add.f32 [tilespmem:s25], [sflag:$0x5], $0x80, s13, s16, $0xb8;
	[tilespmem:$0x1EB80] =	vst v63  }
0x2b4: {  	_ = 	snop  }
0x2b5: {  	[spmem:s29] =	stream.indirect.scatter.add.f32 [tilespmem:s21], [sflag:$0x5], $0x1, s13, s16, $0xb8;
	[tilespmem:$0x1EB80] =	vst v63  }
0x2b6: {  	_ =	swait.ge [sflag:s6], $0x50  }
0x2b7: {  	[sflag:s6] =	ssyncset.done $0x0  }
0x2b8: {  	[sflag:s6] =	ssyncadd.s32 $0xFFFFFFB0  }
0x2b9: {  	_ =	swait.ge [sflag:s6], $0x50  }
0x2ba: {  	s0 =	simm.s32 $0x19880;
	[sflag:s6] =	ssyncset.done $0x0  }
0x2bb: {  	s13 =	simm.s32 $0x14500;
	s1 =	rddreg [dreg:$0xe];
	[sflag:s6] =	ssyncadd.s32 $0xFFFFFFB0  }
0x2bc: {  	[tilespmem:s0], [sflag:$0x3] =	stream.indirect.gather [hbm4b:s10+s16], $0x80, s18, s16, $0xb8;
	[tilespmem:$0x1EB80] =	vst v63  }
0x2bd: {  	s4 =	rddreg [dreg:$0x19];
	s6 =	simm.s32 $0x0;
	s3 =	sadd.s32 s31, s1  }
0x2be: {  	[tilespmem:s13], [sflag:$0xE] =	stream.linear.gather [hbm4b:s3+s6], $0x50, $0x38;
	[tilespmem:$0x1EB80] =	vst v63  }
0x2bf: {  	s18 =	sadd.s32 s31, s4  }
0x2c0: {  	[tilespmem:s8], [sflag:$0xE] =	stream.linear.gather [hbm4b:s18+s6], $0x50, $0x38;
	[tilespmem:$0x1EB80] =	vst v63  }
0x2c1: {  	_ =	swait.ge [sflag:s7], $0x2800  }
0x2c2: {  	[sflag:s7] =	ssyncset.done $0x0  }
0x2c3: {  	[sflag:s7] =	ssyncadd.s32 $0xFFFFD800  }
0x2c4: {  	_ =	swait.ge [sflag:s23], $0x2800  }
0x2c5: {  	[sflag:s23] =	ssyncset.done $0x0  }
0x2c6: {  	[sflag:s23] =	ssyncadd.s32 $0xFFFFD800  }
0x2c7: {  	_ =	swait.ge [sflag:s23], $0x50  }
0x2c8: {  	[sflag:s23] =	ssyncset.done $0x0  }
0x2c9: {  	[sflag:s23] =	ssyncadd.s32 $0xFFFFFFB0  }
0x2ca: {  	s25 =	simm.s32 $0x14700;
	s23 =	rddreg [dreg:$0x4]  }
0x2cb: {  	[spmem:s23] =	stream.indirect.scatter.add.f32 [tilespmem:s22], [sflag:$0x6], $0x80, s25, s16, $0xb8;
	[tilespmem:$0x1EB80] =	vst v63  }
0x2cc: {  	_ = 	snop  }
0x2cd: {  	[spmem:s29] =	stream.indirect.scatter.add.f32 [tilespmem:s21], [sflag:$0x6], $0x1, s25, s16, $0xb8;
	[tilespmem:$0x1EB80] =	vst v63  }
0x2ce: {  	_ =	swait.ge [sflag:s5], $0x50  }
0x2cf: {  	[sflag:s5] =	ssyncset.done $0x0  }
0x2d0: {  	[sflag:s5] =	ssyncadd.s32 $0xFFFFFFB0  }
0x2d1: {  	_ =	swait.ge [sflag:s5], $0x50  }
0x2d2: {  	[sflag:s5] =	ssyncset.done $0x0  }
0x2d3: {  	s7 =	simm.s32 $0x1C080;
	[sflag:s5] =	ssyncadd.s32 $0xFFFFFFB0  }
0x2d4: {  	[tilespmem:s7], [sflag:$0x4] =	stream.indirect.gather [hbm4b:s10+s16], $0x80, s13, s16, $0xb8;
	[tilespmem:$0x1EB80] =	vst v63  }
0x2d5: {  	s4 =	sshrl.u32 s28, $0x3;
	s13 =	rddreg [dreg:$0x1]  }
0x2d6: {  	s23 =	simm.s32 $0x14280;
	s5 =	rddreg [dreg:$0x1d];
	s22 =	sadd.s32 s13, s4  }
0x2d7: {  	[tilespmem:s23], [sflag:$0x9] =	stream.linear.gather [hbm4b:s22+s6], $0x50, $0x38;
	[tilespmem:$0x1EB80] =	vst v63  }
0x2d8: {  	s9 =	simm.s32 $0x14580;
	s3 =	sadd.s32 s5, s4  }
0x2d9: {  	[tilespmem:s9], [sflag:$0x9] =	stream.linear.gather [hbm4b:s3+s6], $0x50, $0x38;
	[tilespmem:$0x1EB80] =	vst v63  }
0x2da: {  	_ =	swait.ge [sflag:s19], $0x2800  }
0x2db: {  	[sflag:s19] =	ssyncset.done $0x0  }
0x2dc: {  	[sflag:s19] =	ssyncadd.s32 $0xFFFFD800  }
0x2dd: {  	_ =	swait.ge [sflag:s11], $0x2800  }
0x2de: {  	[sflag:s11] =	ssyncset.done $0x0  }
0x2df: {  	[sflag:s11] =	ssyncadd.s32 $0xFFFFD800  }
0x2e0: {  	_ =	swait.ge [sflag:s11], $0x50  }
0x2e1: {  	[sflag:s11] =	ssyncset.done $0x0  }
0x2e2: {  	[sflag:s11] =	ssyncadd.s32 $0xFFFFFFB0  }
0x2e3: {  	s11 =	rddreg [dreg:$0x4]  }
0x2e4: {  	[spmem:s11] =	stream.indirect.scatter.add.f32 [tilespmem:s0], [sflag:$0x7], $0x80, s14, s16, $0xb8;
	[tilespmem:$0x1EB80] =	vst v63  }
0x2e5: {  	_ = 	snop  }
0x2e6: {  	[spmem:s29] =	stream.indirect.scatter.add.f32 [tilespmem:s21], [sflag:$0x7], $0x1, s14, s16, $0xb8;
	[tilespmem:$0x1EB80] =	vst v63  }
0x2e7: {  	_ =	swait.ge [sflag:s30], $0x50  }
0x2e8: {  	[sflag:s30] =	ssyncset.done $0x0  }
0x2e9: {  	[sflag:s30] =	ssyncadd.s32 $0xFFFFFFB0  }
0x2ea: {  	_ =	swait.ge [sflag:s30], $0x50  }
0x2eb: {  	[sflag:s30] =	ssyncset.done $0x0  }
0x2ec: {  	s15 =	simm.s32 $0x14880;
	s13 =	rddreg [dreg:$0xf];
	[sflag:s30] =	ssyncadd.s32 $0xFFFFFFB0  }
0x2ed: {  	[tilespmem:s15], [sflag:$0x1] =	stream.indirect.gather [hbm4b:s10+s16], $0x80, s23, s16, $0xb8;
	[tilespmem:$0x1EB80] =	vst v63  }
0x2ee: {  	s19 =	simm.s32 $0x14300;
	s14 =	rddreg [dreg:$0x1a];
	s3 =	sadd.s32 s31, s13  }
0x2ef: {  	[tilespmem:s19], [sflag:$0xA] =	stream.linear.gather [hbm4b:s3+s6], $0x50, $0x38;
	[tilespmem:$0x1EB80] =	vst v63  }
0x2f0: {  	s17 =	simm.s32 $0x14600;
	s22 =	sadd.s32 s31, s14  }
0x2f1: {  	[tilespmem:s17], [sflag:$0xA] =	stream.linear.gather [hbm4b:s22+s6], $0x50, $0x38;
	[tilespmem:$0x1EB80] =	vst v63  }
0x2f2: {  	s4 =	rddreg [dreg:$0x4];
	_ =	swait.ge [sflag:s12], $0x2800  }
0x2f3: {  	[sflag:s12] =	ssyncset.done $0x0  }
0x2f4: {  	[sflag:s12] =	ssyncadd.s32 $0xFFFFD800  }
0x2f5: {  	_ =	swait.ge [sflag:s24], $0x2800  }
0x2f6: {  	[sflag:s24] =	ssyncset.done $0x0  }
0x2f7: {  	[sflag:s24] =	ssyncadd.s32 $0xFFFFD800  }
0x2f8: {  	_ =	swait.ge [sflag:s24], $0x50  }
0x2f9: {  	[sflag:s24] =	ssyncset.done $0x0  }
0x2fa: {  	[sflag:s24] =	ssyncadd.s32 $0xFFFFFFB0  }
0x2fb: {  	[spmem:s4] =	stream.indirect.scatter.add.f32 [tilespmem:s7], [sflag:$0x8], $0x80, s8, s16, $0xb8;
	[tilespmem:$0x1EB80] =	vst v63  }
0x2fc: {  	_ = 	snop  }
0x2fd: {  	[spmem:s29] =	stream.indirect.scatter.add.f32 [tilespmem:s21], [sflag:$0x8], $0x1, s8, s16, $0xb8;
	[tilespmem:$0x1EB80] =	vst v63  }
0x2fe: {  	s2 =	sadd.s32 $0x78, s2;
	_ =	swait.ge [sflag:s20], $0x50  }
0x2ff: {  	p0 =	sne.s32 s2, $0x4B0;
	[sflag:s20] =	ssyncset.done $0x0  }
0x300: {  	s26 =	simm.s32 $0x14380;
	s28 =	sadd.s32 $0x3C0, s28;
	[sflag:s20] =	ssyncadd.s32 $0xFFFFFFB0  }
0x301: {  	s18 =	simm.s32 $0x17080;
	s25 =	smov.u32 s10;
	_ =	swait.ge [sflag:s20], $0x50  }
.Ltmp1:
0x302: {  	[sflag:s20] =	ssyncset.done $0x0;
	s23 =	rddreg [dreg:$0x10];
	(pc) =	sbr.rel @p0 .LBB2_4-.Ltmp1, $4  }
0x303: {  	s13 =	simm.s32 $0x17080;
	s30 =	rddreg [dreg:$0x1b];
	[sflag:s20] =	ssyncadd.s32 $0xFFFFFFB0  }
0x304: {  	[tilespmem:s18], [sflag:$0x2] =	stream.indirect.gather [hbm4b:s10+s16], $0x80, s19, s16, $0xb8;
	[tilespmem:$0x1EB80] =	vst v63  }
0x305: {  	s8 =	simm.s32 $0x14380;
	s3 =	sadd.s32 s31, s23;
	s31 =	sadd.s32 s31, s30  }
0x306: {  	[tilespmem:s26], [sflag:$0xB] =	stream.linear.gather [hbm4b:s3+s6], $0x50, $0x38;
	[tilespmem:$0x1EB80] =	vst v63  }
0x307: {  	s9 =	simm.s32 $0x14680;
	s1 =	simm.s32 $0x1  }
0x308: {  	[tilespmem:s9], [sflag:$0xB] =	stream.linear.gather [hbm4b:s31+s6], $0x50, $0x38;
	[tilespmem:$0x1EB80] =	vst v63  }
0x309: {  	_ =	swait.ge [sflag:s1], $0x2800  }
0x30a: {  	[sflag:s1] =	ssyncset.done $0x0  }
0x30b: {  	s15 =	simm.s32 $0x7;
	[sflag:s1] =	ssyncadd.s32 $0xFFFFD800  }
0x30c: {  	_ =	swait.ge [sflag:s15], $0x2800  }
0x30d: {  	[sflag:s15] =	ssyncset.done $0x0  }
0x30e: {  	[sflag:s15] =	ssyncadd.s32 $0xFFFFD800  }
0x30f: {  	_ =	swait.ge [sflag:s15], $0x50  }
0x310: {  	[sflag:s15] =	ssyncset.done $0x0  }
0x311: {  	s3 =	simm.s32 $0x14880;
	s2 =	simm.s32 $0x14580;
	[sflag:s15] =	ssyncadd.s32 $0xFFFFFFB0  }
0x312: {  	[spmem:s4] =	stream.indirect.scatter.add.f32 [tilespmem:s3], [sflag:$0x5], $0x80, s2, s16, $0xb8;
	[tilespmem:$0x1EB80] =	vst v63  }
0x313: {  	s11 =	simm.s32 $0x1E880;
	s14 =	simm.s32 $0xB  }
0x314: {  	[spmem:s29] =	stream.indirect.scatter.add.f32 [tilespmem:s11], [sflag:$0x5], $0x1, s2, s16, $0xb8;
	[tilespmem:$0x1EB80] =	vst v63  }
0x315: {  	_ =	swait.ge [sflag:s14], $0x50  }
0x316: {  	[sflag:s14] =	ssyncset.done $0x0  }
0x317: {  	[sflag:s14] =	ssyncadd.s32 $0xFFFFFFB0  }
0x318: {  	_ =	swait.ge [sflag:s14], $0x50  }
0x319: {  	[sflag:s14] =	ssyncset.done $0x0;
	s17 =	sld [smem:$0x7FB]  }
0x31a: {  	s10 =	simm.s32 $0x19880;
	s18 =	sld [smem:$0x7FA];
	[sflag:s14] =	ssyncadd.s32 $0xFFFFFFB0  }
0x31b: {  	[tilespmem:s10], [sflag:$0x3] =	stream.indirect.gather [hbm4b:s25+s16], $0x80, s8, s16, $0xb8;
	[tilespmem:$0x1EB80] =	vst v63  }
0x31c: {  	s12 =	simm.s32 $0x14400;
	s7 =	rddreg [dreg:$0x1d]  }
0x31d: {  	[tilespmem:s12], [sflag:$0xC] =	stream.linear.gather [hbm4b:s17+s6], $0x50, $0x38;
	[tilespmem:$0x1EB80] =	vst v63  }
0x31e: {  	s19 =	simm.s32 $0x14700;
	s20 =	simm.s32 $0x2;
	s2 =	sadd.s32 s18, s7  }
0x31f: {  	[tilespmem:s19], [sflag:$0xC] =	stream.linear.gather [hbm4b:s2+s6], $0x50, $0x38;
	[tilespmem:$0x1EB80] =	vst v63  }
0x320: {  	_ =	swait.ge [sflag:s20], $0x2800  }
0x321: {  	[sflag:s20] =	ssyncset.done $0x0  }
0x322: {  	s17 =	simm.s32 $0x8;
	[sflag:s20] =	ssyncadd.s32 $0xFFFFD800  }
0x323: {  	_ =	swait.ge [sflag:s17], $0x2800  }
0x324: {  	[sflag:s17] =	ssyncset.done $0x0  }
0x325: {  	[sflag:s17] =	ssyncadd.s32 $0xFFFFD800  }
0x326: {  	_ =	swait.ge [sflag:s17], $0x50  }
0x327: {  	[sflag:s17] =	ssyncset.done $0x0  }
0x328: {  	s21 =	simm.s32 $0x14600;
	[sflag:s17] =	ssyncadd.s32 $0xFFFFFFB0  }
0x329: {  	[spmem:s4] =	stream.indirect.scatter.add.f32 [tilespmem:s13], [sflag:$0x6], $0x80, s21, s16, $0xb8;
	[tilespmem:$0x1EB80] =	vst v63  }
0x32a: {  	s22 =	simm.s32 $0xC  }
0x32b: {  	[spmem:s29] =	stream.indirect.scatter.add.f32 [tilespmem:s11], [sflag:$0x6], $0x1, s21, s16, $0xb8;
	[tilespmem:$0x1EB80] =	vst v63  }
0x32c: {  	_ =	swait.ge [sflag:s22], $0x50  }
0x32d: {  	[sflag:s22] =	ssyncset.done $0x0  }
0x32e: {  	[sflag:s22] =	ssyncadd.s32 $0xFFFFFFB0  }
0x32f: {  	_ =	swait.ge [sflag:s22], $0x50  }
0x330: {  	[sflag:s22] =	ssyncset.done $0x0;
	s23 =	sld [smem:$0x7FD]  }
0x331: {  	s14 =	simm.s32 $0x1C080;
	s28 =	sld [smem:$0x7FC];
	[sflag:s22] =	ssyncadd.s32 $0xFFFFFFB0  }
0x332: {  	[tilespmem:s14], [sflag:$0x4] =	stream.indirect.gather [hbm4b:s25+s16], $0x80, s12, s16, $0xb8;
	[tilespmem:$0x1EB80] =	vst v63  }
0x333: {  	s26 =	simm.s32 $0x14480  }
0x334: {  	[tilespmem:s26], [sflag:$0xD] =	stream.linear.gather [hbm4b:s23+s6], $0x50, $0x38;
	[tilespmem:$0x1EB80] =	vst v63  }
0x335: {  	s30 =	simm.s32 $0x14780;
	s5 =	simm.s32 $0x3;
	s2 =	sadd.s32 s28, s7  }
0x336: {  	[tilespmem:s30], [sflag:$0xD] =	stream.linear.gather [hbm4b:s2+s6], $0x50, $0x38;
	[tilespmem:$0x1EB80] =	vst v63  }
0x337: {  	_ =	swait.ge [sflag:s5], $0x2800  }
0x338: {  	[sflag:s5] =	ssyncset.done $0x0  }
0x339: {  	s0 =	simm.s32 $0x5;
	[sflag:s5] =	ssyncadd.s32 $0xFFFFD800  }
0x33a: {  	_ =	swait.ge [sflag:s0], $0x2800  }
0x33b: {  	[sflag:s0] =	ssyncset.done $0x0  }
0x33c: {  	[sflag:s0] =	ssyncadd.s32 $0xFFFFD800  }
0x33d: {  	_ =	swait.ge [sflag:s0], $0x50  }
0x33e: {  	[sflag:s0] =	ssyncset.done $0x0  }
0x33f: {  	[sflag:s0] =	ssyncadd.s32 $0xFFFFFFB0  }
0x340: {  	[spmem:s4] =	stream.indirect.scatter.add.f32 [tilespmem:s10], [sflag:$0x7], $0x80, s9, s16, $0xb8;
	[tilespmem:$0x1EB80] =	vst v63  }
0x341: {  	s10 =	simm.s32 $0xD  }
0x342: {  	[spmem:s29] =	stream.indirect.scatter.add.f32 [tilespmem:s11], [sflag:$0x7], $0x1, s9, s16, $0xb8;
	[tilespmem:$0x1EB80] =	vst v63  }
0x343: {  	_ =	swait.ge [sflag:s10], $0x50  }
0x344: {  	[sflag:s10] =	ssyncset.done $0x0  }
0x345: {  	[sflag:s10] =	ssyncadd.s32 $0xFFFFFFB0  }
0x346: {  	_ =	swait.ge [sflag:s10], $0x50  }
0x347: {  	[sflag:s10] =	ssyncset.done $0x0  }
0x348: {  	s13 =	simm.s32 $0x4;
	[sflag:s10] =	ssyncadd.s32 $0xFFFFFFB0  }
0x349: {  	[tilespmem:s3], [sflag:$0x1] =	stream.indirect.gather [hbm4b:s25+s16], $0x80, s26, s16, $0xb8;
	[tilespmem:$0x1EB80] =	vst v63  }
0x34a: {  	_ =	swait.ge [sflag:s13], $0x2800  }
0x34b: {  	[sflag:s13] =	ssyncset.done $0x0  }
0x34c: {  	[sflag:s13] =	ssyncadd.s32 $0xFFFFD800  }
0x34d: {  	_ =	swait.ge [sflag:s24], $0x2800  }
0x34e: {  	[sflag:s24] =	ssyncset.done $0x0  }
0x34f: {  	[sflag:s24] =	ssyncadd.s32 $0xFFFFD800  }
0x350: {  	_ =	swait.ge [sflag:s24], $0x50  }
0x351: {  	[sflag:s24] =	ssyncset.done $0x0  }
0x352: {  	[sflag:s24] =	ssyncadd.s32 $0xFFFFFFB0  }
0x353: {  	[spmem:s4] =	stream.indirect.scatter.add.f32 [tilespmem:s14], [sflag:$0x8], $0x80, s19, s16, $0xb8;
	[tilespmem:$0x1EB80] =	vst v63  }
0x354: {  	_ = 	snop  }
0x355: {  	[spmem:s29] =	stream.indirect.scatter.add.f32 [tilespmem:s11], [sflag:$0x8], $0x1, s19, s16, $0xb8;
	[tilespmem:$0x1EB80] =	vst v63  }
0x356: {  	_ =	swait.ge [sflag:s1], $0x2800  }
0x357: {  	[sflag:s1] =	ssyncset.done $0x0  }
0x358: {  	[sflag:s1] =	ssyncadd.s32 $0xFFFFD800  }
0x359: {  	_ =	swait.ge [sflag:s15], $0x2800  }
0x35a: {  	[sflag:s15] =	ssyncset.done $0x0  }
0x35b: {  	[sflag:s15] =	ssyncadd.s32 $0xFFFFD800  }
0x35c: {  	_ =	swait.ge [sflag:s15], $0x50  }
0x35d: {  	[sflag:s15] =	ssyncset.done $0x0  }
0x35e: {  	[sflag:s15] =	ssyncadd.s32 $0xFFFFFFB0  }
0x35f: {  	[spmem:s4] =	stream.indirect.scatter.add.f32 [tilespmem:s3], [sflag:$0x5], $0x80, s30, s16, $0xb8;
	[tilespmem:$0x1EB80] =	vst v63  }
0x360: {  	_ = 	snop  }
0x361: {  	[spmem:s29] =	stream.indirect.scatter.add.f32 [tilespmem:s11], [sflag:$0x5], $0x1, s30, s16, $0xb8;
	[tilespmem:$0x1EB80] =	vst v63  }
0x362: {  	_ =	swait.ge [sflag:s17], $0x2800  }
0x363: {  	[sflag:s17] =	ssyncset.done $0x0  }
0x364: {  	[sflag:s17] =	ssyncadd.s32 $0xFFFFD800  }
0x365: {  	_ =	swait.ge [sflag:s17], $0x50  }
0x366: {  	[sflag:s17] =	ssyncset.done $0x0  }
0x367: {  	[sflag:s17] =	ssyncadd.s32 $0xFFFFFFB0  }
0x368: {  	_ =	swait.ge [sflag:s0], $0x2800  }
0x369: {  	[sflag:s0] =	ssyncset.done $0x0  }
0x36a: {  	[sflag:s0] =	ssyncadd.s32 $0xFFFFD800  }
0x36b: {  	_ =	swait.ge [sflag:s0], $0x50  }
0x36c: {  	[sflag:s0] =	ssyncset.done $0x0  }
0x36d: {  	[sflag:s0] =	ssyncadd.s32 $0xFFFFFFB0  }
0x36e: {  	s17 =	stileid.u32;
	[bflag:$0x0] =	sbarrier.arrive $0xFFFF  }
0x36f: {  	s20 =	simm.s32 $0xF;
	s2 =	sshll.u32 s17, $0x6;
	s18 =	rddreg [dreg:$0x1e]  }
0x370: {  	s2 =	sor.u32 $0x1C0F, s2;
	s19 =	rddreg [dreg:$0x1f];
	s3 =	sshrl.u32 s18, $0x3  }
0x371: {  	[hbm:s19], [sflag:s2] =	dma.local [spmem:s3], $0x2800  }
0x372: {  	_ =	swait.ge [sflag:s20], $0x2800  }
0x373: {  	s21 =	sld [smem:$0x7EB]  }
0x374: {  	s22 =	sld [smem:$0x7DE]  }
0x375: {  	s23 =	simm.s32 $0x20;
	[sflag:s20] =	ssyncset.done $0x0  }
0x376: {  	s26 =	simm.s32 $0x10;
	[sflag:s20] =	ssyncadd.s32 $0xFFFFD800;
	s3 =	sshrl.u32 s21, $0x3  }
0x377: {  	[hbm:s22@s23], [sflag:s2] =	dma.strided [spmem:s3@s26], $0x50, s1, $0x10   }
0x378: {  	_ =	swait.ge [sflag:s20], $0x50  }
0x379: {  	s28 =	sld [smem:$0x7DD]  }
0x37a: {  	s30 =	sld [smem:$0x7EC];
	_ =	sdelay $0x1  }
0x37b: {  	s3 =	sadd.s32 $0x1, s28  }
0x37c: {  	p0 =	sne.s32 s3, s30  }
.Ltmp2:
0x37d: {  	_ = 	snop;
	(pc) =	sbr.rel @p0 .LBB2_1-.Ltmp2, $4  }
0x37e: {  	s31 =	simm.s32 $0x14500;
	s12 =	simm.s32 $0x7;
	s9 =	smov.u32 s7  }
0x37f: {  	s10 =	simm.s32 $0xA;
	s14 =	simm.s32 $0xD;
	s15 =	simm.s32 $0xE  }
0x380: {  	s11 =	simm.s32 $0x1E880;
	s18 =	simm.s32 $0xB;
	[sflag:s20] =	ssyncset.done $0x0  }
0x381: {  	s1 =	simm.s32 $0x9;
	s23 =	simm.s32 $0x8;
	[sflag:s20] =	ssyncadd.s32 $0xFFFFFFB0  }
0x382: {  	_ =	sfence.sel $0x180000  }
0x383: {  	[bflag:$0x0] =	sbarrier.arrive $0xFFFF  }
0x384: {  	_ =	strace $0x90000047  }
0x385: {  	s0 =	stileid.u32;
	[bflag:$0x2] =	sbarrier.arrive $0xFFFF  }
0x386: {  	p0 =	sne.s32 s0, $0x0;
	s0 =	rddreg [dreg:$0x6]  }
0x387: {  	s0 =	sadd.s32 @!p0 $0x100000, s0  }
0x388: {  	[sflag:s0] =	ssyncadd.tile.s32 @!p0 $0x1;
	_ =	shalt  }
.Lfunc_end2:
_tile_overlayer_lowered:
.L_overlay_start_2:
0x389: {  	(tag) =	ssettag $0x2  }
0x38a: {  	s0 =	rddreg [dreg:$0x0];
	s2 =	stileid.u32  }
0x38b: {  	s1 =	rddreg [dreg:$0x1];
	p0 =	sne.s32 s2, $0x0  }
0x38c: {  	s3 =	rddreg [dreg:$0x2];
	[bflag:$0x3] =	sbarrier.arrive $0xFFFF;
	s2 =	simm.s32 @!p0 $0x1C0F  }
0x38d: {  	[timem:s3], [sflag:s2] =	dma.local @!p0 [hbm:s0], s1  }
0x38e: {  	s0 =	simm.s32 @!p0 $0xF  }
0x38f: {  	_ =	swait.ge @!p0 [sflag:s0], s1  }
0x390: {  	s1 =	ssub.s32 @!p0 $0x0, s1;
	[sflag:s0] =	ssyncset.done @!p0 $0x0  }
0x391: {  	[sflag:s0] =	ssyncadd.s32 @!p0 s1  }
0x392: {  	[bflag:$0x3] =	sbarrier.arrive $0xFFFF  }
0x393: {  	_ =	shalt  }

</sc_bundles>
